<compile_context>
chip_gen: v7x
topology: tpu7x:2x2x1
jax: 0.10.2.dev20260603
libtpu: 0.0.44.dev20260713+nightly
codegen_flags: <defaults>
</compile_context>

<pallas_src>
import jax
import jax.numpy as jnp
from jax import lax
from jax.experimental import pallas as pl
from jax.experimental.pallas import tpu as pltpu
from jax.experimental.pallas import tpu_sc as plsc

_N = 10000
_E = 320000
_D = 128
_H = 64
_G = 64
_NC = 2
_NS = 16
_NW = _NC * _NS
_CH = 128
_NCH = 160
_EPT = _CH * _NCH
_EPAD = _EPT * _NS
_NP = 10240
_NBUF = 4
_RB = 1024
_GRID = _NP // _RB

_mesh = plsc.VectorSubcoreMesh(
    core_axis_name="c", subcore_axis_name="s", num_cores=_NC, num_subcores=_NS
)
_sc_params = pltpu.CompilerParams(
    needs_layout_passes=False, use_tc_tiling_on_sc=False
)



def _deg_body(dst_hbm, out_hbm, idx_v, acc):
    c = lax.axis_index("c")
    s = lax.axis_index("s")
    wid = c * _NS + s
    pltpu.sync_copy(dst_hbm.at[wid], idx_v)

    @pl.loop(0, _NP // 16)
    def _zero(i):
        acc[pl.ds(i * 16, 16)] = jnp.zeros((16,), jnp.float32)

    ones = jnp.ones((16,), jnp.float32)

    @pl.loop(0, (_EPAD // _NW) // 16)
    def _count(i):
        idx = idx_v[pl.ds(i * 16, 16)]
        plsc.addupdate_scatter(acc, [idx], ones)

    pltpu.sync_copy(acc, out_hbm.at[wid])


_deg_kernel = pl.kernel(
    _deg_body,
    out_type=jax.ShapeDtypeStruct((_NW, _NP), jnp.float32),
    mesh=_mesh,
    compiler_params=_sc_params,
    scratch_types=[
        pltpu.VMEM((_EPAD // _NW,), jnp.int32),
        pltpu.VMEM((_NP,), jnp.float32),
    ],
)


def _agg_body(z_hbm, src_hbm, dst_hbm, out_hbm, sidx, didx, rows, zb, acc, sems):
    c = lax.axis_index("c")
    s = lax.axis_index("s")
    zc = z_hbm.at[c]
    pltpu.sync_copy(src_hbm.at[s], sidx)
    pltpu.sync_copy(dst_hbm.at[s], didx)

    for b in range(_NBUF):
        pltpu.async_copy(zc.at[sidx.at[b]], rows.at[b], sems.at[b])

    @pl.loop(0, 64)
    def _zero(j):
        for k in range(_H // 16):
            zb[j, pl.ds(k * 16, 16)] = jnp.zeros((16,), jnp.float32)

    rpt = _NP // _NS
    for t in range(rpt // 64):
        pltpu.sync_copy(zb, acc.at[pl.ds(s * rpt + t * 64, 64)])
    plsc.subcore_barrier()

    @pl.loop(0, _NCH - _NBUF, step=_NBUF)
    def _run(i):
        for b in range(_NBUF):
            j = i + b
            pltpu.make_async_copy(zc.at[sidx.at[j]], rows.at[b], sems.at[b]).wait()
            pltpu.sync_copy(rows.at[b], acc.at[didx.at[j]], add=True)
            pltpu.async_copy(zc.at[sidx.at[j + _NBUF]], rows.at[b], sems.at[b])

    for b in range(_NBUF):
        j = _NCH - _NBUF + b
        pltpu.make_async_copy(zc.at[sidx.at[j]], rows.at[b], sems.at[b]).wait()
        pltpu.sync_copy(rows.at[b], acc.at[didx.at[j]], add=True)
    plsc.subcore_barrier()

    base = s * rpt
    for t in range(rpt // _CH):
        pltpu.sync_copy(acc.at[pl.ds(base + t * _CH, _CH)], rows.at[0])
        pltpu.sync_copy(rows.at[0], out_hbm.at[c, pl.ds(base + t * _CH, _CH)])


_agg_kernel = pl.kernel(
    _agg_body,
    out_type=jax.ShapeDtypeStruct((_NC, _NP, _H), jnp.float32),
    mesh=_mesh,
    compiler_params=_sc_params,
    scratch_types=[
        pltpu.VMEM((_NCH, _CH), jnp.int32),
        pltpu.VMEM((_NCH, _CH), jnp.int32),
        pltpu.VMEM((_NBUF, _CH, _H), jnp.float32),
        pltpu.VMEM((64, _H), jnp.float32),
        pltpu.VMEM_SHARED((_NP, _H), jnp.float32),
        pltpu.SemaphoreType.DMA((_NBUF,)),
    ],
)



def _dis_of(dp_ref):
    deg = jnp.sum(dp_ref[...], axis=0) + 1.0
    return lax.rsqrt(deg)


def _mm1_body(dp_ref, x_ref, wl_ref, wr_ref, o_ref):
    dis = _dis_of(dp_ref)[:, None]
    x = x_ref[...]
    o_ref[0] = jnp.dot(x, wl_ref[...], preferred_element_type=jnp.float32) * dis
    o_ref[1] = jnp.dot(x, wr_ref[...], preferred_element_type=jnp.float32) * dis


def _mid_body(dp_ref, pl_ref, pr_ref, z_ref, bl_ref, br_ref,
              q00_ref, q01_ref, q10_ref, q11_ref, o_ref):
    dis = _dis_of(dp_ref)[:, None]
    hl = jnp.maximum((pl_ref[0] + z_ref[0]) * dis + bl_ref[...], 0.0)
    hr = jnp.maximum((pr_ref[0] + z_ref[1]) * dis + br_ref[...], 0.0)
    dot = lambda a, b: jnp.dot(a, b, preferred_element_type=jnp.float32)
    o_ref[0] = (dot(hl, q00_ref[...]) + dot(hr, q10_ref[...])) * dis
    o_ref[1] = (dot(hl, q01_ref[...]) + dot(hr, q11_ref[...])) * dis


def _pool_body(dp_ref, pl_ref, pr_ref, z_ref, bl_ref, br_ref, bat_ref,
               o_ref, sums_l, sums_r, cnts):
    i = pl.program_id(0)
    dis = _dis_of(dp_ref)[:, None]
    hl = (pl_ref[0] + z_ref[0]) * dis + bl_ref[...]
    hr = (pr_ref[0] + z_ref[1]) * dis + br_ref[...]
    ids = lax.broadcasted_iota(jnp.int32, (_RB, _G), 1)
    oh = (bat_ref[...] == ids).astype(jnp.float32)
    dn = (((0,), (0,)), ((), ()))
    bsum_l = lax.dot_general(oh, hl, dn, preferred_element_type=jnp.float32)
    bsum_r = lax.dot_general(oh, hr, dn, preferred_element_type=jnp.float32)
    bcnt = jnp.sum(oh, axis=0)[:, None] * jnp.ones((1, _H), jnp.float32)

    @pl.when(i == 0)
    def _init():
        sums_l[...] = jnp.zeros_like(sums_l)
        sums_r[...] = jnp.zeros_like(sums_r)
        cnts[...] = jnp.zeros_like(cnts)

    sums_l[...] += bsum_l
    sums_r[...] += bsum_r
    cnts[...] += bcnt

    @pl.when(i == _GRID - 1)
    def _fin():
        c = jnp.maximum(cnts[...], 1.0)
        o_ref[0] = sums_l[...] / c
        o_ref[1] = sums_r[...] / c


_spec_dp = pl.BlockSpec((_NW, _RB), lambda i: (0, i))
_spec_x = pl.BlockSpec((_RB, _D), lambda i: (i, 0))
_spec_z = pl.BlockSpec((_NC, _RB, _H), lambda i: (0, i, 0))
_spec_pl = pl.BlockSpec((1, _RB, _H), lambda i: (0, i, 0))
_spec_pr = pl.BlockSpec((1, _RB, _H), lambda i: (1, i, 0))
_spec_wh = pl.BlockSpec((_D, _H), lambda i: (0, 0))
_spec_wq = pl.BlockSpec((_H, _H), lambda i: (0, 0))
_spec_bh = pl.BlockSpec((1, _H), lambda i: (0, 0))
_spec_bat = pl.BlockSpec((_RB, 1), lambda i: (i, 0))

_zs_shape = jax.ShapeDtypeStruct((_NC, _NP, _H), jnp.float32)

_mm1 = pl.pallas_call(
    _mm1_body,
    grid=(_GRID,),
    in_specs=[_spec_dp, _spec_x, _spec_wh, _spec_wh],
    out_specs=_spec_z,
    out_shape=_zs_shape,
)

_mid = pl.pallas_call(
    _mid_body,
    grid=(_GRID,),
    in_specs=[_spec_dp, _spec_pl, _spec_pr, _spec_z, _spec_bh, _spec_bh,
              _spec_wq, _spec_wq, _spec_wq, _spec_wq],
    out_specs=_spec_z,
    out_shape=_zs_shape,
)

_pool = pl.pallas_call(
    _pool_body,
    grid=(_GRID,),
    in_specs=[_spec_dp, _spec_pl, _spec_pr, _spec_z, _spec_bh, _spec_bh,
              _spec_bat],
    out_specs=pl.BlockSpec((_NC, _G, _H), lambda i: (0, 0, 0)),
    out_shape=jax.ShapeDtypeStruct((_NC, _G, _H), jnp.float32),
    scratch_shapes=[
        pltpu.VMEM((_G, _H), jnp.float32),
        pltpu.VMEM((_G, _H), jnp.float32),
        pltpu.VMEM((_G, _H), jnp.float32),
    ],
)


@jax.jit
def kernel(x, edge_index, batch, W1, b1, W2, b2, W3, b3):
    src = edge_index[0].astype(jnp.int32)
    dst = edge_index[1].astype(jnp.int32)
    pad = _EPAD - _E
    src_p = jnp.concatenate([src, jnp.zeros((pad,), jnp.int32)])
    dst_p = jnp.concatenate([dst, jnp.full((pad,), _N, jnp.int32)])
    src3 = src_p.reshape(_NS, _NCH, _CH)
    dst3 = dst_p.reshape(_NS, _NCH, _CH)
    x_p = jnp.pad(x, ((0, _NP - _N), (0, 0)))
    bat = jnp.pad(batch.astype(jnp.int32), (0, _NP - _N), constant_values=_G)
    bat = bat.reshape(_NP, 1)

    halves = lambda w: (w[:, :_H], w[:, _H:])
    quads = lambda w: (w[:_H, :_H], w[:_H, _H:], w[_H:, :_H], w[_H:, _H:])
    w1l, w1r = halves(W1)
    q2 = quads(W2)
    q3 = quads(W3)
    b1l, b1r = b1[:_H].reshape(1, _H), b1[_H:].reshape(1, _H)
    b2l, b2r = b2[:_H].reshape(1, _H), b2[_H:].reshape(1, _H)
    b3l, b3r = b3[:_H].reshape(1, _H), b3[_H:].reshape(1, _H)

    deg_parts = _deg_kernel(dst_p.reshape(_NW, _EPAD // _NW))
    z1 = _mm1(deg_parts, x_p, w1l, w1r)
    p1 = _agg_kernel(z1, src3, dst3)
    z2 = _mid(deg_parts, p1, p1, z1, b1l, b1r, *q2)
    p2 = _agg_kernel(z2, src3, dst3)
    z3 = _mid(deg_parts, p2, p2, z2, b2l, b2r, *q3)
    p3 = _agg_kernel(z3, src3, dst3)
    out = _pool(deg_parts, p3, p3, z3, b3l, b3r, bat)
    return jnp.concatenate([out[0], out[1]], axis=1)

# --- scband reference (transcript-rebuilt; emitter-appended) ---
"""Pipeline reference for scband-brain-gnn-50371376447812 (READ-ONLY COPY).

The authoritative reference and input builder live on the scoring server;
editing this copy changes nothing except your own understanding.
"""

import jax, jax.numpy as jnp
import numpy as np

N_NODES = 10000
N_EDGES = 320000
D_IN = 128
D_HID = 128
N_GRAPHS = 64


def gcn_conv(x, edge_index, W, b, num_nodes):
    # PyG GCNConv: add self-loops, symmetric normalization, linear, scatter-add, bias
    src = edge_index[0]
    dst = edge_index[1]
    loop = jnp.arange(num_nodes, dtype=edge_index.dtype)
    src = jnp.concatenate([src, loop])
    dst = jnp.concatenate([dst, loop])
    deg = jnp.zeros((num_nodes,), dtype=x.dtype).at[dst].add(1.0)
    deg_inv_sqrt = jnp.where(deg > 0, jax.lax.rsqrt(deg), 0.0)
    norm = deg_inv_sqrt[src] * deg_inv_sqrt[dst]
    h = x @ W
    msg = h[src] * norm[:, None]
    out = jnp.zeros((num_nodes, W.shape[1]), dtype=x.dtype).at[dst].add(msg)
    return out + b


def global_mean_pool(x, batch, num_graphs):
    s = jax.ops.segment_sum(x, batch, num_segments=num_graphs)
    cnt = jax.ops.segment_sum(jnp.ones((x.shape[0],), dtype=x.dtype), batch, num_segments=num_graphs)
    return s / jnp.clip(cnt, 1.0)[:, None]


def setup_inputs(seed: int = 0) -> dict:
    key = jax.random.key(seed)
    k = jax.random.split(key, 10)
    x = jax.random.normal(k[0], (N_NODES, D_IN), dtype=jnp.float32)
    edge_index = jax.random.randint(k[1], (2, N_EDGES), 0, N_NODES, dtype=jnp.int64)
    batch = jnp.sort(jax.random.randint(k[2], (N_NODES,), 0, N_GRAPHS, dtype=jnp.int64))
    W1 = jax.random.normal(k[3], (D_IN, D_HID), dtype=jnp.float32) * 0.1
    b1 = jnp.zeros((D_HID,), dtype=jnp.float32)
    W2 = jax.random.normal(k[4], (D_HID, D_HID), dtype=jnp.float32) * 0.1
    b2 = jnp.zeros((D_HID,), dtype=jnp.float32)
    W3 = jax.random.normal(k[5], (D_HID, D_HID), dtype=jnp.float32) * 0.1
    b3 = jnp.zeros((D_HID,), dtype=jnp.float32)
    return {"x": x, "edge_index": edge_index, "batch": batch, "W1": W1, "b1": b1, "W2": W2, "b2": b2, "W3": W3, "b3": b3}


def reference(x, edge_index, batch, W1, b1, W2, b2, W3, b3):
    h = jax.nn.relu(gcn_conv(x, edge_index, W1, b1, N_NODES))
    h = jax.nn.relu(gcn_conv(h, edge_index, W2, b2, N_NODES))
    h = gcn_conv(h, edge_index, W3, b3, N_NODES)
    return global_mean_pool(h, batch, N_GRAPHS)

if __name__ == "__main__":
    import jax
    _d = setup_inputs()
    print(jax.jit(kernel)(*tuple(_d.values())))

</pallas_src>

<mosaic_0001>
#map = affine_map<(d0, d1) -> (0, 0)>
module attributes {stable_mosaic.version = 14 : i64} {
  func.func @_deg_body(%arg0: i32, %arg1: i32, %arg2: memref<32x10240xi32, #tpu.memory_space<hbm>>, %arg3: memref<32x10240xf32, #tpu.memory_space<hbm>>, %arg4: memref<10240xi32, #tpu.memory_space<vmem>>, %arg5: memref<10240xf32, #tpu.memory_space<vmem>>) attributes {dimension_semantics = [#tpu.dimension_semantics<core_parallel>, #tpu.dimension_semantics<subcore_parallel>], iteration_bounds = array<i64: 2, 16>, scalar_prefetch = 0 : i64, scratch_operands = 2 : i64, tpu.core_type = #tpu.core_type<sc_vector_subcore>, window_params = [{transform_indices = #map}, {transform_indices = #map}]} {
    %mul3A = arith.constant 16 : i32
    %mul3A_0 = arith.muli %arg0, %mul3A : i32
    %add3A = arith.addi %mul3A_0, %arg1 : i32
    "tpu.region"() ({
      %run_scoped3A = tpu.sem_alloc : memref<!tpu.dma_semaphore, #tpu.memory_space<semaphore_mem>>
      %dma_start3A = arith.constant 0 : i32
      %dma_start3A_11 = tpu.memref_slice %arg2[%add3A, %dma_start3A] : memref<32x10240xi32, #tpu.memory_space<hbm>> -> memref<1x10240xi32, #tpu.memory_space<hbm>>
      %dma_start3A_12 = tpu.memref_squeeze %dma_start3A_11 : memref<1x10240xi32, #tpu.memory_space<hbm>> -> memref<10240xi32, #tpu.memory_space<hbm>>
      %dma_start3A_13 = arith.constant 0 : i32
      %dma_start3A_14 = tpu.memref_slice %arg2[%add3A, %dma_start3A_13] : memref<32x10240xi32, #tpu.memory_space<hbm>> -> memref<1x10240xi32, #tpu.memory_space<hbm>>
      %dma_start3A_15 = tpu.memref_squeeze %dma_start3A_14 : memref<1x10240xi32, #tpu.memory_space<hbm>> -> memref<10240xi32, #tpu.memory_space<hbm>>
      tpu.enqueue_dma source(%dma_start3A_15 : memref<10240xi32, #tpu.memory_space<hbm>>) target(%arg4 : memref<10240xi32, #tpu.memory_space<vmem>>) target_semaphore(%run_scoped3A : memref<!tpu.dma_semaphore, #tpu.memory_space<semaphore_mem>>)
      %dma_wait3A = arith.constant 0 : i32
      %dma_wait3A_16 = tpu.memref_slice %arg2[%add3A, %dma_wait3A] : memref<32x10240xi32, #tpu.memory_space<hbm>> -> memref<1x10240xi32, #tpu.memory_space<hbm>>
      %dma_wait3A_17 = tpu.memref_squeeze %dma_wait3A_16 : memref<1x10240xi32, #tpu.memory_space<hbm>> -> memref<10240xi32, #tpu.memory_space<hbm>>
      %dma_wait3A_18 = arith.constant 0 : i32
      %dma_wait3A_19 = tpu.memref_slice %arg2[%add3A, %dma_wait3A_18] : memref<32x10240xi32, #tpu.memory_space<hbm>> -> memref<1x10240xi32, #tpu.memory_space<hbm>>
      %dma_wait3A_20 = tpu.memref_squeeze %dma_wait3A_19 : memref<1x10240xi32, #tpu.memory_space<hbm>> -> memref<10240xi32, #tpu.memory_space<hbm>>
      tpu.wait_dma2 semaphore(%run_scoped3A : memref<!tpu.dma_semaphore, #tpu.memory_space<semaphore_mem>>) src(%dma_wait3A_20 : memref<10240xi32, #tpu.memory_space<hbm>>) dst(%arg4 : memref<10240xi32, #tpu.memory_space<vmem>>)
      tpu.yield
    }) : () -> ()
    %scan3A = arith.constant 0 : i32
    %scan3A_1 = arith.constant 640 : i32
    %scan3A_2 = arith.addi %scan3A, %scan3A_1 : i32
    %scan3A_3 = arith.constant 1 : i32
    scf.for %scan3A_11 = %scan3A to %scan3A_2 step %scan3A_3  : i32 {
      %mul3A_12 = arith.constant 1 : i32
      %mul3A_13 = arith.muli %scan3A_11, %mul3A_12 : i32
      %add3A_14 = arith.constant 0 : i32
      %add3A_15 = arith.addi %add3A_14, %mul3A_13 : i32
      %broadcast_in_dim3A_16 = arith.constant 0.000000e+00 : f32
      %broadcast_in_dim3A_17 = vector.broadcast %broadcast_in_dim3A_16 : f32 to vector<16xf32>
      %mul3A_18 = arith.constant 16 : i32
      %mul3A_19 = arith.muli %add3A_15, %mul3A_18 : i32
      %swap3A = arith.index_cast %mul3A_19 : i32 to index
      %swap3A_20 = tpu.vector_load %arg5[%swap3A] {strides = array<i32>} : memref<10240xf32, #tpu.memory_space<vmem>>, vector<16xf32>,
      tpu.vector_store %arg5[%swap3A], %broadcast_in_dim3A_17 {strides = array<i32>} : memref<10240xf32, #tpu.memory_space<vmem>>, vector<16xf32>,
    }
    %scan3A_4 = arith.constant 640 : i32
    %broadcast_in_dim3A = arith.constant 1.000000e+00 : f32
    %broadcast_in_dim3A_5 = vector.broadcast %broadcast_in_dim3A : f32 to vector<16xf32>
    %scan3A_6 = arith.constant 0 : i32
    %scan3A_7 = arith.constant 640 : i32
    %scan3A_8 = arith.addi %scan3A_6, %scan3A_7 : i32
    %scan3A_9 = arith.constant 1 : i32
    scf.for %scan3A_11 = %scan3A_6 to %scan3A_8 step %scan3A_9  : i32 {
      %mul3A_12 = arith.constant 1 : i32
      %mul3A_13 = arith.muli %scan3A_11, %mul3A_12 : i32
      %add3A_14 = arith.constant 0 : i32
      %add3A_15 = arith.addi %add3A_14, %mul3A_13 : i32
      %mul3A_16 = arith.constant 16 : i32
      %mul3A_17 = arith.muli %add3A_15, %mul3A_16 : i32
      %get3A = arith.index_cast %mul3A_17 : i32 to index
      %get3A_18 = tpu.vector_load %arg4[%get3A] {strides = array<i32>} : memref<10240xi32, #tpu.memory_space<vmem>>, vector<16xi32>,
      tpu.vector_store_idx %arg5[%get3A_18], %broadcast_in_dim3A_5 {add = true} : memref<10240xf32, #tpu.memory_space<vmem>>[vector<16xi32>], vector<16xf32>,
    }
    %scan3A_10 = arith.constant 640 : i32
    "tpu.region"() ({
      %run_scoped3A = tpu.sem_alloc : memref<!tpu.dma_semaphore, #tpu.memory_space<semaphore_mem>>
      %dma_start3A = arith.constant 0 : i32
      %dma_start3A_11 = tpu.memref_slice %arg3[%add3A, %dma_start3A] : memref<32x10240xf32, #tpu.memory_space<hbm>> -> memref<1x10240xf32, #tpu.memory_space<hbm>>
      %dma_start3A_12 = tpu.memref_squeeze %dma_start3A_11 : memref<1x10240xf32, #tpu.memory_space<hbm>> -> memref<10240xf32, #tpu.memory_space<hbm>>
      %dma_start3A_13 = arith.constant 0 : i32
      %dma_start3A_14 = tpu.memref_slice %arg3[%add3A, %dma_start3A_13] : memref<32x10240xf32, #tpu.memory_space<hbm>> -> memref<1x10240xf32, #tpu.memory_space<hbm>>
      %dma_start3A_15 = tpu.memref_squeeze %dma_start3A_14 : memref<1x10240xf32, #tpu.memory_space<hbm>> -> memref<10240xf32, #tpu.memory_space<hbm>>
      tpu.enqueue_dma source(%arg5 : memref<10240xf32, #tpu.memory_space<vmem>>) target(%dma_start3A_15 : memref<10240xf32, #tpu.memory_space<hbm>>) target_semaphore(%run_scoped3A : memref<!tpu.dma_semaphore, #tpu.memory_space<semaphore_mem>>)
      %dma_wait3A = arith.constant 0 : i32
      %dma_wait3A_16 = tpu.memref_slice %arg3[%add3A, %dma_wait3A] : memref<32x10240xf32, #tpu.memory_space<hbm>> -> memref<1x10240xf32, #tpu.memory_space<hbm>>
      %dma_wait3A_17 = tpu.memref_squeeze %dma_wait3A_16 : memref<1x10240xf32, #tpu.memory_space<hbm>> -> memref<10240xf32, #tpu.memory_space<hbm>>
      %dma_wait3A_18 = arith.constant 0 : i32
      %dma_wait3A_19 = tpu.memref_slice %arg3[%add3A, %dma_wait3A_18] : memref<32x10240xf32, #tpu.memory_space<hbm>> -> memref<1x10240xf32, #tpu.memory_space<hbm>>
      %dma_wait3A_20 = tpu.memref_squeeze %dma_wait3A_19 : memref<1x10240xf32, #tpu.memory_space<hbm>> -> memref<10240xf32, #tpu.memory_space<hbm>>
      tpu.wait_dma2 semaphore(%run_scoped3A : memref<!tpu.dma_semaphore, #tpu.memory_space<semaphore_mem>>) src(%arg5 : memref<10240xf32, #tpu.memory_space<vmem>>) dst(%dma_wait3A_20 : memref<10240xf32, #tpu.memory_space<hbm>>)
      tpu.yield
    }) : () -> ()
    return
  }
}

#map = affine_map<(d0, d1) -> (0, 0, 0)>
module attributes {stable_mosaic.version = 14 : i64} {
  func.func @_agg_body(%arg0: i32, %arg1: i32, %arg2: memref<2x10240x64xf32, #tpu.memory_space<hbm>>, %arg3: memref<16x160x128xi32, #tpu.memory_space<hbm>>, %arg4: memref<16x160x128xi32, #tpu.memory_space<hbm>>, %arg5: memref<2x10240x64xf32, #tpu.memory_space<hbm>>, %arg6: memref<160x128xi32, #tpu.memory_space<vmem>>, %arg7: memref<160x128xi32, #tpu.memory_space<vmem>>, %arg8: memref<4x128x64xf32, #tpu.memory_space<vmem>>, %arg9: memref<64x64xf32, #tpu.memory_space<vmem>>, %arg10: memref<10240x64xf32, #tpu.memory_space<vmem_shared>>, %arg11: memref<4x!tpu.dma_semaphore, #tpu.memory_space<semaphore_mem>>) attributes {dimension_semantics = [#tpu.dimension_semantics<core_parallel>, #tpu.dimension_semantics<subcore_parallel>], iteration_bounds = array<i64: 2, 16>, scalar_prefetch = 0 : i64, scratch_operands = 6 : i64, tpu.core_type = #tpu.core_type<sc_vector_subcore>, window_params = [{transform_indices = #map}, {transform_indices = #map}, {transform_indices = #map}, {transform_indices = #map}]} {
    "tpu.region"() ({
      %run_scoped3A_237 = tpu.sem_alloc : memref<!tpu.dma_semaphore, #tpu.memory_space<semaphore_mem>>
      %dma_start3A_238 = arith.constant 0 : i32
      %dma_start3A_239 = arith.constant 0 : i32
      %dma_start3A_240 = tpu.memref_slice %arg3[%arg1, %dma_start3A_238, %dma_start3A_239] : memref<16x160x128xi32, #tpu.memory_space<hbm>> -> memref<1x160x128xi32, #tpu.memory_space<hbm>>
      %dma_start3A_241 = tpu.memref_squeeze %dma_start3A_240 : memref<1x160x128xi32, #tpu.memory_space<hbm>> -> memref<160x128xi32, #tpu.memory_space<hbm>>
      %dma_start3A_242 = arith.constant 0 : i32
      %dma_start3A_243 = arith.constant 0 : i32
      %dma_start3A_244 = tpu.memref_slice %arg3[%arg1, %dma_start3A_242, %dma_start3A_243] : memref<16x160x128xi32, #tpu.memory_space<hbm>> -> memref<1x160x128xi32, #tpu.memory_space<hbm>>
      %dma_start3A_245 = tpu.memref_squeeze %dma_start3A_244 : memref<1x160x128xi32, #tpu.memory_space<hbm>> -> memref<160x128xi32, #tpu.memory_space<hbm>>
      tpu.enqueue_dma source(%dma_start3A_245 : memref<160x128xi32, #tpu.memory_space<hbm>>) target(%arg6 : memref<160x128xi32, #tpu.memory_space<vmem>>) target_semaphore(%run_scoped3A_237 : memref<!tpu.dma_semaphore, #tpu.memory_space<semaphore_mem>>)
      %dma_wait3A_246 = arith.constant 0 : i32
      %dma_wait3A_247 = arith.constant 0 : i32
      %dma_wait3A_248 = tpu.memref_slice %arg3[%arg1, %dma_wait3A_246, %dma_wait3A_247] : memref<16x160x128xi32, #tpu.memory_space<hbm>> -> memref<1x160x128xi32, #tpu.memory_space<hbm>>
      %dma_wait3A_249 = tpu.memref_squeeze %dma_wait3A_248 : memref<1x160x128xi32, #tpu.memory_space<hbm>> -> memref<160x128xi32, #tpu.memory_space<hbm>>
      %dma_wait3A_250 = arith.constant 0 : i32
      %dma_wait3A_251 = arith.constant 0 : i32
      %dma_wait3A_252 = tpu.memref_slice %arg3[%arg1, %dma_wait3A_250, %dma_wait3A_251] : memref<16x160x128xi32, #tpu.memory_space<hbm>> -> memref<1x160x128xi32, #tpu.memory_space<hbm>>
      %dma_wait3A_253 = tpu.memref_squeeze %dma_wait3A_252 : memref<1x160x128xi32, #tpu.memory_space<hbm>> -> memref<160x128xi32, #tpu.memory_space<hbm>>
      tpu.wait_dma2 semaphore(%run_scoped3A_237 : memref<!tpu.dma_semaphore, #tpu.memory_space<semaphore_mem>>) src(%dma_wait3A_253 : memref<160x128xi32, #tpu.memory_space<hbm>>) dst(%arg6 : memref<160x128xi32, #tpu.memory_space<vmem>>)
      tpu.yield
    }) : () -> ()
    "tpu.region"() ({
      %run_scoped3A_237 = tpu.sem_alloc : memref<!tpu.dma_semaphore, #tpu.memory_space<semaphore_mem>>
      %dma_start3A_238 = arith.constant 0 : i32
      %dma_start3A_239 = arith.constant 0 : i32
      %dma_start3A_240 = tpu.memref_slice %arg4[%arg1, %dma_start3A_238, %dma_start3A_239] : memref<16x160x128xi32, #tpu.memory_space<hbm>> -> memref<1x160x128xi32, #tpu.memory_space<hbm>>
      %dma_start3A_241 = tpu.memref_squeeze %dma_start3A_240 : memref<1x160x128xi32, #tpu.memory_space<hbm>> -> memref<160x128xi32, #tpu.memory_space<hbm>>
      %dma_start3A_242 = arith.constant 0 : i32
      %dma_start3A_243 = arith.constant 0 : i32
      %dma_start3A_244 = tpu.memref_slice %arg4[%arg1, %dma_start3A_242, %dma_start3A_243] : memref<16x160x128xi32, #tpu.memory_space<hbm>> -> memref<1x160x128xi32, #tpu.memory_space<hbm>>
      %dma_start3A_245 = tpu.memref_squeeze %dma_start3A_244 : memref<1x160x128xi32, #tpu.memory_space<hbm>> -> memref<160x128xi32, #tpu.memory_space<hbm>>
      tpu.enqueue_dma source(%dma_start3A_245 : memref<160x128xi32, #tpu.memory_space<hbm>>) target(%arg7 : memref<160x128xi32, #tpu.memory_space<vmem>>) target_semaphore(%run_scoped3A_237 : memref<!tpu.dma_semaphore, #tpu.memory_space<semaphore_mem>>)
      %dma_wait3A_246 = arith.constant 0 : i32
      %dma_wait3A_247 = arith.constant 0 : i32
      %dma_wait3A_248 = tpu.memref_slice %arg4[%arg1, %dma_wait3A_246, %dma_wait3A_247] : memref<16x160x128xi32, #tpu.memory_space<hbm>> -> memref<1x160x128xi32, #tpu.memory_space<hbm>>
      %dma_wait3A_249 = tpu.memref_squeeze %dma_wait3A_248 : memref<1x160x128xi32, #tpu.memory_space<hbm>> -> memref<160x128xi32, #tpu.memory_space<hbm>>
      %dma_wait3A_250 = arith.constant 0 : i32
      %dma_wait3A_251 = arith.constant 0 : i32
      %dma_wait3A_252 = tpu.memref_slice %arg4[%arg1, %dma_wait3A_250, %dma_wait3A_251] : memref<16x160x128xi32, #tpu.memory_space<hbm>> -> memref<1x160x128xi32, #tpu.memory_space<hbm>>
      %dma_wait3A_253 = tpu.memref_squeeze %dma_wait3A_252 : memref<1x160x128xi32, #tpu.memory_space<hbm>> -> memref<160x128xi32, #tpu.memory_space<hbm>>
      tpu.wait_dma2 semaphore(%run_scoped3A_237 : memref<!tpu.dma_semaphore, #tpu.memory_space<semaphore_mem>>) src(%dma_wait3A_253 : memref<160x128xi32, #tpu.memory_space<hbm>>) dst(%arg7 : memref<160x128xi32, #tpu.memory_space<vmem>>)
      tpu.yield
    }) : () -> ()
    %dma_start3A = arith.constant 0 : i32
    %dma_start3A_0 = arith.constant 0 : i32
    %dma_start3A_1 = arith.constant 0 : i32
    %dma_start3A_2 = arith.constant 0 : i32
    %dma_start3A_3 = arith.constant 0 : i32
    %dma_start3A_4 = tpu.memref_slice %arg8[%dma_start3A_0, %dma_start3A_2, %dma_start3A_3] : memref<4x128x64xf32, #tpu.memory_space<vmem>> -> memref<1x128x64xf32, #tpu.memory_space<vmem>>
    %dma_start3A_5 = tpu.memref_squeeze %dma_start3A_4 : memref<1x128x64xf32, #tpu.memory_space<vmem>> -> memref<128x64xf32, #tpu.memory_space<vmem>>
    %dma_start3A_6 = arith.constant 0 : i32
    %dma_start3A_7 = tpu.memref_slice %arg6[%dma_start3A, %dma_start3A_6] : memref<160x128xi32, #tpu.memory_space<vmem>> -> memref<1x128xi32, #tpu.memory_space<vmem>>
    %dma_start3A_8 = tpu.memref_squeeze %dma_start3A_7 : memref<1x128xi32, #tpu.memory_space<vmem>> -> memref<128xi32, #tpu.memory_space<vmem>>
    %dma_start3A_9 = arith.constant 0 : i32
    %dma_start3A_10 = arith.constant 0 : i32
    %dma_start3A_11 = tpu.memref_slice %arg2[%arg0, %dma_start3A_9, %dma_start3A_10] : memref<2x10240x64xf32, #tpu.memory_space<hbm>> -> memref<1x10240x64xf32, #tpu.memory_space<hbm>>
    %dma_start3A_12 = tpu.memref_squeeze %dma_start3A_11 : memref<1x10240x64xf32, #tpu.memory_space<hbm>> -> memref<10240x64xf32, #tpu.memory_space<hbm>>
    %dma_start3A_13 = arith.constant 0 : i32
    %dma_start3A_14 = arith.constant 0 : i32
    %dma_start3A_15 = tpu.memref_slice %dma_start3A_12[%dma_start3A_13, %dma_start3A_14] : memref<10240x64xf32, #tpu.memory_space<hbm>> -> memref<10240x64xf32, #tpu.memory_space<hbm>>
    %dma_start3A_16 = tpu.memref_slice %arg11[%dma_start3A_1] : memref<4x!tpu.dma_semaphore, #tpu.memory_space<semaphore_mem>> -> memref<1x!tpu.dma_semaphore, #tpu.memory_space<semaphore_mem>>
    %dma_start3A_17 = tpu.memref_squeeze %dma_start3A_16 : memref<1x!tpu.dma_semaphore, #tpu.memory_space<semaphore_mem>> -> memref<!tpu.dma_semaphore, #tpu.memory_space<semaphore_mem>>
    tpu.enqueue_indirect_dma source(%dma_start3A_15 : memref<10240x64xf32, #tpu.memory_space<hbm>>) target(%dma_start3A_5 : memref<128x64xf32, #tpu.memory_space<vmem>>) offsets(%dma_start3A_8 : memref<128xi32, #tpu.memory_space<vmem>>) semaphore(%dma_start3A_17 : memref<!tpu.dma_semaphore, #tpu.memory_space<semaphore_mem>>)
    %dma_start3A_18 = arith.constant 1 : i32
    %dma_start3A_19 = arith.constant 1 : i32
    %dma_start3A_20 = arith.constant 1 : i32
    %dma_start3A_21 = arith.constant 0 : i32
    %dma_start3A_22 = arith.constant 0 : i32
    %dma_start3A_23 = tpu.memref_slice %arg8[%dma_start3A_19, %dma_start3A_21, %dma_start3A_22] : memref<4x128x64xf32, #tpu.memory_space<vmem>> -> memref<1x128x64xf32, #tpu.memory_space<vmem>>
    %dma_start3A_24 = tpu.memref_squeeze %dma_start3A_23 : memref<1x128x64xf32, #tpu.memory_space<vmem>> -> memref<128x64xf32, #tpu.memory_space<vmem>>
    %dma_start3A_25 = arith.constant 0 : i32
    %dma_start3A_26 = tpu.memref_slice %arg6[%dma_start3A_18, %dma_start3A_25] : memref<160x128xi32, #tpu.memory_space<vmem>> -> memref<1x128xi32, #tpu.memory_space<vmem>>
    %dma_start3A_27 = tpu.memref_squeeze %dma_start3A_26 : memref<1x128xi32, #tpu.memory_space<vmem>> -> memref<128xi32, #tpu.memory_space<vmem>>
    %dma_start3A_28 = arith.constant 0 : i32
    %dma_start3A_29 = arith.constant 0 : i32
    %dma_start3A_30 = tpu.memref_slice %arg2[%arg0, %dma_start3A_28, %dma_start3A_29] : memref<2x10240x64xf32, #tpu.memory_space<hbm>> -> memref<1x10240x64xf32, #tpu.memory_space<hbm>>
    %dma_start3A_31 = tpu.memref_squeeze %dma_start3A_30 : memref<1x10240x64xf32, #tpu.memory_space<hbm>> -> memref<10240x64xf32, #tpu.memory_space<hbm>>
    %dma_start3A_32 = arith.constant 0 : i32
    %dma_start3A_33 = arith.constant 0 : i32
    %dma_start3A_34 = tpu.memref_slice %dma_start3A_31[%dma_start3A_32, %dma_start3A_33] : memref<10240x64xf32, #tpu.memory_space<hbm>> -> memref<10240x64xf32, #tpu.memory_space<hbm>>
    %dma_start3A_35 = tpu.memref_slice %arg11[%dma_start3A_20] : memref<4x!tpu.dma_semaphore, #tpu.memory_space<semaphore_mem>> -> memref<1x!tpu.dma_semaphore, #tpu.memory_space<semaphore_mem>>
    %dma_start3A_36 = tpu.memref_squeeze %dma_start3A_35 : memref<1x!tpu.dma_semaphore, #tpu.memory_space<semaphore_mem>> -> memref<!tpu.dma_semaphore, #tpu.memory_space<semaphore_mem>>
    tpu.enqueue_indirect_dma source(%dma_start3A_34 : memref<10240x64xf32, #tpu.memory_space<hbm>>) target(%dma_start3A_24 : memref<128x64xf32, #tpu.memory_space<vmem>>) offsets(%dma_start3A_27 : memref<128xi32, #tpu.memory_space<vmem>>) semaphore(%dma_start3A_36 : memref<!tpu.dma_semaphore, #tpu.memory_space<semaphore_mem>>)
    %dma_start3A_37 = arith.constant 2 : i32
    %dma_start3A_38 = arith.constant 2 : i32
    %dma_start3A_39 = arith.constant 2 : i32
    %dma_start3A_40 = arith.constant 0 : i32
    %dma_start3A_41 = arith.constant 0 : i32
    %dma_start3A_42 = tpu.memref_slice %arg8[%dma_start3A_38, %dma_start3A_40, %dma_start3A_41] : memref<4x128x64xf32, #tpu.memory_space<vmem>> -> memref<1x128x64xf32, #tpu.memory_space<vmem>>
    %dma_start3A_43 = tpu.memref_squeeze %dma_start3A_42 : memref<1x128x64xf32, #tpu.memory_space<vmem>> -> memref<128x64xf32, #tpu.memory_space<vmem>>
    %dma_start3A_44 = arith.constant 0 : i32
    %dma_start3A_45 = tpu.memref_slice %arg6[%dma_start3A_37, %dma_start3A_44] : memref<160x128xi32, #tpu.memory_space<vmem>> -> memref<1x128xi32, #tpu.memory_space<vmem>>
    %dma_start3A_46 = tpu.memref_squeeze %dma_start3A_45 : memref<1x128xi32, #tpu.memory_space<vmem>> -> memref<128xi32, #tpu.memory_space<vmem>>
    %dma_start3A_47 = arith.constant 0 : i32
    %dma_start3A_48 = arith.constant 0 : i32
    %dma_start3A_49 = tpu.memref_slice %arg2[%arg0, %dma_start3A_47, %dma_start3A_48] : memref<2x10240x64xf32, #tpu.memory_space<hbm>> -> memref<1x10240x64xf32, #tpu.memory_space<hbm>>
    %dma_start3A_50 = tpu.memref_squeeze %dma_start3A_49 : memref<1x10240x64xf32, #tpu.memory_space<hbm>> -> memref<10240x64xf32, #tpu.memory_space<hbm>>
    %dma_start3A_51 = arith.constant 0 : i32
    %dma_start3A_52 = arith.constant 0 : i32
    %dma_start3A_53 = tpu.memref_slice %dma_start3A_50[%dma_start3A_51, %dma_start3A_52] : memref<10240x64xf32, #tpu.memory_space<hbm>> -> memref<10240x64xf32, #tpu.memory_space<hbm>>
    %dma_start3A_54 = tpu.memref_slice %arg11[%dma_start3A_39] : memref<4x!tpu.dma_semaphore, #tpu.memory_space<semaphore_mem>> -> memref<1x!tpu.dma_semaphore, #tpu.memory_space<semaphore_mem>>
    %dma_start3A_55 = tpu.memref_squeeze %dma_start3A_54 : memref<1x!tpu.dma_semaphore, #tpu.memory_space<semaphore_mem>> -> memref<!tpu.dma_semaphore, #tpu.memory_space<semaphore_mem>>
    tpu.enqueue_indirect_dma source(%dma_start3A_53 : memref<10240x64xf32, #tpu.memory_space<hbm>>) target(%dma_start3A_43 : memref<128x64xf32, #tpu.memory_space<vmem>>) offsets(%dma_start3A_46 : memref<128xi32, #tpu.memory_space<vmem>>) semaphore(%dma_start3A_55 : memref<!tpu.dma_semaphore, #tpu.memory_space<semaphore_mem>>)
    %dma_start3A_56 = arith.constant 3 : i32
    %dma_start3A_57 = arith.constant 3 : i32
    %dma_start3A_58 = arith.constant 3 : i32
    %dma_start3A_59 = arith.constant 0 : i32
    %dma_start3A_60 = arith.constant 0 : i32
    %dma_start3A_61 = tpu.memref_slice %arg8[%dma_start3A_57, %dma_start3A_59, %dma_start3A_60] : memref<4x128x64xf32, #tpu.memory_space<vmem>> -> memref<1x128x64xf32, #tpu.memory_space<vmem>>
    %dma_start3A_62 = tpu.memref_squeeze %dma_start3A_61 : memref<1x128x64xf32, #tpu.memory_space<vmem>> -> memref<128x64xf32, #tpu.memory_space<vmem>>
    %dma_start3A_63 = arith.constant 0 : i32
    %dma_start3A_64 = tpu.memref_slice %arg6[%dma_start3A_56, %dma_start3A_63] : memref<160x128xi32, #tpu.memory_space<vmem>> -> memref<1x128xi32, #tpu.memory_space<vmem>>
    %dma_start3A_65 = tpu.memref_squeeze %dma_start3A_64 : memref<1x128xi32, #tpu.memory_space<vmem>> -> memref<128xi32, #tpu.memory_space<vmem>>
    %dma_start3A_66 = arith.constant 0 : i32
    %dma_start3A_67 = arith.constant 0 : i32
    %dma_start3A_68 = tpu.memref_slice %arg2[%arg0, %dma_start3A_66, %dma_start3A_67] : memref<2x10240x64xf32, #tpu.memory_space<hbm>> -> memref<1x10240x64xf32, #tpu.memory_space<hbm>>
    %dma_start3A_69 = tpu.memref_squeeze %dma_start3A_68 : memref<1x10240x64xf32, #tpu.memory_space<hbm>> -> memref<10240x64xf32, #tpu.memory_space<hbm>>
    %dma_start3A_70 = arith.constant 0 : i32
    %dma_start3A_71 = arith.constant 0 : i32
    %dma_start3A_72 = tpu.memref_slice %dma_start3A_69[%dma_start3A_70, %dma_start3A_71] : memref<10240x64xf32, #tpu.memory_space<hbm>> -> memref<10240x64xf32, #tpu.memory_space<hbm>>
    %dma_start3A_73 = tpu.memref_slice %arg11[%dma_start3A_58] : memref<4x!tpu.dma_semaphore, #tpu.memory_space<semaphore_mem>> -> memref<1x!tpu.dma_semaphore, #tpu.memory_space<semaphore_mem>>
    %dma_start3A_74 = tpu.memref_squeeze %dma_start3A_73 : memref<1x!tpu.dma_semaphore, #tpu.memory_space<semaphore_mem>> -> memref<!tpu.dma_semaphore, #tpu.memory_space<semaphore_mem>>
    tpu.enqueue_indirect_dma source(%dma_start3A_72 : memref<10240x64xf32, #tpu.memory_space<hbm>>) target(%dma_start3A_62 : memref<128x64xf32, #tpu.memory_space<vmem>>) offsets(%dma_start3A_65 : memref<128xi32, #tpu.memory_space<vmem>>) semaphore(%dma_start3A_74 : memref<!tpu.dma_semaphore, #tpu.memory_space<semaphore_mem>>)
    %scan3A = arith.constant 0 : i32
    %scan3A_75 = arith.constant 64 : i32
    %scan3A_76 = arith.addi %scan3A, %scan3A_75 : i32
    %scan3A_77 = arith.constant 1 : i32
    scf.for %scan3A_237 = %scan3A to %scan3A_76 step %scan3A_77  : i32 {
      %mul3A_238 = arith.constant 1 : i32
      %mul3A_239 = arith.muli %scan3A_237, %mul3A_238 : i32
      %add3A_240 = arith.constant 0 : i32
      %add3A_241 = arith.addi %add3A_240, %mul3A_239 : i32
      %broadcast_in_dim3A = arith.constant 0.000000e+00 : f32
      %broadcast_in_dim3A_242 = vector.broadcast %broadcast_in_dim3A : f32 to vector<16xf32>
      %swap3A = arith.index_cast %add3A_241 : i32 to index
      %swap3A_243 = arith.constant 0 : index
      %swap3A_244 = tpu.vector_load %arg9[%swap3A, %swap3A_243] {strides = array<i32>} : memref<64x64xf32, #tpu.memory_space<vmem>>, vector<16xf32>,
      tpu.vector_store %arg9[%swap3A, %swap3A_243], %broadcast_in_dim3A_242 {strides = array<i32>} : memref<64x64xf32, #tpu.memory_space<vmem>>, vector<16xf32>,
      %broadcast_in_dim3A_245 = arith.constant 0.000000e+00 : f32
      %broadcast_in_dim3A_246 = vector.broadcast %broadcast_in_dim3A_245 : f32 to vector<16xf32>
      %swap3A_247 = arith.index_cast %add3A_241 : i32 to index
      %swap3A_248 = arith.constant 16 : index
      %swap3A_249 = tpu.vector_load %arg9[%swap3A_247, %swap3A_248] {strides = array<i32>} : memref<64x64xf32, #tpu.memory_space<vmem>>, vector<16xf32>,
      tpu.vector_store %arg9[%swap3A_247, %swap3A_248], %broadcast_in_dim3A_246 {strides = array<i32>} : memref<64x64xf32, #tpu.memory_space<vmem>>, vector<16xf32>,
      %broadcast_in_dim3A_250 = arith.constant 0.000000e+00 : f32
      %broadcast_in_dim3A_251 = vector.broadcast %broadcast_in_dim3A_250 : f32 to vector<16xf32>
      %swap3A_252 = arith.index_cast %add3A_241 : i32 to index
      %swap3A_253 = arith.constant 32 : index
      %swap3A_254 = tpu.vector_load %arg9[%swap3A_252, %swap3A_253] {strides = array<i32>} : memref<64x64xf32, #tpu.memory_space<vmem>>, vector<16xf32>,
      tpu.vector_store %arg9[%swap3A_252, %swap3A_253], %broadcast_in_dim3A_251 {strides = array<i32>} : memref<64x64xf32, #tpu.memory_space<vmem>>, vector<16xf32>,
      %broadcast_in_dim3A_255 = arith.constant 0.000000e+00 : f32
      %broadcast_in_dim3A_256 = vector.broadcast %broadcast_in_dim3A_255 : f32 to vector<16xf32>
      %swap3A_257 = arith.index_cast %add3A_241 : i32 to index
      %swap3A_258 = arith.constant 48 : index
      %swap3A_259 = tpu.vector_load %arg9[%swap3A_257, %swap3A_258] {strides = array<i32>} : memref<64x64xf32, #tpu.memory_space<vmem>>, vector<16xf32>,
      tpu.vector_store %arg9[%swap3A_257, %swap3A_258], %broadcast_in_dim3A_256 {strides = array<i32>} : memref<64x64xf32, #tpu.memory_space<vmem>>, vector<16xf32>,
    }
    %scan3A_78 = arith.constant 64 : i32
    %mul3A = arith.constant 640 : i32
    %mul3A_79 = arith.muli %arg1, %mul3A : i32
    %add3A = arith.constant 0 : i32
    %add3A_80 = arith.addi %mul3A_79, %add3A : i32
    "tpu.region"() ({
      %run_scoped3A_237 = tpu.sem_alloc : memref<!tpu.dma_semaphore, #tpu.memory_space<semaphore_mem>>
      %dma_start3A_238 = arith.constant 0 : i32
      %dma_start3A_239 = tpu.memref_slice %arg10[%add3A_80, %dma_start3A_238] : memref<10240x64xf32, #tpu.memory_space<vmem_shared>> -> memref<64x64xf32, #tpu.memory_space<vmem_shared>>
      %dma_start3A_240 = arith.constant 0 : i32
      %dma_start3A_241 = tpu.memref_slice %arg10[%add3A_80, %dma_start3A_240] : memref<10240x64xf32, #tpu.memory_space<vmem_shared>> -> memref<64x64xf32, #tpu.memory_space<vmem_shared>>
      tpu.enqueue_dma source(%arg9 : memref<64x64xf32, #tpu.memory_space<vmem>>) target(%dma_start3A_241 : memref<64x64xf32, #tpu.memory_space<vmem_shared>>) target_semaphore(%run_scoped3A_237 : memref<!tpu.dma_semaphore, #tpu.memory_space<semaphore_mem>>)
      %dma_wait3A_242 = arith.constant 0 : i32
      %dma_wait3A_243 = tpu.memref_slice %arg10[%add3A_80, %dma_wait3A_242] : memref<10240x64xf32, #tpu.memory_space<vmem_shared>> -> memref<64x64xf32, #tpu.memory_space<vmem_shared>>
      %dma_wait3A_244 = arith.constant 0 : i32
      %dma_wait3A_245 = tpu.memref_slice %arg10[%add3A_80, %dma_wait3A_244] : memref<10240x64xf32, #tpu.memory_space<vmem_shared>> -> memref<64x64xf32, #tpu.memory_space<vmem_shared>>
      tpu.wait_dma2 semaphore(%run_scoped3A_237 : memref<!tpu.dma_semaphore, #tpu.memory_space<semaphore_mem>>) src(%arg9 : memref<64x64xf32, #tpu.memory_space<vmem>>) dst(%dma_wait3A_245 : memref<64x64xf32, #tpu.memory_space<vmem_shared>>)
      tpu.yield
    }) : () -> ()
    %mul3A_81 = arith.constant 640 : i32
    %mul3A_82 = arith.muli %arg1, %mul3A_81 : i32
    %add3A_83 = arith.constant 64 : i32
    %add3A_84 = arith.addi %mul3A_82, %add3A_83 : i32
    "tpu.region"() ({
      %run_scoped3A_237 = tpu.sem_alloc : memref<!tpu.dma_semaphore, #tpu.memory_space<semaphore_mem>>
      %dma_start3A_238 = arith.constant 0 : i32
      %dma_start3A_239 = tpu.memref_slice %arg10[%add3A_84, %dma_start3A_238] : memref<10240x64xf32, #tpu.memory_space<vmem_shared>> -> memref<64x64xf32, #tpu.memory_space<vmem_shared>>
      %dma_start3A_240 = arith.constant 0 : i32
      %dma_start3A_241 = tpu.memref_slice %arg10[%add3A_84, %dma_start3A_240] : memref<10240x64xf32, #tpu.memory_space<vmem_shared>> -> memref<64x64xf32, #tpu.memory_space<vmem_shared>>
      tpu.enqueue_dma source(%arg9 : memref<64x64xf32, #tpu.memory_space<vmem>>) target(%dma_start3A_241 : memref<64x64xf32, #tpu.memory_space<vmem_shared>>) target_semaphore(%run_scoped3A_237 : memref<!tpu.dma_semaphore, #tpu.memory_space<semaphore_mem>>)
      %dma_wait3A_242 = arith.constant 0 : i32
      %dma_wait3A_243 = tpu.memref_slice %arg10[%add3A_84, %dma_wait3A_242] : memref<10240x64xf32, #tpu.memory_space<vmem_shared>> -> memref<64x64xf32, #tpu.memory_space<vmem_shared>>
      %dma_wait3A_244 = arith.constant 0 : i32
      %dma_wait3A_245 = tpu.memref_slice %arg10[%add3A_84, %dma_wait3A_244] : memref<10240x64xf32, #tpu.memory_space<vmem_shared>> -> memref<64x64xf32, #tpu.memory_space<vmem_shared>>
      tpu.wait_dma2 semaphore(%run_scoped3A_237 : memref<!tpu.dma_semaphore, #tpu.memory_space<semaphore_mem>>) src(%arg9 : memref<64x64xf32, #tpu.memory_space<vmem>>) dst(%dma_wait3A_245 : memref<64x64xf32, #tpu.memory_space<vmem_shared>>)
      tpu.yield
    }) : () -> ()
    %mul3A_85 = arith.constant 640 : i32
    %mul3A_86 = arith.muli %arg1, %mul3A_85 : i32
    %add3A_87 = arith.constant 128 : i32
    %add3A_88 = arith.addi %mul3A_86, %add3A_87 : i32
    "tpu.region"() ({
      %run_scoped3A_237 = tpu.sem_alloc : memref<!tpu.dma_semaphore, #tpu.memory_space<semaphore_mem>>
      %dma_start3A_238 = arith.constant 0 : i32
      %dma_start3A_239 = tpu.memref_slice %arg10[%add3A_88, %dma_start3A_238] : memref<10240x64xf32, #tpu.memory_space<vmem_shared>> -> memref<64x64xf32, #tpu.memory_space<vmem_shared>>
      %dma_start3A_240 = arith.constant 0 : i32
      %dma_start3A_241 = tpu.memref_slice %arg10[%add3A_88, %dma_start3A_240] : memref<10240x64xf32, #tpu.memory_space<vmem_shared>> -> memref<64x64xf32, #tpu.memory_space<vmem_shared>>
      tpu.enqueue_dma source(%arg9 : memref<64x64xf32, #tpu.memory_space<vmem>>) target(%dma_start3A_241 : memref<64x64xf32, #tpu.memory_space<vmem_shared>>) target_semaphore(%run_scoped3A_237 : memref<!tpu.dma_semaphore, #tpu.memory_space<semaphore_mem>>)
      %dma_wait3A_242 = arith.constant 0 : i32
      %dma_wait3A_243 = tpu.memref_slice %arg10[%add3A_88, %dma_wait3A_242] : memref<10240x64xf32, #tpu.memory_space<vmem_shared>> -> memref<64x64xf32, #tpu.memory_space<vmem_shared>>
      %dma_wait3A_244 = arith.constant 0 : i32
      %dma_wait3A_245 = tpu.memref_slice %arg10[%add3A_88, %dma_wait3A_244] : memref<10240x64xf32, #tpu.memory_space<vmem_shared>> -> memref<64x64xf32, #tpu.memory_space<vmem_shared>>
      tpu.wait_dma2 semaphore(%run_scoped3A_237 : memref<!tpu.dma_semaphore, #tpu.memory_space<semaphore_mem>>) src(%arg9 : memref<64x64xf32, #tpu.memory_space<vmem>>) dst(%dma_wait3A_245 : memref<64x64xf32, #tpu.memory_space<vmem_shared>>)
      tpu.yield
    }) : () -> ()
    %mul3A_89 = arith.constant 640 : i32
    %mul3A_90 = arith.muli %arg1, %mul3A_89 : i32
    %add3A_91 = arith.constant 192 : i32
    %add3A_92 = arith.addi %mul3A_90, %add3A_91 : i32
    "tpu.region"() ({
      %run_scoped3A_237 = tpu.sem_alloc : memref<!tpu.dma_semaphore, #tpu.memory_space<semaphore_mem>>
      %dma_start3A_238 = arith.constant 0 : i32
      %dma_start3A_239 = tpu.memref_slice %arg10[%add3A_92, %dma_start3A_238] : memref<10240x64xf32, #tpu.memory_space<vmem_shared>> -> memref<64x64xf32, #tpu.memory_space<vmem_shared>>
      %dma_start3A_240 = arith.constant 0 : i32
      %dma_start3A_241 = tpu.memref_slice %arg10[%add3A_92, %dma_start3A_240] : memref<10240x64xf32, #tpu.memory_space<vmem_shared>> -> memref<64x64xf32, #tpu.memory_space<vmem_shared>>
      tpu.enqueue_dma source(%arg9 : memref<64x64xf32, #tpu.memory_space<vmem>>) target(%dma_start3A_241 : memref<64x64xf32, #tpu.memory_space<vmem_shared>>) target_semaphore(%run_scoped3A_237 : memref<!tpu.dma_semaphore, #tpu.memory_space<semaphore_mem>>)
      %dma_wait3A_242 = arith.constant 0 : i32
      %dma_wait3A_243 = tpu.memref_slice %arg10[%add3A_92, %dma_wait3A_242] : memref<10240x64xf32, #tpu.memory_space<vmem_shared>> -> memref<64x64xf32, #tpu.memory_space<vmem_shared>>
      %dma_wait3A_244 = arith.constant 0 : i32
      %dma_wait3A_245 = tpu.memref_slice %arg10[%add3A_92, %dma_wait3A_244] : memref<10240x64xf32, #tpu.memory_space<vmem_shared>> -> memref<64x64xf32, #tpu.memory_space<vmem_shared>>
      tpu.wait_dma2 semaphore(%run_scoped3A_237 : memref<!tpu.dma_semaphore, #tpu.memory_space<semaphore_mem>>) src(%arg9 : memref<64x64xf32, #tpu.memory_space<vmem>>) dst(%dma_wait3A_245 : memref<64x64xf32, #tpu.memory_space<vmem_shared>>)
      tpu.yield
    }) : () -> ()
    %mul3A_93 = arith.constant 640 : i32
    %mul3A_94 = arith.muli %arg1, %mul3A_93 : i32
    %add3A_95 = arith.constant 256 : i32
    %add3A_96 = arith.addi %mul3A_94, %add3A_95 : i32
    "tpu.region"() ({
      %run_scoped3A_237 = tpu.sem_alloc : memref<!tpu.dma_semaphore, #tpu.memory_space<semaphore_mem>>
      %dma_start3A_238 = arith.constant 0 : i32
      %dma_start3A_239 = tpu.memref_slice %arg10[%add3A_96, %dma_start3A_238] : memref<10240x64xf32, #tpu.memory_space<vmem_shared>> -> memref<64x64xf32, #tpu.memory_space<vmem_shared>>
      %dma_start3A_240 = arith.constant 0 : i32
      %dma_start3A_241 = tpu.memref_slice %arg10[%add3A_96, %dma_start3A_240] : memref<10240x64xf32, #tpu.memory_space<vmem_shared>> -> memref<64x64xf32, #tpu.memory_space<vmem_shared>>
      tpu.enqueue_dma source(%arg9 : memref<64x64xf32, #tpu.memory_space<vmem>>) target(%dma_start3A_241 : memref<64x64xf32, #tpu.memory_space<vmem_shared>>) target_semaphore(%run_scoped3A_237 : memref<!tpu.dma_semaphore, #tpu.memory_space<semaphore_mem>>)
      %dma_wait3A_242 = arith.constant 0 : i32
      %dma_wait3A_243 = tpu.memref_slice %arg10[%add3A_96, %dma_wait3A_242] : memref<10240x64xf32, #tpu.memory_space<vmem_shared>> -> memref<64x64xf32, #tpu.memory_space<vmem_shared>>
      %dma_wait3A_244 = arith.constant 0 : i32
      %dma_wait3A_245 = tpu.memref_slice %arg10[%add3A_96, %dma_wait3A_244] : memref<10240x64xf32, #tpu.memory_space<vmem_shared>> -> memref<64x64xf32, #tpu.memory_space<vmem_shared>>
      tpu.wait_dma2 semaphore(%run_scoped3A_237 : memref<!tpu.dma_semaphore, #tpu.memory_space<semaphore_mem>>) src(%arg9 : memref<64x64xf32, #tpu.memory_space<vmem>>) dst(%dma_wait3A_245 : memref<64x64xf32, #tpu.memory_space<vmem_shared>>)
      tpu.yield
    }) : () -> ()
    %mul3A_97 = arith.constant 640 : i32
    %mul3A_98 = arith.muli %arg1, %mul3A_97 : i32
    %add3A_99 = arith.constant 320 : i32
    %add3A_100 = arith.addi %mul3A_98, %add3A_99 : i32
    "tpu.region"() ({
      %run_scoped3A_237 = tpu.sem_alloc : memref<!tpu.dma_semaphore, #tpu.memory_space<semaphore_mem>>
      %dma_start3A_238 = arith.constant 0 : i32
      %dma_start3A_239 = tpu.memref_slice %arg10[%add3A_100, %dma_start3A_238] : memref<10240x64xf32, #tpu.memory_space<vmem_shared>> -> memref<64x64xf32, #tpu.memory_space<vmem_shared>>
      %dma_start3A_240 = arith.constant 0 : i32
      %dma_start3A_241 = tpu.memref_slice %arg10[%add3A_100, %dma_start3A_240] : memref<10240x64xf32, #tpu.memory_space<vmem_shared>> -> memref<64x64xf32, #tpu.memory_space<vmem_shared>>
      tpu.enqueue_dma source(%arg9 : memref<64x64xf32, #tpu.memory_space<vmem>>) target(%dma_start3A_241 : memref<64x64xf32, #tpu.memory_space<vmem_shared>>) target_semaphore(%run_scoped3A_237 : memref<!tpu.dma_semaphore, #tpu.memory_space<semaphore_mem>>)
      %dma_wait3A_242 = arith.constant 0 : i32
      %dma_wait3A_243 = tpu.memref_slice %arg10[%add3A_100, %dma_wait3A_242] : memref<10240x64xf32, #tpu.memory_space<vmem_shared>> -> memref<64x64xf32, #tpu.memory_space<vmem_shared>>
      %dma_wait3A_244 = arith.constant 0 : i32
      %dma_wait3A_245 = tpu.memref_slice %arg10[%add3A_100, %dma_wait3A_244] : memref<10240x64xf32, #tpu.memory_space<vmem_shared>> -> memref<64x64xf32, #tpu.memory_space<vmem_shared>>
      tpu.wait_dma2 semaphore(%run_scoped3A_237 : memref<!tpu.dma_semaphore, #tpu.memory_space<semaphore_mem>>) src(%arg9 : memref<64x64xf32, #tpu.memory_space<vmem>>) dst(%dma_wait3A_245 : memref<64x64xf32, #tpu.memory_space<vmem_shared>>)
      tpu.yield
    }) : () -> ()
    %mul3A_101 = arith.constant 640 : i32
    %mul3A_102 = arith.muli %arg1, %mul3A_101 : i32
    %add3A_103 = arith.constant 384 : i32
    %add3A_104 = arith.addi %mul3A_102, %add3A_103 : i32
    "tpu.region"() ({
      %run_scoped3A_237 = tpu.sem_alloc : memref<!tpu.dma_semaphore, #tpu.memory_space<semaphore_mem>>
      %dma_start3A_238 = arith.constant 0 : i32
      %dma_start3A_239 = tpu.memref_slice %arg10[%add3A_104, %dma_start3A_238] : memref<10240x64xf32, #tpu.memory_space<vmem_shared>> -> memref<64x64xf32, #tpu.memory_space<vmem_shared>>
      %dma_start3A_240 = arith.constant 0 : i32
      %dma_start3A_241 = tpu.memref_slice %arg10[%add3A_104, %dma_start3A_240] : memref<10240x64xf32, #tpu.memory_space<vmem_shared>> -> memref<64x64xf32, #tpu.memory_space<vmem_shared>>
      tpu.enqueue_dma source(%arg9 : memref<64x64xf32, #tpu.memory_space<vmem>>) target(%dma_start3A_241 : memref<64x64xf32, #tpu.memory_space<vmem_shared>>) target_semaphore(%run_scoped3A_237 : memref<!tpu.dma_semaphore, #tpu.memory_space<semaphore_mem>>)
      %dma_wait3A_242 = arith.constant 0 : i32
      %dma_wait3A_243 = tpu.memref_slice %arg10[%add3A_104, %dma_wait3A_242] : memref<10240x64xf32, #tpu.memory_space<vmem_shared>> -> memref<64x64xf32, #tpu.memory_space<vmem_shared>>
      %dma_wait3A_244 = arith.constant 0 : i32
      %dma_wait3A_245 = tpu.memref_slice %arg10[%add3A_104, %dma_wait3A_244] : memref<10240x64xf32, #tpu.memory_space<vmem_shared>> -> memref<64x64xf32, #tpu.memory_space<vmem_shared>>
      tpu.wait_dma2 semaphore(%run_scoped3A_237 : memref<!tpu.dma_semaphore, #tpu.memory_space<semaphore_mem>>) src(%arg9 : memref<64x64xf32, #tpu.memory_space<vmem>>) dst(%dma_wait3A_245 : memref<64x64xf32, #tpu.memory_space<vmem_shared>>)
      tpu.yield
    }) : () -> ()
    %mul3A_105 = arith.constant 640 : i32
    %mul3A_106 = arith.muli %arg1, %mul3A_105 : i32
    %add3A_107 = arith.constant 448 : i32
    %add3A_108 = arith.addi %mul3A_106, %add3A_107 : i32
    "tpu.region"() ({
      %run_scoped3A_237 = tpu.sem_alloc : memref<!tpu.dma_semaphore, #tpu.memory_space<semaphore_mem>>
      %dma_start3A_238 = arith.constant 0 : i32
      %dma_start3A_239 = tpu.memref_slice %arg10[%add3A_108, %dma_start3A_238] : memref<10240x64xf32, #tpu.memory_space<vmem_shared>> -> memref<64x64xf32, #tpu.memory_space<vmem_shared>>
      %dma_start3A_240 = arith.constant 0 : i32
      %dma_start3A_241 = tpu.memref_slice %arg10[%add3A_108, %dma_start3A_240] : memref<10240x64xf32, #tpu.memory_space<vmem_shared>> -> memref<64x64xf32, #tpu.memory_space<vmem_shared>>
      tpu.enqueue_dma source(%arg9 : memref<64x64xf32, #tpu.memory_space<vmem>>) target(%dma_start3A_241 : memref<64x64xf32, #tpu.memory_space<vmem_shared>>) target_semaphore(%run_scoped3A_237 : memref<!tpu.dma_semaphore, #tpu.memory_space<semaphore_mem>>)
      %dma_wait3A_242 = arith.constant 0 : i32
      %dma_wait3A_243 = tpu.memref_slice %arg10[%add3A_108, %dma_wait3A_242] : memref<10240x64xf32, #tpu.memory_space<vmem_shared>> -> memref<64x64xf32, #tpu.memory_space<vmem_shared>>
      %dma_wait3A_244 = arith.constant 0 : i32
      %dma_wait3A_245 = tpu.memref_slice %arg10[%add3A_108, %dma_wait3A_244] : memref<10240x64xf32, #tpu.memory_space<vmem_shared>> -> memref<64x64xf32, #tpu.memory_space<vmem_shared>>
      tpu.wait_dma2 semaphore(%run_scoped3A_237 : memref<!tpu.dma_semaphore, #tpu.memory_space<semaphore_mem>>) src(%arg9 : memref<64x64xf32, #tpu.memory_space<vmem>>) dst(%dma_wait3A_245 : memref<64x64xf32, #tpu.memory_space<vmem_shared>>)
      tpu.yield
    }) : () -> ()
    %mul3A_109 = arith.constant 640 : i32
    %mul3A_110 = arith.muli %arg1, %mul3A_109 : i32
    %add3A_111 = arith.constant 512 : i32
    %add3A_112 = arith.addi %mul3A_110, %add3A_111 : i32
    "tpu.region"() ({
      %run_scoped3A_237 = tpu.sem_alloc : memref<!tpu.dma_semaphore, #tpu.memory_space<semaphore_mem>>
      %dma_start3A_238 = arith.constant 0 : i32
      %dma_start3A_239 = tpu.memref_slice %arg10[%add3A_112, %dma_start3A_238] : memref<10240x64xf32, #tpu.memory_space<vmem_shared>> -> memref<64x64xf32, #tpu.memory_space<vmem_shared>>
      %dma_start3A_240 = arith.constant 0 : i32
      %dma_start3A_241 = tpu.memref_slice %arg10[%add3A_112, %dma_start3A_240] : memref<10240x64xf32, #tpu.memory_space<vmem_shared>> -> memref<64x64xf32, #tpu.memory_space<vmem_shared>>
      tpu.enqueue_dma source(%arg9 : memref<64x64xf32, #tpu.memory_space<vmem>>) target(%dma_start3A_241 : memref<64x64xf32, #tpu.memory_space<vmem_shared>>) target_semaphore(%run_scoped3A_237 : memref<!tpu.dma_semaphore, #tpu.memory_space<semaphore_mem>>)
      %dma_wait3A_242 = arith.constant 0 : i32
      %dma_wait3A_243 = tpu.memref_slice %arg10[%add3A_112, %dma_wait3A_242] : memref<10240x64xf32, #tpu.memory_space<vmem_shared>> -> memref<64x64xf32, #tpu.memory_space<vmem_shared>>
      %dma_wait3A_244 = arith.constant 0 : i32
      %dma_wait3A_245 = tpu.memref_slice %arg10[%add3A_112, %dma_wait3A_244] : memref<10240x64xf32, #tpu.memory_space<vmem_shared>> -> memref<64x64xf32, #tpu.memory_space<vmem_shared>>
      tpu.wait_dma2 semaphore(%run_scoped3A_237 : memref<!tpu.dma_semaphore, #tpu.memory_space<semaphore_mem>>) src(%arg9 : memref<64x64xf32, #tpu.memory_space<vmem>>) dst(%dma_wait3A_245 : memref<64x64xf32, #tpu.memory_space<vmem_shared>>)
      tpu.yield
    }) : () -> ()
    %mul3A_113 = arith.constant 640 : i32
    %mul3A_114 = arith.muli %arg1, %mul3A_113 : i32
    %add3A_115 = arith.constant 576 : i32
    %add3A_116 = arith.addi %mul3A_114, %add3A_115 : i32
    "tpu.region"() ({
      %run_scoped3A_237 = tpu.sem_alloc : memref<!tpu.dma_semaphore, #tpu.memory_space<semaphore_mem>>
      %dma_start3A_238 = arith.constant 0 : i32
      %dma_start3A_239 = tpu.memref_slice %arg10[%add3A_116, %dma_start3A_238] : memref<10240x64xf32, #tpu.memory_space<vmem_shared>> -> memref<64x64xf32, #tpu.memory_space<vmem_shared>>
      %dma_start3A_240 = arith.constant 0 : i32
      %dma_start3A_241 = tpu.memref_slice %arg10[%add3A_116, %dma_start3A_240] : memref<10240x64xf32, #tpu.memory_space<vmem_shared>> -> memref<64x64xf32, #tpu.memory_space<vmem_shared>>
      tpu.enqueue_dma source(%arg9 : memref<64x64xf32, #tpu.memory_space<vmem>>) target(%dma_start3A_241 : memref<64x64xf32, #tpu.memory_space<vmem_shared>>) target_semaphore(%run_scoped3A_237 : memref<!tpu.dma_semaphore, #tpu.memory_space<semaphore_mem>>)
      %dma_wait3A_242 = arith.constant 0 : i32
      %dma_wait3A_243 = tpu.memref_slice %arg10[%add3A_116, %dma_wait3A_242] : memref<10240x64xf32, #tpu.memory_space<vmem_shared>> -> memref<64x64xf32, #tpu.memory_space<vmem_shared>>
      %dma_wait3A_244 = arith.constant 0 : i32
      %dma_wait3A_245 = tpu.memref_slice %arg10[%add3A_116, %dma_wait3A_244] : memref<10240x64xf32, #tpu.memory_space<vmem_shared>> -> memref<64x64xf32, #tpu.memory_space<vmem_shared>>
      tpu.wait_dma2 semaphore(%run_scoped3A_237 : memref<!tpu.dma_semaphore, #tpu.memory_space<semaphore_mem>>) src(%arg9 : memref<64x64xf32, #tpu.memory_space<vmem>>) dst(%dma_wait3A_245 : memref<64x64xf32, #tpu.memory_space<vmem_shared>>)
      tpu.yield
    }) : () -> ()
    %barrier3A = arith.constant 0 : index
    tpu.barrier barrier_id(%barrier3A)
    %scan3A_117 = arith.constant 0 : i32
    %scan3A_118 = arith.constant 39 : i32
    %scan3A_119 = arith.addi %scan3A_117, %scan3A_118 : i32
    %scan3A_120 = arith.constant 1 : i32
    scf.for %scan3A_237 = %scan3A_117 to %scan3A_119 step %scan3A_120  : i32 {
      %mul3A_238 = arith.constant 4 : i32
      %mul3A_239 = arith.muli %scan3A_237, %mul3A_238 : i32
      %add3A_240 = arith.constant 0 : i32
      %add3A_241 = arith.addi %add3A_240, %mul3A_239 : i32
      %add3A_242 = arith.constant 0 : i32
      %add3A_243 = arith.addi %add3A_241, %add3A_242 : i32
      %dma_wait3A_244 = arith.constant 0 : i32
      %dma_wait3A_245 = arith.constant 0 : i32
      %dma_wait3A_246 = arith.constant 0 : i32
      %dma_wait3A_247 = arith.constant 0 : i32
      %dma_wait3A_248 = tpu.memref_slice %arg8[%dma_wait3A_244, %dma_wait3A_246, %dma_wait3A_247] : memref<4x128x64xf32, #tpu.memory_space<vmem>> -> memref<1x128x64xf32, #tpu.memory_space<vmem>>
      %dma_wait3A_249 = tpu.memref_squeeze %dma_wait3A_248 : memref<1x128x64xf32, #tpu.memory_space<vmem>> -> memref<128x64xf32, #tpu.memory_space<vmem>>
      %dma_wait3A_250 = arith.constant 0 : i32
      %dma_wait3A_251 = tpu.memref_slice %arg6[%add3A_243, %dma_wait3A_250] : memref<160x128xi32, #tpu.memory_space<vmem>> -> memref<1x128xi32, #tpu.memory_space<vmem>>
      %dma_wait3A_252 = tpu.memref_squeeze %dma_wait3A_251 : memref<1x128xi32, #tpu.memory_space<vmem>> -> memref<128xi32, #tpu.memory_space<vmem>>
      %dma_wait3A_253 = arith.constant 0 : i32
      %dma_wait3A_254 = arith.constant 0 : i32
      %dma_wait3A_255 = tpu.memref_slice %arg2[%arg0, %dma_wait3A_253, %dma_wait3A_254] : memref<2x10240x64xf32, #tpu.memory_space<hbm>> -> memref<1x10240x64xf32, #tpu.memory_space<hbm>>
      %dma_wait3A_256 = tpu.memref_squeeze %dma_wait3A_255 : memref<1x10240x64xf32, #tpu.memory_space<hbm>> -> memref<10240x64xf32, #tpu.memory_space<hbm>>
      %dma_wait3A_257 = arith.constant 0 : i32
      %dma_wait3A_258 = arith.constant 0 : i32
      %dma_wait3A_259 = tpu.memref_slice %dma_wait3A_256[%dma_wait3A_257, %dma_wait3A_258] : memref<10240x64xf32, #tpu.memory_space<hbm>> -> memref<10240x64xf32, #tpu.memory_space<hbm>>
      %dma_wait3A_260 = tpu.memref_slice %arg11[%dma_wait3A_245] : memref<4x!tpu.dma_semaphore, #tpu.memory_space<semaphore_mem>> -> memref<1x!tpu.dma_semaphore, #tpu.memory_space<semaphore_mem>>
      %dma_wait3A_261 = tpu.memref_squeeze %dma_wait3A_260 : memref<1x!tpu.dma_semaphore, #tpu.memory_space<semaphore_mem>> -> memref<!tpu.dma_semaphore, #tpu.memory_space<semaphore_mem>>
      tpu.wait_indirect_dma semaphore(%dma_wait3A_261 : memref<!tpu.dma_semaphore, #tpu.memory_space<semaphore_mem>>) src(%dma_wait3A_259 : memref<10240x64xf32, #tpu.memory_space<hbm>>) dst(%dma_wait3A_249 : memref<128x64xf32, #tpu.memory_space<vmem>>)
      %run_scoped3A_262 = arith.constant 0 : i32
      "tpu.region"() ({
        %run_scoped3A_406 = tpu.sem_alloc : memref<!tpu.dma_semaphore, #tpu.memory_space<semaphore_mem>>
        %dma_start3A_407 = arith.constant 0 : i32
        %dma_start3A_408 = arith.constant 0 : i32
        %dma_start3A_409 = tpu.memref_slice %arg8[%run_scoped3A_262, %dma_start3A_407, %dma_start3A_408] : memref<4x128x64xf32, #tpu.memory_space<vmem>> -> memref<1x128x64xf32, #tpu.memory_space<vmem>>
        %dma_start3A_410 = tpu.memref_squeeze %dma_start3A_409 : memref<1x128x64xf32, #tpu.memory_space<vmem>> -> memref<128x64xf32, #tpu.memory_space<vmem>>
        %dma_start3A_411 = arith.constant 0 : i32
        %dma_start3A_412 = tpu.memref_slice %arg7[%add3A_243, %dma_start3A_411] : memref<160x128xi32, #tpu.memory_space<vmem>> -> memref<1x128xi32, #tpu.memory_space<vmem>>
        %dma_start3A_413 = tpu.memref_squeeze %dma_start3A_412 : memref<1x128xi32, #tpu.memory_space<vmem>> -> memref<128xi32, #tpu.memory_space<vmem>>
        %dma_start3A_414 = arith.constant 0 : i32
        %dma_start3A_415 = arith.constant 0 : i32
        %dma_start3A_416 = tpu.memref_slice %arg10[%dma_start3A_414, %dma_start3A_415] : memref<10240x64xf32, #tpu.memory_space<vmem_shared>> -> memref<10240x64xf32, #tpu.memory_space<vmem_shared>>
        tpu.enqueue_indirect_dma source(%dma_start3A_410 : memref<128x64xf32, #tpu.memory_space<vmem>>) target(%dma_start3A_416 : memref<10240x64xf32, #tpu.memory_space<vmem_shared>>) offsets(%dma_start3A_413 : memref<128xi32, #tpu.memory_space<vmem>>) semaphore(%run_scoped3A_406 : memref<!tpu.dma_semaphore, #tpu.memory_space<semaphore_mem>>) {add = true}
        %dma_wait3A_417 = arith.constant 0 : i32
        %dma_wait3A_418 = arith.constant 0 : i32
        %dma_wait3A_419 = tpu.memref_slice %arg8[%run_scoped3A_262, %dma_wait3A_417, %dma_wait3A_418] : memref<4x128x64xf32, #tpu.memory_space<vmem>> -> memref<1x128x64xf32, #tpu.memory_space<vmem>>
        %dma_wait3A_420 = tpu.memref_squeeze %dma_wait3A_419 : memref<1x128x64xf32, #tpu.memory_space<vmem>> -> memref<128x64xf32, #tpu.memory_space<vmem>>
        %dma_wait3A_421 = arith.constant 0 : i32
        %dma_wait3A_422 = tpu.memref_slice %arg7[%add3A_243, %dma_wait3A_421] : memref<160x128xi32, #tpu.memory_space<vmem>> -> memref<1x128xi32, #tpu.memory_space<vmem>>
        %dma_wait3A_423 = tpu.memref_squeeze %dma_wait3A_422 : memref<1x128xi32, #tpu.memory_space<vmem>> -> memref<128xi32, #tpu.memory_space<vmem>>
        %dma_wait3A_424 = arith.constant 0 : i32
        %dma_wait3A_425 = arith.constant 0 : i32
        %dma_wait3A_426 = tpu.memref_slice %arg10[%dma_wait3A_424, %dma_wait3A_425] : memref<10240x64xf32, #tpu.memory_space<vmem_shared>> -> memref<10240x64xf32, #tpu.memory_space<vmem_shared>>
        tpu.wait_indirect_dma semaphore(%run_scoped3A_406 : memref<!tpu.dma_semaphore, #tpu.memory_space<semaphore_mem>>) src(%dma_wait3A_420 : memref<128x64xf32, #tpu.memory_space<vmem>>) dst(%dma_wait3A_426 : memref<10240x64xf32, #tpu.memory_space<vmem_shared>>)
        tpu.yield
      }) : () -> ()
      %add3A_263 = arith.constant 4 : i32
      %add3A_264 = arith.addi %add3A_243, %add3A_263 : i32
      %dma_start3A_265 = arith.constant 0 : i32
      %dma_start3A_266 = arith.constant 0 : i32
      %dma_start3A_267 = arith.constant 0 : i32
      %dma_start3A_268 = arith.constant 0 : i32
      %dma_start3A_269 = tpu.memref_slice %arg8[%dma_start3A_265, %dma_start3A_267, %dma_start3A_268] : memref<4x128x64xf32, #tpu.memory_space<vmem>> -> memref<1x128x64xf32, #tpu.memory_space<vmem>>
      %dma_start3A_270 = tpu.memref_squeeze %dma_start3A_269 : memref<1x128x64xf32, #tpu.memory_space<vmem>> -> memref<128x64xf32, #tpu.memory_space<vmem>>
      %dma_start3A_271 = arith.constant 0 : i32
      %dma_start3A_272 = tpu.memref_slice %arg6[%add3A_264, %dma_start3A_271] : memref<160x128xi32, #tpu.memory_space<vmem>> -> memref<1x128xi32, #tpu.memory_space<vmem>>
      %dma_start3A_273 = tpu.memref_squeeze %dma_start3A_272 : memref<1x128xi32, #tpu.memory_space<vmem>> -> memref<128xi32, #tpu.memory_space<vmem>>
      %dma_start3A_274 = arith.constant 0 : i32
      %dma_start3A_275 = arith.constant 0 : i32
      %dma_start3A_276 = tpu.memref_slice %arg2[%arg0, %dma_start3A_274, %dma_start3A_275] : memref<2x10240x64xf32, #tpu.memory_space<hbm>> -> memref<1x10240x64xf32, #tpu.memory_space<hbm>>
      %dma_start3A_277 = tpu.memref_squeeze %dma_start3A_276 : memref<1x10240x64xf32, #tpu.memory_space<hbm>> -> memref<10240x64xf32, #tpu.memory_space<hbm>>
      %dma_start3A_278 = arith.constant 0 : i32
      %dma_start3A_279 = arith.constant 0 : i32
      %dma_start3A_280 = tpu.memref_slice %dma_start3A_277[%dma_start3A_278, %dma_start3A_279] : memref<10240x64xf32, #tpu.memory_space<hbm>> -> memref<10240x64xf32, #tpu.memory_space<hbm>>
      %dma_start3A_281 = tpu.memref_slice %arg11[%dma_start3A_266] : memref<4x!tpu.dma_semaphore, #tpu.memory_space<semaphore_mem>> -> memref<1x!tpu.dma_semaphore, #tpu.memory_space<semaphore_mem>>
      %dma_start3A_282 = tpu.memref_squeeze %dma_start3A_281 : memref<1x!tpu.dma_semaphore, #tpu.memory_space<semaphore_mem>> -> memref<!tpu.dma_semaphore, #tpu.memory_space<semaphore_mem>>
      tpu.enqueue_indirect_dma source(%dma_start3A_280 : memref<10240x64xf32, #tpu.memory_space<hbm>>) target(%dma_start3A_270 : memref<128x64xf32, #tpu.memory_space<vmem>>) offsets(%dma_start3A_273 : memref<128xi32, #tpu.memory_space<vmem>>) semaphore(%dma_start3A_282 : memref<!tpu.dma_semaphore, #tpu.memory_space<semaphore_mem>>)
      %add3A_283 = arith.constant 1 : i32
      %add3A_284 = arith.addi %add3A_241, %add3A_283 : i32
      %dma_wait3A_285 = arith.constant 1 : i32
      %dma_wait3A_286 = arith.constant 1 : i32
      %dma_wait3A_287 = arith.constant 0 : i32
      %dma_wait3A_288 = arith.constant 0 : i32
      %dma_wait3A_289 = tpu.memref_slice %arg8[%dma_wait3A_285, %dma_wait3A_287, %dma_wait3A_288] : memref<4x128x64xf32, #tpu.memory_space<vmem>> -> memref<1x128x64xf32, #tpu.memory_space<vmem>>
      %dma_wait3A_290 = tpu.memref_squeeze %dma_wait3A_289 : memref<1x128x64xf32, #tpu.memory_space<vmem>> -> memref<128x64xf32, #tpu.memory_space<vmem>>
      %dma_wait3A_291 = arith.constant 0 : i32
      %dma_wait3A_292 = tpu.memref_slice %arg6[%add3A_284, %dma_wait3A_291] : memref<160x128xi32, #tpu.memory_space<vmem>> -> memref<1x128xi32, #tpu.memory_space<vmem>>
      %dma_wait3A_293 = tpu.memref_squeeze %dma_wait3A_292 : memref<1x128xi32, #tpu.memory_space<vmem>> -> memref<128xi32, #tpu.memory_space<vmem>>
      %dma_wait3A_294 = arith.constant 0 : i32
      %dma_wait3A_295 = arith.constant 0 : i32
      %dma_wait3A_296 = tpu.memref_slice %arg2[%arg0, %dma_wait3A_294, %dma_wait3A_295] : memref<2x10240x64xf32, #tpu.memory_space<hbm>> -> memref<1x10240x64xf32, #tpu.memory_space<hbm>>
      %dma_wait3A_297 = tpu.memref_squeeze %dma_wait3A_296 : memref<1x10240x64xf32, #tpu.memory_space<hbm>> -> memref<10240x64xf32, #tpu.memory_space<hbm>>
      %dma_wait3A_298 = arith.constant 0 : i32
      %dma_wait3A_299 = arith.constant 0 : i32
      %dma_wait3A_300 = tpu.memref_slice %dma_wait3A_297[%dma_wait3A_298, %dma_wait3A_299] : memref<10240x64xf32, #tpu.memory_space<hbm>> -> memref<10240x64xf32, #tpu.memory_space<hbm>>
      %dma_wait3A_301 = tpu.memref_slice %arg11[%dma_wait3A_286] : memref<4x!tpu.dma_semaphore, #tpu.memory_space<semaphore_mem>> -> memref<1x!tpu.dma_semaphore, #tpu.memory_space<semaphore_mem>>
      %dma_wait3A_302 = tpu.memref_squeeze %dma_wait3A_301 : memref<1x!tpu.dma_semaphore, #tpu.memory_space<semaphore_mem>> -> memref<!tpu.dma_semaphore, #tpu.memory_space<semaphore_mem>>
      tpu.wait_indirect_dma semaphore(%dma_wait3A_302 : memref<!tpu.dma_semaphore, #tpu.memory_space<semaphore_mem>>) src(%dma_wait3A_300 : memref<10240x64xf32, #tpu.memory_space<hbm>>) dst(%dma_wait3A_290 : memref<128x64xf32, #tpu.memory_space<vmem>>)
      %run_scoped3A_303 = arith.constant 1 : i32
      "tpu.region"() ({
        %run_scoped3A_406 = tpu.sem_alloc : memref<!tpu.dma_semaphore, #tpu.memory_space<semaphore_mem>>
        %dma_start3A_407 = arith.constant 0 : i32
        %dma_start3A_408 = arith.constant 0 : i32
        %dma_start3A_409 = tpu.memref_slice %arg8[%run_scoped3A_303, %dma_start3A_407, %dma_start3A_408] : memref<4x128x64xf32, #tpu.memory_space<vmem>> -> memref<1x128x64xf32, #tpu.memory_space<vmem>>
        %dma_start3A_410 = tpu.memref_squeeze %dma_start3A_409 : memref<1x128x64xf32, #tpu.memory_space<vmem>> -> memref<128x64xf32, #tpu.memory_space<vmem>>
        %dma_start3A_411 = arith.constant 0 : i32
        %dma_start3A_412 = tpu.memref_slice %arg7[%add3A_284, %dma_start3A_411] : memref<160x128xi32, #tpu.memory_space<vmem>> -> memref<1x128xi32, #tpu.memory_space<vmem>>
        %dma_start3A_413 = tpu.memref_squeeze %dma_start3A_412 : memref<1x128xi32, #tpu.memory_space<vmem>> -> memref<128xi32, #tpu.memory_space<vmem>>
        %dma_start3A_414 = arith.constant 0 : i32
        %dma_start3A_415 = arith.constant 0 : i32
        %dma_start3A_416 = tpu.memref_slice %arg10[%dma_start3A_414, %dma_start3A_415] : memref<10240x64xf32, #tpu.memory_space<vmem_shared>> -> memref<10240x64xf32, #tpu.memory_space<vmem_shared>>
        tpu.enqueue_indirect_dma source(%dma_start3A_410 : memref<128x64xf32, #tpu.memory_space<vmem>>) target(%dma_start3A_416 : memref<10240x64xf32, #tpu.memory_space<vmem_shared>>) offsets(%dma_start3A_413 : memref<128xi32, #tpu.memory_space<vmem>>) semaphore(%run_scoped3A_406 : memref<!tpu.dma_semaphore, #tpu.memory_space<semaphore_mem>>) {add = true}
        %dma_wait3A_417 = arith.constant 0 : i32
        %dma_wait3A_418 = arith.constant 0 : i32
        %dma_wait3A_419 = tpu.memref_slice %arg8[%run_scoped3A_303, %dma_wait3A_417, %dma_wait3A_418] : memref<4x128x64xf32, #tpu.memory_space<vmem>> -> memref<1x128x64xf32, #tpu.memory_space<vmem>>
        %dma_wait3A_420 = tpu.memref_squeeze %dma_wait3A_419 : memref<1x128x64xf32, #tpu.memory_space<vmem>> -> memref<128x64xf32, #tpu.memory_space<vmem>>
        %dma_wait3A_421 = arith.constant 0 : i32
        %dma_wait3A_422 = tpu.memref_slice %arg7[%add3A_284, %dma_wait3A_421] : memref<160x128xi32, #tpu.memory_space<vmem>> -> memref<1x128xi32, #tpu.memory_space<vmem>>
        %dma_wait3A_423 = tpu.memref_squeeze %dma_wait3A_422 : memref<1x128xi32, #tpu.memory_space<vmem>> -> memref<128xi32, #tpu.memory_space<vmem>>
        %dma_wait3A_424 = arith.constant 0 : i32
        %dma_wait3A_425 = arith.constant 0 : i32
        %dma_wait3A_426 = tpu.memref_slice %arg10[%dma_wait3A_424, %dma_wait3A_425] : memref<10240x64xf32, #tpu.memory_space<vmem_shared>> -> memref<10240x64xf32, #tpu.memory_space<vmem_shared>>
        tpu.wait_indirect_dma semaphore(%run_scoped3A_406 : memref<!tpu.dma_semaphore, #tpu.memory_space<semaphore_mem>>) src(%dma_wait3A_420 : memref<128x64xf32, #tpu.memory_space<vmem>>) dst(%dma_wait3A_426 : memref<10240x64xf32, #tpu.memory_space<vmem_shared>>)
        tpu.yield
      }) : () -> ()
      %add3A_304 = arith.constant 4 : i32
      %add3A_305 = arith.addi %add3A_284, %add3A_304 : i32
      %dma_start3A_306 = arith.constant 1 : i32
      %dma_start3A_307 = arith.constant 1 : i32
      %dma_start3A_308 = arith.constant 0 : i32
      %dma_start3A_309 = arith.constant 0 : i32
      %dma_start3A_310 = tpu.memref_slice %arg8[%dma_start3A_306, %dma_start3A_308, %dma_start3A_309] : memref<4x128x64xf32, #tpu.memory_space<vmem>> -> memref<1x128x64xf32, #tpu.memory_space<vmem>>
      %dma_start3A_311 = tpu.memref_squeeze %dma_start3A_310 : memref<1x128x64xf32, #tpu.memory_space<vmem>> -> memref<128x64xf32, #tpu.memory_space<vmem>>
      %dma_start3A_312 = arith.constant 0 : i32
      %dma_start3A_313 = tpu.memref_slice %arg6[%add3A_305, %dma_start3A_312] : memref<160x128xi32, #tpu.memory_space<vmem>> -> memref<1x128xi32, #tpu.memory_space<vmem>>
      %dma_start3A_314 = tpu.memref_squeeze %dma_start3A_313 : memref<1x128xi32, #tpu.memory_space<vmem>> -> memref<128xi32, #tpu.memory_space<vmem>>
      %dma_start3A_315 = arith.constant 0 : i32
      %dma_start3A_316 = arith.constant 0 : i32
      %dma_start3A_317 = tpu.memref_slice %arg2[%arg0, %dma_start3A_315, %dma_start3A_316] : memref<2x10240x64xf32, #tpu.memory_space<hbm>> -> memref<1x10240x64xf32, #tpu.memory_space<hbm>>
      %dma_start3A_318 = tpu.memref_squeeze %dma_start3A_317 : memref<1x10240x64xf32, #tpu.memory_space<hbm>> -> memref<10240x64xf32, #tpu.memory_space<hbm>>
      %dma_start3A_319 = arith.constant 0 : i32
      %dma_start3A_320 = arith.constant 0 : i32
      %dma_start3A_321 = tpu.memref_slice %dma_start3A_318[%dma_start3A_319, %dma_start3A_320] : memref<10240x64xf32, #tpu.memory_space<hbm>> -> memref<10240x64xf32, #tpu.memory_space<hbm>>
      %dma_start3A_322 = tpu.memref_slice %arg11[%dma_start3A_307] : memref<4x!tpu.dma_semaphore, #tpu.memory_space<semaphore_mem>> -> memref<1x!tpu.dma_semaphore, #tpu.memory_space<semaphore_mem>>
      %dma_start3A_323 = tpu.memref_squeeze %dma_start3A_322 : memref<1x!tpu.dma_semaphore, #tpu.memory_space<semaphore_mem>> -> memref<!tpu.dma_semaphore, #tpu.memory_space<semaphore_mem>>
      tpu.enqueue_indirect_dma source(%dma_start3A_321 : memref<10240x64xf32, #tpu.memory_space<hbm>>) target(%dma_start3A_311 : memref<128x64xf32, #tpu.memory_space<vmem>>) offsets(%dma_start3A_314 : memref<128xi32, #tpu.memory_space<vmem>>) semaphore(%dma_start3A_323 : memref<!tpu.dma_semaphore, #tpu.memory_space<semaphore_mem>>)
      %add3A_324 = arith.constant 2 : i32
      %add3A_325 = arith.addi %add3A_241, %add3A_324 : i32
      %dma_wait3A_326 = arith.constant 2 : i32
      %dma_wait3A_327 = arith.constant 2 : i32
      %dma_wait3A_328 = arith.constant 0 : i32
      %dma_wait3A_329 = arith.constant 0 : i32
      %dma_wait3A_330 = tpu.memref_slice %arg8[%dma_wait3A_326, %dma_wait3A_328, %dma_wait3A_329] : memref<4x128x64xf32, #tpu.memory_space<vmem>> -> memref<1x128x64xf32, #tpu.memory_space<vmem>>
      %dma_wait3A_331 = tpu.memref_squeeze %dma_wait3A_330 : memref<1x128x64xf32, #tpu.memory_space<vmem>> -> memref<128x64xf32, #tpu.memory_space<vmem>>
      %dma_wait3A_332 = arith.constant 0 : i32
      %dma_wait3A_333 = tpu.memref_slice %arg6[%add3A_325, %dma_wait3A_332] : memref<160x128xi32, #tpu.memory_space<vmem>> -> memref<1x128xi32, #tpu.memory_space<vmem>>
      %dma_wait3A_334 = tpu.memref_squeeze %dma_wait3A_333 : memref<1x128xi32, #tpu.memory_space<vmem>> -> memref<128xi32, #tpu.memory_space<vmem>>
      %dma_wait3A_335 = arith.constant 0 : i32
      %dma_wait3A_336 = arith.constant 0 : i32
      %dma_wait3A_337 = tpu.memref_slice %arg2[%arg0, %dma_wait3A_335, %dma_wait3A_336] : memref<2x10240x64xf32, #tpu.memory_space<hbm>> -> memref<1x10240x64xf32, #tpu.memory_space<hbm>>
      %dma_wait3A_338 = tpu.memref_squeeze %dma_wait3A_337 : memref<1x10240x64xf32, #tpu.memory_space<hbm>> -> memref<10240x64xf32, #tpu.memory_space<hbm>>
      %dma_wait3A_339 = arith.constant 0 : i32
      %dma_wait3A_340 = arith.constant 0 : i32
      %dma_wait3A_341 = tpu.memref_slice %dma_wait3A_338[%dma_wait3A_339, %dma_wait3A_340] : memref<10240x64xf32, #tpu.memory_space<hbm>> -> memref<10240x64xf32, #tpu.memory_space<hbm>>
      %dma_wait3A_342 = tpu.memref_slice %arg11[%dma_wait3A_327] : memref<4x!tpu.dma_semaphore, #tpu.memory_space<semaphore_mem>> -> memref<1x!tpu.dma_semaphore, #tpu.memory_space<semaphore_mem>>
      %dma_wait3A_343 = tpu.memref_squeeze %dma_wait3A_342 : memref<1x!tpu.dma_semaphore, #tpu.memory_space<semaphore_mem>> -> memref<!tpu.dma_semaphore, #tpu.memory_space<semaphore_mem>>
      tpu.wait_indirect_dma semaphore(%dma_wait3A_343 : memref<!tpu.dma_semaphore, #tpu.memory_space<semaphore_mem>>) src(%dma_wait3A_341 : memref<10240x64xf32, #tpu.memory_space<hbm>>) dst(%dma_wait3A_331 : memref<128x64xf32, #tpu.memory_space<vmem>>)
      %run_scoped3A_344 = arith.constant 2 : i32
      "tpu.region"() ({
        %run_scoped3A_406 = tpu.sem_alloc : memref<!tpu.dma_semaphore, #tpu.memory_space<semaphore_mem>>
        %dma_start3A_407 = arith.constant 0 : i32
        %dma_start3A_408 = arith.constant 0 : i32
        %dma_start3A_409 = tpu.memref_slice %arg8[%run_scoped3A_344, %dma_start3A_407, %dma_start3A_408] : memref<4x128x64xf32, #tpu.memory_space<vmem>> -> memref<1x128x64xf32, #tpu.memory_space<vmem>>
        %dma_start3A_410 = tpu.memref_squeeze %dma_start3A_409 : memref<1x128x64xf32, #tpu.memory_space<vmem>> -> memref<128x64xf32, #tpu.memory_space<vmem>>
        %dma_start3A_411 = arith.constant 0 : i32
        %dma_start3A_412 = tpu.memref_slice %arg7[%add3A_325, %dma_start3A_411] : memref<160x128xi32, #tpu.memory_space<vmem>> -> memref<1x128xi32, #tpu.memory_space<vmem>>
        %dma_start3A_413 = tpu.memref_squeeze %dma_start3A_412 : memref<1x128xi32, #tpu.memory_space<vmem>> -> memref<128xi32, #tpu.memory_space<vmem>>
        %dma_start3A_414 = arith.constant 0 : i32
        %dma_start3A_415 = arith.constant 0 : i32
        %dma_start3A_416 = tpu.memref_slice %arg10[%dma_start3A_414, %dma_start3A_415] : memref<10240x64xf32, #tpu.memory_space<vmem_shared>> -> memref<10240x64xf32, #tpu.memory_space<vmem_shared>>
        tpu.enqueue_indirect_dma source(%dma_start3A_410 : memref<128x64xf32, #tpu.memory_space<vmem>>) target(%dma_start3A_416 : memref<10240x64xf32, #tpu.memory_space<vmem_shared>>) offsets(%dma_start3A_413 : memref<128xi32, #tpu.memory_space<vmem>>) semaphore(%run_scoped3A_406 : memref<!tpu.dma_semaphore, #tpu.memory_space<semaphore_mem>>) {add = true}
        %dma_wait3A_417 = arith.constant 0 : i32
        %dma_wait3A_418 = arith.constant 0 : i32
        %dma_wait3A_419 = tpu.memref_slice %arg8[%run_scoped3A_344, %dma_wait3A_417, %dma_wait3A_418] : memref<4x128x64xf32, #tpu.memory_space<vmem>> -> memref<1x128x64xf32, #tpu.memory_space<vmem>>
        %dma_wait3A_420 = tpu.memref_squeeze %dma_wait3A_419 : memref<1x128x64xf32, #tpu.memory_space<vmem>> -> memref<128x64xf32, #tpu.memory_space<vmem>>
        %dma_wait3A_421 = arith.constant 0 : i32
        %dma_wait3A_422 = tpu.memref_slice %arg7[%add3A_325, %dma_wait3A_421] : memref<160x128xi32, #tpu.memory_space<vmem>> -> memref<1x128xi32, #tpu.memory_space<vmem>>
        %dma_wait3A_423 = tpu.memref_squeeze %dma_wait3A_422 : memref<1x128xi32, #tpu.memory_space<vmem>> -> memref<128xi32, #tpu.memory_space<vmem>>
        %dma_wait3A_424 = arith.constant 0 : i32
        %dma_wait3A_425 = arith.constant 0 : i32
        %dma_wait3A_426 = tpu.memref_slice %arg10[%dma_wait3A_424, %dma_wait3A_425] : memref<10240x64xf32, #tpu.memory_space<vmem_shared>> -> memref<10240x64xf32, #tpu.memory_space<vmem_shared>>
        tpu.wait_indirect_dma semaphore(%run_scoped3A_406 : memref<!tpu.dma_semaphore, #tpu.memory_space<semaphore_mem>>) src(%dma_wait3A_420 : memref<128x64xf32, #tpu.memory_space<vmem>>) dst(%dma_wait3A_426 : memref<10240x64xf32, #tpu.memory_space<vmem_shared>>)
        tpu.yield
      }) : () -> ()
      %add3A_345 = arith.constant 4 : i32
      %add3A_346 = arith.addi %add3A_325, %add3A_345 : i32
      %dma_start3A_347 = arith.constant 2 : i32
      %dma_start3A_348 = arith.constant 2 : i32
      %dma_start3A_349 = arith.constant 0 : i32
      %dma_start3A_350 = arith.constant 0 : i32
      %dma_start3A_351 = tpu.memref_slice %arg8[%dma_start3A_347, %dma_start3A_349, %dma_start3A_350] : memref<4x128x64xf32, #tpu.memory_space<vmem>> -> memref<1x128x64xf32, #tpu.memory_space<vmem>>
      %dma_start3A_352 = tpu.memref_squeeze %dma_start3A_351 : memref<1x128x64xf32, #tpu.memory_space<vmem>> -> memref<128x64xf32, #tpu.memory_space<vmem>>
      %dma_start3A_353 = arith.constant 0 : i32
      %dma_start3A_354 = tpu.memref_slice %arg6[%add3A_346, %dma_start3A_353] : memref<160x128xi32, #tpu.memory_space<vmem>> -> memref<1x128xi32, #tpu.memory_space<vmem>>
      %dma_start3A_355 = tpu.memref_squeeze %dma_start3A_354 : memref<1x128xi32, #tpu.memory_space<vmem>> -> memref<128xi32, #tpu.memory_space<vmem>>
      %dma_start3A_356 = arith.constant 0 : i32
      %dma_start3A_357 = arith.constant 0 : i32
      %dma_start3A_358 = tpu.memref_slice %arg2[%arg0, %dma_start3A_356, %dma_start3A_357] : memref<2x10240x64xf32, #tpu.memory_space<hbm>> -> memref<1x10240x64xf32, #tpu.memory_space<hbm>>
      %dma_start3A_359 = tpu.memref_squeeze %dma_start3A_358 : memref<1x10240x64xf32, #tpu.memory_space<hbm>> -> memref<10240x64xf32, #tpu.memory_space<hbm>>
      %dma_start3A_360 = arith.constant 0 : i32
      %dma_start3A_361 = arith.constant 0 : i32
      %dma_start3A_362 = tpu.memref_slice %dma_start3A_359[%dma_start3A_360, %dma_start3A_361] : memref<10240x64xf32, #tpu.memory_space<hbm>> -> memref<10240x64xf32, #tpu.memory_space<hbm>>
      %dma_start3A_363 = tpu.memref_slice %arg11[%dma_start3A_348] : memref<4x!tpu.dma_semaphore, #tpu.memory_space<semaphore_mem>> -> memref<1x!tpu.dma_semaphore, #tpu.memory_space<semaphore_mem>>
      %dma_start3A_364 = tpu.memref_squeeze %dma_start3A_363 : memref<1x!tpu.dma_semaphore, #tpu.memory_space<semaphore_mem>> -> memref<!tpu.dma_semaphore, #tpu.memory_space<semaphore_mem>>
      tpu.enqueue_indirect_dma source(%dma_start3A_362 : memref<10240x64xf32, #tpu.memory_space<hbm>>) target(%dma_start3A_352 : memref<128x64xf32, #tpu.memory_space<vmem>>) offsets(%dma_start3A_355 : memref<128xi32, #tpu.memory_space<vmem>>) semaphore(%dma_start3A_364 : memref<!tpu.dma_semaphore, #tpu.memory_space<semaphore_mem>>)
      %add3A_365 = arith.constant 3 : i32
      %add3A_366 = arith.addi %add3A_241, %add3A_365 : i32
      %dma_wait3A_367 = arith.constant 3 : i32
      %dma_wait3A_368 = arith.constant 3 : i32
      %dma_wait3A_369 = arith.constant 0 : i32
      %dma_wait3A_370 = arith.constant 0 : i32
      %dma_wait3A_371 = tpu.memref_slice %arg8[%dma_wait3A_367, %dma_wait3A_369, %dma_wait3A_370] : memref<4x128x64xf32, #tpu.memory_space<vmem>> -> memref<1x128x64xf32, #tpu.memory_space<vmem>>
      %dma_wait3A_372 = tpu.memref_squeeze %dma_wait3A_371 : memref<1x128x64xf32, #tpu.memory_space<vmem>> -> memref<128x64xf32, #tpu.memory_space<vmem>>
      %dma_wait3A_373 = arith.constant 0 : i32
      %dma_wait3A_374 = tpu.memref_slice %arg6[%add3A_366, %dma_wait3A_373] : memref<160x128xi32, #tpu.memory_space<vmem>> -> memref<1x128xi32, #tpu.memory_space<vmem>>
      %dma_wait3A_375 = tpu.memref_squeeze %dma_wait3A_374 : memref<1x128xi32, #tpu.memory_space<vmem>> -> memref<128xi32, #tpu.memory_space<vmem>>
      %dma_wait3A_376 = arith.constant 0 : i32
      %dma_wait3A_377 = arith.constant 0 : i32
      %dma_wait3A_378 = tpu.memref_slice %arg2[%arg0, %dma_wait3A_376, %dma_wait3A_377] : memref<2x10240x64xf32, #tpu.memory_space<hbm>> -> memref<1x10240x64xf32, #tpu.memory_space<hbm>>
      %dma_wait3A_379 = tpu.memref_squeeze %dma_wait3A_378 : memref<1x10240x64xf32, #tpu.memory_space<hbm>> -> memref<10240x64xf32, #tpu.memory_space<hbm>>
      %dma_wait3A_380 = arith.constant 0 : i32
      %dma_wait3A_381 = arith.constant 0 : i32
      %dma_wait3A_382 = tpu.memref_slice %dma_wait3A_379[%dma_wait3A_380, %dma_wait3A_381] : memref<10240x64xf32, #tpu.memory_space<hbm>> -> memref<10240x64xf32, #tpu.memory_space<hbm>>
      %dma_wait3A_383 = tpu.memref_slice %arg11[%dma_wait3A_368] : memref<4x!tpu.dma_semaphore, #tpu.memory_space<semaphore_mem>> -> memref<1x!tpu.dma_semaphore, #tpu.memory_space<semaphore_mem>>
      %dma_wait3A_384 = tpu.memref_squeeze %dma_wait3A_383 : memref<1x!tpu.dma_semaphore, #tpu.memory_space<semaphore_mem>> -> memref<!tpu.dma_semaphore, #tpu.memory_space<semaphore_mem>>
      tpu.wait_indirect_dma semaphore(%dma_wait3A_384 : memref<!tpu.dma_semaphore, #tpu.memory_space<semaphore_mem>>) src(%dma_wait3A_382 : memref<10240x64xf32, #tpu.memory_space<hbm>>) dst(%dma_wait3A_372 : memref<128x64xf32, #tpu.memory_space<vmem>>)
      %run_scoped3A_385 = arith.constant 3 : i32
      "tpu.region"() ({
        %run_scoped3A_406 = tpu.sem_alloc : memref<!tpu.dma_semaphore, #tpu.memory_space<semaphore_mem>>
        %dma_start3A_407 = arith.constant 0 : i32
        %dma_start3A_408 = arith.constant 0 : i32
        %dma_start3A_409 = tpu.memref_slice %arg8[%run_scoped3A_385, %dma_start3A_407, %dma_start3A_408] : memref<4x128x64xf32, #tpu.memory_space<vmem>> -> memref<1x128x64xf32, #tpu.memory_space<vmem>>
        %dma_start3A_410 = tpu.memref_squeeze %dma_start3A_409 : memref<1x128x64xf32, #tpu.memory_space<vmem>> -> memref<128x64xf32, #tpu.memory_space<vmem>>
        %dma_start3A_411 = arith.constant 0 : i32
        %dma_start3A_412 = tpu.memref_slice %arg7[%add3A_366, %dma_start3A_411] : memref<160x128xi32, #tpu.memory_space<vmem>> -> memref<1x128xi32, #tpu.memory_space<vmem>>
        %dma_start3A_413 = tpu.memref_squeeze %dma_start3A_412 : memref<1x128xi32, #tpu.memory_space<vmem>> -> memref<128xi32, #tpu.memory_space<vmem>>
        %dma_start3A_414 = arith.constant 0 : i32
        %dma_start3A_415 = arith.constant 0 : i32
        %dma_start3A_416 = tpu.memref_slice %arg10[%dma_start3A_414, %dma_start3A_415] : memref<10240x64xf32, #tpu.memory_space<vmem_shared>> -> memref<10240x64xf32, #tpu.memory_space<vmem_shared>>
        tpu.enqueue_indirect_dma source(%dma_start3A_410 : memref<128x64xf32, #tpu.memory_space<vmem>>) target(%dma_start3A_416 : memref<10240x64xf32, #tpu.memory_space<vmem_shared>>) offsets(%dma_start3A_413 : memref<128xi32, #tpu.memory_space<vmem>>) semaphore(%run_scoped3A_406 : memref<!tpu.dma_semaphore, #tpu.memory_space<semaphore_mem>>) {add = true}
        %dma_wait3A_417 = arith.constant 0 : i32
        %dma_wait3A_418 = arith.constant 0 : i32
        %dma_wait3A_419 = tpu.memref_slice %arg8[%run_scoped3A_385, %dma_wait3A_417, %dma_wait3A_418] : memref<4x128x64xf32, #tpu.memory_space<vmem>> -> memref<1x128x64xf32, #tpu.memory_space<vmem>>
        %dma_wait3A_420 = tpu.memref_squeeze %dma_wait3A_419 : memref<1x128x64xf32, #tpu.memory_space<vmem>> -> memref<128x64xf32, #tpu.memory_space<vmem>>
        %dma_wait3A_421 = arith.constant 0 : i32
        %dma_wait3A_422 = tpu.memref_slice %arg7[%add3A_366, %dma_wait3A_421] : memref<160x128xi32, #tpu.memory_space<vmem>> -> memref<1x128xi32, #tpu.memory_space<vmem>>
        %dma_wait3A_423 = tpu.memref_squeeze %dma_wait3A_422 : memref<1x128xi32, #tpu.memory_space<vmem>> -> memref<128xi32, #tpu.memory_space<vmem>>
        %dma_wait3A_424 = arith.constant 0 : i32
        %dma_wait3A_425 = arith.constant 0 : i32
        %dma_wait3A_426 = tpu.memref_slice %arg10[%dma_wait3A_424, %dma_wait3A_425] : memref<10240x64xf32, #tpu.memory_space<vmem_shared>> -> memref<10240x64xf32, #tpu.memory_space<vmem_shared>>
        tpu.wait_indirect_dma semaphore(%run_scoped3A_406 : memref<!tpu.dma_semaphore, #tpu.memory_space<semaphore_mem>>) src(%dma_wait3A_420 : memref<128x64xf32, #tpu.memory_space<vmem>>) dst(%dma_wait3A_426 : memref<10240x64xf32, #tpu.memory_space<vmem_shared>>)
        tpu.yield
      }) : () -> ()
      %add3A_386 = arith.constant 4 : i32
      %add3A_387 = arith.addi %add3A_366, %add3A_386 : i32
      %dma_start3A_388 = arith.constant 3 : i32
      %dma_start3A_389 = arith.constant 3 : i32
      %dma_start3A_390 = arith.constant 0 : i32
      %dma_start3A_391 = arith.constant 0 : i32
      %dma_start3A_392 = tpu.memref_slice %arg8[%dma_start3A_388, %dma_start3A_390, %dma_start3A_391] : memref<4x128x64xf32, #tpu.memory_space<vmem>> -> memref<1x128x64xf32, #tpu.memory_space<vmem>>
      %dma_start3A_393 = tpu.memref_squeeze %dma_start3A_392 : memref<1x128x64xf32, #tpu.memory_space<vmem>> -> memref<128x64xf32, #tpu.memory_space<vmem>>
      %dma_start3A_394 = arith.constant 0 : i32
      %dma_start3A_395 = tpu.memref_slice %arg6[%add3A_387, %dma_start3A_394] : memref<160x128xi32, #tpu.memory_space<vmem>> -> memref<1x128xi32, #tpu.memory_space<vmem>>
      %dma_start3A_396 = tpu.memref_squeeze %dma_start3A_395 : memref<1x128xi32, #tpu.memory_space<vmem>> -> memref<128xi32, #tpu.memory_space<vmem>>
      %dma_start3A_397 = arith.constant 0 : i32
      %dma_start3A_398 = arith.constant 0 : i32
      %dma_start3A_399 = tpu.memref_slice %arg2[%arg0, %dma_start3A_397, %dma_start3A_398] : memref<2x10240x64xf32, #tpu.memory_space<hbm>> -> memref<1x10240x64xf32, #tpu.memory_space<hbm>>
      %dma_start3A_400 = tpu.memref_squeeze %dma_start3A_399 : memref<1x10240x64xf32, #tpu.memory_space<hbm>> -> memref<10240x64xf32, #tpu.memory_space<hbm>>
      %dma_start3A_401 = arith.constant 0 : i32
      %dma_start3A_402 = arith.constant 0 : i32
      %dma_start3A_403 = tpu.memref_slice %dma_start3A_400[%dma_start3A_401, %dma_start3A_402] : memref<10240x64xf32, #tpu.memory_space<hbm>> -> memref<10240x64xf32, #tpu.memory_space<hbm>>
      %dma_start3A_404 = tpu.memref_slice %arg11[%dma_start3A_389] : memref<4x!tpu.dma_semaphore, #tpu.memory_space<semaphore_mem>> -> memref<1x!tpu.dma_semaphore, #tpu.memory_space<semaphore_mem>>
      %dma_start3A_405 = tpu.memref_squeeze %dma_start3A_404 : memref<1x!tpu.dma_semaphore, #tpu.memory_space<semaphore_mem>> -> memref<!tpu.dma_semaphore, #tpu.memory_space<semaphore_mem>>
      tpu.enqueue_indirect_dma source(%dma_start3A_403 : memref<10240x64xf32, #tpu.memory_space<hbm>>) target(%dma_start3A_393 : memref<128x64xf32, #tpu.memory_space<vmem>>) offsets(%dma_start3A_396 : memref<128xi32, #tpu.memory_space<vmem>>) semaphore(%dma_start3A_405 : memref<!tpu.dma_semaphore, #tpu.memory_space<semaphore_mem>>)
    }
    %scan3A_121 = arith.constant 39 : i32
    %dma_wait3A = arith.constant 156 : i32
    %dma_wait3A_122 = arith.constant 0 : i32
    %dma_wait3A_123 = arith.constant 0 : i32
    %dma_wait3A_124 = arith.constant 0 : i32
    %dma_wait3A_125 = arith.constant 0 : i32
    %dma_wait3A_126 = tpu.memref_slice %arg8[%dma_wait3A_122, %dma_wait3A_124, %dma_wait3A_125] : memref<4x128x64xf32, #tpu.memory_space<vmem>> -> memref<1x128x64xf32, #tpu.memory_space<vmem>>
    %dma_wait3A_127 = tpu.memref_squeeze %dma_wait3A_126 : memref<1x128x64xf32, #tpu.memory_space<vmem>> -> memref<128x64xf32, #tpu.memory_space<vmem>>
    %dma_wait3A_128 = arith.constant 0 : i32
    %dma_wait3A_129 = tpu.memref_slice %arg6[%dma_wait3A, %dma_wait3A_128] : memref<160x128xi32, #tpu.memory_space<vmem>> -> memref<1x128xi32, #tpu.memory_space<vmem>>
    %dma_wait3A_130 = tpu.memref_squeeze %dma_wait3A_129 : memref<1x128xi32, #tpu.memory_space<vmem>> -> memref<128xi32, #tpu.memory_space<vmem>>
    %dma_wait3A_131 = arith.constant 0 : i32
    %dma_wait3A_132 = arith.constant 0 : i32
    %dma_wait3A_133 = tpu.memref_slice %arg2[%arg0, %dma_wait3A_131, %dma_wait3A_132] : memref<2x10240x64xf32, #tpu.memory_space<hbm>> -> memref<1x10240x64xf32, #tpu.memory_space<hbm>>
    %dma_wait3A_134 = tpu.memref_squeeze %dma_wait3A_133 : memref<1x10240x64xf32, #tpu.memory_space<hbm>> -> memref<10240x64xf32, #tpu.memory_space<hbm>>
    %dma_wait3A_135 = arith.constant 0 : i32
    %dma_wait3A_136 = arith.constant 0 : i32
    %dma_wait3A_137 = tpu.memref_slice %dma_wait3A_134[%dma_wait3A_135, %dma_wait3A_136] : memref<10240x64xf32, #tpu.memory_space<hbm>> -> memref<10240x64xf32, #tpu.memory_space<hbm>>
    %dma_wait3A_138 = tpu.memref_slice %arg11[%dma_wait3A_123] : memref<4x!tpu.dma_semaphore, #tpu.memory_space<semaphore_mem>> -> memref<1x!tpu.dma_semaphore, #tpu.memory_space<semaphore_mem>>
    %dma_wait3A_139 = tpu.memref_squeeze %dma_wait3A_138 : memref<1x!tpu.dma_semaphore, #tpu.memory_space<semaphore_mem>> -> memref<!tpu.dma_semaphore, #tpu.memory_space<semaphore_mem>>
    tpu.wait_indirect_dma semaphore(%dma_wait3A_139 : memref<!tpu.dma_semaphore, #tpu.memory_space<semaphore_mem>>) src(%dma_wait3A_137 : memref<10240x64xf32, #tpu.memory_space<hbm>>) dst(%dma_wait3A_127 : memref<128x64xf32, #tpu.memory_space<vmem>>)
    %run_scoped3A = arith.constant 0 : i32
    %run_scoped3A_140 = arith.constant 156 : i32
    "tpu.region"() ({
      %run_scoped3A_237 = tpu.sem_alloc : memref<!tpu.dma_semaphore, #tpu.memory_space<semaphore_mem>>
      %dma_start3A_238 = arith.constant 0 : i32
      %dma_start3A_239 = arith.constant 0 : i32
      %dma_start3A_240 = tpu.memref_slice %arg8[%run_scoped3A, %dma_start3A_238, %dma_start3A_239] : memref<4x128x64xf32, #tpu.memory_space<vmem>> -> memref<1x128x64xf32, #tpu.memory_space<vmem>>
      %dma_start3A_241 = tpu.memref_squeeze %dma_start3A_240 : memref<1x128x64xf32, #tpu.memory_space<vmem>> -> memref<128x64xf32, #tpu.memory_space<vmem>>
      %dma_start3A_242 = arith.constant 0 : i32
      %dma_start3A_243 = tpu.memref_slice %arg7[%run_scoped3A_140, %dma_start3A_242] : memref<160x128xi32, #tpu.memory_space<vmem>> -> memref<1x128xi32, #tpu.memory_space<vmem>>
      %dma_start3A_244 = tpu.memref_squeeze %dma_start3A_243 : memref<1x128xi32, #tpu.memory_space<vmem>> -> memref<128xi32, #tpu.memory_space<vmem>>
      %dma_start3A_245 = arith.constant 0 : i32
      %dma_start3A_246 = arith.constant 0 : i32
      %dma_start3A_247 = tpu.memref_slice %arg10[%dma_start3A_245, %dma_start3A_246] : memref<10240x64xf32, #tpu.memory_space<vmem_shared>> -> memref<10240x64xf32, #tpu.memory_space<vmem_shared>>
      tpu.enqueue_indirect_dma source(%dma_start3A_241 : memref<128x64xf32, #tpu.memory_space<vmem>>) target(%dma_start3A_247 : memref<10240x64xf32, #tpu.memory_space<vmem_shared>>) offsets(%dma_start3A_244 : memref<128xi32, #tpu.memory_space<vmem>>) semaphore(%run_scoped3A_237 : memref<!tpu.dma_semaphore, #tpu.memory_space<semaphore_mem>>) {add = true}
      %dma_wait3A_248 = arith.constant 0 : i32
      %dma_wait3A_249 = arith.constant 0 : i32
      %dma_wait3A_250 = tpu.memref_slice %arg8[%run_scoped3A, %dma_wait3A_248, %dma_wait3A_249] : memref<4x128x64xf32, #tpu.memory_space<vmem>> -> memref<1x128x64xf32, #tpu.memory_space<vmem>>
      %dma_wait3A_251 = tpu.memref_squeeze %dma_wait3A_250 : memref<1x128x64xf32, #tpu.memory_space<vmem>> -> memref<128x64xf32, #tpu.memory_space<vmem>>
      %dma_wait3A_252 = arith.constant 0 : i32
      %dma_wait3A_253 = tpu.memref_slice %arg7[%run_scoped3A_140, %dma_wait3A_252] : memref<160x128xi32, #tpu.memory_space<vmem>> -> memref<1x128xi32, #tpu.memory_space<vmem>>
      %dma_wait3A_254 = tpu.memref_squeeze %dma_wait3A_253 : memref<1x128xi32, #tpu.memory_space<vmem>> -> memref<128xi32, #tpu.memory_space<vmem>>
      %dma_wait3A_255 = arith.constant 0 : i32
      %dma_wait3A_256 = arith.constant 0 : i32
      %dma_wait3A_257 = tpu.memref_slice %arg10[%dma_wait3A_255, %dma_wait3A_256] : memref<10240x64xf32, #tpu.memory_space<vmem_shared>> -> memref<10240x64xf32, #tpu.memory_space<vmem_shared>>
      tpu.wait_indirect_dma semaphore(%run_scoped3A_237 : memref<!tpu.dma_semaphore, #tpu.memory_space<semaphore_mem>>) src(%dma_wait3A_251 : memref<128x64xf32, #tpu.memory_space<vmem>>) dst(%dma_wait3A_257 : memref<10240x64xf32, #tpu.memory_space<vmem_shared>>)
      tpu.yield
    }) : () -> ()
    %dma_wait3A_141 = arith.constant 157 : i32
    %dma_wait3A_142 = arith.constant 1 : i32
    %dma_wait3A_143 = arith.constant 1 : i32
    %dma_wait3A_144 = arith.constant 0 : i32
    %dma_wait3A_145 = arith.constant 0 : i32
    %dma_wait3A_146 = tpu.memref_slice %arg8[%dma_wait3A_142, %dma_wait3A_144, %dma_wait3A_145] : memref<4x128x64xf32, #tpu.memory_space<vmem>> -> memref<1x128x64xf32, #tpu.memory_space<vmem>>
    %dma_wait3A_147 = tpu.memref_squeeze %dma_wait3A_146 : memref<1x128x64xf32, #tpu.memory_space<vmem>> -> memref<128x64xf32, #tpu.memory_space<vmem>>
    %dma_wait3A_148 = arith.constant 0 : i32
    %dma_wait3A_149 = tpu.memref_slice %arg6[%dma_wait3A_141, %dma_wait3A_148] : memref<160x128xi32, #tpu.memory_space<vmem>> -> memref<1x128xi32, #tpu.memory_space<vmem>>
    %dma_wait3A_150 = tpu.memref_squeeze %dma_wait3A_149 : memref<1x128xi32, #tpu.memory_space<vmem>> -> memref<128xi32, #tpu.memory_space<vmem>>
    %dma_wait3A_151 = arith.constant 0 : i32
    %dma_wait3A_152 = arith.constant 0 : i32
    %dma_wait3A_153 = tpu.memref_slice %arg2[%arg0, %dma_wait3A_151, %dma_wait3A_152] : memref<2x10240x64xf32, #tpu.memory_space<hbm>> -> memref<1x10240x64xf32, #tpu.memory_space<hbm>>
    %dma_wait3A_154 = tpu.memref_squeeze %dma_wait3A_153 : memref<1x10240x64xf32, #tpu.memory_space<hbm>> -> memref<10240x64xf32, #tpu.memory_space<hbm>>
    %dma_wait3A_155 = arith.constant 0 : i32
    %dma_wait3A_156 = arith.constant 0 : i32
    %dma_wait3A_157 = tpu.memref_slice %dma_wait3A_154[%dma_wait3A_155, %dma_wait3A_156] : memref<10240x64xf32, #tpu.memory_space<hbm>> -> memref<10240x64xf32, #tpu.memory_space<hbm>>
    %dma_wait3A_158 = tpu.memref_slice %arg11[%dma_wait3A_143] : memref<4x!tpu.dma_semaphore, #tpu.memory_space<semaphore_mem>> -> memref<1x!tpu.dma_semaphore, #tpu.memory_space<semaphore_mem>>
    %dma_wait3A_159 = tpu.memref_squeeze %dma_wait3A_158 : memref<1x!tpu.dma_semaphore, #tpu.memory_space<semaphore_mem>> -> memref<!tpu.dma_semaphore, #tpu.memory_space<semaphore_mem>>
    tpu.wait_indirect_dma semaphore(%dma_wait3A_159 : memref<!tpu.dma_semaphore, #tpu.memory_space<semaphore_mem>>) src(%dma_wait3A_157 : memref<10240x64xf32, #tpu.memory_space<hbm>>) dst(%dma_wait3A_147 : memref<128x64xf32, #tpu.memory_space<vmem>>)
    %run_scoped3A_160 = arith.constant 1 : i32
    %run_scoped3A_161 = arith.constant 157 : i32
    "tpu.region"() ({
      %run_scoped3A_237 = tpu.sem_alloc : memref<!tpu.dma_semaphore, #tpu.memory_space<semaphore_mem>>
      %dma_start3A_238 = arith.constant 0 : i32
      %dma_start3A_239 = arith.constant 0 : i32
      %dma_start3A_240 = tpu.memref_slice %arg8[%run_scoped3A_160, %dma_start3A_238, %dma_start3A_239] : memref<4x128x64xf32, #tpu.memory_space<vmem>> -> memref<1x128x64xf32, #tpu.memory_space<vmem>>
      %dma_start3A_241 = tpu.memref_squeeze %dma_start3A_240 : memref<1x128x64xf32, #tpu.memory_space<vmem>> -> memref<128x64xf32, #tpu.memory_space<vmem>>
      %dma_start3A_242 = arith.constant 0 : i32
      %dma_start3A_243 = tpu.memref_slice %arg7[%run_scoped3A_161, %dma_start3A_242] : memref<160x128xi32, #tpu.memory_space<vmem>> -> memref<1x128xi32, #tpu.memory_space<vmem>>
      %dma_start3A_244 = tpu.memref_squeeze %dma_start3A_243 : memref<1x128xi32, #tpu.memory_space<vmem>> -> memref<128xi32, #tpu.memory_space<vmem>>
      %dma_start3A_245 = arith.constant 0 : i32
      %dma_start3A_246 = arith.constant 0 : i32
      %dma_start3A_247 = tpu.memref_slice %arg10[%dma_start3A_245, %dma_start3A_246] : memref<10240x64xf32, #tpu.memory_space<vmem_shared>> -> memref<10240x64xf32, #tpu.memory_space<vmem_shared>>
      tpu.enqueue_indirect_dma source(%dma_start3A_241 : memref<128x64xf32, #tpu.memory_space<vmem>>) target(%dma_start3A_247 : memref<10240x64xf32, #tpu.memory_space<vmem_shared>>) offsets(%dma_start3A_244 : memref<128xi32, #tpu.memory_space<vmem>>) semaphore(%run_scoped3A_237 : memref<!tpu.dma_semaphore, #tpu.memory_space<semaphore_mem>>) {add = true}
      %dma_wait3A_248 = arith.constant 0 : i32
      %dma_wait3A_249 = arith.constant 0 : i32
      %dma_wait3A_250 = tpu.memref_slice %arg8[%run_scoped3A_160, %dma_wait3A_248, %dma_wait3A_249] : memref<4x128x64xf32, #tpu.memory_space<vmem>> -> memref<1x128x64xf32, #tpu.memory_space<vmem>>
      %dma_wait3A_251 = tpu.memref_squeeze %dma_wait3A_250 : memref<1x128x64xf32, #tpu.memory_space<vmem>> -> memref<128x64xf32, #tpu.memory_space<vmem>>
      %dma_wait3A_252 = arith.constant 0 : i32
      %dma_wait3A_253 = tpu.memref_slice %arg7[%run_scoped3A_161, %dma_wait3A_252] : memref<160x128xi32, #tpu.memory_space<vmem>> -> memref<1x128xi32, #tpu.memory_space<vmem>>
      %dma_wait3A_254 = tpu.memref_squeeze %dma_wait3A_253 : memref<1x128xi32, #tpu.memory_space<vmem>> -> memref<128xi32, #tpu.memory_space<vmem>>
      %dma_wait3A_255 = arith.constant 0 : i32
      %dma_wait3A_256 = arith.constant 0 : i32
      %dma_wait3A_257 = tpu.memref_slice %arg10[%dma_wait3A_255, %dma_wait3A_256] : memref<10240x64xf32, #tpu.memory_space<vmem_shared>> -> memref<10240x64xf32, #tpu.memory_space<vmem_shared>>
      tpu.wait_indirect_dma semaphore(%run_scoped3A_237 : memref<!tpu.dma_semaphore, #tpu.memory_space<semaphore_mem>>) src(%dma_wait3A_251 : memref<128x64xf32, #tpu.memory_space<vmem>>) dst(%dma_wait3A_257 : memref<10240x64xf32, #tpu.memory_space<vmem_shared>>)
      tpu.yield
    }) : () -> ()
    %dma_wait3A_162 = arith.constant 158 : i32
    %dma_wait3A_163 = arith.constant 2 : i32
    %dma_wait3A_164 = arith.constant 2 : i32
    %dma_wait3A_165 = arith.constant 0 : i32
    %dma_wait3A_166 = arith.constant 0 : i32
    %dma_wait3A_167 = tpu.memref_slice %arg8[%dma_wait3A_163, %dma_wait3A_165, %dma_wait3A_166] : memref<4x128x64xf32, #tpu.memory_space<vmem>> -> memref<1x128x64xf32, #tpu.memory_space<vmem>>
    %dma_wait3A_168 = tpu.memref_squeeze %dma_wait3A_167 : memref<1x128x64xf32, #tpu.memory_space<vmem>> -> memref<128x64xf32, #tpu.memory_space<vmem>>
    %dma_wait3A_169 = arith.constant 0 : i32
    %dma_wait3A_170 = tpu.memref_slice %arg6[%dma_wait3A_162, %dma_wait3A_169] : memref<160x128xi32, #tpu.memory_space<vmem>> -> memref<1x128xi32, #tpu.memory_space<vmem>>
    %dma_wait3A_171 = tpu.memref_squeeze %dma_wait3A_170 : memref<1x128xi32, #tpu.memory_space<vmem>> -> memref<128xi32, #tpu.memory_space<vmem>>
    %dma_wait3A_172 = arith.constant 0 : i32
    %dma_wait3A_173 = arith.constant 0 : i32
    %dma_wait3A_174 = tpu.memref_slice %arg2[%arg0, %dma_wait3A_172, %dma_wait3A_173] : memref<2x10240x64xf32, #tpu.memory_space<hbm>> -> memref<1x10240x64xf32, #tpu.memory_space<hbm>>
    %dma_wait3A_175 = tpu.memref_squeeze %dma_wait3A_174 : memref<1x10240x64xf32, #tpu.memory_space<hbm>> -> memref<10240x64xf32, #tpu.memory_space<hbm>>
    %dma_wait3A_176 = arith.constant 0 : i32
    %dma_wait3A_177 = arith.constant 0 : i32
    %dma_wait3A_178 = tpu.memref_slice %dma_wait3A_175[%dma_wait3A_176, %dma_wait3A_177] : memref<10240x64xf32, #tpu.memory_space<hbm>> -> memref<10240x64xf32, #tpu.memory_space<hbm>>
    %dma_wait3A_179 = tpu.memref_slice %arg11[%dma_wait3A_164] : memref<4x!tpu.dma_semaphore, #tpu.memory_space<semaphore_mem>> -> memref<1x!tpu.dma_semaphore, #tpu.memory_space<semaphore_mem>>
    %dma_wait3A_180 = tpu.memref_squeeze %dma_wait3A_179 : memref<1x!tpu.dma_semaphore, #tpu.memory_space<semaphore_mem>> -> memref<!tpu.dma_semaphore, #tpu.memory_space<semaphore_mem>>
    tpu.wait_indirect_dma semaphore(%dma_wait3A_180 : memref<!tpu.dma_semaphore, #tpu.memory_space<semaphore_mem>>) src(%dma_wait3A_178 : memref<10240x64xf32, #tpu.memory_space<hbm>>) dst(%dma_wait3A_168 : memref<128x64xf32, #tpu.memory_space<vmem>>)
    %run_scoped3A_181 = arith.constant 2 : i32
    %run_scoped3A_182 = arith.constant 158 : i32
    "tpu.region"() ({
      %run_scoped3A_237 = tpu.sem_alloc : memref<!tpu.dma_semaphore, #tpu.memory_space<semaphore_mem>>
      %dma_start3A_238 = arith.constant 0 : i32
      %dma_start3A_239 = arith.constant 0 : i32
      %dma_start3A_240 = tpu.memref_slice %arg8[%run_scoped3A_181, %dma_start3A_238, %dma_start3A_239] : memref<4x128x64xf32, #tpu.memory_space<vmem>> -> memref<1x128x64xf32, #tpu.memory_space<vmem>>
      %dma_start3A_241 = tpu.memref_squeeze %dma_start3A_240 : memref<1x128x64xf32, #tpu.memory_space<vmem>> -> memref<128x64xf32, #tpu.memory_space<vmem>>
      %dma_start3A_242 = arith.constant 0 : i32
      %dma_start3A_243 = tpu.memref_slice %arg7[%run_scoped3A_182, %dma_start3A_242] : memref<160x128xi32, #tpu.memory_space<vmem>> -> memref<1x128xi32, #tpu.memory_space<vmem>>
      %dma_start3A_244 = tpu.memref_squeeze %dma_start3A_243 : memref<1x128xi32, #tpu.memory_space<vmem>> -> memref<128xi32, #tpu.memory_space<vmem>>
      %dma_start3A_245 = arith.constant 0 : i32
      %dma_start3A_246 = arith.constant 0 : i32
      %dma_start3A_247 = tpu.memref_slice %arg10[%dma_start3A_245, %dma_start3A_246] : memref<10240x64xf32, #tpu.memory_space<vmem_shared>> -> memref<10240x64xf32, #tpu.memory_space<vmem_shared>>
      tpu.enqueue_indirect_dma source(%dma_start3A_241 : memref<128x64xf32, #tpu.memory_space<vmem>>) target(%dma_start3A_247 : memref<10240x64xf32, #tpu.memory_space<vmem_shared>>) offsets(%dma_start3A_244 : memref<128xi32, #tpu.memory_space<vmem>>) semaphore(%run_scoped3A_237 : memref<!tpu.dma_semaphore, #tpu.memory_space<semaphore_mem>>) {add = true}
      %dma_wait3A_248 = arith.constant 0 : i32
      %dma_wait3A_249 = arith.constant 0 : i32
      %dma_wait3A_250 = tpu.memref_slice %arg8[%run_scoped3A_181, %dma_wait3A_248, %dma_wait3A_249] : memref<4x128x64xf32, #tpu.memory_space<vmem>> -> memref<1x128x64xf32, #tpu.memory_space<vmem>>
      %dma_wait3A_251 = tpu.memref_squeeze %dma_wait3A_250 : memref<1x128x64xf32, #tpu.memory_space<vmem>> -> memref<128x64xf32, #tpu.memory_space<vmem>>
      %dma_wait3A_252 = arith.constant 0 : i32
      %dma_wait3A_253 = tpu.memref_slice %arg7[%run_scoped3A_182, %dma_wait3A_252] : memref<160x128xi32, #tpu.memory_space<vmem>> -> memref<1x128xi32, #tpu.memory_space<vmem>>
      %dma_wait3A_254 = tpu.memref_squeeze %dma_wait3A_253 : memref<1x128xi32, #tpu.memory_space<vmem>> -> memref<128xi32, #tpu.memory_space<vmem>>
      %dma_wait3A_255 = arith.constant 0 : i32
      %dma_wait3A_256 = arith.constant 0 : i32
      %dma_wait3A_257 = tpu.memref_slice %arg10[%dma_wait3A_255, %dma_wait3A_256] : memref<10240x64xf32, #tpu.memory_space<vmem_shared>> -> memref<10240x64xf32, #tpu.memory_space<vmem_shared>>
      tpu.wait_indirect_dma semaphore(%run_scoped3A_237 : memref<!tpu.dma_semaphore, #tpu.memory_space<semaphore_mem>>) src(%dma_wait3A_251 : memref<128x64xf32, #tpu.memory_space<vmem>>) dst(%dma_wait3A_257 : memref<10240x64xf32, #tpu.memory_space<vmem_shared>>)
      tpu.yield
    }) : () -> ()
    %dma_wait3A_183 = arith.constant 159 : i32
    %dma_wait3A_184 = arith.constant 3 : i32
    %dma_wait3A_185 = arith.constant 3 : i32
    %dma_wait3A_186 = arith.constant 0 : i32
    %dma_wait3A_187 = arith.constant 0 : i32
    %dma_wait3A_188 = tpu.memref_slice %arg8[%dma_wait3A_184, %dma_wait3A_186, %dma_wait3A_187] : memref<4x128x64xf32, #tpu.memory_space<vmem>> -> memref<1x128x64xf32, #tpu.memory_space<vmem>>
    %dma_wait3A_189 = tpu.memref_squeeze %dma_wait3A_188 : memref<1x128x64xf32, #tpu.memory_space<vmem>> -> memref<128x64xf32, #tpu.memory_space<vmem>>
    %dma_wait3A_190 = arith.constant 0 : i32
    %dma_wait3A_191 = tpu.memref_slice %arg6[%dma_wait3A_183, %dma_wait3A_190] : memref<160x128xi32, #tpu.memory_space<vmem>> -> memref<1x128xi32, #tpu.memory_space<vmem>>
    %dma_wait3A_192 = tpu.memref_squeeze %dma_wait3A_191 : memref<1x128xi32, #tpu.memory_space<vmem>> -> memref<128xi32, #tpu.memory_space<vmem>>
    %dma_wait3A_193 = arith.constant 0 : i32
    %dma_wait3A_194 = arith.constant 0 : i32
    %dma_wait3A_195 = tpu.memref_slice %arg2[%arg0, %dma_wait3A_193, %dma_wait3A_194] : memref<2x10240x64xf32, #tpu.memory_space<hbm>> -> memref<1x10240x64xf32, #tpu.memory_space<hbm>>
    %dma_wait3A_196 = tpu.memref_squeeze %dma_wait3A_195 : memref<1x10240x64xf32, #tpu.memory_space<hbm>> -> memref<10240x64xf32, #tpu.memory_space<hbm>>
    %dma_wait3A_197 = arith.constant 0 : i32
    %dma_wait3A_198 = arith.constant 0 : i32
    %dma_wait3A_199 = tpu.memref_slice %dma_wait3A_196[%dma_wait3A_197, %dma_wait3A_198] : memref<10240x64xf32, #tpu.memory_space<hbm>> -> memref<10240x64xf32, #tpu.memory_space<hbm>>
    %dma_wait3A_200 = tpu.memref_slice %arg11[%dma_wait3A_185] : memref<4x!tpu.dma_semaphore, #tpu.memory_space<semaphore_mem>> -> memref<1x!tpu.dma_semaphore, #tpu.memory_space<semaphore_mem>>
    %dma_wait3A_201 = tpu.memref_squeeze %dma_wait3A_200 : memref<1x!tpu.dma_semaphore, #tpu.memory_space<semaphore_mem>> -> memref<!tpu.dma_semaphore, #tpu.memory_space<semaphore_mem>>
    tpu.wait_indirect_dma semaphore(%dma_wait3A_201 : memref<!tpu.dma_semaphore, #tpu.memory_space<semaphore_mem>>) src(%dma_wait3A_199 : memref<10240x64xf32, #tpu.memory_space<hbm>>) dst(%dma_wait3A_189 : memref<128x64xf32, #tpu.memory_space<vmem>>)
    %run_scoped3A_202 = arith.constant 3 : i32
    %run_scoped3A_203 = arith.constant 159 : i32
    "tpu.region"() ({
      %run_scoped3A_237 = tpu.sem_alloc : memref<!tpu.dma_semaphore, #tpu.memory_space<semaphore_mem>>
      %dma_start3A_238 = arith.constant 0 : i32
      %dma_start3A_239 = arith.constant 0 : i32
      %dma_start3A_240 = tpu.memref_slice %arg8[%run_scoped3A_202, %dma_start3A_238, %dma_start3A_239] : memref<4x128x64xf32, #tpu.memory_space<vmem>> -> memref<1x128x64xf32, #tpu.memory_space<vmem>>
      %dma_start3A_241 = tpu.memref_squeeze %dma_start3A_240 : memref<1x128x64xf32, #tpu.memory_space<vmem>> -> memref<128x64xf32, #tpu.memory_space<vmem>>
      %dma_start3A_242 = arith.constant 0 : i32
      %dma_start3A_243 = tpu.memref_slice %arg7[%run_scoped3A_203, %dma_start3A_242] : memref<160x128xi32, #tpu.memory_space<vmem>> -> memref<1x128xi32, #tpu.memory_space<vmem>>
      %dma_start3A_244 = tpu.memref_squeeze %dma_start3A_243 : memref<1x128xi32, #tpu.memory_space<vmem>> -> memref<128xi32, #tpu.memory_space<vmem>>
      %dma_start3A_245 = arith.constant 0 : i32
      %dma_start3A_246 = arith.constant 0 : i32
      %dma_start3A_247 = tpu.memref_slice %arg10[%dma_start3A_245, %dma_start3A_246] : memref<10240x64xf32, #tpu.memory_space<vmem_shared>> -> memref<10240x64xf32, #tpu.memory_space<vmem_shared>>
      tpu.enqueue_indirect_dma source(%dma_start3A_241 : memref<128x64xf32, #tpu.memory_space<vmem>>) target(%dma_start3A_247 : memref<10240x64xf32, #tpu.memory_space<vmem_shared>>) offsets(%dma_start3A_244 : memref<128xi32, #tpu.memory_space<vmem>>) semaphore(%run_scoped3A_237 : memref<!tpu.dma_semaphore, #tpu.memory_space<semaphore_mem>>) {add = true}
      %dma_wait3A_248 = arith.constant 0 : i32
      %dma_wait3A_249 = arith.constant 0 : i32
      %dma_wait3A_250 = tpu.memref_slice %arg8[%run_scoped3A_202, %dma_wait3A_248, %dma_wait3A_249] : memref<4x128x64xf32, #tpu.memory_space<vmem>> -> memref<1x128x64xf32, #tpu.memory_space<vmem>>
      %dma_wait3A_251 = tpu.memref_squeeze %dma_wait3A_250 : memref<1x128x64xf32, #tpu.memory_space<vmem>> -> memref<128x64xf32, #tpu.memory_space<vmem>>
      %dma_wait3A_252 = arith.constant 0 : i32
      %dma_wait3A_253 = tpu.memref_slice %arg7[%run_scoped3A_203, %dma_wait3A_252] : memref<160x128xi32, #tpu.memory_space<vmem>> -> memref<1x128xi32, #tpu.memory_space<vmem>>
      %dma_wait3A_254 = tpu.memref_squeeze %dma_wait3A_253 : memref<1x128xi32, #tpu.memory_space<vmem>> -> memref<128xi32, #tpu.memory_space<vmem>>
      %dma_wait3A_255 = arith.constant 0 : i32
      %dma_wait3A_256 = arith.constant 0 : i32
      %dma_wait3A_257 = tpu.memref_slice %arg10[%dma_wait3A_255, %dma_wait3A_256] : memref<10240x64xf32, #tpu.memory_space<vmem_shared>> -> memref<10240x64xf32, #tpu.memory_space<vmem_shared>>
      tpu.wait_indirect_dma semaphore(%run_scoped3A_237 : memref<!tpu.dma_semaphore, #tpu.memory_space<semaphore_mem>>) src(%dma_wait3A_251 : memref<128x64xf32, #tpu.memory_space<vmem>>) dst(%dma_wait3A_257 : memref<10240x64xf32, #tpu.memory_space<vmem_shared>>)
      tpu.yield
    }) : () -> ()
    %barrier3A_204 = arith.constant 0 : index
    tpu.barrier barrier_id(%barrier3A_204)
    %mul3A_205 = arith.constant 640 : i32
    %mul3A_206 = arith.muli %arg1, %mul3A_205 : i32
    %add3A_207 = arith.constant 0 : i32
    %add3A_208 = arith.addi %mul3A_206, %add3A_207 : i32
    %run_scoped3A_209 = arith.constant 0 : i32
    "tpu.region"() ({
      %run_scoped3A_237 = tpu.sem_alloc : memref<!tpu.dma_semaphore, #tpu.memory_space<semaphore_mem>>
      %dma_start3A_238 = arith.constant 0 : i32
      %dma_start3A_239 = arith.constant 0 : i32
      %dma_start3A_240 = tpu.memref_slice %arg8[%run_scoped3A_209, %dma_start3A_238, %dma_start3A_239] : memref<4x128x64xf32, #tpu.memory_space<vmem>> -> memref<1x128x64xf32, #tpu.memory_space<vmem>>
      %dma_start3A_241 = tpu.memref_squeeze %dma_start3A_240 : memref<1x128x64xf32, #tpu.memory_space<vmem>> -> memref<128x64xf32, #tpu.memory_space<vmem>>
      %dma_start3A_242 = arith.constant 0 : i32
      %dma_start3A_243 = tpu.memref_slice %arg10[%add3A_208, %dma_start3A_242] : memref<10240x64xf32, #tpu.memory_space<vmem_shared>> -> memref<128x64xf32, #tpu.memory_space<vmem_shared>>
      %dma_start3A_244 = arith.constant 0 : i32
      %dma_start3A_245 = arith.constant 0 : i32
      %dma_start3A_246 = tpu.memref_slice %arg8[%run_scoped3A_209, %dma_start3A_244, %dma_start3A_245] : memref<4x128x64xf32, #tpu.memory_space<vmem>> -> memref<1x128x64xf32, #tpu.memory_space<vmem>>
      %dma_start3A_247 = tpu.memref_squeeze %dma_start3A_246 : memref<1x128x64xf32, #tpu.memory_space<vmem>> -> memref<128x64xf32, #tpu.memory_space<vmem>>
      %dma_start3A_248 = arith.constant 0 : i32
      %dma_start3A_249 = tpu.memref_slice %arg10[%add3A_208, %dma_start3A_248] : memref<10240x64xf32, #tpu.memory_space<vmem_shared>> -> memref<128x64xf32, #tpu.memory_space<vmem_shared>>
      tpu.enqueue_dma source(%dma_start3A_249 : memref<128x64xf32, #tpu.memory_space<vmem_shared>>) target(%dma_start3A_247 : memref<128x64xf32, #tpu.memory_space<vmem>>) target_semaphore(%run_scoped3A_237 : memref<!tpu.dma_semaphore, #tpu.memory_space<semaphore_mem>>)
      %dma_wait3A_250 = arith.constant 0 : i32
      %dma_wait3A_251 = arith.constant 0 : i32
      %dma_wait3A_252 = tpu.memref_slice %arg8[%run_scoped3A_209, %dma_wait3A_250, %dma_wait3A_251] : memref<4x128x64xf32, #tpu.memory_space<vmem>> -> memref<1x128x64xf32, #tpu.memory_space<vmem>>
      %dma_wait3A_253 = tpu.memref_squeeze %dma_wait3A_252 : memref<1x128x64xf32, #tpu.memory_space<vmem>> -> memref<128x64xf32, #tpu.memory_space<vmem>>
      %dma_wait3A_254 = arith.constant 0 : i32
      %dma_wait3A_255 = tpu.memref_slice %arg10[%add3A_208, %dma_wait3A_254] : memref<10240x64xf32, #tpu.memory_space<vmem_shared>> -> memref<128x64xf32, #tpu.memory_space<vmem_shared>>
      %dma_wait3A_256 = arith.constant 0 : i32
      %dma_wait3A_257 = arith.constant 0 : i32
      %dma_wait3A_258 = tpu.memref_slice %arg8[%run_scoped3A_209, %dma_wait3A_256, %dma_wait3A_257] : memref<4x128x64xf32, #tpu.memory_space<vmem>> -> memref<1x128x64xf32, #tpu.memory_space<vmem>>
      %dma_wait3A_259 = tpu.memref_squeeze %dma_wait3A_258 : memref<1x128x64xf32, #tpu.memory_space<vmem>> -> memref<128x64xf32, #tpu.memory_space<vmem>>
      %dma_wait3A_260 = arith.constant 0 : i32
      %dma_wait3A_261 = tpu.memref_slice %arg10[%add3A_208, %dma_wait3A_260] : memref<10240x64xf32, #tpu.memory_space<vmem_shared>> -> memref<128x64xf32, #tpu.memory_space<vmem_shared>>
      tpu.wait_dma2 semaphore(%run_scoped3A_237 : memref<!tpu.dma_semaphore, #tpu.memory_space<semaphore_mem>>) src(%dma_wait3A_261 : memref<128x64xf32, #tpu.memory_space<vmem_shared>>) dst(%dma_wait3A_259 : memref<128x64xf32, #tpu.memory_space<vmem>>)
      tpu.yield
    }) : () -> ()
    %add3A_210 = arith.constant 0 : i32
    %add3A_211 = arith.addi %mul3A_206, %add3A_210 : i32
    %run_scoped3A_212 = arith.constant 0 : i32
    "tpu.region"() ({
      %run_scoped3A_237 = tpu.sem_alloc : memref<!tpu.dma_semaphore, #tpu.memory_space<semaphore_mem>>
      %dma_start3A_238 = arith.constant 0 : i32
      %dma_start3A_239 = arith.constant 0 : i32
      %dma_start3A_240 = tpu.memref_slice %arg8[%run_scoped3A_212, %dma_start3A_238, %dma_start3A_239] : memref<4x128x64xf32, #tpu.memory_space<vmem>> -> memref<1x128x64xf32, #tpu.memory_space<vmem>>
      %dma_start3A_241 = tpu.memref_squeeze %dma_start3A_240 : memref<1x128x64xf32, #tpu.memory_space<vmem>> -> memref<128x64xf32, #tpu.memory_space<vmem>>
      %dma_start3A_242 = arith.constant 0 : i32
      %dma_start3A_243 = tpu.memref_slice %arg5[%arg0, %add3A_211, %dma_start3A_242] : memref<2x10240x64xf32, #tpu.memory_space<hbm>> -> memref<1x128x64xf32, #tpu.memory_space<hbm>>
      %dma_start3A_244 = tpu.memref_squeeze %dma_start3A_243 : memref<1x128x64xf32, #tpu.memory_space<hbm>> -> memref<128x64xf32, #tpu.memory_space<hbm>>
      %dma_start3A_245 = arith.constant 0 : i32
      %dma_start3A_246 = tpu.memref_slice %arg5[%arg0, %add3A_211, %dma_start3A_245] : memref<2x10240x64xf32, #tpu.memory_space<hbm>> -> memref<1x128x64xf32, #tpu.memory_space<hbm>>
      %dma_start3A_247 = tpu.memref_squeeze %dma_start3A_246 : memref<1x128x64xf32, #tpu.memory_space<hbm>> -> memref<128x64xf32, #tpu.memory_space<hbm>>
      %dma_start3A_248 = arith.constant 0 : i32
      %dma_start3A_249 = arith.constant 0 : i32
      %dma_start3A_250 = tpu.memref_slice %arg8[%run_scoped3A_212, %dma_start3A_248, %dma_start3A_249] : memref<4x128x64xf32, #tpu.memory_space<vmem>> -> memref<1x128x64xf32, #tpu.memory_space<vmem>>
      %dma_start3A_251 = tpu.memref_squeeze %dma_start3A_250 : memref<1x128x64xf32, #tpu.memory_space<vmem>> -> memref<128x64xf32, #tpu.memory_space<vmem>>
      tpu.enqueue_dma source(%dma_start3A_251 : memref<128x64xf32, #tpu.memory_space<vmem>>) target(%dma_start3A_247 : memref<128x64xf32, #tpu.memory_space<hbm>>) target_semaphore(%run_scoped3A_237 : memref<!tpu.dma_semaphore, #tpu.memory_space<semaphore_mem>>)
      %dma_wait3A_252 = arith.constant 0 : i32
      %dma_wait3A_253 = arith.constant 0 : i32
      %dma_wait3A_254 = tpu.memref_slice %arg8[%run_scoped3A_212, %dma_wait3A_252, %dma_wait3A_253] : memref<4x128x64xf32, #tpu.memory_space<vmem>> -> memref<1x128x64xf32, #tpu.memory_space<vmem>>
      %dma_wait3A_255 = tpu.memref_squeeze %dma_wait3A_254 : memref<1x128x64xf32, #tpu.memory_space<vmem>> -> memref<128x64xf32, #tpu.memory_space<vmem>>
      %dma_wait3A_256 = arith.constant 0 : i32
      %dma_wait3A_257 = tpu.memref_slice %arg5[%arg0, %add3A_211, %dma_wait3A_256] : memref<2x10240x64xf32, #tpu.memory_space<hbm>> -> memref<1x128x64xf32, #tpu.memory_space<hbm>>
      %dma_wait3A_258 = tpu.memref_squeeze %dma_wait3A_257 : memref<1x128x64xf32, #tpu.memory_space<hbm>> -> memref<128x64xf32, #tpu.memory_space<hbm>>
      %dma_wait3A_259 = arith.constant 0 : i32
      %dma_wait3A_260 = tpu.memref_slice %arg5[%arg0, %add3A_211, %dma_wait3A_259] : memref<2x10240x64xf32, #tpu.memory_space<hbm>> -> memref<1x128x64xf32, #tpu.memory_space<hbm>>
      %dma_wait3A_261 = tpu.memref_squeeze %dma_wait3A_260 : memref<1x128x64xf32, #tpu.memory_space<hbm>> -> memref<128x64xf32, #tpu.memory_space<hbm>>
      %dma_wait3A_262 = arith.constant 0 : i32
      %dma_wait3A_263 = arith.constant 0 : i32
      %dma_wait3A_264 = tpu.memref_slice %arg8[%run_scoped3A_212, %dma_wait3A_262, %dma_wait3A_263] : memref<4x128x64xf32, #tpu.memory_space<vmem>> -> memref<1x128x64xf32, #tpu.memory_space<vmem>>
      %dma_wait3A_265 = tpu.memref_squeeze %dma_wait3A_264 : memref<1x128x64xf32, #tpu.memory_space<vmem>> -> memref<128x64xf32, #tpu.memory_space<vmem>>
      tpu.wait_dma2 semaphore(%run_scoped3A_237 : memref<!tpu.dma_semaphore, #tpu.memory_space<semaphore_mem>>) src(%dma_wait3A_265 : memref<128x64xf32, #tpu.memory_space<vmem>>) dst(%dma_wait3A_261 : memref<128x64xf32, #tpu.memory_space<hbm>>)
      tpu.yield
    }) : () -> ()
    %add3A_213 = arith.constant 128 : i32
    %add3A_214 = arith.addi %mul3A_206, %add3A_213 : i32
    %run_scoped3A_215 = arith.constant 0 : i32
    "tpu.region"() ({
      %run_scoped3A_237 = tpu.sem_alloc : memref<!tpu.dma_semaphore, #tpu.memory_space<semaphore_mem>>
      %dma_start3A_238 = arith.constant 0 : i32
      %dma_start3A_239 = arith.constant 0 : i32
      %dma_start3A_240 = tpu.memref_slice %arg8[%run_scoped3A_215, %dma_start3A_238, %dma_start3A_239] : memref<4x128x64xf32, #tpu.memory_space<vmem>> -> memref<1x128x64xf32, #tpu.memory_space<vmem>>
      %dma_start3A_241 = tpu.memref_squeeze %dma_start3A_240 : memref<1x128x64xf32, #tpu.memory_space<vmem>> -> memref<128x64xf32, #tpu.memory_space<vmem>>
      %dma_start3A_242 = arith.constant 0 : i32
      %dma_start3A_243 = tpu.memref_slice %arg10[%add3A_214, %dma_start3A_242] : memref<10240x64xf32, #tpu.memory_space<vmem_shared>> -> memref<128x64xf32, #tpu.memory_space<vmem_shared>>
      %dma_start3A_244 = arith.constant 0 : i32
      %dma_start3A_245 = arith.constant 0 : i32
      %dma_start3A_246 = tpu.memref_slice %arg8[%run_scoped3A_215, %dma_start3A_244, %dma_start3A_245] : memref<4x128x64xf32, #tpu.memory_space<vmem>> -> memref<1x128x64xf32, #tpu.memory_space<vmem>>
      %dma_start3A_247 = tpu.memref_squeeze %dma_start3A_246 : memref<1x128x64xf32, #tpu.memory_space<vmem>> -> memref<128x64xf32, #tpu.memory_space<vmem>>
      %dma_start3A_248 = arith.constant 0 : i32
      %dma_start3A_249 = tpu.memref_slice %arg10[%add3A_214, %dma_start3A_248] : memref<10240x64xf32, #tpu.memory_space<vmem_shared>> -> memref<128x64xf32, #tpu.memory_space<vmem_shared>>
      tpu.enqueue_dma source(%dma_start3A_249 : memref<128x64xf32, #tpu.memory_space<vmem_shared>>) target(%dma_start3A_247 : memref<128x64xf32, #tpu.memory_space<vmem>>) target_semaphore(%run_scoped3A_237 : memref<!tpu.dma_semaphore, #tpu.memory_space<semaphore_mem>>)
      %dma_wait3A_250 = arith.constant 0 : i32
      %dma_wait3A_251 = arith.constant 0 : i32
      %dma_wait3A_252 = tpu.memref_slice %arg8[%run_scoped3A_215, %dma_wait3A_250, %dma_wait3A_251] : memref<4x128x64xf32, #tpu.memory_space<vmem>> -> memref<1x128x64xf32, #tpu.memory_space<vmem>>
      %dma_wait3A_253 = tpu.memref_squeeze %dma_wait3A_252 : memref<1x128x64xf32, #tpu.memory_space<vmem>> -> memref<128x64xf32, #tpu.memory_space<vmem>>
      %dma_wait3A_254 = arith.constant 0 : i32
      %dma_wait3A_255 = tpu.memref_slice %arg10[%add3A_214, %dma_wait3A_254] : memref<10240x64xf32, #tpu.memory_space<vmem_shared>> -> memref<128x64xf32, #tpu.memory_space<vmem_shared>>
      %dma_wait3A_256 = arith.constant 0 : i32
      %dma_wait3A_257 = arith.constant 0 : i32
      %dma_wait3A_258 = tpu.memref_slice %arg8[%run_scoped3A_215, %dma_wait3A_256, %dma_wait3A_257] : memref<4x128x64xf32, #tpu.memory_space<vmem>> -> memref<1x128x64xf32, #tpu.memory_space<vmem>>
      %dma_wait3A_259 = tpu.memref_squeeze %dma_wait3A_258 : memref<1x128x64xf32, #tpu.memory_space<vmem>> -> memref<128x64xf32, #tpu.memory_space<vmem>>
      %dma_wait3A_260 = arith.constant 0 : i32
      %dma_wait3A_261 = tpu.memref_slice %arg10[%add3A_214, %dma_wait3A_260] : memref<10240x64xf32, #tpu.memory_space<vmem_shared>> -> memref<128x64xf32, #tpu.memory_space<vmem_shared>>
      tpu.wait_dma2 semaphore(%run_scoped3A_237 : memref<!tpu.dma_semaphore, #tpu.memory_space<semaphore_mem>>) src(%dma_wait3A_261 : memref<128x64xf32, #tpu.memory_space<vmem_shared>>) dst(%dma_wait3A_259 : memref<128x64xf32, #tpu.memory_space<vmem>>)
      tpu.yield
    }) : () -> ()
    %add3A_216 = arith.constant 128 : i32
    %add3A_217 = arith.addi %mul3A_206, %add3A_216 : i32
    %run_scoped3A_218 = arith.constant 0 : i32
    "tpu.region"() ({
      %run_scoped3A_237 = tpu.sem_alloc : memref<!tpu.dma_semaphore, #tpu.memory_space<semaphore_mem>>
      %dma_start3A_238 = arith.constant 0 : i32
      %dma_start3A_239 = arith.constant 0 : i32
      %dma_start3A_240 = tpu.memref_slice %arg8[%run_scoped3A_218, %dma_start3A_238, %dma_start3A_239] : memref<4x128x64xf32, #tpu.memory_space<vmem>> -> memref<1x128x64xf32, #tpu.memory_space<vmem>>
      %dma_start3A_241 = tpu.memref_squeeze %dma_start3A_240 : memref<1x128x64xf32, #tpu.memory_space<vmem>> -> memref<128x64xf32, #tpu.memory_space<vmem>>
      %dma_start3A_242 = arith.constant 0 : i32
      %dma_start3A_243 = tpu.memref_slice %arg5[%arg0, %add3A_217, %dma_start3A_242] : memref<2x10240x64xf32, #tpu.memory_space<hbm>> -> memref<1x128x64xf32, #tpu.memory_space<hbm>>
      %dma_start3A_244 = tpu.memref_squeeze %dma_start3A_243 : memref<1x128x64xf32, #tpu.memory_space<hbm>> -> memref<128x64xf32, #tpu.memory_space<hbm>>
      %dma_start3A_245 = arith.constant 0 : i32
      %dma_start3A_246 = tpu.memref_slice %arg5[%arg0, %add3A_217, %dma_start3A_245] : memref<2x10240x64xf32, #tpu.memory_space<hbm>> -> memref<1x128x64xf32, #tpu.memory_space<hbm>>
      %dma_start3A_247 = tpu.memref_squeeze %dma_start3A_246 : memref<1x128x64xf32, #tpu.memory_space<hbm>> -> memref<128x64xf32, #tpu.memory_space<hbm>>
      %dma_start3A_248 = arith.constant 0 : i32
      %dma_start3A_249 = arith.constant 0 : i32
      %dma_start3A_250 = tpu.memref_slice %arg8[%run_scoped3A_218, %dma_start3A_248, %dma_start3A_249] : memref<4x128x64xf32, #tpu.memory_space<vmem>> -> memref<1x128x64xf32, #tpu.memory_space<vmem>>
      %dma_start3A_251 = tpu.memref_squeeze %dma_start3A_250 : memref<1x128x64xf32, #tpu.memory_space<vmem>> -> memref<128x64xf32, #tpu.memory_space<vmem>>
      tpu.enqueue_dma source(%dma_start3A_251 : memref<128x64xf32, #tpu.memory_space<vmem>>) target(%dma_start3A_247 : memref<128x64xf32, #tpu.memory_space<hbm>>) target_semaphore(%run_scoped3A_237 : memref<!tpu.dma_semaphore, #tpu.memory_space<semaphore_mem>>)
      %dma_wait3A_252 = arith.constant 0 : i32
      %dma_wait3A_253 = arith.constant 0 : i32
      %dma_wait3A_254 = tpu.memref_slice %arg8[%run_scoped3A_218, %dma_wait3A_252, %dma_wait3A_253] : memref<4x128x64xf32, #tpu.memory_space<vmem>> -> memref<1x128x64xf32, #tpu.memory_space<vmem>>
      %dma_wait3A_255 = tpu.memref_squeeze %dma_wait3A_254 : memref<1x128x64xf32, #tpu.memory_space<vmem>> -> memref<128x64xf32, #tpu.memory_space<vmem>>
      %dma_wait3A_256 = arith.constant 0 : i32
      %dma_wait3A_257 = tpu.memref_slice %arg5[%arg0, %add3A_217, %dma_wait3A_256] : memref<2x10240x64xf32, #tpu.memory_space<hbm>> -> memref<1x128x64xf32, #tpu.memory_space<hbm>>
      %dma_wait3A_258 = tpu.memref_squeeze %dma_wait3A_257 : memref<1x128x64xf32, #tpu.memory_space<hbm>> -> memref<128x64xf32, #tpu.memory_space<hbm>>
      %dma_wait3A_259 = arith.constant 0 : i32
      %dma_wait3A_260 = tpu.memref_slice %arg5[%arg0, %add3A_217, %dma_wait3A_259] : memref<2x10240x64xf32, #tpu.memory_space<hbm>> -> memref<1x128x64xf32, #tpu.memory_space<hbm>>
      %dma_wait3A_261 = tpu.memref_squeeze %dma_wait3A_260 : memref<1x128x64xf32, #tpu.memory_space<hbm>> -> memref<128x64xf32, #tpu.memory_space<hbm>>
      %dma_wait3A_262 = arith.constant 0 : i32
      %dma_wait3A_263 = arith.constant 0 : i32
      %dma_wait3A_264 = tpu.memref_slice %arg8[%run_scoped3A_218, %dma_wait3A_262, %dma_wait3A_263] : memref<4x128x64xf32, #tpu.memory_space<vmem>> -> memref<1x128x64xf32, #tpu.memory_space<vmem>>
      %dma_wait3A_265 = tpu.memref_squeeze %dma_wait3A_264 : memref<1x128x64xf32, #tpu.memory_space<vmem>> -> memref<128x64xf32, #tpu.memory_space<vmem>>
      tpu.wait_dma2 semaphore(%run_scoped3A_237 : memref<!tpu.dma_semaphore, #tpu.memory_space<semaphore_mem>>) src(%dma_wait3A_265 : memref<128x64xf32, #tpu.memory_space<vmem>>) dst(%dma_wait3A_261 : memref<128x64xf32, #tpu.memory_space<hbm>>)
      tpu.yield
    }) : () -> ()
    %add3A_219 = arith.constant 256 : i32
    %add3A_220 = arith.addi %mul3A_206, %add3A_219 : i32
    %run_scoped3A_221 = arith.constant 0 : i32
    "tpu.region"() ({
      %run_scoped3A_237 = tpu.sem_alloc : memref<!tpu.dma_semaphore, #tpu.memory_space<semaphore_mem>>
      %dma_start3A_238 = arith.constant 0 : i32
      %dma_start3A_239 = arith.constant 0 : i32
      %dma_start3A_240 = tpu.memref_slice %arg8[%run_scoped3A_221, %dma_start3A_238, %dma_start3A_239] : memref<4x128x64xf32, #tpu.memory_space<vmem>> -> memref<1x128x64xf32, #tpu.memory_space<vmem>>
      %dma_start3A_241 = tpu.memref_squeeze %dma_start3A_240 : memref<1x128x64xf32, #tpu.memory_space<vmem>> -> memref<128x64xf32, #tpu.memory_space<vmem>>
      %dma_start3A_242 = arith.constant 0 : i32
      %dma_start3A_243 = tpu.memref_slice %arg10[%add3A_220, %dma_start3A_242] : memref<10240x64xf32, #tpu.memory_space<vmem_shared>> -> memref<128x64xf32, #tpu.memory_space<vmem_shared>>
      %dma_start3A_244 = arith.constant 0 : i32
      %dma_start3A_245 = arith.constant 0 : i32
      %dma_start3A_246 = tpu.memref_slice %arg8[%run_scoped3A_221, %dma_start3A_244, %dma_start3A_245] : memref<4x128x64xf32, #tpu.memory_space<vmem>> -> memref<1x128x64xf32, #tpu.memory_space<vmem>>
      %dma_start3A_247 = tpu.memref_squeeze %dma_start3A_246 : memref<1x128x64xf32, #tpu.memory_space<vmem>> -> memref<128x64xf32, #tpu.memory_space<vmem>>
      %dma_start3A_248 = arith.constant 0 : i32
      %dma_start3A_249 = tpu.memref_slice %arg10[%add3A_220, %dma_start3A_248] : memref<10240x64xf32, #tpu.memory_space<vmem_shared>> -> memref<128x64xf32, #tpu.memory_space<vmem_shared>>
      tpu.enqueue_dma source(%dma_start3A_249 : memref<128x64xf32, #tpu.memory_space<vmem_shared>>) target(%dma_start3A_247 : memref<128x64xf32, #tpu.memory_space<vmem>>) target_semaphore(%run_scoped3A_237 : memref<!tpu.dma_semaphore, #tpu.memory_space<semaphore_mem>>)
      %dma_wait3A_250 = arith.constant 0 : i32
      %dma_wait3A_251 = arith.constant 0 : i32
      %dma_wait3A_252 = tpu.memref_slice %arg8[%run_scoped3A_221, %dma_wait3A_250, %dma_wait3A_251] : memref<4x128x64xf32, #tpu.memory_space<vmem>> -> memref<1x128x64xf32, #tpu.memory_space<vmem>>
      %dma_wait3A_253 = tpu.memref_squeeze %dma_wait3A_252 : memref<1x128x64xf32, #tpu.memory_space<vmem>> -> memref<128x64xf32, #tpu.memory_space<vmem>>
      %dma_wait3A_254 = arith.constant 0 : i32
      %dma_wait3A_255 = tpu.memref_slice %arg10[%add3A_220, %dma_wait3A_254] : memref<10240x64xf32, #tpu.memory_space<vmem_shared>> -> memref<128x64xf32, #tpu.memory_space<vmem_shared>>
      %dma_wait3A_256 = arith.constant 0 : i32
      %dma_wait3A_257 = arith.constant 0 : i32
      %dma_wait3A_258 = tpu.memref_slice %arg8[%run_scoped3A_221, %dma_wait3A_256, %dma_wait3A_257] : memref<4x128x64xf32, #tpu.memory_space<vmem>> -> memref<1x128x64xf32, #tpu.memory_space<vmem>>
      %dma_wait3A_259 = tpu.memref_squeeze %dma_wait3A_258 : memref<1x128x64xf32, #tpu.memory_space<vmem>> -> memref<128x64xf32, #tpu.memory_space<vmem>>
      %dma_wait3A_260 = arith.constant 0 : i32
      %dma_wait3A_261 = tpu.memref_slice %arg10[%add3A_220, %dma_wait3A_260] : memref<10240x64xf32, #tpu.memory_space<vmem_shared>> -> memref<128x64xf32, #tpu.memory_space<vmem_shared>>
      tpu.wait_dma2 semaphore(%run_scoped3A_237 : memref<!tpu.dma_semaphore, #tpu.memory_space<semaphore_mem>>) src(%dma_wait3A_261 : memref<128x64xf32, #tpu.memory_space<vmem_shared>>) dst(%dma_wait3A_259 : memref<128x64xf32, #tpu.memory_space<vmem>>)
      tpu.yield
    }) : () -> ()
    %add3A_222 = arith.constant 256 : i32
    %add3A_223 = arith.addi %mul3A_206, %add3A_222 : i32
    %run_scoped3A_224 = arith.constant 0 : i32
    "tpu.region"() ({
      %run_scoped3A_237 = tpu.sem_alloc : memref<!tpu.dma_semaphore, #tpu.memory_space<semaphore_mem>>
      %dma_start3A_238 = arith.constant 0 : i32
      %dma_start3A_239 = arith.constant 0 : i32
      %dma_start3A_240 = tpu.memref_slice %arg8[%run_scoped3A_224, %dma_start3A_238, %dma_start3A_239] : memref<4x128x64xf32, #tpu.memory_space<vmem>> -> memref<1x128x64xf32, #tpu.memory_space<vmem>>
      %dma_start3A_241 = tpu.memref_squeeze %dma_start3A_240 : memref<1x128x64xf32, #tpu.memory_space<vmem>> -> memref<128x64xf32, #tpu.memory_space<vmem>>
      %dma_start3A_242 = arith.constant 0 : i32
      %dma_start3A_243 = tpu.memref_slice %arg5[%arg0, %add3A_223, %dma_start3A_242] : memref<2x10240x64xf32, #tpu.memory_space<hbm>> -> memref<1x128x64xf32, #tpu.memory_space<hbm>>
      %dma_start3A_244 = tpu.memref_squeeze %dma_start3A_243 : memref<1x128x64xf32, #tpu.memory_space<hbm>> -> memref<128x64xf32, #tpu.memory_space<hbm>>
      %dma_start3A_245 = arith.constant 0 : i32
      %dma_start3A_246 = tpu.memref_slice %arg5[%arg0, %add3A_223, %dma_start3A_245] : memref<2x10240x64xf32, #tpu.memory_space<hbm>> -> memref<1x128x64xf32, #tpu.memory_space<hbm>>
      %dma_start3A_247 = tpu.memref_squeeze %dma_start3A_246 : memref<1x128x64xf32, #tpu.memory_space<hbm>> -> memref<128x64xf32, #tpu.memory_space<hbm>>
      %dma_start3A_248 = arith.constant 0 : i32
      %dma_start3A_249 = arith.constant 0 : i32
      %dma_start3A_250 = tpu.memref_slice %arg8[%run_scoped3A_224, %dma_start3A_248, %dma_start3A_249] : memref<4x128x64xf32, #tpu.memory_space<vmem>> -> memref<1x128x64xf32, #tpu.memory_space<vmem>>
      %dma_start3A_251 = tpu.memref_squeeze %dma_start3A_250 : memref<1x128x64xf32, #tpu.memory_space<vmem>> -> memref<128x64xf32, #tpu.memory_space<vmem>>
      tpu.enqueue_dma source(%dma_start3A_251 : memref<128x64xf32, #tpu.memory_space<vmem>>) target(%dma_start3A_247 : memref<128x64xf32, #tpu.memory_space<hbm>>) target_semaphore(%run_scoped3A_237 : memref<!tpu.dma_semaphore, #tpu.memory_space<semaphore_mem>>)
      %dma_wait3A_252 = arith.constant 0 : i32
      %dma_wait3A_253 = arith.constant 0 : i32
      %dma_wait3A_254 = tpu.memref_slice %arg8[%run_scoped3A_224, %dma_wait3A_252, %dma_wait3A_253] : memref<4x128x64xf32, #tpu.memory_space<vmem>> -> memref<1x128x64xf32, #tpu.memory_space<vmem>>
      %dma_wait3A_255 = tpu.memref_squeeze %dma_wait3A_254 : memref<1x128x64xf32, #tpu.memory_space<vmem>> -> memref<128x64xf32, #tpu.memory_space<vmem>>
      %dma_wait3A_256 = arith.constant 0 : i32
      %dma_wait3A_257 = tpu.memref_slice %arg5[%arg0, %add3A_223, %dma_wait3A_256] : memref<2x10240x64xf32, #tpu.memory_space<hbm>> -> memref<1x128x64xf32, #tpu.memory_space<hbm>>
      %dma_wait3A_258 = tpu.memref_squeeze %dma_wait3A_257 : memref<1x128x64xf32, #tpu.memory_space<hbm>> -> memref<128x64xf32, #tpu.memory_space<hbm>>
      %dma_wait3A_259 = arith.constant 0 : i32
      %dma_wait3A_260 = tpu.memref_slice %arg5[%arg0, %add3A_223, %dma_wait3A_259] : memref<2x10240x64xf32, #tpu.memory_space<hbm>> -> memref<1x128x64xf32, #tpu.memory_space<hbm>>
      %dma_wait3A_261 = tpu.memref_squeeze %dma_wait3A_260 : memref<1x128x64xf32, #tpu.memory_space<hbm>> -> memref<128x64xf32, #tpu.memory_space<hbm>>
      %dma_wait3A_262 = arith.constant 0 : i32
      %dma_wait3A_263 = arith.constant 0 : i32
      %dma_wait3A_264 = tpu.memref_slice %arg8[%run_scoped3A_224, %dma_wait3A_262, %dma_wait3A_263] : memref<4x128x64xf32, #tpu.memory_space<vmem>> -> memref<1x128x64xf32, #tpu.memory_space<vmem>>
      %dma_wait3A_265 = tpu.memref_squeeze %dma_wait3A_264 : memref<1x128x64xf32, #tpu.memory_space<vmem>> -> memref<128x64xf32, #tpu.memory_space<vmem>>
      tpu.wait_dma2 semaphore(%run_scoped3A_237 : memref<!tpu.dma_semaphore, #tpu.memory_space<semaphore_mem>>) src(%dma_wait3A_265 : memref<128x64xf32, #tpu.memory_space<vmem>>) dst(%dma_wait3A_261 : memref<128x64xf32, #tpu.memory_space<hbm>>)
      tpu.yield
    }) : () -> ()
    %add3A_225 = arith.constant 384 : i32
    %add3A_226 = arith.addi %mul3A_206, %add3A_225 : i32
    %run_scoped3A_227 = arith.constant 0 : i32
    "tpu.region"() ({
      %run_scoped3A_237 = tpu.sem_alloc : memref<!tpu.dma_semaphore, #tpu.memory_space<semaphore_mem>>
      %dma_start3A_238 = arith.constant 0 : i32
      %dma_start3A_239 = arith.constant 0 : i32
      %dma_start3A_240 = tpu.memref_slice %arg8[%run_scoped3A_227, %dma_start3A_238, %dma_start3A_239] : memref<4x128x64xf32, #tpu.memory_space<vmem>> -> memref<1x128x64xf32, #tpu.memory_space<vmem>>
      %dma_start3A_241 = tpu.memref_squeeze %dma_start3A_240 : memref<1x128x64xf32, #tpu.memory_space<vmem>> -> memref<128x64xf32, #tpu.memory_space<vmem>>
      %dma_start3A_242 = arith.constant 0 : i32
      %dma_start3A_243 = tpu.memref_slice %arg10[%add3A_226, %dma_start3A_242] : memref<10240x64xf32, #tpu.memory_space<vmem_shared>> -> memref<128x64xf32, #tpu.memory_space<vmem_shared>>
      %dma_start3A_244 = arith.constant 0 : i32
      %dma_start3A_245 = arith.constant 0 : i32
      %dma_start3A_246 = tpu.memref_slice %arg8[%run_scoped3A_227, %dma_start3A_244, %dma_start3A_245] : memref<4x128x64xf32, #tpu.memory_space<vmem>> -> memref<1x128x64xf32, #tpu.memory_space<vmem>>
      %dma_start3A_247 = tpu.memref_squeeze %dma_start3A_246 : memref<1x128x64xf32, #tpu.memory_space<vmem>> -> memref<128x64xf32, #tpu.memory_space<vmem>>
      %dma_start3A_248 = arith.constant 0 : i32
      %dma_start3A_249 = tpu.memref_slice %arg10[%add3A_226, %dma_start3A_248] : memref<10240x64xf32, #tpu.memory_space<vmem_shared>> -> memref<128x64xf32, #tpu.memory_space<vmem_shared>>
      tpu.enqueue_dma source(%dma_start3A_249 : memref<128x64xf32, #tpu.memory_space<vmem_shared>>) target(%dma_start3A_247 : memref<128x64xf32, #tpu.memory_space<vmem>>) target_semaphore(%run_scoped3A_237 : memref<!tpu.dma_semaphore, #tpu.memory_space<semaphore_mem>>)
      %dma_wait3A_250 = arith.constant 0 : i32
      %dma_wait3A_251 = arith.constant 0 : i32
      %dma_wait3A_252 = tpu.memref_slice %arg8[%run_scoped3A_227, %dma_wait3A_250, %dma_wait3A_251] : memref<4x128x64xf32, #tpu.memory_space<vmem>> -> memref<1x128x64xf32, #tpu.memory_space<vmem>>
      %dma_wait3A_253 = tpu.memref_squeeze %dma_wait3A_252 : memref<1x128x64xf32, #tpu.memory_space<vmem>> -> memref<128x64xf32, #tpu.memory_space<vmem>>
      %dma_wait3A_254 = arith.constant 0 : i32
      %dma_wait3A_255 = tpu.memref_slice %arg10[%add3A_226, %dma_wait3A_254] : memref<10240x64xf32, #tpu.memory_space<vmem_shared>> -> memref<128x64xf32, #tpu.memory_space<vmem_shared>>
      %dma_wait3A_256 = arith.constant 0 : i32
      %dma_wait3A_257 = arith.constant 0 : i32
      %dma_wait3A_258 = tpu.memref_slice %arg8[%run_scoped3A_227, %dma_wait3A_256, %dma_wait3A_257] : memref<4x128x64xf32, #tpu.memory_space<vmem>> -> memref<1x128x64xf32, #tpu.memory_space<vmem>>
      %dma_wait3A_259 = tpu.memref_squeeze %dma_wait3A_258 : memref<1x128x64xf32, #tpu.memory_space<vmem>> -> memref<128x64xf32, #tpu.memory_space<vmem>>
      %dma_wait3A_260 = arith.constant 0 : i32
      %dma_wait3A_261 = tpu.memref_slice %arg10[%add3A_226, %dma_wait3A_260] : memref<10240x64xf32, #tpu.memory_space<vmem_shared>> -> memref<128x64xf32, #tpu.memory_space<vmem_shared>>
      tpu.wait_dma2 semaphore(%run_scoped3A_237 : memref<!tpu.dma_semaphore, #tpu.memory_space<semaphore_mem>>) src(%dma_wait3A_261 : memref<128x64xf32, #tpu.memory_space<vmem_shared>>) dst(%dma_wait3A_259 : memref<128x64xf32, #tpu.memory_space<vmem>>)
      tpu.yield
    }) : () -> ()
    %add3A_228 = arith.constant 384 : i32
    %add3A_229 = arith.addi %mul3A_206, %add3A_228 : i32
    %run_scoped3A_230 = arith.constant 0 : i32
    "tpu.region"() ({
      %run_scoped3A_237 = tpu.sem_alloc : memref<!tpu.dma_semaphore, #tpu.memory_space<semaphore_mem>>
      %dma_start3A_238 = arith.constant 0 : i32
      %dma_start3A_239 = arith.constant 0 : i32
      %dma_start3A_240 = tpu.memref_slice %arg8[%run_scoped3A_230, %dma_start3A_238, %dma_start3A_239] : memref<4x128x64xf32, #tpu.memory_space<vmem>> -> memref<1x128x64xf32, #tpu.memory_space<vmem>>
      %dma_start3A_241 = tpu.memref_squeeze %dma_start3A_240 : memref<1x128x64xf32, #tpu.memory_space<vmem>> -> memref<128x64xf32, #tpu.memory_space<vmem>>
      %dma_start3A_242 = arith.constant 0 : i32
      %dma_start3A_243 = tpu.memref_slice %arg5[%arg0, %add3A_229, %dma_start3A_242] : memref<2x10240x64xf32, #tpu.memory_space<hbm>> -> memref<1x128x64xf32, #tpu.memory_space<hbm>>
      %dma_start3A_244 = tpu.memref_squeeze %dma_start3A_243 : memref<1x128x64xf32, #tpu.memory_space<hbm>> -> memref<128x64xf32, #tpu.memory_space<hbm>>
      %dma_start3A_245 = arith.constant 0 : i32
      %dma_start3A_246 = tpu.memref_slice %arg5[%arg0, %add3A_229, %dma_start3A_245] : memref<2x10240x64xf32, #tpu.memory_space<hbm>> -> memref<1x128x64xf32, #tpu.memory_space<hbm>>
      %dma_start3A_247 = tpu.memref_squeeze %dma_start3A_246 : memref<1x128x64xf32, #tpu.memory_space<hbm>> -> memref<128x64xf32, #tpu.memory_space<hbm>>
      %dma_start3A_248 = arith.constant 0 : i32
      %dma_start3A_249 = arith.constant 0 : i32
      %dma_start3A_250 = tpu.memref_slice %arg8[%run_scoped3A_230, %dma_start3A_248, %dma_start3A_249] : memref<4x128x64xf32, #tpu.memory_space<vmem>> -> memref<1x128x64xf32, #tpu.memory_space<vmem>>
      %dma_start3A_251 = tpu.memref_squeeze %dma_start3A_250 : memref<1x128x64xf32, #tpu.memory_space<vmem>> -> memref<128x64xf32, #tpu.memory_space<vmem>>
      tpu.enqueue_dma source(%dma_start3A_251 : memref<128x64xf32, #tpu.memory_space<vmem>>) target(%dma_start3A_247 : memref<128x64xf32, #tpu.memory_space<hbm>>) target_semaphore(%run_scoped3A_237 : memref<!tpu.dma_semaphore, #tpu.memory_space<semaphore_mem>>)
      %dma_wait3A_252 = arith.constant 0 : i32
      %dma_wait3A_253 = arith.constant 0 : i32
      %dma_wait3A_254 = tpu.memref_slice %arg8[%run_scoped3A_230, %dma_wait3A_252, %dma_wait3A_253] : memref<4x128x64xf32, #tpu.memory_space<vmem>> -> memref<1x128x64xf32, #tpu.memory_space<vmem>>
      %dma_wait3A_255 = tpu.memref_squeeze %dma_wait3A_254 : memref<1x128x64xf32, #tpu.memory_space<vmem>> -> memref<128x64xf32, #tpu.memory_space<vmem>>
      %dma_wait3A_256 = arith.constant 0 : i32
      %dma_wait3A_257 = tpu.memref_slice %arg5[%arg0, %add3A_229, %dma_wait3A_256] : memref<2x10240x64xf32, #tpu.memory_space<hbm>> -> memref<1x128x64xf32, #tpu.memory_space<hbm>>
      %dma_wait3A_258 = tpu.memref_squeeze %dma_wait3A_257 : memref<1x128x64xf32, #tpu.memory_space<hbm>> -> memref<128x64xf32, #tpu.memory_space<hbm>>
      %dma_wait3A_259 = arith.constant 0 : i32
      %dma_wait3A_260 = tpu.memref_slice %arg5[%arg0, %add3A_229, %dma_wait3A_259] : memref<2x10240x64xf32, #tpu.memory_space<hbm>> -> memref<1x128x64xf32, #tpu.memory_space<hbm>>
      %dma_wait3A_261 = tpu.memref_squeeze %dma_wait3A_260 : memref<1x128x64xf32, #tpu.memory_space<hbm>> -> memref<128x64xf32, #tpu.memory_space<hbm>>
      %dma_wait3A_262 = arith.constant 0 : i32
      %dma_wait3A_263 = arith.constant 0 : i32
      %dma_wait3A_264 = tpu.memref_slice %arg8[%run_scoped3A_230, %dma_wait3A_262, %dma_wait3A_263] : memref<4x128x64xf32, #tpu.memory_space<vmem>> -> memref<1x128x64xf32, #tpu.memory_space<vmem>>
      %dma_wait3A_265 = tpu.memref_squeeze %dma_wait3A_264 : memref<1x128x64xf32, #tpu.memory_space<vmem>> -> memref<128x64xf32, #tpu.memory_space<vmem>>
      tpu.wait_dma2 semaphore(%run_scoped3A_237 : memref<!tpu.dma_semaphore, #tpu.memory_space<semaphore_mem>>) src(%dma_wait3A_265 : memref<128x64xf32, #tpu.memory_space<vmem>>) dst(%dma_wait3A_261 : memref<128x64xf32, #tpu.memory_space<hbm>>)
      tpu.yield
    }) : () -> ()
    %add3A_231 = arith.constant 512 : i32
    %add3A_232 = arith.addi %mul3A_206, %add3A_231 : i32
    %run_scoped3A_233 = arith.constant 0 : i32
    "tpu.region"() ({
      %run_scoped3A_237 = tpu.sem_alloc : memref<!tpu.dma_semaphore, #tpu.memory_space<semaphore_mem>>
      %dma_start3A_238 = arith.constant 0 : i32
      %dma_start3A_239 = arith.constant 0 : i32
      %dma_start3A_240 = tpu.memref_slice %arg8[%run_scoped3A_233, %dma_start3A_238, %dma_start3A_239] : memref<4x128x64xf32, #tpu.memory_space<vmem>> -> memref<1x128x64xf32, #tpu.memory_space<vmem>>
      %dma_start3A_241 = tpu.memref_squeeze %dma_start3A_240 : memref<1x128x64xf32, #tpu.memory_space<vmem>> -> memref<128x64xf32, #tpu.memory_space<vmem>>
      %dma_start3A_242 = arith.constant 0 : i32
      %dma_start3A_243 = tpu.memref_slice %arg10[%add3A_232, %dma_start3A_242] : memref<10240x64xf32, #tpu.memory_space<vmem_shared>> -> memref<128x64xf32, #tpu.memory_space<vmem_shared>>
      %dma_start3A_244 = arith.constant 0 : i32
      %dma_start3A_245 = arith.constant 0 : i32
      %dma_start3A_246 = tpu.memref_slice %arg8[%run_scoped3A_233, %dma_start3A_244, %dma_start3A_245] : memref<4x128x64xf32, #tpu.memory_space<vmem>> -> memref<1x128x64xf32, #tpu.memory_space<vmem>>
      %dma_start3A_247 = tpu.memref_squeeze %dma_start3A_246 : memref<1x128x64xf32, #tpu.memory_space<vmem>> -> memref<128x64xf32, #tpu.memory_space<vmem>>
      %dma_start3A_248 = arith.constant 0 : i32
      %dma_start3A_249 = tpu.memref_slice %arg10[%add3A_232, %dma_start3A_248] : memref<10240x64xf32, #tpu.memory_space<vmem_shared>> -> memref<128x64xf32, #tpu.memory_space<vmem_shared>>
      tpu.enqueue_dma source(%dma_start3A_249 : memref<128x64xf32, #tpu.memory_space<vmem_shared>>) target(%dma_start3A_247 : memref<128x64xf32, #tpu.memory_space<vmem>>) target_semaphore(%run_scoped3A_237 : memref<!tpu.dma_semaphore, #tpu.memory_space<semaphore_mem>>)
      %dma_wait3A_250 = arith.constant 0 : i32
      %dma_wait3A_251 = arith.constant 0 : i32
      %dma_wait3A_252 = tpu.memref_slice %arg8[%run_scoped3A_233, %dma_wait3A_250, %dma_wait3A_251] : memref<4x128x64xf32, #tpu.memory_space<vmem>> -> memref<1x128x64xf32, #tpu.memory_space<vmem>>
      %dma_wait3A_253 = tpu.memref_squeeze %dma_wait3A_252 : memref<1x128x64xf32, #tpu.memory_space<vmem>> -> memref<128x64xf32, #tpu.memory_space<vmem>>
      %dma_wait3A_254 = arith.constant 0 : i32
      %dma_wait3A_255 = tpu.memref_slice %arg10[%add3A_232, %dma_wait3A_254] : memref<10240x64xf32, #tpu.memory_space<vmem_shared>> -> memref<128x64xf32, #tpu.memory_space<vmem_shared>>
      %dma_wait3A_256 = arith.constant 0 : i32
      %dma_wait3A_257 = arith.constant 0 : i32
      %dma_wait3A_258 = tpu.memref_slice %arg8[%run_scoped3A_233, %dma_wait3A_256, %dma_wait3A_257] : memref<4x128x64xf32, #tpu.memory_space<vmem>> -> memref<1x128x64xf32, #tpu.memory_space<vmem>>
      %dma_wait3A_259 = tpu.memref_squeeze %dma_wait3A_258 : memref<1x128x64xf32, #tpu.memory_space<vmem>> -> memref<128x64xf32, #tpu.memory_space<vmem>>
      %dma_wait3A_260 = arith.constant 0 : i32
      %dma_wait3A_261 = tpu.memref_slice %arg10[%add3A_232, %dma_wait3A_260] : memref<10240x64xf32, #tpu.memory_space<vmem_shared>> -> memref<128x64xf32, #tpu.memory_space<vmem_shared>>
      tpu.wait_dma2 semaphore(%run_scoped3A_237 : memref<!tpu.dma_semaphore, #tpu.memory_space<semaphore_mem>>) src(%dma_wait3A_261 : memref<128x64xf32, #tpu.memory_space<vmem_shared>>) dst(%dma_wait3A_259 : memref<128x64xf32, #tpu.memory_space<vmem>>)
      tpu.yield
    }) : () -> ()
    %add3A_234 = arith.constant 512 : i32
    %add3A_235 = arith.addi %mul3A_206, %add3A_234 : i32
    %run_scoped3A_236 = arith.constant 0 : i32
    "tpu.region"() ({
      %run_scoped3A_237 = tpu.sem_alloc : memref<!tpu.dma_semaphore, #tpu.memory_space<semaphore_mem>>
      %dma_start3A_238 = arith.constant 0 : i32
      %dma_start3A_239 = arith.constant 0 : i32
      %dma_start3A_240 = tpu.memref_slice %arg8[%run_scoped3A_236, %dma_start3A_238, %dma_start3A_239] : memref<4x128x64xf32, #tpu.memory_space<vmem>> -> memref<1x128x64xf32, #tpu.memory_space<vmem>>
      %dma_start3A_241 = tpu.memref_squeeze %dma_start3A_240 : memref<1x128x64xf32, #tpu.memory_space<vmem>> -> memref<128x64xf32, #tpu.memory_space<vmem>>
      %dma_start3A_242 = arith.constant 0 : i32
      %dma_start3A_243 = tpu.memref_slice %arg5[%arg0, %add3A_235, %dma_start3A_242] : memref<2x10240x64xf32, #tpu.memory_space<hbm>> -> memref<1x128x64xf32, #tpu.memory_space<hbm>>
      %dma_start3A_244 = tpu.memref_squeeze %dma_start3A_243 : memref<1x128x64xf32, #tpu.memory_space<hbm>> -> memref<128x64xf32, #tpu.memory_space<hbm>>
      %dma_start3A_245 = arith.constant 0 : i32
      %dma_start3A_246 = tpu.memref_slice %arg5[%arg0, %add3A_235, %dma_start3A_245] : memref<2x10240x64xf32, #tpu.memory_space<hbm>> -> memref<1x128x64xf32, #tpu.memory_space<hbm>>
      %dma_start3A_247 = tpu.memref_squeeze %dma_start3A_246 : memref<1x128x64xf32, #tpu.memory_space<hbm>> -> memref<128x64xf32, #tpu.memory_space<hbm>>
      %dma_start3A_248 = arith.constant 0 : i32
      %dma_start3A_249 = arith.constant 0 : i32
      %dma_start3A_250 = tpu.memref_slice %arg8[%run_scoped3A_236, %dma_start3A_248, %dma_start3A_249] : memref<4x128x64xf32, #tpu.memory_space<vmem>> -> memref<1x128x64xf32, #tpu.memory_space<vmem>>
      %dma_start3A_251 = tpu.memref_squeeze %dma_start3A_250 : memref<1x128x64xf32, #tpu.memory_space<vmem>> -> memref<128x64xf32, #tpu.memory_space<vmem>>
      tpu.enqueue_dma source(%dma_start3A_251 : memref<128x64xf32, #tpu.memory_space<vmem>>) target(%dma_start3A_247 : memref<128x64xf32, #tpu.memory_space<hbm>>) target_semaphore(%run_scoped3A_237 : memref<!tpu.dma_semaphore, #tpu.memory_space<semaphore_mem>>)
      %dma_wait3A_252 = arith.constant 0 : i32
      %dma_wait3A_253 = arith.constant 0 : i32
      %dma_wait3A_254 = tpu.memref_slice %arg8[%run_scoped3A_236, %dma_wait3A_252, %dma_wait3A_253] : memref<4x128x64xf32, #tpu.memory_space<vmem>> -> memref<1x128x64xf32, #tpu.memory_space<vmem>>
      %dma_wait3A_255 = tpu.memref_squeeze %dma_wait3A_254 : memref<1x128x64xf32, #tpu.memory_space<vmem>> -> memref<128x64xf32, #tpu.memory_space<vmem>>
      %dma_wait3A_256 = arith.constant 0 : i32
      %dma_wait3A_257 = tpu.memref_slice %arg5[%arg0, %add3A_235, %dma_wait3A_256] : memref<2x10240x64xf32, #tpu.memory_space<hbm>> -> memref<1x128x64xf32, #tpu.memory_space<hbm>>
      %dma_wait3A_258 = tpu.memref_squeeze %dma_wait3A_257 : memref<1x128x64xf32, #tpu.memory_space<hbm>> -> memref<128x64xf32, #tpu.memory_space<hbm>>
      %dma_wait3A_259 = arith.constant 0 : i32
      %dma_wait3A_260 = tpu.memref_slice %arg5[%arg0, %add3A_235, %dma_wait3A_259] : memref<2x10240x64xf32, #tpu.memory_space<hbm>> -> memref<1x128x64xf32, #tpu.memory_space<hbm>>
      %dma_wait3A_261 = tpu.memref_squeeze %dma_wait3A_260 : memref<1x128x64xf32, #tpu.memory_space<hbm>> -> memref<128x64xf32, #tpu.memory_space<hbm>>
      %dma_wait3A_262 = arith.constant 0 : i32
      %dma_wait3A_263 = arith.constant 0 : i32
      %dma_wait3A_264 = tpu.memref_slice %arg8[%run_scoped3A_236, %dma_wait3A_262, %dma_wait3A_263] : memref<4x128x64xf32, #tpu.memory_space<vmem>> -> memref<1x128x64xf32, #tpu.memory_space<vmem>>
      %dma_wait3A_265 = tpu.memref_squeeze %dma_wait3A_264 : memref<1x128x64xf32, #tpu.memory_space<vmem>> -> memref<128x64xf32, #tpu.memory_space<vmem>>
      tpu.wait_dma2 semaphore(%run_scoped3A_237 : memref<!tpu.dma_semaphore, #tpu.memory_space<semaphore_mem>>) src(%dma_wait3A_265 : memref<128x64xf32, #tpu.memory_space<vmem>>) dst(%dma_wait3A_261 : memref<128x64xf32, #tpu.memory_space<hbm>>)
      tpu.yield
    }) : () -> ()
    return
  }
}

#map = affine_map<(d0, d1) -> (0, 0, 0)>
module attributes {stable_mosaic.version = 14 : i64} {
  func.func @_agg_body(%arg0: i32, %arg1: i32, %arg2: memref<2x10240x64xf32, #tpu.memory_space<hbm>>, %arg3: memref<16x160x128xi32, #tpu.memory_space<hbm>>, %arg4: memref<16x160x128xi32, #tpu.memory_space<hbm>>, %arg5: memref<2x10240x64xf32, #tpu.memory_space<hbm>>, %arg6: memref<160x128xi32, #tpu.memory_space<vmem>>, %arg7: memref<160x128xi32, #tpu.memory_space<vmem>>, %arg8: memref<4x128x64xf32, #tpu.memory_space<vmem>>, %arg9: memref<64x64xf32, #tpu.memory_space<vmem>>, %arg10: memref<10240x64xf32, #tpu.memory_space<vmem_shared>>, %arg11: memref<4x!tpu.dma_semaphore, #tpu.memory_space<semaphore_mem>>) attributes {dimension_semantics = [#tpu.dimension_semantics<core_parallel>, #tpu.dimension_semantics<subcore_parallel>], iteration_bounds = array<i64: 2, 16>, scalar_prefetch = 0 : i64, scratch_operands = 6 : i64, tpu.core_type = #tpu.core_type<sc_vector_subcore>, window_params = [{transform_indices = #map}, {transform_indices = #map}, {transform_indices = #map}, {transform_indices = #map}]} {
    "tpu.region"() ({
      %run_scoped3A_237 = tpu.sem_alloc : memref<!tpu.dma_semaphore, #tpu.memory_space<semaphore_mem>>
      %dma_start3A_238 = arith.constant 0 : i32
      %dma_start3A_239 = arith.constant 0 : i32
      %dma_start3A_240 = tpu.memref_slice %arg3[%arg1, %dma_start3A_238, %dma_start3A_239] : memref<16x160x128xi32, #tpu.memory_space<hbm>> -> memref<1x160x128xi32, #tpu.memory_space<hbm>>
      %dma_start3A_241 = tpu.memref_squeeze %dma_start3A_240 : memref<1x160x128xi32, #tpu.memory_space<hbm>> -> memref<160x128xi32, #tpu.memory_space<hbm>>
      %dma_start3A_242 = arith.constant 0 : i32
      %dma_start3A_243 = arith.constant 0 : i32
      %dma_start3A_244 = tpu.memref_slice %arg3[%arg1, %dma_start3A_242, %dma_start3A_243] : memref<16x160x128xi32, #tpu.memory_space<hbm>> -> memref<1x160x128xi32, #tpu.memory_space<hbm>>
      %dma_start3A_245 = tpu.memref_squeeze %dma_start3A_244 : memref<1x160x128xi32, #tpu.memory_space<hbm>> -> memref<160x128xi32, #tpu.memory_space<hbm>>
      tpu.enqueue_dma source(%dma_start3A_245 : memref<160x128xi32, #tpu.memory_space<hbm>>) target(%arg6 : memref<160x128xi32, #tpu.memory_space<vmem>>) target_semaphore(%run_scoped3A_237 : memref<!tpu.dma_semaphore, #tpu.memory_space<semaphore_mem>>)
      %dma_wait3A_246 = arith.constant 0 : i32
      %dma_wait3A_247 = arith.constant 0 : i32
      %dma_wait3A_248 = tpu.memref_slice %arg3[%arg1, %dma_wait3A_246, %dma_wait3A_247] : memref<16x160x128xi32, #tpu.memory_space<hbm>> -> memref<1x160x128xi32, #tpu.memory_space<hbm>>
      %dma_wait3A_249 = tpu.memref_squeeze %dma_wait3A_248 : memref<1x160x128xi32, #tpu.memory_space<hbm>> -> memref<160x128xi32, #tpu.memory_space<hbm>>
      %dma_wait3A_250 = arith.constant 0 : i32
      %dma_wait3A_251 = arith.constant 0 : i32
      %dma_wait3A_252 = tpu.memref_slice %arg3[%arg1, %dma_wait3A_250, %dma_wait3A_251] : memref<16x160x128xi32, #tpu.memory_space<hbm>> -> memref<1x160x128xi32, #tpu.memory_space<hbm>>
      %dma_wait3A_253 = tpu.memref_squeeze %dma_wait3A_252 : memref<1x160x128xi32, #tpu.memory_space<hbm>> -> memref<160x128xi32, #tpu.memory_space<hbm>>
      tpu.wait_dma2 semaphore(%run_scoped3A_237 : memref<!tpu.dma_semaphore, #tpu.memory_space<semaphore_mem>>) src(%dma_wait3A_253 : memref<160x128xi32, #tpu.memory_space<hbm>>) dst(%arg6 : memref<160x128xi32, #tpu.memory_space<vmem>>)
      tpu.yield
    }) : () -> ()
    "tpu.region"() ({
      %run_scoped3A_237 = tpu.sem_alloc : memref<!tpu.dma_semaphore, #tpu.memory_space<semaphore_mem>>
      %dma_start3A_238 = arith.constant 0 : i32
      %dma_start3A_239 = arith.constant 0 : i32
      %dma_start3A_240 = tpu.memref_slice %arg4[%arg1, %dma_start3A_238, %dma_start3A_239] : memref<16x160x128xi32, #tpu.memory_space<hbm>> -> memref<1x160x128xi32, #tpu.memory_space<hbm>>
      %dma_start3A_241 = tpu.memref_squeeze %dma_start3A_240 : memref<1x160x128xi32, #tpu.memory_space<hbm>> -> memref<160x128xi32, #tpu.memory_space<hbm>>
      %dma_start3A_242 = arith.constant 0 : i32
      %dma_start3A_243 = arith.constant 0 : i32
      %dma_start3A_244 = tpu.memref_slice %arg4[%arg1, %dma_start3A_242, %dma_start3A_243] : memref<16x160x128xi32, #tpu.memory_space<hbm>> -> memref<1x160x128xi32, #tpu.memory_space<hbm>>
      %dma_start3A_245 = tpu.memref_squeeze %dma_start3A_244 : memref<1x160x128xi32, #tpu.memory_space<hbm>> -> memref<160x128xi32, #tpu.memory_space<hbm>>
      tpu.enqueue_dma source(%dma_start3A_245 : memref<160x128xi32, #tpu.memory_space<hbm>>) target(%arg7 : memref<160x128xi32, #tpu.memory_space<vmem>>) target_semaphore(%run_scoped3A_237 : memref<!tpu.dma_semaphore, #tpu.memory_space<semaphore_mem>>)
      %dma_wait3A_246 = arith.constant 0 : i32
      %dma_wait3A_247 = arith.constant 0 : i32
      %dma_wait3A_248 = tpu.memref_slice %arg4[%arg1, %dma_wait3A_246, %dma_wait3A_247] : memref<16x160x128xi32, #tpu.memory_space<hbm>> -> memref<1x160x128xi32, #tpu.memory_space<hbm>>
      %dma_wait3A_249 = tpu.memref_squeeze %dma_wait3A_248 : memref<1x160x128xi32, #tpu.memory_space<hbm>> -> memref<160x128xi32, #tpu.memory_space<hbm>>
      %dma_wait3A_250 = arith.constant 0 : i32
      %dma_wait3A_251 = arith.constant 0 : i32
      %dma_wait3A_252 = tpu.memref_slice %arg4[%arg1, %dma_wait3A_250, %dma_wait3A_251] : memref<16x160x128xi32, #tpu.memory_space<hbm>> -> memref<1x160x128xi32, #tpu.memory_space<hbm>>
      %dma_wait3A_253 = tpu.memref_squeeze %dma_wait3A_252 : memref<1x160x128xi32, #tpu.memory_space<hbm>> -> memref<160x128xi32, #tpu.memory_space<hbm>>
      tpu.wait_dma2 semaphore(%run_scoped3A_237 : memref<!tpu.dma_semaphore, #tpu.memory_space<semaphore_mem>>) src(%dma_wait3A_253 : memref<160x128xi32, #tpu.memory_space<hbm>>) dst(%arg7 : memref<160x128xi32, #tpu.memory_space<vmem>>)
      tpu.yield
    }) : () -> ()
    %dma_start3A = arith.constant 0 : i32
    %dma_start3A_0 = arith.constant 0 : i32
    %dma_start3A_1 = arith.constant 0 : i32
    %dma_start3A_2 = arith.constant 0 : i32
    %dma_start3A_3 = arith.constant 0 : i32
    %dma_start3A_4 = tpu.memref_slice %arg8[%dma_start3A_0, %dma_start3A_2, %dma_start3A_3] : memref<4x128x64xf32, #tpu.memory_space<vmem>> -> memref<1x128x64xf32, #tpu.memory_space<vmem>>
    %dma_start3A_5 = tpu.memref_squeeze %dma_start3A_4 : memref<1x128x64xf32, #tpu.memory_space<vmem>> -> memref<128x64xf32, #tpu.memory_space<vmem>>
    %dma_start3A_6 = arith.constant 0 : i32
    %dma_start3A_7 = tpu.memref_slice %arg6[%dma_start3A, %dma_start3A_6] : memref<160x128xi32, #tpu.memory_space<vmem>> -> memref<1x128xi32, #tpu.memory_space<vmem>>
    %dma_start3A_8 = tpu.memref_squeeze %dma_start3A_7 : memref<1x128xi32, #tpu.memory_space<vmem>> -> memref<128xi32, #tpu.memory_space<vmem>>
    %dma_start3A_9 = arith.constant 0 : i32
    %dma_start3A_10 = arith.constant 0 : i32
    %dma_start3A_11 = tpu.memref_slice %arg2[%arg0, %dma_start3A_9, %dma_start3A_10] : memref<2x10240x64xf32, #tpu.memory_space<hbm>> -> memref<1x10240x64xf32, #tpu.memory_space<hbm>>
    %dma_start3A_12 = tpu.memref_squeeze %dma_start3A_11 : memref<1x10240x64xf32, #tpu.memory_space<hbm>> -> memref<10240x64xf32, #tpu.memory_space<hbm>>
    %dma_start3A_13 = arith.constant 0 : i32
    %dma_start3A_14 = arith.constant 0 : i32
    %dma_start3A_15 = tpu.memref_slice %dma_start3A_12[%dma_start3A_13, %dma_start3A_14] : memref<10240x64xf32, #tpu.memory_space<hbm>> -> memref<10240x64xf32, #tpu.memory_space<hbm>>
    %dma_start3A_16 = tpu.memref_slice %arg11[%dma_start3A_1] : memref<4x!tpu.dma_semaphore, #tpu.memory_space<semaphore_mem>> -> memref<1x!tpu.dma_semaphore, #tpu.memory_space<semaphore_mem>>
    %dma_start3A_17 = tpu.memref_squeeze %dma_start3A_16 : memref<1x!tpu.dma_semaphore, #tpu.memory_space<semaphore_mem>> -> memref<!tpu.dma_semaphore, #tpu.memory_space<semaphore_mem>>
    tpu.enqueue_indirect_dma source(%dma_start3A_15 : memref<10240x64xf32, #tpu.memory_space<hbm>>) target(%dma_start3A_5 : memref<128x64xf32, #tpu.memory_space<vmem>>) offsets(%dma_start3A_8 : memref<128xi32, #tpu.memory_space<vmem>>) semaphore(%dma_start3A_17 : memref<!tpu.dma_semaphore, #tpu.memory_space<semaphore_mem>>)
    %dma_start3A_18 = arith.constant 1 : i32
    %dma_start3A_19 = arith.constant 1 : i32
    %dma_start3A_20 = arith.constant 1 : i32
    %dma_start3A_21 = arith.constant 0 : i32
    %dma_start3A_22 = arith.constant 0 : i32
    %dma_start3A_23 = tpu.memref_slice %arg8[%dma_start3A_19, %dma_start3A_21, %dma_start3A_22] : memref<4x128x64xf32, #tpu.memory_space<vmem>> -> memref<1x128x64xf32, #tpu.memory_space<vmem>>
    %dma_start3A_24 = tpu.memref_squeeze %dma_start3A_23 : memref<1x128x64xf32, #tpu.memory_space<vmem>> -> memref<128x64xf32, #tpu.memory_space<vmem>>
    %dma_start3A_25 = arith.constant 0 : i32
    %dma_start3A_26 = tpu.memref_slice %arg6[%dma_start3A_18, %dma_start3A_25] : memref<160x128xi32, #tpu.memory_space<vmem>> -> memref<1x128xi32, #tpu.memory_space<vmem>>
    %dma_start3A_27 = tpu.memref_squeeze %dma_start3A_26 : memref<1x128xi32, #tpu.memory_space<vmem>> -> memref<128xi32, #tpu.memory_space<vmem>>
    %dma_start3A_28 = arith.constant 0 : i32
    %dma_start3A_29 = arith.constant 0 : i32
    %dma_start3A_30 = tpu.memref_slice %arg2[%arg0, %dma_start3A_28, %dma_start3A_29] : memref<2x10240x64xf32, #tpu.memory_space<hbm>> -> memref<1x10240x64xf32, #tpu.memory_space<hbm>>
    %dma_start3A_31 = tpu.memref_squeeze %dma_start3A_30 : memref<1x10240x64xf32, #tpu.memory_space<hbm>> -> memref<10240x64xf32, #tpu.memory_space<hbm>>
    %dma_start3A_32 = arith.constant 0 : i32
    %dma_start3A_33 = arith.constant 0 : i32
    %dma_start3A_34 = tpu.memref_slice %dma_start3A_31[%dma_start3A_32, %dma_start3A_33] : memref<10240x64xf32, #tpu.memory_space<hbm>> -> memref<10240x64xf32, #tpu.memory_space<hbm>>
    %dma_start3A_35 = tpu.memref_slice %arg11[%dma_start3A_20] : memref<4x!tpu.dma_semaphore, #tpu.memory_space<semaphore_mem>> -> memref<1x!tpu.dma_semaphore, #tpu.memory_space<semaphore_mem>>
    %dma_start3A_36 = tpu.memref_squeeze %dma_start3A_35 : memref<1x!tpu.dma_semaphore, #tpu.memory_space<semaphore_mem>> -> memref<!tpu.dma_semaphore, #tpu.memory_space<semaphore_mem>>
    tpu.enqueue_indirect_dma source(%dma_start3A_34 : memref<10240x64xf32, #tpu.memory_space<hbm>>) target(%dma_start3A_24 : memref<128x64xf32, #tpu.memory_space<vmem>>) offsets(%dma_start3A_27 : memref<128xi32, #tpu.memory_space<vmem>>) semaphore(%dma_start3A_36 : memref<!tpu.dma_semaphore, #tpu.memory_space<semaphore_mem>>)
    %dma_start3A_37 = arith.constant 2 : i32
    %dma_start3A_38 = arith.constant 2 : i32
    %dma_start3A_39 = arith.constant 2 : i32
    %dma_start3A_40 = arith.constant 0 : i32
    %dma_start3A_41 = arith.constant 0 : i32
    %dma_start3A_42 = tpu.memref_slice %arg8[%dma_start3A_38, %dma_start3A_40, %dma_start3A_41] : memref<4x128x64xf32, #tpu.memory_space<vmem>> -> memref<1x128x64xf32, #tpu.memory_space<vmem>>
    %dma_start3A_43 = tpu.memref_squeeze %dma_start3A_42 : memref<1x128x64xf32, #tpu.memory_space<vmem>> -> memref<128x64xf32, #tpu.memory_space<vmem>>
    %dma_start3A_44 = arith.constant 0 : i32
    %dma_start3A_45 = tpu.memref_slice %arg6[%dma_start3A_37, %dma_start3A_44] : memref<160x128xi32, #tpu.memory_space<vmem>> -> memref<1x128xi32, #tpu.memory_space<vmem>>
    %dma_start3A_46 = tpu.memref_squeeze %dma_start3A_45 : memref<1x128xi32, #tpu.memory_space<vmem>> -> memref<128xi32, #tpu.memory_space<vmem>>
    %dma_start3A_47 = arith.constant 0 : i32
    %dma_start3A_48 = arith.constant 0 : i32
    %dma_start3A_49 = tpu.memref_slice %arg2[%arg0, %dma_start3A_47, %dma_start3A_48] : memref<2x10240x64xf32, #tpu.memory_space<hbm>> -> memref<1x10240x64xf32, #tpu.memory_space<hbm>>
    %dma_start3A_50 = tpu.memref_squeeze %dma_start3A_49 : memref<1x10240x64xf32, #tpu.memory_space<hbm>> -> memref<10240x64xf32, #tpu.memory_space<hbm>>
    %dma_start3A_51 = arith.constant 0 : i32
    %dma_start3A_52 = arith.constant 0 : i32
    %dma_start3A_53 = tpu.memref_slice %dma_start3A_50[%dma_start3A_51, %dma_start3A_52] : memref<10240x64xf32, #tpu.memory_space<hbm>> -> memref<10240x64xf32, #tpu.memory_space<hbm>>
    %dma_start3A_54 = tpu.memref_slice %arg11[%dma_start3A_39] : memref<4x!tpu.dma_semaphore, #tpu.memory_space<semaphore_mem>> -> memref<1x!tpu.dma_semaphore, #tpu.memory_space<semaphore_mem>>
    %dma_start3A_55 = tpu.memref_squeeze %dma_start3A_54 : memref<1x!tpu.dma_semaphore, #tpu.memory_space<semaphore_mem>> -> memref<!tpu.dma_semaphore, #tpu.memory_space<semaphore_mem>>
    tpu.enqueue_indirect_dma source(%dma_start3A_53 : memref<10240x64xf32, #tpu.memory_space<hbm>>) target(%dma_start3A_43 : memref<128x64xf32, #tpu.memory_space<vmem>>) offsets(%dma_start3A_46 : memref<128xi32, #tpu.memory_space<vmem>>) semaphore(%dma_start3A_55 : memref<!tpu.dma_semaphore, #tpu.memory_space<semaphore_mem>>)
    %dma_start3A_56 = arith.constant 3 : i32
    %dma_start3A_57 = arith.constant 3 : i32
    %dma_start3A_58 = arith.constant 3 : i32
    %dma_start3A_59 = arith.constant 0 : i32
    %dma_start3A_60 = arith.constant 0 : i32
    %dma_start3A_61 = tpu.memref_slice %arg8[%dma_start3A_57, %dma_start3A_59, %dma_start3A_60] : memref<4x128x64xf32, #tpu.memory_space<vmem>> -> memref<1x128x64xf32, #tpu.memory_space<vmem>>
    %dma_start3A_62 = tpu.memref_squeeze %dma_start3A_61 : memref<1x128x64xf32, #tpu.memory_space<vmem>> -> memref<128x64xf32, #tpu.memory_space<vmem>>
    %dma_start3A_63 = arith.constant 0 : i32
    %dma_start3A_64 = tpu.memref_slice %arg6[%dma_start3A_56, %dma_start3A_63] : memref<160x128xi32, #tpu.memory_space<vmem>> -> memref<1x128xi32, #tpu.memory_space<vmem>>
    %dma_start3A_65 = tpu.memref_squeeze %dma_start3A_64 : memref<1x128xi32, #tpu.memory_space<vmem>> -> memref<128xi32, #tpu.memory_space<vmem>>
    %dma_start3A_66 = arith.constant 0 : i32
    %dma_start3A_67 = arith.constant 0 : i32
    %dma_start3A_68 = tpu.memref_slice %arg2[%arg0, %dma_start3A_66, %dma_start3A_67] : memref<2x10240x64xf32, #tpu.memory_space<hbm>> -> memref<1x10240x64xf32, #tpu.memory_space<hbm>>
    %dma_start3A_69 = tpu.memref_squeeze %dma_start3A_68 : memref<1x10240x64xf32, #tpu.memory_space<hbm>> -> memref<10240x64xf32, #tpu.memory_space<hbm>>
    %dma_start3A_70 = arith.constant 0 : i32
    %dma_start3A_71 = arith.constant 0 : i32
    %dma_start3A_72 = tpu.memref_slice %dma_start3A_69[%dma_start3A_70, %dma_start3A_71] : memref<10240x64xf32, #tpu.memory_space<hbm>> -> memref<10240x64xf32, #tpu.memory_space<hbm>>
    %dma_start3A_73 = tpu.memref_slice %arg11[%dma_start3A_58] : memref<4x!tpu.dma_semaphore, #tpu.memory_space<semaphore_mem>> -> memref<1x!tpu.dma_semaphore, #tpu.memory_space<semaphore_mem>>
    %dma_start3A_74 = tpu.memref_squeeze %dma_start3A_73 : memref<1x!tpu.dma_semaphore, #tpu.memory_space<semaphore_mem>> -> memref<!tpu.dma_semaphore, #tpu.memory_space<semaphore_mem>>
    tpu.enqueue_indirect_dma source(%dma_start3A_72 : memref<10240x64xf32, #tpu.memory_space<hbm>>) target(%dma_start3A_62 : memref<128x64xf32, #tpu.memory_space<vmem>>) offsets(%dma_start3A_65 : memref<128xi32, #tpu.memory_space<vmem>>) semaphore(%dma_start3A_74 : memref<!tpu.dma_semaphore, #tpu.memory_space<semaphore_mem>>)
    %scan3A = arith.constant 0 : i32
    %scan3A_75 = arith.constant 64 : i32
    %scan3A_76 = arith.addi %scan3A, %scan3A_75 : i32
    %scan3A_77 = arith.constant 1 : i32
    scf.for %scan3A_237 = %scan3A to %scan3A_76 step %scan3A_77  : i32 {
      %mul3A_238 = arith.constant 1 : i32
      %mul3A_239 = arith.muli %scan3A_237, %mul3A_238 : i32
      %add3A_240 = arith.constant 0 : i32
      %add3A_241 = arith.addi %add3A_240, %mul3A_239 : i32
      %broadcast_in_dim3A = arith.constant 0.000000e+00 : f32
      %broadcast_in_dim3A_242 = vector.broadcast %broadcast_in_dim3A : f32 to vector<16xf32>
      %swap3A = arith.index_cast %add3A_241 : i32 to index
      %swap3A_243 = arith.constant 0 : index
      %swap3A_244 = tpu.vector_load %arg9[%swap3A, %swap3A_243] {strides = array<i32>} : memref<64x64xf32, #tpu.memory_space<vmem>>, vector<16xf32>,
      tpu.vector_store %arg9[%swap3A, %swap3A_243], %broadcast_in_dim3A_242 {strides = array<i32>} : memref<64x64xf32, #tpu.memory_space<vmem>>, vector<16xf32>,
      %broadcast_in_dim3A_245 = arith.constant 0.000000e+00 : f32
      %broadcast_in_dim3A_246 = vector.broadcast %broadcast_in_dim3A_245 : f32 to vector<16xf32>
      %swap3A_247 = arith.index_cast %add3A_241 : i32 to index
      %swap3A_248 = arith.constant 16 : index
      %swap3A_249 = tpu.vector_load %arg9[%swap3A_247, %swap3A_248] {strides = array<i32>} : memref<64x64xf32, #tpu.memory_space<vmem>>, vector<16xf32>,
      tpu.vector_store %arg9[%swap3A_247, %swap3A_248], %broadcast_in_dim3A_246 {strides = array<i32>} : memref<64x64xf32, #tpu.memory_space<vmem>>, vector<16xf32>,
      %broadcast_in_dim3A_250 = arith.constant 0.000000e+00 : f32
      %broadcast_in_dim3A_251 = vector.broadcast %broadcast_in_dim3A_250 : f32 to vector<16xf32>
      %swap3A_252 = arith.index_cast %add3A_241 : i32 to index
      %swap3A_253 = arith.constant 32 : index
      %swap3A_254 = tpu.vector_load %arg9[%swap3A_252, %swap3A_253] {strides = array<i32>} : memref<64x64xf32, #tpu.memory_space<vmem>>, vector<16xf32>,
      tpu.vector_store %arg9[%swap3A_252, %swap3A_253], %broadcast_in_dim3A_251 {strides = array<i32>} : memref<64x64xf32, #tpu.memory_space<vmem>>, vector<16xf32>,
      %broadcast_in_dim3A_255 = arith.constant 0.000000e+00 : f32
      %broadcast_in_dim3A_256 = vector.broadcast %broadcast_in_dim3A_255 : f32 to vector<16xf32>
      %swap3A_257 = arith.index_cast %add3A_241 : i32 to index
      %swap3A_258 = arith.constant 48 : index
      %swap3A_259 = tpu.vector_load %arg9[%swap3A_257, %swap3A_258] {strides = array<i32>} : memref<64x64xf32, #tpu.memory_space<vmem>>, vector<16xf32>,
      tpu.vector_store %arg9[%swap3A_257, %swap3A_258], %broadcast_in_dim3A_256 {strides = array<i32>} : memref<64x64xf32, #tpu.memory_space<vmem>>, vector<16xf32>,
    }
    %scan3A_78 = arith.constant 64 : i32
    %mul3A = arith.constant 640 : i32
    %mul3A_79 = arith.muli %arg1, %mul3A : i32
    %add3A = arith.constant 0 : i32
    %add3A_80 = arith.addi %mul3A_79, %add3A : i32
    "tpu.region"() ({
      %run_scoped3A_237 = tpu.sem_alloc : memref<!tpu.dma_semaphore, #tpu.memory_space<semaphore_mem>>
      %dma_start3A_238 = arith.constant 0 : i32
      %dma_start3A_239 = tpu.memref_slice %arg10[%add3A_80, %dma_start3A_238] : memref<10240x64xf32, #tpu.memory_space<vmem_shared>> -> memref<64x64xf32, #tpu.memory_space<vmem_shared>>
      %dma_start3A_240 = arith.constant 0 : i32
      %dma_start3A_241 = tpu.memref_slice %arg10[%add3A_80, %dma_start3A_240] : memref<10240x64xf32, #tpu.memory_space<vmem_shared>> -> memref<64x64xf32, #tpu.memory_space<vmem_shared>>
      tpu.enqueue_dma source(%arg9 : memref<64x64xf32, #tpu.memory_space<vmem>>) target(%dma_start3A_241 : memref<64x64xf32, #tpu.memory_space<vmem_shared>>) target_semaphore(%run_scoped3A_237 : memref<!tpu.dma_semaphore, #tpu.memory_space<semaphore_mem>>)
      %dma_wait3A_242 = arith.constant 0 : i32
      %dma_wait3A_243 = tpu.memref_slice %arg10[%add3A_80, %dma_wait3A_242] : memref<10240x64xf32, #tpu.memory_space<vmem_shared>> -> memref<64x64xf32, #tpu.memory_space<vmem_shared>>
      %dma_wait3A_244 = arith.constant 0 : i32
      %dma_wait3A_245 = tpu.memref_slice %arg10[%add3A_80, %dma_wait3A_244] : memref<10240x64xf32, #tpu.memory_space<vmem_shared>> -> memref<64x64xf32, #tpu.memory_space<vmem_shared>>
      tpu.wait_dma2 semaphore(%run_scoped3A_237 : memref<!tpu.dma_semaphore, #tpu.memory_space<semaphore_mem>>) src(%arg9 : memref<64x64xf32, #tpu.memory_space<vmem>>) dst(%dma_wait3A_245 : memref<64x64xf32, #tpu.memory_space<vmem_shared>>)
      tpu.yield
    }) : () -> ()
    %mul3A_81 = arith.constant 640 : i32
    %mul3A_82 = arith.muli %arg1, %mul3A_81 : i32
    %add3A_83 = arith.constant 64 : i32
    %add3A_84 = arith.addi %mul3A_82, %add3A_83 : i32
    "tpu.region"() ({
      %run_scoped3A_237 = tpu.sem_alloc : memref<!tpu.dma_semaphore, #tpu.memory_space<semaphore_mem>>
      %dma_start3A_238 = arith.constant 0 : i32
      %dma_start3A_239 = tpu.memref_slice %arg10[%add3A_84, %dma_start3A_238] : memref<10240x64xf32, #tpu.memory_space<vmem_shared>> -> memref<64x64xf32, #tpu.memory_space<vmem_shared>>
      %dma_start3A_240 = arith.constant 0 : i32
      %dma_start3A_241 = tpu.memref_slice %arg10[%add3A_84, %dma_start3A_240] : memref<10240x64xf32, #tpu.memory_space<vmem_shared>> -> memref<64x64xf32, #tpu.memory_space<vmem_shared>>
      tpu.enqueue_dma source(%arg9 : memref<64x64xf32, #tpu.memory_space<vmem>>) target(%dma_start3A_241 : memref<64x64xf32, #tpu.memory_space<vmem_shared>>) target_semaphore(%run_scoped3A_237 : memref<!tpu.dma_semaphore, #tpu.memory_space<semaphore_mem>>)
      %dma_wait3A_242 = arith.constant 0 : i32
      %dma_wait3A_243 = tpu.memref_slice %arg10[%add3A_84, %dma_wait3A_242] : memref<10240x64xf32, #tpu.memory_space<vmem_shared>> -> memref<64x64xf32, #tpu.memory_space<vmem_shared>>
      %dma_wait3A_244 = arith.constant 0 : i32
      %dma_wait3A_245 = tpu.memref_slice %arg10[%add3A_84, %dma_wait3A_244] : memref<10240x64xf32, #tpu.memory_space<vmem_shared>> -> memref<64x64xf32, #tpu.memory_space<vmem_shared>>
      tpu.wait_dma2 semaphore(%run_scoped3A_237 : memref<!tpu.dma_semaphore, #tpu.memory_space<semaphore_mem>>) src(%arg9 : memref<64x64xf32, #tpu.memory_space<vmem>>) dst(%dma_wait3A_245 : memref<64x64xf32, #tpu.memory_space<vmem_shared>>)
      tpu.yield
    }) : () -> ()
    %mul3A_85 = arith.constant 640 : i32
    %mul3A_86 = arith.muli %arg1, %mul3A_85 : i32
    %add3A_87 = arith.constant 128 : i32
    %add3A_88 = arith.addi %mul3A_86, %add3A_87 : i32
    "tpu.region"() ({
      %run_scoped3A_237 = tpu.sem_alloc : memref<!tpu.dma_semaphore, #tpu.memory_space<semaphore_mem>>
      %dma_start3A_238 = arith.constant 0 : i32
      %dma_start3A_239 = tpu.memref_slice %arg10[%add3A_88, %dma_start3A_238] : memref<10240x64xf32, #tpu.memory_space<vmem_shared>> -> memref<64x64xf32, #tpu.memory_space<vmem_shared>>
      %dma_start3A_240 = arith.constant 0 : i32
      %dma_start3A_241 = tpu.memref_slice %arg10[%add3A_88, %dma_start3A_240] : memref<10240x64xf32, #tpu.memory_space<vmem_shared>> -> memref<64x64xf32, #tpu.memory_space<vmem_shared>>
      tpu.enqueue_dma source(%arg9 : memref<64x64xf32, #tpu.memory_space<vmem>>) target(%dma_start3A_241 : memref<64x64xf32, #tpu.memory_space<vmem_shared>>) target_semaphore(%run_scoped3A_237 : memref<!tpu.dma_semaphore, #tpu.memory_space<semaphore_mem>>)
      %dma_wait3A_242 = arith.constant 0 : i32
      %dma_wait3A_243 = tpu.memref_slice %arg10[%add3A_88, %dma_wait3A_242] : memref<10240x64xf32, #tpu.memory_space<vmem_shared>> -> memref<64x64xf32, #tpu.memory_space<vmem_shared>>
      %dma_wait3A_244 = arith.constant 0 : i32
      %dma_wait3A_245 = tpu.memref_slice %arg10[%add3A_88, %dma_wait3A_244] : memref<10240x64xf32, #tpu.memory_space<vmem_shared>> -> memref<64x64xf32, #tpu.memory_space<vmem_shared>>
      tpu.wait_dma2 semaphore(%run_scoped3A_237 : memref<!tpu.dma_semaphore, #tpu.memory_space<semaphore_mem>>) src(%arg9 : memref<64x64xf32, #tpu.memory_space<vmem>>) dst(%dma_wait3A_245 : memref<64x64xf32, #tpu.memory_space<vmem_shared>>)
      tpu.yield
    }) : () -> ()
    %mul3A_89 = arith.constant 640 : i32
    %mul3A_90 = arith.muli %arg1, %mul3A_89 : i32
    %add3A_91 = arith.constant 192 : i32
    %add3A_92 = arith.addi %mul3A_90, %add3A_91 : i32
    "tpu.region"() ({
      %run_scoped3A_237 = tpu.sem_alloc : memref<!tpu.dma_semaphore, #tpu.memory_space<semaphore_mem>>
      %dma_start3A_238 = arith.constant 0 : i32
      %dma_start3A_239 = tpu.memref_slice %arg10[%add3A_92, %dma_start3A_238] : memref<10240x64xf32, #tpu.memory_space<vmem_shared>> -> memref<64x64xf32, #tpu.memory_space<vmem_shared>>
      %dma_start3A_240 = arith.constant 0 : i32
      %dma_start3A_241 = tpu.memref_slice %arg10[%add3A_92, %dma_start3A_240] : memref<10240x64xf32, #tpu.memory_space<vmem_shared>> -> memref<64x64xf32, #tpu.memory_space<vmem_shared>>
      tpu.enqueue_dma source(%arg9 : memref<64x64xf32, #tpu.memory_space<vmem>>) target(%dma_start3A_241 : memref<64x64xf32, #tpu.memory_space<vmem_shared>>) target_semaphore(%run_scoped3A_237 : memref<!tpu.dma_semaphore, #tpu.memory_space<semaphore_mem>>)
      %dma_wait3A_242 = arith.constant 0 : i32
      %dma_wait3A_243 = tpu.memref_slice %arg10[%add3A_92, %dma_wait3A_242] : memref<10240x64xf32, #tpu.memory_space<vmem_shared>> -> memref<64x64xf32, #tpu.memory_space<vmem_shared>>
      %dma_wait3A_244 = arith.constant 0 : i32
      %dma_wait3A_245 = tpu.memref_slice %arg10[%add3A_92, %dma_wait3A_244] : memref<10240x64xf32, #tpu.memory_space<vmem_shared>> -> memref<64x64xf32, #tpu.memory_space<vmem_shared>>
      tpu.wait_dma2 semaphore(%run_scoped3A_237 : memref<!tpu.dma_semaphore, #tpu.memory_space<semaphore_mem>>) src(%arg9 : memref<64x64xf32, #tpu.memory_space<vmem>>) dst(%dma_wait3A_245 : memref<64x64xf32, #tpu.memory_space<vmem_shared>>)
      tpu.yield
    }) : () -> ()
    %mul3A_93 = arith.constant 640 : i32
    %mul3A_94 = arith.muli %arg1, %mul3A_93 : i32
    %add3A_95 = arith.constant 256 : i32
    %add3A_96 = arith.addi %mul3A_94, %add3A_95 : i32
    "tpu.region"() ({
      %run_scoped3A_237 = tpu.sem_alloc : memref<!tpu.dma_semaphore, #tpu.memory_space<semaphore_mem>>
      %dma_start3A_238 = arith.constant 0 : i32
      %dma_start3A_239 = tpu.memref_slice %arg10[%add3A_96, %dma_start3A_238] : memref<10240x64xf32, #tpu.memory_space<vmem_shared>> -> memref<64x64xf32, #tpu.memory_space<vmem_shared>>
      %dma_start3A_240 = arith.constant 0 : i32
      %dma_start3A_241 = tpu.memref_slice %arg10[%add3A_96, %dma_start3A_240] : memref<10240x64xf32, #tpu.memory_space<vmem_shared>> -> memref<64x64xf32, #tpu.memory_space<vmem_shared>>
      tpu.enqueue_dma source(%arg9 : memref<64x64xf32, #tpu.memory_space<vmem>>) target(%dma_start3A_241 : memref<64x64xf32, #tpu.memory_space<vmem_shared>>) target_semaphore(%run_scoped3A_237 : memref<!tpu.dma_semaphore, #tpu.memory_space<semaphore_mem>>)
      %dma_wait3A_242 = arith.constant 0 : i32
      %dma_wait3A_243 = tpu.memref_slice %arg10[%add3A_96, %dma_wait3A_242] : memref<10240x64xf32, #tpu.memory_space<vmem_shared>> -> memref<64x64xf32, #tpu.memory_space<vmem_shared>>
      %dma_wait3A_244 = arith.constant 0 : i32
      %dma_wait3A_245 = tpu.memref_slice %arg10[%add3A_96, %dma_wait3A_244] : memref<10240x64xf32, #tpu.memory_space<vmem_shared>> -> memref<64x64xf32, #tpu.memory_space<vmem_shared>>
      tpu.wait_dma2 semaphore(%run_scoped3A_237 : memref<!tpu.dma_semaphore, #tpu.memory_space<semaphore_mem>>) src(%arg9 : memref<64x64xf32, #tpu.memory_space<vmem>>) dst(%dma_wait3A_245 : memref<64x64xf32, #tpu.memory_space<vmem_shared>>)
      tpu.yield
    }) : () -> ()
    %mul3A_97 = arith.constant 640 : i32
    %mul3A_98 = arith.muli %arg1, %mul3A_97 : i32
    %add3A_99 = arith.constant 320 : i32
    %add3A_100 = arith.addi %mul3A_98, %add3A_99 : i32
    "tpu.region"() ({
      %run_scoped3A_237 = tpu.sem_alloc : memref<!tpu.dma_semaphore, #tpu.memory_space<semaphore_mem>>
      %dma_start3A_238 = arith.constant 0 : i32
      %dma_start3A_239 = tpu.memref_slice %arg10[%add3A_100, %dma_start3A_238] : memref<10240x64xf32, #tpu.memory_space<vmem_shared>> -> memref<64x64xf32, #tpu.memory_space<vmem_shared>>
      %dma_start3A_240 = arith.constant 0 : i32
      %dma_start3A_241 = tpu.memref_slice %arg10[%add3A_100, %dma_start3A_240] : memref<10240x64xf32, #tpu.memory_space<vmem_shared>> -> memref<64x64xf32, #tpu.memory_space<vmem_shared>>
      tpu.enqueue_dma source(%arg9 : memref<64x64xf32, #tpu.memory_space<vmem>>) target(%dma_start3A_241 : memref<64x64xf32, #tpu.memory_space<vmem_shared>>) target_semaphore(%run_scoped3A_237 : memref<!tpu.dma_semaphore, #tpu.memory_space<semaphore_mem>>)
      %dma_wait3A_242 = arith.constant 0 : i32
      %dma_wait3A_243 = tpu.memref_slice %arg10[%add3A_100, %dma_wait3A_242] : memref<10240x64xf32, #tpu.memory_space<vmem_shared>> -> memref<64x64xf32, #tpu.memory_space<vmem_shared>>
      %dma_wait3A_244 = arith.constant 0 : i32
      %dma_wait3A_245 = tpu.memref_slice %arg10[%add3A_100, %dma_wait3A_244] : memref<10240x64xf32, #tpu.memory_space<vmem_shared>> -> memref<64x64xf32, #tpu.memory_space<vmem_shared>>
      tpu.wait_dma2 semaphore(%run_scoped3A_237 : memref<!tpu.dma_semaphore, #tpu.memory_space<semaphore_mem>>) src(%arg9 : memref<64x64xf32, #tpu.memory_space<vmem>>) dst(%dma_wait3A_245 : memref<64x64xf32, #tpu.memory_space<vmem_shared>>)
      tpu.yield
    }) : () -> ()
    %mul3A_101 = arith.constant 640 : i32
    %mul3A_102 = arith.muli %arg1, %mul3A_101 : i32
    %add3A_103 = arith.constant 384 : i32
    %add3A_104 = arith.addi %mul3A_102, %add3A_103 : i32
    "tpu.region"() ({
      %run_scoped3A_237 = tpu.sem_alloc : memref<!tpu.dma_semaphore, #tpu.memory_space<semaphore_mem>>
      %dma_start3A_238 = arith.constant 0 : i32
      %dma_start3A_239 = tpu.memref_slice %arg10[%add3A_104, %dma_start3A_238] : memref<10240x64xf32, #tpu.memory_space<vmem_shared>> -> memref<64x64xf32, #tpu.memory_space<vmem_shared>>
      %dma_start3A_240 = arith.constant 0 : i32
      %dma_start3A_241 = tpu.memref_slice %arg10[%add3A_104, %dma_start3A_240] : memref<10240x64xf32, #tpu.memory_space<vmem_shared>> -> memref<64x64xf32, #tpu.memory_space<vmem_shared>>
      tpu.enqueue_dma source(%arg9 : memref<64x64xf32, #tpu.memory_space<vmem>>) target(%dma_start3A_241 : memref<64x64xf32, #tpu.memory_space<vmem_shared>>) target_semaphore(%run_scoped3A_237 : memref<!tpu.dma_semaphore, #tpu.memory_space<semaphore_mem>>)
      %dma_wait3A_242 = arith.constant 0 : i32
      %dma_wait3A_243 = tpu.memref_slice %arg10[%add3A_104, %dma_wait3A_242] : memref<10240x64xf32, #tpu.memory_space<vmem_shared>> -> memref<64x64xf32, #tpu.memory_space<vmem_shared>>
      %dma_wait3A_244 = arith.constant 0 : i32
      %dma_wait3A_245 = tpu.memref_slice %arg10[%add3A_104, %dma_wait3A_244] : memref<10240x64xf32, #tpu.memory_space<vmem_shared>> -> memref<64x64xf32, #tpu.memory_space<vmem_shared>>
      tpu.wait_dma2 semaphore(%run_scoped3A_237 : memref<!tpu.dma_semaphore, #tpu.memory_space<semaphore_mem>>) src(%arg9 : memref<64x64xf32, #tpu.memory_space<vmem>>) dst(%dma_wait3A_245 : memref<64x64xf32, #tpu.memory_space<vmem_shared>>)
      tpu.yield
    }) : () -> ()
    %mul3A_105 = arith.constant 640 : i32
    %mul3A_106 = arith.muli %arg1, %mul3A_105 : i32
    %add3A_107 = arith.constant 448 : i32
    %add3A_108 = arith.addi %mul3A_106, %add3A_107 : i32
    "tpu.region"() ({
      %run_scoped3A_237 = tpu.sem_alloc : memref<!tpu.dma_semaphore, #tpu.memory_space<semaphore_mem>>
      %dma_start3A_238 = arith.constant 0 : i32
      %dma_start3A_239 = tpu.memref_slice %arg10[%add3A_108, %dma_start3A_238] : memref<10240x64xf32, #tpu.memory_space<vmem_shared>> -> memref<64x64xf32, #tpu.memory_space<vmem_shared>>
      %dma_start3A_240 = arith.constant 0 : i32
      %dma_start3A_241 = tpu.memref_slice %arg10[%add3A_108, %dma_start3A_240] : memref<10240x64xf32, #tpu.memory_space<vmem_shared>> -> memref<64x64xf32, #tpu.memory_space<vmem_shared>>
      tpu.enqueue_dma source(%arg9 : memref<64x64xf32, #tpu.memory_space<vmem>>) target(%dma_start3A_241 : memref<64x64xf32, #tpu.memory_space<vmem_shared>>) target_semaphore(%run_scoped3A_237 : memref<!tpu.dma_semaphore, #tpu.memory_space<semaphore_mem>>)
      %dma_wait3A_242 = arith.constant 0 : i32
      %dma_wait3A_243 = tpu.memref_slice %arg10[%add3A_108, %dma_wait3A_242] : memref<10240x64xf32, #tpu.memory_space<vmem_shared>> -> memref<64x64xf32, #tpu.memory_space<vmem_shared>>
      %dma_wait3A_244 = arith.constant 0 : i32
      %dma_wait3A_245 = tpu.memref_slice %arg10[%add3A_108, %dma_wait3A_244] : memref<10240x64xf32, #tpu.memory_space<vmem_shared>> -> memref<64x64xf32, #tpu.memory_space<vmem_shared>>
      tpu.wait_dma2 semaphore(%run_scoped3A_237 : memref<!tpu.dma_semaphore, #tpu.memory_space<semaphore_mem>>) src(%arg9 : memref<64x64xf32, #tpu.memory_space<vmem>>) dst(%dma_wait3A_245 : memref<64x64xf32, #tpu.memory_space<vmem_shared>>)
      tpu.yield
    }) : () -> ()
    %mul3A_109 = arith.constant 640 : i32
    %mul3A_110 = arith.muli %arg1, %mul3A_109 : i32
    %add3A_111 = arith.constant 512 : i32
    %add3A_112 = arith.addi %mul3A_110, %add3A_111 : i32
    "tpu.region"() ({
      %run_scoped3A_237 = tpu.sem_alloc : memref<!tpu.dma_semaphore, #tpu.memory_space<semaphore_mem>>
      %dma_start3A_238 = arith.constant 0 : i32
      %dma_start3A_239 = tpu.memref_slice %arg10[%add3A_112, %dma_start3A_238] : memref<10240x64xf32, #tpu.memory_space<vmem_shared>> -> memref<64x64xf32, #tpu.memory_space<vmem_shared>>
      %dma_start3A_240 = arith.constant 0 : i32
      %dma_start3A_241 = tpu.memref_slice %arg10[%add3A_112, %dma_start3A_240] : memref<10240x64xf32, #tpu.memory_space<vmem_shared>> -> memref<64x64xf32, #tpu.memory_space<vmem_shared>>
      tpu.enqueue_dma source(%arg9 : memref<64x64xf32, #tpu.memory_space<vmem>>) target(%dma_start3A_241 : memref<64x64xf32, #tpu.memory_space<vmem_shared>>) target_semaphore(%run_scoped3A_237 : memref<!tpu.dma_semaphore, #tpu.memory_space<semaphore_mem>>)
      %dma_wait3A_242 = arith.constant 0 : i32
      %dma_wait3A_243 = tpu.memref_slice %arg10[%add3A_112, %dma_wait3A_242] : memref<10240x64xf32, #tpu.memory_space<vmem_shared>> -> memref<64x64xf32, #tpu.memory_space<vmem_shared>>
      %dma_wait3A_244 = arith.constant 0 : i32
      %dma_wait3A_245 = tpu.memref_slice %arg10[%add3A_112, %dma_wait3A_244] : memref<10240x64xf32, #tpu.memory_space<vmem_shared>> -> memref<64x64xf32, #tpu.memory_space<vmem_shared>>
      tpu.wait_dma2 semaphore(%run_scoped3A_237 : memref<!tpu.dma_semaphore, #tpu.memory_space<semaphore_mem>>) src(%arg9 : memref<64x64xf32, #tpu.memory_space<vmem>>) dst(%dma_wait3A_245 : memref<64x64xf32, #tpu.memory_space<vmem_shared>>)
      tpu.yield
    }) : () -> ()
    %mul3A_113 = arith.constant 640 : i32
    %mul3A_114 = arith.muli %arg1, %mul3A_113 : i32
    %add3A_115 = arith.constant 576 : i32
    %add3A_116 = arith.addi %mul3A_114, %add3A_115 : i32
    "tpu.region"() ({
      %run_scoped3A_237 = tpu.sem_alloc : memref<!tpu.dma_semaphore, #tpu.memory_space<semaphore_mem>>
      %dma_start3A_238 = arith.constant 0 : i32
      %dma_start3A_239 = tpu.memref_slice %arg10[%add3A_116, %dma_start3A_238] : memref<10240x64xf32, #tpu.memory_space<vmem_shared>> -> memref<64x64xf32, #tpu.memory_space<vmem_shared>>
      %dma_start3A_240 = arith.constant 0 : i32
      %dma_start3A_241 = tpu.memref_slice %arg10[%add3A_116, %dma_start3A_240] : memref<10240x64xf32, #tpu.memory_space<vmem_shared>> -> memref<64x64xf32, #tpu.memory_space<vmem_shared>>
      tpu.enqueue_dma source(%arg9 : memref<64x64xf32, #tpu.memory_space<vmem>>) target(%dma_start3A_241 : memref<64x64xf32, #tpu.memory_space<vmem_shared>>) target_semaphore(%run_scoped3A_237 : memref<!tpu.dma_semaphore, #tpu.memory_space<semaphore_mem>>)
      %dma_wait3A_242 = arith.constant 0 : i32
      %dma_wait3A_243 = tpu.memref_slice %arg10[%add3A_116, %dma_wait3A_242] : memref<10240x64xf32, #tpu.memory_space<vmem_shared>> -> memref<64x64xf32, #tpu.memory_space<vmem_shared>>
      %dma_wait3A_244 = arith.constant 0 : i32
      %dma_wait3A_245 = tpu.memref_slice %arg10[%add3A_116, %dma_wait3A_244] : memref<10240x64xf32, #tpu.memory_space<vmem_shared>> -> memref<64x64xf32, #tpu.memory_space<vmem_shared>>
      tpu.wait_dma2 semaphore(%run_scoped3A_237 : memref<!tpu.dma_semaphore, #tpu.memory_space<semaphore_mem>>) src(%arg9 : memref<64x64xf32, #tpu.memory_space<vmem>>) dst(%dma_wait3A_245 : memref<64x64xf32, #tpu.memory_space<vmem_shared>>)
      tpu.yield
    }) : () -> ()
    %barrier3A = arith.constant 0 : index
    tpu.barrier barrier_id(%barrier3A)
    %scan3A_117 = arith.constant 0 : i32
    %scan3A_118 = arith.constant 39 : i32
    %scan3A_119 = arith.addi %scan3A_117, %scan3A_118 : i32
    %scan3A_120 = arith.constant 1 : i32
    scf.for %scan3A_237 = %scan3A_117 to %scan3A_119 step %scan3A_120  : i32 {
      %mul3A_238 = arith.constant 4 : i32
      %mul3A_239 = arith.muli %scan3A_237, %mul3A_238 : i32
      %add3A_240 = arith.constant 0 : i32
      %add3A_241 = arith.addi %add3A_240, %mul3A_239 : i32
      %add3A_242 = arith.constant 0 : i32
      %add3A_243 = arith.addi %add3A_241, %add3A_242 : i32
      %dma_wait3A_244 = arith.constant 0 : i32
      %dma_wait3A_245 = arith.constant 0 : i32
      %dma_wait3A_246 = arith.constant 0 : i32
      %dma_wait3A_247 = arith.constant 0 : i32
      %dma_wait3A_248 = tpu.memref_slice %arg8[%dma_wait3A_244, %dma_wait3A_246, %dma_wait3A_247] : memref<4x128x64xf32, #tpu.memory_space<vmem>> -> memref<1x128x64xf32, #tpu.memory_space<vmem>>
      %dma_wait3A_249 = tpu.memref_squeeze %dma_wait3A_248 : memref<1x128x64xf32, #tpu.memory_space<vmem>> -> memref<128x64xf32, #tpu.memory_space<vmem>>
      %dma_wait3A_250 = arith.constant 0 : i32
      %dma_wait3A_251 = tpu.memref_slice %arg6[%add3A_243, %dma_wait3A_250] : memref<160x128xi32, #tpu.memory_space<vmem>> -> memref<1x128xi32, #tpu.memory_space<vmem>>
      %dma_wait3A_252 = tpu.memref_squeeze %dma_wait3A_251 : memref<1x128xi32, #tpu.memory_space<vmem>> -> memref<128xi32, #tpu.memory_space<vmem>>
      %dma_wait3A_253 = arith.constant 0 : i32
      %dma_wait3A_254 = arith.constant 0 : i32
      %dma_wait3A_255 = tpu.memref_slice %arg2[%arg0, %dma_wait3A_253, %dma_wait3A_254] : memref<2x10240x64xf32, #tpu.memory_space<hbm>> -> memref<1x10240x64xf32, #tpu.memory_space<hbm>>
      %dma_wait3A_256 = tpu.memref_squeeze %dma_wait3A_255 : memref<1x10240x64xf32, #tpu.memory_space<hbm>> -> memref<10240x64xf32, #tpu.memory_space<hbm>>
      %dma_wait3A_257 = arith.constant 0 : i32
      %dma_wait3A_258 = arith.constant 0 : i32
      %dma_wait3A_259 = tpu.memref_slice %dma_wait3A_256[%dma_wait3A_257, %dma_wait3A_258] : memref<10240x64xf32, #tpu.memory_space<hbm>> -> memref<10240x64xf32, #tpu.memory_space<hbm>>
      %dma_wait3A_260 = tpu.memref_slice %arg11[%dma_wait3A_245] : memref<4x!tpu.dma_semaphore, #tpu.memory_space<semaphore_mem>> -> memref<1x!tpu.dma_semaphore, #tpu.memory_space<semaphore_mem>>
      %dma_wait3A_261 = tpu.memref_squeeze %dma_wait3A_260 : memref<1x!tpu.dma_semaphore, #tpu.memory_space<semaphore_mem>> -> memref<!tpu.dma_semaphore, #tpu.memory_space<semaphore_mem>>
      tpu.wait_indirect_dma semaphore(%dma_wait3A_261 : memref<!tpu.dma_semaphore, #tpu.memory_space<semaphore_mem>>) src(%dma_wait3A_259 : memref<10240x64xf32, #tpu.memory_space<hbm>>) dst(%dma_wait3A_249 : memref<128x64xf32, #tpu.memory_space<vmem>>)
      %run_scoped3A_262 = arith.constant 0 : i32
      "tpu.region"() ({
        %run_scoped3A_406 = tpu.sem_alloc : memref<!tpu.dma_semaphore, #tpu.memory_space<semaphore_mem>>
        %dma_start3A_407 = arith.constant 0 : i32
        %dma_start3A_408 = arith.constant 0 : i32
        %dma_start3A_409 = tpu.memref_slice %arg8[%run_scoped3A_262, %dma_start3A_407, %dma_start3A_408] : memref<4x128x64xf32, #tpu.memory_space<vmem>> -> memref<1x128x64xf32, #tpu.memory_space<vmem>>
        %dma_start3A_410 = tpu.memref_squeeze %dma_start3A_409 : memref<1x128x64xf32, #tpu.memory_space<vmem>> -> memref<128x64xf32, #tpu.memory_space<vmem>>
        %dma_start3A_411 = arith.constant 0 : i32
        %dma_start3A_412 = tpu.memref_slice %arg7[%add3A_243, %dma_start3A_411] : memref<160x128xi32, #tpu.memory_space<vmem>> -> memref<1x128xi32, #tpu.memory_space<vmem>>
        %dma_start3A_413 = tpu.memref_squeeze %dma_start3A_412 : memref<1x128xi32, #tpu.memory_space<vmem>> -> memref<128xi32, #tpu.memory_space<vmem>>
        %dma_start3A_414 = arith.constant 0 : i32
        %dma_start3A_415 = arith.constant 0 : i32
        %dma_start3A_416 = tpu.memref_slice %arg10[%dma_start3A_414, %dma_start3A_415] : memref<10240x64xf32, #tpu.memory_space<vmem_shared>> -> memref<10240x64xf32, #tpu.memory_space<vmem_shared>>
        tpu.enqueue_indirect_dma source(%dma_start3A_410 : memref<128x64xf32, #tpu.memory_space<vmem>>) target(%dma_start3A_416 : memref<10240x64xf32, #tpu.memory_space<vmem_shared>>) offsets(%dma_start3A_413 : memref<128xi32, #tpu.memory_space<vmem>>) semaphore(%run_scoped3A_406 : memref<!tpu.dma_semaphore, #tpu.memory_space<semaphore_mem>>) {add = true}
        %dma_wait3A_417 = arith.constant 0 : i32
        %dma_wait3A_418 = arith.constant 0 : i32
        %dma_wait3A_419 = tpu.memref_slice %arg8[%run_scoped3A_262, %dma_wait3A_417, %dma_wait3A_418] : memref<4x128x64xf32, #tpu.memory_space<vmem>> -> memref<1x128x64xf32, #tpu.memory_space<vmem>>
        %dma_wait3A_420 = tpu.memref_squeeze %dma_wait3A_419 : memref<1x128x64xf32, #tpu.memory_space<vmem>> -> memref<128x64xf32, #tpu.memory_space<vmem>>
        %dma_wait3A_421 = arith.constant 0 : i32
        %dma_wait3A_422 = tpu.memref_slice %arg7[%add3A_243, %dma_wait3A_421] : memref<160x128xi32, #tpu.memory_space<vmem>> -> memref<1x128xi32, #tpu.memory_space<vmem>>
        %dma_wait3A_423 = tpu.memref_squeeze %dma_wait3A_422 : memref<1x128xi32, #tpu.memory_space<vmem>> -> memref<128xi32, #tpu.memory_space<vmem>>
        %dma_wait3A_424 = arith.constant 0 : i32
        %dma_wait3A_425 = arith.constant 0 : i32
        %dma_wait3A_426 = tpu.memref_slice %arg10[%dma_wait3A_424, %dma_wait3A_425] : memref<10240x64xf32, #tpu.memory_space<vmem_shared>> -> memref<10240x64xf32, #tpu.memory_space<vmem_shared>>
        tpu.wait_indirect_dma semaphore(%run_scoped3A_406 : memref<!tpu.dma_semaphore, #tpu.memory_space<semaphore_mem>>) src(%dma_wait3A_420 : memref<128x64xf32, #tpu.memory_space<vmem>>) dst(%dma_wait3A_426 : memref<10240x64xf32, #tpu.memory_space<vmem_shared>>)
        tpu.yield
      }) : () -> ()
      %add3A_263 = arith.constant 4 : i32
      %add3A_264 = arith.addi %add3A_243, %add3A_263 : i32
      %dma_start3A_265 = arith.constant 0 : i32
      %dma_start3A_266 = arith.constant 0 : i32
      %dma_start3A_267 = arith.constant 0 : i32
      %dma_start3A_268 = arith.constant 0 : i32
      %dma_start3A_269 = tpu.memref_slice %arg8[%dma_start3A_265, %dma_start3A_267, %dma_start3A_268] : memref<4x128x64xf32, #tpu.memory_space<vmem>> -> memref<1x128x64xf32, #tpu.memory_space<vmem>>
      %dma_start3A_270 = tpu.memref_squeeze %dma_start3A_269 : memref<1x128x64xf32, #tpu.memory_space<vmem>> -> memref<128x64xf32, #tpu.memory_space<vmem>>
      %dma_start3A_271 = arith.constant 0 : i32
      %dma_start3A_272 = tpu.memref_slice %arg6[%add3A_264, %dma_start3A_271] : memref<160x128xi32, #tpu.memory_space<vmem>> -> memref<1x128xi32, #tpu.memory_space<vmem>>
      %dma_start3A_273 = tpu.memref_squeeze %dma_start3A_272 : memref<1x128xi32, #tpu.memory_space<vmem>> -> memref<128xi32, #tpu.memory_space<vmem>>
      %dma_start3A_274 = arith.constant 0 : i32
      %dma_start3A_275 = arith.constant 0 : i32
      %dma_start3A_276 = tpu.memref_slice %arg2[%arg0, %dma_start3A_274, %dma_start3A_275] : memref<2x10240x64xf32, #tpu.memory_space<hbm>> -> memref<1x10240x64xf32, #tpu.memory_space<hbm>>
      %dma_start3A_277 = tpu.memref_squeeze %dma_start3A_276 : memref<1x10240x64xf32, #tpu.memory_space<hbm>> -> memref<10240x64xf32, #tpu.memory_space<hbm>>
      %dma_start3A_278 = arith.constant 0 : i32
      %dma_start3A_279 = arith.constant 0 : i32
      %dma_start3A_280 = tpu.memref_slice %dma_start3A_277[%dma_start3A_278, %dma_start3A_279] : memref<10240x64xf32, #tpu.memory_space<hbm>> -> memref<10240x64xf32, #tpu.memory_space<hbm>>
      %dma_start3A_281 = tpu.memref_slice %arg11[%dma_start3A_266] : memref<4x!tpu.dma_semaphore, #tpu.memory_space<semaphore_mem>> -> memref<1x!tpu.dma_semaphore, #tpu.memory_space<semaphore_mem>>
      %dma_start3A_282 = tpu.memref_squeeze %dma_start3A_281 : memref<1x!tpu.dma_semaphore, #tpu.memory_space<semaphore_mem>> -> memref<!tpu.dma_semaphore, #tpu.memory_space<semaphore_mem>>
      tpu.enqueue_indirect_dma source(%dma_start3A_280 : memref<10240x64xf32, #tpu.memory_space<hbm>>) target(%dma_start3A_270 : memref<128x64xf32, #tpu.memory_space<vmem>>) offsets(%dma_start3A_273 : memref<128xi32, #tpu.memory_space<vmem>>) semaphore(%dma_start3A_282 : memref<!tpu.dma_semaphore, #tpu.memory_space<semaphore_mem>>)
      %add3A_283 = arith.constant 1 : i32
      %add3A_284 = arith.addi %add3A_241, %add3A_283 : i32
      %dma_wait3A_285 = arith.constant 1 : i32
      %dma_wait3A_286 = arith.constant 1 : i32
      %dma_wait3A_287 = arith.constant 0 : i32
      %dma_wait3A_288 = arith.constant 0 : i32
      %dma_wait3A_289 = tpu.memref_slice %arg8[%dma_wait3A_285, %dma_wait3A_287, %dma_wait3A_288] : memref<4x128x64xf32, #tpu.memory_space<vmem>> -> memref<1x128x64xf32, #tpu.memory_space<vmem>>
      %dma_wait3A_290 = tpu.memref_squeeze %dma_wait3A_289 : memref<1x128x64xf32, #tpu.memory_space<vmem>> -> memref<128x64xf32, #tpu.memory_space<vmem>>
      %dma_wait3A_291 = arith.constant 0 : i32
      %dma_wait3A_292 = tpu.memref_slice %arg6[%add3A_284, %dma_wait3A_291] : memref<160x128xi32, #tpu.memory_space<vmem>> -> memref<1x128xi32, #tpu.memory_space<vmem>>
      %dma_wait3A_293 = tpu.memref_squeeze %dma_wait3A_292 : memref<1x128xi32, #tpu.memory_space<vmem>> -> memref<128xi32, #tpu.memory_space<vmem>>
      %dma_wait3A_294 = arith.constant 0 : i32
      %dma_wait3A_295 = arith.constant 0 : i32
      %dma_wait3A_296 = tpu.memref_slice %arg2[%arg0, %dma_wait3A_294, %dma_wait3A_295] : memref<2x10240x64xf32, #tpu.memory_space<hbm>> -> memref<1x10240x64xf32, #tpu.memory_space<hbm>>
      %dma_wait3A_297 = tpu.memref_squeeze %dma_wait3A_296 : memref<1x10240x64xf32, #tpu.memory_space<hbm>> -> memref<10240x64xf32, #tpu.memory_space<hbm>>
      %dma_wait3A_298 = arith.constant 0 : i32
      %dma_wait3A_299 = arith.constant 0 : i32
      %dma_wait3A_300 = tpu.memref_slice %dma_wait3A_297[%dma_wait3A_298, %dma_wait3A_299] : memref<10240x64xf32, #tpu.memory_space<hbm>> -> memref<10240x64xf32, #tpu.memory_space<hbm>>
      %dma_wait3A_301 = tpu.memref_slice %arg11[%dma_wait3A_286] : memref<4x!tpu.dma_semaphore, #tpu.memory_space<semaphore_mem>> -> memref<1x!tpu.dma_semaphore, #tpu.memory_space<semaphore_mem>>
      %dma_wait3A_302 = tpu.memref_squeeze %dma_wait3A_301 : memref<1x!tpu.dma_semaphore, #tpu.memory_space<semaphore_mem>> -> memref<!tpu.dma_semaphore, #tpu.memory_space<semaphore_mem>>
      tpu.wait_indirect_dma semaphore(%dma_wait3A_302 : memref<!tpu.dma_semaphore, #tpu.memory_space<semaphore_mem>>) src(%dma_wait3A_300 : memref<10240x64xf32, #tpu.memory_space<hbm>>) dst(%dma_wait3A_290 : memref<128x64xf32, #tpu.memory_space<vmem>>)
      %run_scoped3A_303 = arith.constant 1 : i32
      "tpu.region"() ({
        %run_scoped3A_406 = tpu.sem_alloc : memref<!tpu.dma_semaphore, #tpu.memory_space<semaphore_mem>>
        %dma_start3A_407 = arith.constant 0 : i32
        %dma_start3A_408 = arith.constant 0 : i32
        %dma_start3A_409 = tpu.memref_slice %arg8[%run_scoped3A_303, %dma_start3A_407, %dma_start3A_408] : memref<4x128x64xf32, #tpu.memory_space<vmem>> -> memref<1x128x64xf32, #tpu.memory_space<vmem>>
        %dma_start3A_410 = tpu.memref_squeeze %dma_start3A_409 : memref<1x128x64xf32, #tpu.memory_space<vmem>> -> memref<128x64xf32, #tpu.memory_space<vmem>>
        %dma_start3A_411 = arith.constant 0 : i32
        %dma_start3A_412 = tpu.memref_slice %arg7[%add3A_284, %dma_start3A_411] : memref<160x128xi32, #tpu.memory_space<vmem>> -> memref<1x128xi32, #tpu.memory_space<vmem>>
        %dma_start3A_413 = tpu.memref_squeeze %dma_start3A_412 : memref<1x128xi32, #tpu.memory_space<vmem>> -> memref<128xi32, #tpu.memory_space<vmem>>
        %dma_start3A_414 = arith.constant 0 : i32
        %dma_start3A_415 = arith.constant 0 : i32
        %dma_start3A_416 = tpu.memref_slice %arg10[%dma_start3A_414, %dma_start3A_415] : memref<10240x64xf32, #tpu.memory_space<vmem_shared>> -> memref<10240x64xf32, #tpu.memory_space<vmem_shared>>
        tpu.enqueue_indirect_dma source(%dma_start3A_410 : memref<128x64xf32, #tpu.memory_space<vmem>>) target(%dma_start3A_416 : memref<10240x64xf32, #tpu.memory_space<vmem_shared>>) offsets(%dma_start3A_413 : memref<128xi32, #tpu.memory_space<vmem>>) semaphore(%run_scoped3A_406 : memref<!tpu.dma_semaphore, #tpu.memory_space<semaphore_mem>>) {add = true}
        %dma_wait3A_417 = arith.constant 0 : i32
        %dma_wait3A_418 = arith.constant 0 : i32
        %dma_wait3A_419 = tpu.memref_slice %arg8[%run_scoped3A_303, %dma_wait3A_417, %dma_wait3A_418] : memref<4x128x64xf32, #tpu.memory_space<vmem>> -> memref<1x128x64xf32, #tpu.memory_space<vmem>>
        %dma_wait3A_420 = tpu.memref_squeeze %dma_wait3A_419 : memref<1x128x64xf32, #tpu.memory_space<vmem>> -> memref<128x64xf32, #tpu.memory_space<vmem>>
        %dma_wait3A_421 = arith.constant 0 : i32
        %dma_wait3A_422 = tpu.memref_slice %arg7[%add3A_284, %dma_wait3A_421] : memref<160x128xi32, #tpu.memory_space<vmem>> -> memref<1x128xi32, #tpu.memory_space<vmem>>
        %dma_wait3A_423 = tpu.memref_squeeze %dma_wait3A_422 : memref<1x128xi32, #tpu.memory_space<vmem>> -> memref<128xi32, #tpu.memory_space<vmem>>
        %dma_wait3A_424 = arith.constant 0 : i32
        %dma_wait3A_425 = arith.constant 0 : i32
        %dma_wait3A_426 = tpu.memref_slice %arg10[%dma_wait3A_424, %dma_wait3A_425] : memref<10240x64xf32, #tpu.memory_space<vmem_shared>> -> memref<10240x64xf32, #tpu.memory_space<vmem_shared>>
        tpu.wait_indirect_dma semaphore(%run_scoped3A_406 : memref<!tpu.dma_semaphore, #tpu.memory_space<semaphore_mem>>) src(%dma_wait3A_420 : memref<128x64xf32, #tpu.memory_space<vmem>>) dst(%dma_wait3A_426 : memref<10240x64xf32, #tpu.memory_space<vmem_shared>>)
        tpu.yield
      }) : () -> ()
      %add3A_304 = arith.constant 4 : i32
      %add3A_305 = arith.addi %add3A_284, %add3A_304 : i32
      %dma_start3A_306 = arith.constant 1 : i32
      %dma_start3A_307 = arith.constant 1 : i32
      %dma_start3A_308 = arith.constant 0 : i32
      %dma_start3A_309 = arith.constant 0 : i32
      %dma_start3A_310 = tpu.memref_slice %arg8[%dma_start3A_306, %dma_start3A_308, %dma_start3A_309] : memref<4x128x64xf32, #tpu.memory_space<vmem>> -> memref<1x128x64xf32, #tpu.memory_space<vmem>>
      %dma_start3A_311 = tpu.memref_squeeze %dma_start3A_310 : memref<1x128x64xf32, #tpu.memory_space<vmem>> -> memref<128x64xf32, #tpu.memory_space<vmem>>
      %dma_start3A_312 = arith.constant 0 : i32
      %dma_start3A_313 = tpu.memref_slice %arg6[%add3A_305, %dma_start3A_312] : memref<160x128xi32, #tpu.memory_space<vmem>> -> memref<1x128xi32, #tpu.memory_space<vmem>>
      %dma_start3A_314 = tpu.memref_squeeze %dma_start3A_313 : memref<1x128xi32, #tpu.memory_space<vmem>> -> memref<128xi32, #tpu.memory_space<vmem>>
      %dma_start3A_315 = arith.constant 0 : i32
      %dma_start3A_316 = arith.constant 0 : i32
      %dma_start3A_317 = tpu.memref_slice %arg2[%arg0, %dma_start3A_315, %dma_start3A_316] : memref<2x10240x64xf32, #tpu.memory_space<hbm>> -> memref<1x10240x64xf32, #tpu.memory_space<hbm>>
      %dma_start3A_318 = tpu.memref_squeeze %dma_start3A_317 : memref<1x10240x64xf32, #tpu.memory_space<hbm>> -> memref<10240x64xf32, #tpu.memory_space<hbm>>
      %dma_start3A_319 = arith.constant 0 : i32
      %dma_start3A_320 = arith.constant 0 : i32
      %dma_start3A_321 = tpu.memref_slice %dma_start3A_318[%dma_start3A_319, %dma_start3A_320] : memref<10240x64xf32, #tpu.memory_space<hbm>> -> memref<10240x64xf32, #tpu.memory_space<hbm>>
      %dma_start3A_322 = tpu.memref_slice %arg11[%dma_start3A_307] : memref<4x!tpu.dma_semaphore, #tpu.memory_space<semaphore_mem>> -> memref<1x!tpu.dma_semaphore, #tpu.memory_space<semaphore_mem>>
      %dma_start3A_323 = tpu.memref_squeeze %dma_start3A_322 : memref<1x!tpu.dma_semaphore, #tpu.memory_space<semaphore_mem>> -> memref<!tpu.dma_semaphore, #tpu.memory_space<semaphore_mem>>
      tpu.enqueue_indirect_dma source(%dma_start3A_321 : memref<10240x64xf32, #tpu.memory_space<hbm>>) target(%dma_start3A_311 : memref<128x64xf32, #tpu.memory_space<vmem>>) offsets(%dma_start3A_314 : memref<128xi32, #tpu.memory_space<vmem>>) semaphore(%dma_start3A_323 : memref<!tpu.dma_semaphore, #tpu.memory_space<semaphore_mem>>)
      %add3A_324 = arith.constant 2 : i32
      %add3A_325 = arith.addi %add3A_241, %add3A_324 : i32
      %dma_wait3A_326 = arith.constant 2 : i32
      %dma_wait3A_327 = arith.constant 2 : i32
      %dma_wait3A_328 = arith.constant 0 : i32
      %dma_wait3A_329 = arith.constant 0 : i32
      %dma_wait3A_330 = tpu.memref_slice %arg8[%dma_wait3A_326, %dma_wait3A_328, %dma_wait3A_329] : memref<4x128x64xf32, #tpu.memory_space<vmem>> -> memref<1x128x64xf32, #tpu.memory_space<vmem>>
      %dma_wait3A_331 = tpu.memref_squeeze %dma_wait3A_330 : memref<1x128x64xf32, #tpu.memory_space<vmem>> -> memref<128x64xf32, #tpu.memory_space<vmem>>
      %dma_wait3A_332 = arith.constant 0 : i32
      %dma_wait3A_333 = tpu.memref_slice %arg6[%add3A_325, %dma_wait3A_332] : memref<160x128xi32, #tpu.memory_space<vmem>> -> memref<1x128xi32, #tpu.memory_space<vmem>>
      %dma_wait3A_334 = tpu.memref_squeeze %dma_wait3A_333 : memref<1x128xi32, #tpu.memory_space<vmem>> -> memref<128xi32, #tpu.memory_space<vmem>>
      %dma_wait3A_335 = arith.constant 0 : i32
      %dma_wait3A_336 = arith.constant 0 : i32
      %dma_wait3A_337 = tpu.memref_slice %arg2[%arg0, %dma_wait3A_335, %dma_wait3A_336] : memref<2x10240x64xf32, #tpu.memory_space<hbm>> -> memref<1x10240x64xf32, #tpu.memory_space<hbm>>
      %dma_wait3A_338 = tpu.memref_squeeze %dma_wait3A_337 : memref<1x10240x64xf32, #tpu.memory_space<hbm>> -> memref<10240x64xf32, #tpu.memory_space<hbm>>
      %dma_wait3A_339 = arith.constant 0 : i32
      %dma_wait3A_340 = arith.constant 0 : i32
      %dma_wait3A_341 = tpu.memref_slice %dma_wait3A_338[%dma_wait3A_339, %dma_wait3A_340] : memref<10240x64xf32, #tpu.memory_space<hbm>> -> memref<10240x64xf32, #tpu.memory_space<hbm>>
      %dma_wait3A_342 = tpu.memref_slice %arg11[%dma_wait3A_327] : memref<4x!tpu.dma_semaphore, #tpu.memory_space<semaphore_mem>> -> memref<1x!tpu.dma_semaphore, #tpu.memory_space<semaphore_mem>>
      %dma_wait3A_343 = tpu.memref_squeeze %dma_wait3A_342 : memref<1x!tpu.dma_semaphore, #tpu.memory_space<semaphore_mem>> -> memref<!tpu.dma_semaphore, #tpu.memory_space<semaphore_mem>>
      tpu.wait_indirect_dma semaphore(%dma_wait3A_343 : memref<!tpu.dma_semaphore, #tpu.memory_space<semaphore_mem>>) src(%dma_wait3A_341 : memref<10240x64xf32, #tpu.memory_space<hbm>>) dst(%dma_wait3A_331 : memref<128x64xf32, #tpu.memory_space<vmem>>)
      %run_scoped3A_344 = arith.constant 2 : i32
      "tpu.region"() ({
        %run_scoped3A_406 = tpu.sem_alloc : memref<!tpu.dma_semaphore, #tpu.memory_space<semaphore_mem>>
        %dma_start3A_407 = arith.constant 0 : i32
        %dma_start3A_408 = arith.constant 0 : i32
        %dma_start3A_409 = tpu.memref_slice %arg8[%run_scoped3A_344, %dma_start3A_407, %dma_start3A_408] : memref<4x128x64xf32, #tpu.memory_space<vmem>> -> memref<1x128x64xf32, #tpu.memory_space<vmem>>
        %dma_start3A_410 = tpu.memref_squeeze %dma_start3A_409 : memref<1x128x64xf32, #tpu.memory_space<vmem>> -> memref<128x64xf32, #tpu.memory_space<vmem>>
        %dma_start3A_411 = arith.constant 0 : i32
        %dma_start3A_412 = tpu.memref_slice %arg7[%add3A_325, %dma_start3A_411] : memref<160x128xi32, #tpu.memory_space<vmem>> -> memref<1x128xi32, #tpu.memory_space<vmem>>
        %dma_start3A_413 = tpu.memref_squeeze %dma_start3A_412 : memref<1x128xi32, #tpu.memory_space<vmem>> -> memref<128xi32, #tpu.memory_space<vmem>>
        %dma_start3A_414 = arith.constant 0 : i32
        %dma_start3A_415 = arith.constant 0 : i32
        %dma_start3A_416 = tpu.memref_slice %arg10[%dma_start3A_414, %dma_start3A_415] : memref<10240x64xf32, #tpu.memory_space<vmem_shared>> -> memref<10240x64xf32, #tpu.memory_space<vmem_shared>>
        tpu.enqueue_indirect_dma source(%dma_start3A_410 : memref<128x64xf32, #tpu.memory_space<vmem>>) target(%dma_start3A_416 : memref<10240x64xf32, #tpu.memory_space<vmem_shared>>) offsets(%dma_start3A_413 : memref<128xi32, #tpu.memory_space<vmem>>) semaphore(%run_scoped3A_406 : memref<!tpu.dma_semaphore, #tpu.memory_space<semaphore_mem>>) {add = true}
        %dma_wait3A_417 = arith.constant 0 : i32
        %dma_wait3A_418 = arith.constant 0 : i32
        %dma_wait3A_419 = tpu.memref_slice %arg8[%run_scoped3A_344, %dma_wait3A_417, %dma_wait3A_418] : memref<4x128x64xf32, #tpu.memory_space<vmem>> -> memref<1x128x64xf32, #tpu.memory_space<vmem>>
        %dma_wait3A_420 = tpu.memref_squeeze %dma_wait3A_419 : memref<1x128x64xf32, #tpu.memory_space<vmem>> -> memref<128x64xf32, #tpu.memory_space<vmem>>
        %dma_wait3A_421 = arith.constant 0 : i32
        %dma_wait3A_422 = tpu.memref_slice %arg7[%add3A_325, %dma_wait3A_421] : memref<160x128xi32, #tpu.memory_space<vmem>> -> memref<1x128xi32, #tpu.memory_space<vmem>>
        %dma_wait3A_423 = tpu.memref_squeeze %dma_wait3A_422 : memref<1x128xi32, #tpu.memory_space<vmem>> -> memref<128xi32, #tpu.memory_space<vmem>>
        %dma_wait3A_424 = arith.constant 0 : i32
        %dma_wait3A_425 = arith.constant 0 : i32
        %dma_wait3A_426 = tpu.memref_slice %arg10[%dma_wait3A_424, %dma_wait3A_425] : memref<10240x64xf32, #tpu.memory_space<vmem_shared>> -> memref<10240x64xf32, #tpu.memory_space<vmem_shared>>
        tpu.wait_indirect_dma semaphore(%run_scoped3A_406 : memref<!tpu.dma_semaphore, #tpu.memory_space<semaphore_mem>>) src(%dma_wait3A_420 : memref<128x64xf32, #tpu.memory_space<vmem>>) dst(%dma_wait3A_426 : memref<10240x64xf32, #tpu.memory_space<vmem_shared>>)
        tpu.yield
      }) : () -> ()
      %add3A_345 = arith.constant 4 : i32
      %add3A_346 = arith.addi %add3A_325, %add3A_345 : i32
      %dma_start3A_347 = arith.constant 2 : i32
      %dma_start3A_348 = arith.constant 2 : i32
      %dma_start3A_349 = arith.constant 0 : i32
      %dma_start3A_350 = arith.constant 0 : i32
      %dma_start3A_351 = tpu.memref_slice %arg8[%dma_start3A_347, %dma_start3A_349, %dma_start3A_350] : memref<4x128x64xf32, #tpu.memory_space<vmem>> -> memref<1x128x64xf32, #tpu.memory_space<vmem>>
      %dma_start3A_352 = tpu.memref_squeeze %dma_start3A_351 : memref<1x128x64xf32, #tpu.memory_space<vmem>> -> memref<128x64xf32, #tpu.memory_space<vmem>>
      %dma_start3A_353 = arith.constant 0 : i32
      %dma_start3A_354 = tpu.memref_slice %arg6[%add3A_346, %dma_start3A_353] : memref<160x128xi32, #tpu.memory_space<vmem>> -> memref<1x128xi32, #tpu.memory_space<vmem>>
      %dma_start3A_355 = tpu.memref_squeeze %dma_start3A_354 : memref<1x128xi32, #tpu.memory_space<vmem>> -> memref<128xi32, #tpu.memory_space<vmem>>
      %dma_start3A_356 = arith.constant 0 : i32
      %dma_start3A_357 = arith.constant 0 : i32
      %dma_start3A_358 = tpu.memref_slice %arg2[%arg0, %dma_start3A_356, %dma_start3A_357] : memref<2x10240x64xf32, #tpu.memory_space<hbm>> -> memref<1x10240x64xf32, #tpu.memory_space<hbm>>
      %dma_start3A_359 = tpu.memref_squeeze %dma_start3A_358 : memref<1x10240x64xf32, #tpu.memory_space<hbm>> -> memref<10240x64xf32, #tpu.memory_space<hbm>>
      %dma_start3A_360 = arith.constant 0 : i32
      %dma_start3A_361 = arith.constant 0 : i32
      %dma_start3A_362 = tpu.memref_slice %dma_start3A_359[%dma_start3A_360, %dma_start3A_361] : memref<10240x64xf32, #tpu.memory_space<hbm>> -> memref<10240x64xf32, #tpu.memory_space<hbm>>
      %dma_start3A_363 = tpu.memref_slice %arg11[%dma_start3A_348] : memref<4x!tpu.dma_semaphore, #tpu.memory_space<semaphore_mem>> -> memref<1x!tpu.dma_semaphore, #tpu.memory_space<semaphore_mem>>
      %dma_start3A_364 = tpu.memref_squeeze %dma_start3A_363 : memref<1x!tpu.dma_semaphore, #tpu.memory_space<semaphore_mem>> -> memref<!tpu.dma_semaphore, #tpu.memory_space<semaphore_mem>>
      tpu.enqueue_indirect_dma source(%dma_start3A_362 : memref<10240x64xf32, #tpu.memory_space<hbm>>) target(%dma_start3A_352 : memref<128x64xf32, #tpu.memory_space<vmem>>) offsets(%dma_start3A_355 : memref<128xi32, #tpu.memory_space<vmem>>) semaphore(%dma_start3A_364 : memref<!tpu.dma_semaphore, #tpu.memory_space<semaphore_mem>>)
      %add3A_365 = arith.constant 3 : i32
      %add3A_366 = arith.addi %add3A_241, %add3A_365 : i32
      %dma_wait3A_367 = arith.constant 3 : i32
      %dma_wait3A_368 = arith.constant 3 : i32
      %dma_wait3A_369 = arith.constant 0 : i32
      %dma_wait3A_370 = arith.constant 0 : i32
      %dma_wait3A_371 = tpu.memref_slice %arg8[%dma_wait3A_367, %dma_wait3A_369, %dma_wait3A_370] : memref<4x128x64xf32, #tpu.memory_space<vmem>> -> memref<1x128x64xf32, #tpu.memory_space<vmem>>
      %dma_wait3A_372 = tpu.memref_squeeze %dma_wait3A_371 : memref<1x128x64xf32, #tpu.memory_space<vmem>> -> memref<128x64xf32, #tpu.memory_space<vmem>>
      %dma_wait3A_373 = arith.constant 0 : i32
      %dma_wait3A_374 = tpu.memref_slice %arg6[%add3A_366, %dma_wait3A_373] : memref<160x128xi32, #tpu.memory_space<vmem>> -> memref<1x128xi32, #tpu.memory_space<vmem>>
      %dma_wait3A_375 = tpu.memref_squeeze %dma_wait3A_374 : memref<1x128xi32, #tpu.memory_space<vmem>> -> memref<128xi32, #tpu.memory_space<vmem>>
      %dma_wait3A_376 = arith.constant 0 : i32
      %dma_wait3A_377 = arith.constant 0 : i32
      %dma_wait3A_378 = tpu.memref_slice %arg2[%arg0, %dma_wait3A_376, %dma_wait3A_377] : memref<2x10240x64xf32, #tpu.memory_space<hbm>> -> memref<1x10240x64xf32, #tpu.memory_space<hbm>>
      %dma_wait3A_379 = tpu.memref_squeeze %dma_wait3A_378 : memref<1x10240x64xf32, #tpu.memory_space<hbm>> -> memref<10240x64xf32, #tpu.memory_space<hbm>>
      %dma_wait3A_380 = arith.constant 0 : i32
      %dma_wait3A_381 = arith.constant 0 : i32
      %dma_wait3A_382 = tpu.memref_slice %dma_wait3A_379[%dma_wait3A_380, %dma_wait3A_381] : memref<10240x64xf32, #tpu.memory_space<hbm>> -> memref<10240x64xf32, #tpu.memory_space<hbm>>
      %dma_wait3A_383 = tpu.memref_slice %arg11[%dma_wait3A_368] : memref<4x!tpu.dma_semaphore, #tpu.memory_space<semaphore_mem>> -> memref<1x!tpu.dma_semaphore, #tpu.memory_space<semaphore_mem>>
      %dma_wait3A_384 = tpu.memref_squeeze %dma_wait3A_383 : memref<1x!tpu.dma_semaphore, #tpu.memory_space<semaphore_mem>> -> memref<!tpu.dma_semaphore, #tpu.memory_space<semaphore_mem>>
      tpu.wait_indirect_dma semaphore(%dma_wait3A_384 : memref<!tpu.dma_semaphore, #tpu.memory_space<semaphore_mem>>) src(%dma_wait3A_382 : memref<10240x64xf32, #tpu.memory_space<hbm>>) dst(%dma_wait3A_372 : memref<128x64xf32, #tpu.memory_space<vmem>>)
      %run_scoped3A_385 = arith.constant 3 : i32
      "tpu.region"() ({
        %run_scoped3A_406 = tpu.sem_alloc : memref<!tpu.dma_semaphore, #tpu.memory_space<semaphore_mem>>
        %dma_start3A_407 = arith.constant 0 : i32
        %dma_start3A_408 = arith.constant 0 : i32
        %dma_start3A_409 = tpu.memref_slice %arg8[%run_scoped3A_385, %dma_start3A_407, %dma_start3A_408] : memref<4x128x64xf32, #tpu.memory_space<vmem>> -> memref<1x128x64xf32, #tpu.memory_space<vmem>>
        %dma_start3A_410 = tpu.memref_squeeze %dma_start3A_409 : memref<1x128x64xf32, #tpu.memory_space<vmem>> -> memref<128x64xf32, #tpu.memory_space<vmem>>
        %dma_start3A_411 = arith.constant 0 : i32
        %dma_start3A_412 = tpu.memref_slice %arg7[%add3A_366, %dma_start3A_411] : memref<160x128xi32, #tpu.memory_space<vmem>> -> memref<1x128xi32, #tpu.memory_space<vmem>>
        %dma_start3A_413 = tpu.memref_squeeze %dma_start3A_412 : memref<1x128xi32, #tpu.memory_space<vmem>> -> memref<128xi32, #tpu.memory_space<vmem>>
        %dma_start3A_414 = arith.constant 0 : i32
        %dma_start3A_415 = arith.constant 0 : i32
        %dma_start3A_416 = tpu.memref_slice %arg10[%dma_start3A_414, %dma_start3A_415] : memref<10240x64xf32, #tpu.memory_space<vmem_shared>> -> memref<10240x64xf32, #tpu.memory_space<vmem_shared>>
        tpu.enqueue_indirect_dma source(%dma_start3A_410 : memref<128x64xf32, #tpu.memory_space<vmem>>) target(%dma_start3A_416 : memref<10240x64xf32, #tpu.memory_space<vmem_shared>>) offsets(%dma_start3A_413 : memref<128xi32, #tpu.memory_space<vmem>>) semaphore(%run_scoped3A_406 : memref<!tpu.dma_semaphore, #tpu.memory_space<semaphore_mem>>) {add = true}
        %dma_wait3A_417 = arith.constant 0 : i32
        %dma_wait3A_418 = arith.constant 0 : i32
        %dma_wait3A_419 = tpu.memref_slice %arg8[%run_scoped3A_385, %dma_wait3A_417, %dma_wait3A_418] : memref<4x128x64xf32, #tpu.memory_space<vmem>> -> memref<1x128x64xf32, #tpu.memory_space<vmem>>
        %dma_wait3A_420 = tpu.memref_squeeze %dma_wait3A_419 : memref<1x128x64xf32, #tpu.memory_space<vmem>> -> memref<128x64xf32, #tpu.memory_space<vmem>>
        %dma_wait3A_421 = arith.constant 0 : i32
        %dma_wait3A_422 = tpu.memref_slice %arg7[%add3A_366, %dma_wait3A_421] : memref<160x128xi32, #tpu.memory_space<vmem>> -> memref<1x128xi32, #tpu.memory_space<vmem>>
        %dma_wait3A_423 = tpu.memref_squeeze %dma_wait3A_422 : memref<1x128xi32, #tpu.memory_space<vmem>> -> memref<128xi32, #tpu.memory_space<vmem>>
        %dma_wait3A_424 = arith.constant 0 : i32
        %dma_wait3A_425 = arith.constant 0 : i32
        %dma_wait3A_426 = tpu.memref_slice %arg10[%dma_wait3A_424, %dma_wait3A_425] : memref<10240x64xf32, #tpu.memory_space<vmem_shared>> -> memref<10240x64xf32, #tpu.memory_space<vmem_shared>>
        tpu.wait_indirect_dma semaphore(%run_scoped3A_406 : memref<!tpu.dma_semaphore, #tpu.memory_space<semaphore_mem>>) src(%dma_wait3A_420 : memref<128x64xf32, #tpu.memory_space<vmem>>) dst(%dma_wait3A_426 : memref<10240x64xf32, #tpu.memory_space<vmem_shared>>)
        tpu.yield
      }) : () -> ()
      %add3A_386 = arith.constant 4 : i32
      %add3A_387 = arith.addi %add3A_366, %add3A_386 : i32
      %dma_start3A_388 = arith.constant 3 : i32
      %dma_start3A_389 = arith.constant 3 : i32
      %dma_start3A_390 = arith.constant 0 : i32
      %dma_start3A_391 = arith.constant 0 : i32
      %dma_start3A_392 = tpu.memref_slice %arg8[%dma_start3A_388, %dma_start3A_390, %dma_start3A_391] : memref<4x128x64xf32, #tpu.memory_space<vmem>> -> memref<1x128x64xf32, #tpu.memory_space<vmem>>
      %dma_start3A_393 = tpu.memref_squeeze %dma_start3A_392 : memref<1x128x64xf32, #tpu.memory_space<vmem>> -> memref<128x64xf32, #tpu.memory_space<vmem>>
      %dma_start3A_394 = arith.constant 0 : i32
      %dma_start3A_395 = tpu.memref_slice %arg6[%add3A_387, %dma_start3A_394] : memref<160x128xi32, #tpu.memory_space<vmem>> -> memref<1x128xi32, #tpu.memory_space<vmem>>
      %dma_start3A_396 = tpu.memref_squeeze %dma_start3A_395 : memref<1x128xi32, #tpu.memory_space<vmem>> -> memref<128xi32, #tpu.memory_space<vmem>>
      %dma_start3A_397 = arith.constant 0 : i32
      %dma_start3A_398 = arith.constant 0 : i32
      %dma_start3A_399 = tpu.memref_slice %arg2[%arg0, %dma_start3A_397, %dma_start3A_398] : memref<2x10240x64xf32, #tpu.memory_space<hbm>> -> memref<1x10240x64xf32, #tpu.memory_space<hbm>>
      %dma_start3A_400 = tpu.memref_squeeze %dma_start3A_399 : memref<1x10240x64xf32, #tpu.memory_space<hbm>> -> memref<10240x64xf32, #tpu.memory_space<hbm>>
      %dma_start3A_401 = arith.constant 0 : i32
      %dma_start3A_402 = arith.constant 0 : i32
      %dma_start3A_403 = tpu.memref_slice %dma_start3A_400[%dma_start3A_401, %dma_start3A_402] : memref<10240x64xf32, #tpu.memory_space<hbm>> -> memref<10240x64xf32, #tpu.memory_space<hbm>>
      %dma_start3A_404 = tpu.memref_slice %arg11[%dma_start3A_389] : memref<4x!tpu.dma_semaphore, #tpu.memory_space<semaphore_mem>> -> memref<1x!tpu.dma_semaphore, #tpu.memory_space<semaphore_mem>>
      %dma_start3A_405 = tpu.memref_squeeze %dma_start3A_404 : memref<1x!tpu.dma_semaphore, #tpu.memory_space<semaphore_mem>> -> memref<!tpu.dma_semaphore, #tpu.memory_space<semaphore_mem>>
      tpu.enqueue_indirect_dma source(%dma_start3A_403 : memref<10240x64xf32, #tpu.memory_space<hbm>>) target(%dma_start3A_393 : memref<128x64xf32, #tpu.memory_space<vmem>>) offsets(%dma_start3A_396 : memref<128xi32, #tpu.memory_space<vmem>>) semaphore(%dma_start3A_405 : memref<!tpu.dma_semaphore, #tpu.memory_space<semaphore_mem>>)
    }
    %scan3A_121 = arith.constant 39 : i32
    %dma_wait3A = arith.constant 156 : i32
    %dma_wait3A_122 = arith.constant 0 : i32
    %dma_wait3A_123 = arith.constant 0 : i32
    %dma_wait3A_124 = arith.constant 0 : i32
    %dma_wait3A_125 = arith.constant 0 : i32
    %dma_wait3A_126 = tpu.memref_slice %arg8[%dma_wait3A_122, %dma_wait3A_124, %dma_wait3A_125] : memref<4x128x64xf32, #tpu.memory_space<vmem>> -> memref<1x128x64xf32, #tpu.memory_space<vmem>>
    %dma_wait3A_127 = tpu.memref_squeeze %dma_wait3A_126 : memref<1x128x64xf32, #tpu.memory_space<vmem>> -> memref<128x64xf32, #tpu.memory_space<vmem>>
    %dma_wait3A_128 = arith.constant 0 : i32
    %dma_wait3A_129 = tpu.memref_slice %arg6[%dma_wait3A, %dma_wait3A_128] : memref<160x128xi32, #tpu.memory_space<vmem>> -> memref<1x128xi32, #tpu.memory_space<vmem>>
    %dma_wait3A_130 = tpu.memref_squeeze %dma_wait3A_129 : memref<1x128xi32, #tpu.memory_space<vmem>> -> memref<128xi32, #tpu.memory_space<vmem>>
    %dma_wait3A_131 = arith.constant 0 : i32
    %dma_wait3A_132 = arith.constant 0 : i32
    %dma_wait3A_133 = tpu.memref_slice %arg2[%arg0, %dma_wait3A_131, %dma_wait3A_132] : memref<2x10240x64xf32, #tpu.memory_space<hbm>> -> memref<1x10240x64xf32, #tpu.memory_space<hbm>>
    %dma_wait3A_134 = tpu.memref_squeeze %dma_wait3A_133 : memref<1x10240x64xf32, #tpu.memory_space<hbm>> -> memref<10240x64xf32, #tpu.memory_space<hbm>>
    %dma_wait3A_135 = arith.constant 0 : i32
    %dma_wait3A_136 = arith.constant 0 : i32
    %dma_wait3A_137 = tpu.memref_slice %dma_wait3A_134[%dma_wait3A_135, %dma_wait3A_136] : memref<10240x64xf32, #tpu.memory_space<hbm>> -> memref<10240x64xf32, #tpu.memory_space<hbm>>
    %dma_wait3A_138 = tpu.memref_slice %arg11[%dma_wait3A_123] : memref<4x!tpu.dma_semaphore, #tpu.memory_space<semaphore_mem>> -> memref<1x!tpu.dma_semaphore, #tpu.memory_space<semaphore_mem>>
    %dma_wait3A_139 = tpu.memref_squeeze %dma_wait3A_138 : memref<1x!tpu.dma_semaphore, #tpu.memory_space<semaphore_mem>> -> memref<!tpu.dma_semaphore, #tpu.memory_space<semaphore_mem>>
    tpu.wait_indirect_dma semaphore(%dma_wait3A_139 : memref<!tpu.dma_semaphore, #tpu.memory_space<semaphore_mem>>) src(%dma_wait3A_137 : memref<10240x64xf32, #tpu.memory_space<hbm>>) dst(%dma_wait3A_127 : memref<128x64xf32, #tpu.memory_space<vmem>>)
    %run_scoped3A = arith.constant 0 : i32
    %run_scoped3A_140 = arith.constant 156 : i32
    "tpu.region"() ({
      %run_scoped3A_237 = tpu.sem_alloc : memref<!tpu.dma_semaphore, #tpu.memory_space<semaphore_mem>>
      %dma_start3A_238 = arith.constant 0 : i32
      %dma_start3A_239 = arith.constant 0 : i32
      %dma_start3A_240 = tpu.memref_slice %arg8[%run_scoped3A, %dma_start3A_238, %dma_start3A_239] : memref<4x128x64xf32, #tpu.memory_space<vmem>> -> memref<1x128x64xf32, #tpu.memory_space<vmem>>
      %dma_start3A_241 = tpu.memref_squeeze %dma_start3A_240 : memref<1x128x64xf32, #tpu.memory_space<vmem>> -> memref<128x64xf32, #tpu.memory_space<vmem>>
      %dma_start3A_242 = arith.constant 0 : i32
      %dma_start3A_243 = tpu.memref_slice %arg7[%run_scoped3A_140, %dma_start3A_242] : memref<160x128xi32, #tpu.memory_space<vmem>> -> memref<1x128xi32, #tpu.memory_space<vmem>>
      %dma_start3A_244 = tpu.memref_squeeze %dma_start3A_243 : memref<1x128xi32, #tpu.memory_space<vmem>> -> memref<128xi32, #tpu.memory_space<vmem>>
      %dma_start3A_245 = arith.constant 0 : i32
      %dma_start3A_246 = arith.constant 0 : i32
      %dma_start3A_247 = tpu.memref_slice %arg10[%dma_start3A_245, %dma_start3A_246] : memref<10240x64xf32, #tpu.memory_space<vmem_shared>> -> memref<10240x64xf32, #tpu.memory_space<vmem_shared>>
      tpu.enqueue_indirect_dma source(%dma_start3A_241 : memref<128x64xf32, #tpu.memory_space<vmem>>) target(%dma_start3A_247 : memref<10240x64xf32, #tpu.memory_space<vmem_shared>>) offsets(%dma_start3A_244 : memref<128xi32, #tpu.memory_space<vmem>>) semaphore(%run_scoped3A_237 : memref<!tpu.dma_semaphore, #tpu.memory_space<semaphore_mem>>) {add = true}
      %dma_wait3A_248 = arith.constant 0 : i32
      %dma_wait3A_249 = arith.constant 0 : i32
      %dma_wait3A_250 = tpu.memref_slice %arg8[%run_scoped3A, %dma_wait3A_248, %dma_wait3A_249] : memref<4x128x64xf32, #tpu.memory_space<vmem>> -> memref<1x128x64xf32, #tpu.memory_space<vmem>>
      %dma_wait3A_251 = tpu.memref_squeeze %dma_wait3A_250 : memref<1x128x64xf32, #tpu.memory_space<vmem>> -> memref<128x64xf32, #tpu.memory_space<vmem>>
      %dma_wait3A_252 = arith.constant 0 : i32
      %dma_wait3A_253 = tpu.memref_slice %arg7[%run_scoped3A_140, %dma_wait3A_252] : memref<160x128xi32, #tpu.memory_space<vmem>> -> memref<1x128xi32, #tpu.memory_space<vmem>>
      %dma_wait3A_254 = tpu.memref_squeeze %dma_wait3A_253 : memref<1x128xi32, #tpu.memory_space<vmem>> -> memref<128xi32, #tpu.memory_space<vmem>>
      %dma_wait3A_255 = arith.constant 0 : i32
      %dma_wait3A_256 = arith.constant 0 : i32
      %dma_wait3A_257 = tpu.memref_slice %arg10[%dma_wait3A_255, %dma_wait3A_256] : memref<10240x64xf32, #tpu.memory_space<vmem_shared>> -> memref<10240x64xf32, #tpu.memory_space<vmem_shared>>
      tpu.wait_indirect_dma semaphore(%run_scoped3A_237 : memref<!tpu.dma_semaphore, #tpu.memory_space<semaphore_mem>>) src(%dma_wait3A_251 : memref<128x64xf32, #tpu.memory_space<vmem>>) dst(%dma_wait3A_257 : memref<10240x64xf32, #tpu.memory_space<vmem_shared>>)
      tpu.yield
    }) : () -> ()
    %dma_wait3A_141 = arith.constant 157 : i32
    %dma_wait3A_142 = arith.constant 1 : i32
    %dma_wait3A_143 = arith.constant 1 : i32
    %dma_wait3A_144 = arith.constant 0 : i32
    %dma_wait3A_145 = arith.constant 0 : i32
    %dma_wait3A_146 = tpu.memref_slice %arg8[%dma_wait3A_142, %dma_wait3A_144, %dma_wait3A_145] : memref<4x128x64xf32, #tpu.memory_space<vmem>> -> memref<1x128x64xf32, #tpu.memory_space<vmem>>
    %dma_wait3A_147 = tpu.memref_squeeze %dma_wait3A_146 : memref<1x128x64xf32, #tpu.memory_space<vmem>> -> memref<128x64xf32, #tpu.memory_space<vmem>>
    %dma_wait3A_148 = arith.constant 0 : i32
    %dma_wait3A_149 = tpu.memref_slice %arg6[%dma_wait3A_141, %dma_wait3A_148] : memref<160x128xi32, #tpu.memory_space<vmem>> -> memref<1x128xi32, #tpu.memory_space<vmem>>
    %dma_wait3A_150 = tpu.memref_squeeze %dma_wait3A_149 : memref<1x128xi32, #tpu.memory_space<vmem>> -> memref<128xi32, #tpu.memory_space<vmem>>
    %dma_wait3A_151 = arith.constant 0 : i32
    %dma_wait3A_152 = arith.constant 0 : i32
    %dma_wait3A_153 = tpu.memref_slice %arg2[%arg0, %dma_wait3A_151, %dma_wait3A_152] : memref<2x10240x64xf32, #tpu.memory_space<hbm>> -> memref<1x10240x64xf32, #tpu.memory_space<hbm>>
    %dma_wait3A_154 = tpu.memref_squeeze %dma_wait3A_153 : memref<1x10240x64xf32, #tpu.memory_space<hbm>> -> memref<10240x64xf32, #tpu.memory_space<hbm>>
    %dma_wait3A_155 = arith.constant 0 : i32
    %dma_wait3A_156 = arith.constant 0 : i32
    %dma_wait3A_157 = tpu.memref_slice %dma_wait3A_154[%dma_wait3A_155, %dma_wait3A_156] : memref<10240x64xf32, #tpu.memory_space<hbm>> -> memref<10240x64xf32, #tpu.memory_space<hbm>>
    %dma_wait3A_158 = tpu.memref_slice %arg11[%dma_wait3A_143] : memref<4x!tpu.dma_semaphore, #tpu.memory_space<semaphore_mem>> -> memref<1x!tpu.dma_semaphore, #tpu.memory_space<semaphore_mem>>
    %dma_wait3A_159 = tpu.memref_squeeze %dma_wait3A_158 : memref<1x!tpu.dma_semaphore, #tpu.memory_space<semaphore_mem>> -> memref<!tpu.dma_semaphore, #tpu.memory_space<semaphore_mem>>
    tpu.wait_indirect_dma semaphore(%dma_wait3A_159 : memref<!tpu.dma_semaphore, #tpu.memory_space<semaphore_mem>>) src(%dma_wait3A_157 : memref<10240x64xf32, #tpu.memory_space<hbm>>) dst(%dma_wait3A_147 : memref<128x64xf32, #tpu.memory_space<vmem>>)
    %run_scoped3A_160 = arith.constant 1 : i32
    %run_scoped3A_161 = arith.constant 157 : i32
    "tpu.region"() ({
      %run_scoped3A_237 = tpu.sem_alloc : memref<!tpu.dma_semaphore, #tpu.memory_space<semaphore_mem>>
      %dma_start3A_238 = arith.constant 0 : i32
      %dma_start3A_239 = arith.constant 0 : i32
      %dma_start3A_240 = tpu.memref_slice %arg8[%run_scoped3A_160, %dma_start3A_238, %dma_start3A_239] : memref<4x128x64xf32, #tpu.memory_space<vmem>> -> memref<1x128x64xf32, #tpu.memory_space<vmem>>
      %dma_start3A_241 = tpu.memref_squeeze %dma_start3A_240 : memref<1x128x64xf32, #tpu.memory_space<vmem>> -> memref<128x64xf32, #tpu.memory_space<vmem>>
      %dma_start3A_242 = arith.constant 0 : i32
      %dma_start3A_243 = tpu.memref_slice %arg7[%run_scoped3A_161, %dma_start3A_242] : memref<160x128xi32, #tpu.memory_space<vmem>> -> memref<1x128xi32, #tpu.memory_space<vmem>>
      %dma_start3A_244 = tpu.memref_squeeze %dma_start3A_243 : memref<1x128xi32, #tpu.memory_space<vmem>> -> memref<128xi32, #tpu.memory_space<vmem>>
      %dma_start3A_245 = arith.constant 0 : i32
      %dma_start3A_246 = arith.constant 0 : i32
      %dma_start3A_247 = tpu.memref_slice %arg10[%dma_start3A_245, %dma_start3A_246] : memref<10240x64xf32, #tpu.memory_space<vmem_shared>> -> memref<10240x64xf32, #tpu.memory_space<vmem_shared>>
      tpu.enqueue_indirect_dma source(%dma_start3A_241 : memref<128x64xf32, #tpu.memory_space<vmem>>) target(%dma_start3A_247 : memref<10240x64xf32, #tpu.memory_space<vmem_shared>>) offsets(%dma_start3A_244 : memref<128xi32, #tpu.memory_space<vmem>>) semaphore(%run_scoped3A_237 : memref<!tpu.dma_semaphore, #tpu.memory_space<semaphore_mem>>) {add = true}
      %dma_wait3A_248 = arith.constant 0 : i32
      %dma_wait3A_249 = arith.constant 0 : i32
      %dma_wait3A_250 = tpu.memref_slice %arg8[%run_scoped3A_160, %dma_wait3A_248, %dma_wait3A_249] : memref<4x128x64xf32, #tpu.memory_space<vmem>> -> memref<1x128x64xf32, #tpu.memory_space<vmem>>
      %dma_wait3A_251 = tpu.memref_squeeze %dma_wait3A_250 : memref<1x128x64xf32, #tpu.memory_space<vmem>> -> memref<128x64xf32, #tpu.memory_space<vmem>>
      %dma_wait3A_252 = arith.constant 0 : i32
      %dma_wait3A_253 = tpu.memref_slice %arg7[%run_scoped3A_161, %dma_wait3A_252] : memref<160x128xi32, #tpu.memory_space<vmem>> -> memref<1x128xi32, #tpu.memory_space<vmem>>
      %dma_wait3A_254 = tpu.memref_squeeze %dma_wait3A_253 : memref<1x128xi32, #tpu.memory_space<vmem>> -> memref<128xi32, #tpu.memory_space<vmem>>
      %dma_wait3A_255 = arith.constant 0 : i32
      %dma_wait3A_256 = arith.constant 0 : i32
      %dma_wait3A_257 = tpu.memref_slice %arg10[%dma_wait3A_255, %dma_wait3A_256] : memref<10240x64xf32, #tpu.memory_space<vmem_shared>> -> memref<10240x64xf32, #tpu.memory_space<vmem_shared>>
      tpu.wait_indirect_dma semaphore(%run_scoped3A_237 : memref<!tpu.dma_semaphore, #tpu.memory_space<semaphore_mem>>) src(%dma_wait3A_251 : memref<128x64xf32, #tpu.memory_space<vmem>>) dst(%dma_wait3A_257 : memref<10240x64xf32, #tpu.memory_space<vmem_shared>>)
      tpu.yield
    }) : () -> ()
    %dma_wait3A_162 = arith.constant 158 : i32
    %dma_wait3A_163 = arith.constant 2 : i32
    %dma_wait3A_164 = arith.constant 2 : i32
    %dma_wait3A_165 = arith.constant 0 : i32
    %dma_wait3A_166 = arith.constant 0 : i32
    %dma_wait3A_167 = tpu.memref_slice %arg8[%dma_wait3A_163, %dma_wait3A_165, %dma_wait3A_166] : memref<4x128x64xf32, #tpu.memory_space<vmem>> -> memref<1x128x64xf32, #tpu.memory_space<vmem>>
    %dma_wait3A_168 = tpu.memref_squeeze %dma_wait3A_167 : memref<1x128x64xf32, #tpu.memory_space<vmem>> -> memref<128x64xf32, #tpu.memory_space<vmem>>
    %dma_wait3A_169 = arith.constant 0 : i32
    %dma_wait3A_170 = tpu.memref_slice %arg6[%dma_wait3A_162, %dma_wait3A_169] : memref<160x128xi32, #tpu.memory_space<vmem>> -> memref<1x128xi32, #tpu.memory_space<vmem>>
    %dma_wait3A_171 = tpu.memref_squeeze %dma_wait3A_170 : memref<1x128xi32, #tpu.memory_space<vmem>> -> memref<128xi32, #tpu.memory_space<vmem>>
    %dma_wait3A_172 = arith.constant 0 : i32
    %dma_wait3A_173 = arith.constant 0 : i32
    %dma_wait3A_174 = tpu.memref_slice %arg2[%arg0, %dma_wait3A_172, %dma_wait3A_173] : memref<2x10240x64xf32, #tpu.memory_space<hbm>> -> memref<1x10240x64xf32, #tpu.memory_space<hbm>>
    %dma_wait3A_175 = tpu.memref_squeeze %dma_wait3A_174 : memref<1x10240x64xf32, #tpu.memory_space<hbm>> -> memref<10240x64xf32, #tpu.memory_space<hbm>>
    %dma_wait3A_176 = arith.constant 0 : i32
    %dma_wait3A_177 = arith.constant 0 : i32
    %dma_wait3A_178 = tpu.memref_slice %dma_wait3A_175[%dma_wait3A_176, %dma_wait3A_177] : memref<10240x64xf32, #tpu.memory_space<hbm>> -> memref<10240x64xf32, #tpu.memory_space<hbm>>
    %dma_wait3A_179 = tpu.memref_slice %arg11[%dma_wait3A_164] : memref<4x!tpu.dma_semaphore, #tpu.memory_space<semaphore_mem>> -> memref<1x!tpu.dma_semaphore, #tpu.memory_space<semaphore_mem>>
    %dma_wait3A_180 = tpu.memref_squeeze %dma_wait3A_179 : memref<1x!tpu.dma_semaphore, #tpu.memory_space<semaphore_mem>> -> memref<!tpu.dma_semaphore, #tpu.memory_space<semaphore_mem>>
    tpu.wait_indirect_dma semaphore(%dma_wait3A_180 : memref<!tpu.dma_semaphore, #tpu.memory_space<semaphore_mem>>) src(%dma_wait3A_178 : memref<10240x64xf32, #tpu.memory_space<hbm>>) dst(%dma_wait3A_168 : memref<128x64xf32, #tpu.memory_space<vmem>>)
    %run_scoped3A_181 = arith.constant 2 : i32
    %run_scoped3A_182 = arith.constant 158 : i32
    "tpu.region"() ({
      %run_scoped3A_237 = tpu.sem_alloc : memref<!tpu.dma_semaphore, #tpu.memory_space<semaphore_mem>>
      %dma_start3A_238 = arith.constant 0 : i32
      %dma_start3A_239 = arith.constant 0 : i32
      %dma_start3A_240 = tpu.memref_slice %arg8[%run_scoped3A_181, %dma_start3A_238, %dma_start3A_239] : memref<4x128x64xf32, #tpu.memory_space<vmem>> -> memref<1x128x64xf32, #tpu.memory_space<vmem>>
      %dma_start3A_241 = tpu.memref_squeeze %dma_start3A_240 : memref<1x128x64xf32, #tpu.memory_space<vmem>> -> memref<128x64xf32, #tpu.memory_space<vmem>>
      %dma_start3A_242 = arith.constant 0 : i32
      %dma_start3A_243 = tpu.memref_slice %arg7[%run_scoped3A_182, %dma_start3A_242] : memref<160x128xi32, #tpu.memory_space<vmem>> -> memref<1x128xi32, #tpu.memory_space<vmem>>
      %dma_start3A_244 = tpu.memref_squeeze %dma_start3A_243 : memref<1x128xi32, #tpu.memory_space<vmem>> -> memref<128xi32, #tpu.memory_space<vmem>>
      %dma_start3A_245 = arith.constant 0 : i32
      %dma_start3A_246 = arith.constant 0 : i32
      %dma_start3A_247 = tpu.memref_slice %arg10[%dma_start3A_245, %dma_start3A_246] : memref<10240x64xf32, #tpu.memory_space<vmem_shared>> -> memref<10240x64xf32, #tpu.memory_space<vmem_shared>>
      tpu.enqueue_indirect_dma source(%dma_start3A_241 : memref<128x64xf32, #tpu.memory_space<vmem>>) target(%dma_start3A_247 : memref<10240x64xf32, #tpu.memory_space<vmem_shared>>) offsets(%dma_start3A_244 : memref<128xi32, #tpu.memory_space<vmem>>) semaphore(%run_scoped3A_237 : memref<!tpu.dma_semaphore, #tpu.memory_space<semaphore_mem>>) {add = true}
      %dma_wait3A_248 = arith.constant 0 : i32
      %dma_wait3A_249 = arith.constant 0 : i32
      %dma_wait3A_250 = tpu.memref_slice %arg8[%run_scoped3A_181, %dma_wait3A_248, %dma_wait3A_249] : memref<4x128x64xf32, #tpu.memory_space<vmem>> -> memref<1x128x64xf32, #tpu.memory_space<vmem>>
      %dma_wait3A_251 = tpu.memref_squeeze %dma_wait3A_250 : memref<1x128x64xf32, #tpu.memory_space<vmem>> -> memref<128x64xf32, #tpu.memory_space<vmem>>
      %dma_wait3A_252 = arith.constant 0 : i32
      %dma_wait3A_253 = tpu.memref_slice %arg7[%run_scoped3A_182, %dma_wait3A_252] : memref<160x128xi32, #tpu.memory_space<vmem>> -> memref<1x128xi32, #tpu.memory_space<vmem>>
      %dma_wait3A_254 = tpu.memref_squeeze %dma_wait3A_253 : memref<1x128xi32, #tpu.memory_space<vmem>> -> memref<128xi32, #tpu.memory_space<vmem>>
      %dma_wait3A_255 = arith.constant 0 : i32
      %dma_wait3A_256 = arith.constant 0 : i32
      %dma_wait3A_257 = tpu.memref_slice %arg10[%dma_wait3A_255, %dma_wait3A_256] : memref<10240x64xf32, #tpu.memory_space<vmem_shared>> -> memref<10240x64xf32, #tpu.memory_space<vmem_shared>>
      tpu.wait_indirect_dma semaphore(%run_scoped3A_237 : memref<!tpu.dma_semaphore, #tpu.memory_space<semaphore_mem>>) src(%dma_wait3A_251 : memref<128x64xf32, #tpu.memory_space<vmem>>) dst(%dma_wait3A_257 : memref<10240x64xf32, #tpu.memory_space<vmem_shared>>)
      tpu.yield
    }) : () -> ()
    %dma_wait3A_183 = arith.constant 159 : i32
    %dma_wait3A_184 = arith.constant 3 : i32
    %dma_wait3A_185 = arith.constant 3 : i32
    %dma_wait3A_186 = arith.constant 0 : i32
    %dma_wait3A_187 = arith.constant 0 : i32
    %dma_wait3A_188 = tpu.memref_slice %arg8[%dma_wait3A_184, %dma_wait3A_186, %dma_wait3A_187] : memref<4x128x64xf32, #tpu.memory_space<vmem>> -> memref<1x128x64xf32, #tpu.memory_space<vmem>>
    %dma_wait3A_189 = tpu.memref_squeeze %dma_wait3A_188 : memref<1x128x64xf32, #tpu.memory_space<vmem>> -> memref<128x64xf32, #tpu.memory_space<vmem>>
    %dma_wait3A_190 = arith.constant 0 : i32
    %dma_wait3A_191 = tpu.memref_slice %arg6[%dma_wait3A_183, %dma_wait3A_190] : memref<160x128xi32, #tpu.memory_space<vmem>> -> memref<1x128xi32, #tpu.memory_space<vmem>>
    %dma_wait3A_192 = tpu.memref_squeeze %dma_wait3A_191 : memref<1x128xi32, #tpu.memory_space<vmem>> -> memref<128xi32, #tpu.memory_space<vmem>>
    %dma_wait3A_193 = arith.constant 0 : i32
    %dma_wait3A_194 = arith.constant 0 : i32
    %dma_wait3A_195 = tpu.memref_slice %arg2[%arg0, %dma_wait3A_193, %dma_wait3A_194] : memref<2x10240x64xf32, #tpu.memory_space<hbm>> -> memref<1x10240x64xf32, #tpu.memory_space<hbm>>
    %dma_wait3A_196 = tpu.memref_squeeze %dma_wait3A_195 : memref<1x10240x64xf32, #tpu.memory_space<hbm>> -> memref<10240x64xf32, #tpu.memory_space<hbm>>
    %dma_wait3A_197 = arith.constant 0 : i32
    %dma_wait3A_198 = arith.constant 0 : i32
    %dma_wait3A_199 = tpu.memref_slice %dma_wait3A_196[%dma_wait3A_197, %dma_wait3A_198] : memref<10240x64xf32, #tpu.memory_space<hbm>> -> memref<10240x64xf32, #tpu.memory_space<hbm>>
    %dma_wait3A_200 = tpu.memref_slice %arg11[%dma_wait3A_185] : memref<4x!tpu.dma_semaphore, #tpu.memory_space<semaphore_mem>> -> memref<1x!tpu.dma_semaphore, #tpu.memory_space<semaphore_mem>>
    %dma_wait3A_201 = tpu.memref_squeeze %dma_wait3A_200 : memref<1x!tpu.dma_semaphore, #tpu.memory_space<semaphore_mem>> -> memref<!tpu.dma_semaphore, #tpu.memory_space<semaphore_mem>>
    tpu.wait_indirect_dma semaphore(%dma_wait3A_201 : memref<!tpu.dma_semaphore, #tpu.memory_space<semaphore_mem>>) src(%dma_wait3A_199 : memref<10240x64xf32, #tpu.memory_space<hbm>>) dst(%dma_wait3A_189 : memref<128x64xf32, #tpu.memory_space<vmem>>)
    %run_scoped3A_202 = arith.constant 3 : i32
    %run_scoped3A_203 = arith.constant 159 : i32
    "tpu.region"() ({
      %run_scoped3A_237 = tpu.sem_alloc : memref<!tpu.dma_semaphore, #tpu.memory_space<semaphore_mem>>
      %dma_start3A_238 = arith.constant 0 : i32
      %dma_start3A_239 = arith.constant 0 : i32
      %dma_start3A_240 = tpu.memref_slice %arg8[%run_scoped3A_202, %dma_start3A_238, %dma_start3A_239] : memref<4x128x64xf32, #tpu.memory_space<vmem>> -> memref<1x128x64xf32, #tpu.memory_space<vmem>>
      %dma_start3A_241 = tpu.memref_squeeze %dma_start3A_240 : memref<1x128x64xf32, #tpu.memory_space<vmem>> -> memref<128x64xf32, #tpu.memory_space<vmem>>
      %dma_start3A_242 = arith.constant 0 : i32
      %dma_start3A_243 = tpu.memref_slice %arg7[%run_scoped3A_203, %dma_start3A_242] : memref<160x128xi32, #tpu.memory_space<vmem>> -> memref<1x128xi32, #tpu.memory_space<vmem>>
      %dma_start3A_244 = tpu.memref_squeeze %dma_start3A_243 : memref<1x128xi32, #tpu.memory_space<vmem>> -> memref<128xi32, #tpu.memory_space<vmem>>
      %dma_start3A_245 = arith.constant 0 : i32
      %dma_start3A_246 = arith.constant 0 : i32
      %dma_start3A_247 = tpu.memref_slice %arg10[%dma_start3A_245, %dma_start3A_246] : memref<10240x64xf32, #tpu.memory_space<vmem_shared>> -> memref<10240x64xf32, #tpu.memory_space<vmem_shared>>
      tpu.enqueue_indirect_dma source(%dma_start3A_241 : memref<128x64xf32, #tpu.memory_space<vmem>>) target(%dma_start3A_247 : memref<10240x64xf32, #tpu.memory_space<vmem_shared>>) offsets(%dma_start3A_244 : memref<128xi32, #tpu.memory_space<vmem>>) semaphore(%run_scoped3A_237 : memref<!tpu.dma_semaphore, #tpu.memory_space<semaphore_mem>>) {add = true}
      %dma_wait3A_248 = arith.constant 0 : i32
      %dma_wait3A_249 = arith.constant 0 : i32
      %dma_wait3A_250 = tpu.memref_slice %arg8[%run_scoped3A_202, %dma_wait3A_248, %dma_wait3A_249] : memref<4x128x64xf32, #tpu.memory_space<vmem>> -> memref<1x128x64xf32, #tpu.memory_space<vmem>>
      %dma_wait3A_251 = tpu.memref_squeeze %dma_wait3A_250 : memref<1x128x64xf32, #tpu.memory_space<vmem>> -> memref<128x64xf32, #tpu.memory_space<vmem>>
      %dma_wait3A_252 = arith.constant 0 : i32
      %dma_wait3A_253 = tpu.memref_slice %arg7[%run_scoped3A_203, %dma_wait3A_252] : memref<160x128xi32, #tpu.memory_space<vmem>> -> memref<1x128xi32, #tpu.memory_space<vmem>>
      %dma_wait3A_254 = tpu.memref_squeeze %dma_wait3A_253 : memref<1x128xi32, #tpu.memory_space<vmem>> -> memref<128xi32, #tpu.memory_space<vmem>>
      %dma_wait3A_255 = arith.constant 0 : i32
      %dma_wait3A_256 = arith.constant 0 : i32
      %dma_wait3A_257 = tpu.memref_slice %arg10[%dma_wait3A_255, %dma_wait3A_256] : memref<10240x64xf32, #tpu.memory_space<vmem_shared>> -> memref<10240x64xf32, #tpu.memory_space<vmem_shared>>
      tpu.wait_indirect_dma semaphore(%run_scoped3A_237 : memref<!tpu.dma_semaphore, #tpu.memory_space<semaphore_mem>>) src(%dma_wait3A_251 : memref<128x64xf32, #tpu.memory_space<vmem>>) dst(%dma_wait3A_257 : memref<10240x64xf32, #tpu.memory_space<vmem_shared>>)
      tpu.yield
    }) : () -> ()
    %barrier3A_204 = arith.constant 0 : index
    tpu.barrier barrier_id(%barrier3A_204)
    %mul3A_205 = arith.constant 640 : i32
    %mul3A_206 = arith.muli %arg1, %mul3A_205 : i32
    %add3A_207 = arith.constant 0 : i32
    %add3A_208 = arith.addi %mul3A_206, %add3A_207 : i32
    %run_scoped3A_209 = arith.constant 0 : i32
    "tpu.region"() ({
      %run_scoped3A_237 = tpu.sem_alloc : memref<!tpu.dma_semaphore, #tpu.memory_space<semaphore_mem>>
      %dma_start3A_238 = arith.constant 0 : i32
      %dma_start3A_239 = arith.constant 0 : i32
      %dma_start3A_240 = tpu.memref_slice %arg8[%run_scoped3A_209, %dma_start3A_238, %dma_start3A_239] : memref<4x128x64xf32, #tpu.memory_space<vmem>> -> memref<1x128x64xf32, #tpu.memory_space<vmem>>
      %dma_start3A_241 = tpu.memref_squeeze %dma_start3A_240 : memref<1x128x64xf32, #tpu.memory_space<vmem>> -> memref<128x64xf32, #tpu.memory_space<vmem>>
      %dma_start3A_242 = arith.constant 0 : i32
      %dma_start3A_243 = tpu.memref_slice %arg10[%add3A_208, %dma_start3A_242] : memref<10240x64xf32, #tpu.memory_space<vmem_shared>> -> memref<128x64xf32, #tpu.memory_space<vmem_shared>>
      %dma_start3A_244 = arith.constant 0 : i32
      %dma_start3A_245 = arith.constant 0 : i32
      %dma_start3A_246 = tpu.memref_slice %arg8[%run_scoped3A_209, %dma_start3A_244, %dma_start3A_245] : memref<4x128x64xf32, #tpu.memory_space<vmem>> -> memref<1x128x64xf32, #tpu.memory_space<vmem>>
      %dma_start3A_247 = tpu.memref_squeeze %dma_start3A_246 : memref<1x128x64xf32, #tpu.memory_space<vmem>> -> memref<128x64xf32, #tpu.memory_space<vmem>>
      %dma_start3A_248 = arith.constant 0 : i32
      %dma_start3A_249 = tpu.memref_slice %arg10[%add3A_208, %dma_start3A_248] : memref<10240x64xf32, #tpu.memory_space<vmem_shared>> -> memref<128x64xf32, #tpu.memory_space<vmem_shared>>
      tpu.enqueue_dma source(%dma_start3A_249 : memref<128x64xf32, #tpu.memory_space<vmem_shared>>) target(%dma_start3A_247 : memref<128x64xf32, #tpu.memory_space<vmem>>) target_semaphore(%run_scoped3A_237 : memref<!tpu.dma_semaphore, #tpu.memory_space<semaphore_mem>>)
      %dma_wait3A_250 = arith.constant 0 : i32
      %dma_wait3A_251 = arith.constant 0 : i32
      %dma_wait3A_252 = tpu.memref_slice %arg8[%run_scoped3A_209, %dma_wait3A_250, %dma_wait3A_251] : memref<4x128x64xf32, #tpu.memory_space<vmem>> -> memref<1x128x64xf32, #tpu.memory_space<vmem>>
      %dma_wait3A_253 = tpu.memref_squeeze %dma_wait3A_252 : memref<1x128x64xf32, #tpu.memory_space<vmem>> -> memref<128x64xf32, #tpu.memory_space<vmem>>
      %dma_wait3A_254 = arith.constant 0 : i32
      %dma_wait3A_255 = tpu.memref_slice %arg10[%add3A_208, %dma_wait3A_254] : memref<10240x64xf32, #tpu.memory_space<vmem_shared>> -> memref<128x64xf32, #tpu.memory_space<vmem_shared>>
      %dma_wait3A_256 = arith.constant 0 : i32
      %dma_wait3A_257 = arith.constant 0 : i32
      %dma_wait3A_258 = tpu.memref_slice %arg8[%run_scoped3A_209, %dma_wait3A_256, %dma_wait3A_257] : memref<4x128x64xf32, #tpu.memory_space<vmem>> -> memref<1x128x64xf32, #tpu.memory_space<vmem>>
      %dma_wait3A_259 = tpu.memref_squeeze %dma_wait3A_258 : memref<1x128x64xf32, #tpu.memory_space<vmem>> -> memref<128x64xf32, #tpu.memory_space<vmem>>
      %dma_wait3A_260 = arith.constant 0 : i32
      %dma_wait3A_261 = tpu.memref_slice %arg10[%add3A_208, %dma_wait3A_260] : memref<10240x64xf32, #tpu.memory_space<vmem_shared>> -> memref<128x64xf32, #tpu.memory_space<vmem_shared>>
      tpu.wait_dma2 semaphore(%run_scoped3A_237 : memref<!tpu.dma_semaphore, #tpu.memory_space<semaphore_mem>>) src(%dma_wait3A_261 : memref<128x64xf32, #tpu.memory_space<vmem_shared>>) dst(%dma_wait3A_259 : memref<128x64xf32, #tpu.memory_space<vmem>>)
      tpu.yield
    }) : () -> ()
    %add3A_210 = arith.constant 0 : i32
    %add3A_211 = arith.addi %mul3A_206, %add3A_210 : i32
    %run_scoped3A_212 = arith.constant 0 : i32
    "tpu.region"() ({
      %run_scoped3A_237 = tpu.sem_alloc : memref<!tpu.dma_semaphore, #tpu.memory_space<semaphore_mem>>
      %dma_start3A_238 = arith.constant 0 : i32
      %dma_start3A_239 = arith.constant 0 : i32
      %dma_start3A_240 = tpu.memref_slice %arg8[%run_scoped3A_212, %dma_start3A_238, %dma_start3A_239] : memref<4x128x64xf32, #tpu.memory_space<vmem>> -> memref<1x128x64xf32, #tpu.memory_space<vmem>>
      %dma_start3A_241 = tpu.memref_squeeze %dma_start3A_240 : memref<1x128x64xf32, #tpu.memory_space<vmem>> -> memref<128x64xf32, #tpu.memory_space<vmem>>
      %dma_start3A_242 = arith.constant 0 : i32
      %dma_start3A_243 = tpu.memref_slice %arg5[%arg0, %add3A_211, %dma_start3A_242] : memref<2x10240x64xf32, #tpu.memory_space<hbm>> -> memref<1x128x64xf32, #tpu.memory_space<hbm>>
      %dma_start3A_244 = tpu.memref_squeeze %dma_start3A_243 : memref<1x128x64xf32, #tpu.memory_space<hbm>> -> memref<128x64xf32, #tpu.memory_space<hbm>>
      %dma_start3A_245 = arith.constant 0 : i32
      %dma_start3A_246 = tpu.memref_slice %arg5[%arg0, %add3A_211, %dma_start3A_245] : memref<2x10240x64xf32, #tpu.memory_space<hbm>> -> memref<1x128x64xf32, #tpu.memory_space<hbm>>
      %dma_start3A_247 = tpu.memref_squeeze %dma_start3A_246 : memref<1x128x64xf32, #tpu.memory_space<hbm>> -> memref<128x64xf32, #tpu.memory_space<hbm>>
      %dma_start3A_248 = arith.constant 0 : i32
      %dma_start3A_249 = arith.constant 0 : i32
      %dma_start3A_250 = tpu.memref_slice %arg8[%run_scoped3A_212, %dma_start3A_248, %dma_start3A_249] : memref<4x128x64xf32, #tpu.memory_space<vmem>> -> memref<1x128x64xf32, #tpu.memory_space<vmem>>
      %dma_start3A_251 = tpu.memref_squeeze %dma_start3A_250 : memref<1x128x64xf32, #tpu.memory_space<vmem>> -> memref<128x64xf32, #tpu.memory_space<vmem>>
      tpu.enqueue_dma source(%dma_start3A_251 : memref<128x64xf32, #tpu.memory_space<vmem>>) target(%dma_start3A_247 : memref<128x64xf32, #tpu.memory_space<hbm>>) target_semaphore(%run_scoped3A_237 : memref<!tpu.dma_semaphore, #tpu.memory_space<semaphore_mem>>)
      %dma_wait3A_252 = arith.constant 0 : i32
      %dma_wait3A_253 = arith.constant 0 : i32
      %dma_wait3A_254 = tpu.memref_slice %arg8[%run_scoped3A_212, %dma_wait3A_252, %dma_wait3A_253] : memref<4x128x64xf32, #tpu.memory_space<vmem>> -> memref<1x128x64xf32, #tpu.memory_space<vmem>>
      %dma_wait3A_255 = tpu.memref_squeeze %dma_wait3A_254 : memref<1x128x64xf32, #tpu.memory_space<vmem>> -> memref<128x64xf32, #tpu.memory_space<vmem>>
      %dma_wait3A_256 = arith.constant 0 : i32
      %dma_wait3A_257 = tpu.memref_slice %arg5[%arg0, %add3A_211, %dma_wait3A_256] : memref<2x10240x64xf32, #tpu.memory_space<hbm>> -> memref<1x128x64xf32, #tpu.memory_space<hbm>>
      %dma_wait3A_258 = tpu.memref_squeeze %dma_wait3A_257 : memref<1x128x64xf32, #tpu.memory_space<hbm>> -> memref<128x64xf32, #tpu.memory_space<hbm>>
      %dma_wait3A_259 = arith.constant 0 : i32
      %dma_wait3A_260 = tpu.memref_slice %arg5[%arg0, %add3A_211, %dma_wait3A_259] : memref<2x10240x64xf32, #tpu.memory_space<hbm>> -> memref<1x128x64xf32, #tpu.memory_space<hbm>>
      %dma_wait3A_261 = tpu.memref_squeeze %dma_wait3A_260 : memref<1x128x64xf32, #tpu.memory_space<hbm>> -> memref<128x64xf32, #tpu.memory_space<hbm>>
      %dma_wait3A_262 = arith.constant 0 : i32
      %dma_wait3A_263 = arith.constant 0 : i32
      %dma_wait3A_264 = tpu.memref_slice %arg8[%run_scoped3A_212, %dma_wait3A_262, %dma_wait3A_263] : memref<4x128x64xf32, #tpu.memory_space<vmem>> -> memref<1x128x64xf32, #tpu.memory_space<vmem>>
      %dma_wait3A_265 = tpu.memref_squeeze %dma_wait3A_264 : memref<1x128x64xf32, #tpu.memory_space<vmem>> -> memref<128x64xf32, #tpu.memory_space<vmem>>
      tpu.wait_dma2 semaphore(%run_scoped3A_237 : memref<!tpu.dma_semaphore, #tpu.memory_space<semaphore_mem>>) src(%dma_wait3A_265 : memref<128x64xf32, #tpu.memory_space<vmem>>) dst(%dma_wait3A_261 : memref<128x64xf32, #tpu.memory_space<hbm>>)
      tpu.yield
    }) : () -> ()
    %add3A_213 = arith.constant 128 : i32
    %add3A_214 = arith.addi %mul3A_206, %add3A_213 : i32
    %run_scoped3A_215 = arith.constant 0 : i32
    "tpu.region"() ({
      %run_scoped3A_237 = tpu.sem_alloc : memref<!tpu.dma_semaphore, #tpu.memory_space<semaphore_mem>>
      %dma_start3A_238 = arith.constant 0 : i32
      %dma_start3A_239 = arith.constant 0 : i32
      %dma_start3A_240 = tpu.memref_slice %arg8[%run_scoped3A_215, %dma_start3A_238, %dma_start3A_239] : memref<4x128x64xf32, #tpu.memory_space<vmem>> -> memref<1x128x64xf32, #tpu.memory_space<vmem>>
      %dma_start3A_241 = tpu.memref_squeeze %dma_start3A_240 : memref<1x128x64xf32, #tpu.memory_space<vmem>> -> memref<128x64xf32, #tpu.memory_space<vmem>>
      %dma_start3A_242 = arith.constant 0 : i32
      %dma_start3A_243 = tpu.memref_slice %arg10[%add3A_214, %dma_start3A_242] : memref<10240x64xf32, #tpu.memory_space<vmem_shared>> -> memref<128x64xf32, #tpu.memory_space<vmem_shared>>
      %dma_start3A_244 = arith.constant 0 : i32
      %dma_start3A_245 = arith.constant 0 : i32
      %dma_start3A_246 = tpu.memref_slice %arg8[%run_scoped3A_215, %dma_start3A_244, %dma_start3A_245] : memref<4x128x64xf32, #tpu.memory_space<vmem>> -> memref<1x128x64xf32, #tpu.memory_space<vmem>>
      %dma_start3A_247 = tpu.memref_squeeze %dma_start3A_246 : memref<1x128x64xf32, #tpu.memory_space<vmem>> -> memref<128x64xf32, #tpu.memory_space<vmem>>
      %dma_start3A_248 = arith.constant 0 : i32
      %dma_start3A_249 = tpu.memref_slice %arg10[%add3A_214, %dma_start3A_248] : memref<10240x64xf32, #tpu.memory_space<vmem_shared>> -> memref<128x64xf32, #tpu.memory_space<vmem_shared>>
      tpu.enqueue_dma source(%dma_start3A_249 : memref<128x64xf32, #tpu.memory_space<vmem_shared>>) target(%dma_start3A_247 : memref<128x64xf32, #tpu.memory_space<vmem>>) target_semaphore(%run_scoped3A_237 : memref<!tpu.dma_semaphore, #tpu.memory_space<semaphore_mem>>)
      %dma_wait3A_250 = arith.constant 0 : i32
      %dma_wait3A_251 = arith.constant 0 : i32
      %dma_wait3A_252 = tpu.memref_slice %arg8[%run_scoped3A_215, %dma_wait3A_250, %dma_wait3A_251] : memref<4x128x64xf32, #tpu.memory_space<vmem>> -> memref<1x128x64xf32, #tpu.memory_space<vmem>>
      %dma_wait3A_253 = tpu.memref_squeeze %dma_wait3A_252 : memref<1x128x64xf32, #tpu.memory_space<vmem>> -> memref<128x64xf32, #tpu.memory_space<vmem>>
      %dma_wait3A_254 = arith.constant 0 : i32
      %dma_wait3A_255 = tpu.memref_slice %arg10[%add3A_214, %dma_wait3A_254] : memref<10240x64xf32, #tpu.memory_space<vmem_shared>> -> memref<128x64xf32, #tpu.memory_space<vmem_shared>>
      %dma_wait3A_256 = arith.constant 0 : i32
      %dma_wait3A_257 = arith.constant 0 : i32
      %dma_wait3A_258 = tpu.memref_slice %arg8[%run_scoped3A_215, %dma_wait3A_256, %dma_wait3A_257] : memref<4x128x64xf32, #tpu.memory_space<vmem>> -> memref<1x128x64xf32, #tpu.memory_space<vmem>>
      %dma_wait3A_259 = tpu.memref_squeeze %dma_wait3A_258 : memref<1x128x64xf32, #tpu.memory_space<vmem>> -> memref<128x64xf32, #tpu.memory_space<vmem>>
      %dma_wait3A_260 = arith.constant 0 : i32
      %dma_wait3A_261 = tpu.memref_slice %arg10[%add3A_214, %dma_wait3A_260] : memref<10240x64xf32, #tpu.memory_space<vmem_shared>> -> memref<128x64xf32, #tpu.memory_space<vmem_shared>>
      tpu.wait_dma2 semaphore(%run_scoped3A_237 : memref<!tpu.dma_semaphore, #tpu.memory_space<semaphore_mem>>) src(%dma_wait3A_261 : memref<128x64xf32, #tpu.memory_space<vmem_shared>>) dst(%dma_wait3A_259 : memref<128x64xf32, #tpu.memory_space<vmem>>)
      tpu.yield
    }) : () -> ()
    %add3A_216 = arith.constant 128 : i32
    %add3A_217 = arith.addi %mul3A_206, %add3A_216 : i32
    %run_scoped3A_218 = arith.constant 0 : i32
    "tpu.region"() ({
      %run_scoped3A_237 = tpu.sem_alloc : memref<!tpu.dma_semaphore, #tpu.memory_space<semaphore_mem>>
      %dma_start3A_238 = arith.constant 0 : i32
      %dma_start3A_239 = arith.constant 0 : i32
      %dma_start3A_240 = tpu.memref_slice %arg8[%run_scoped3A_218, %dma_start3A_238, %dma_start3A_239] : memref<4x128x64xf32, #tpu.memory_space<vmem>> -> memref<1x128x64xf32, #tpu.memory_space<vmem>>
      %dma_start3A_241 = tpu.memref_squeeze %dma_start3A_240 : memref<1x128x64xf32, #tpu.memory_space<vmem>> -> memref<128x64xf32, #tpu.memory_space<vmem>>
      %dma_start3A_242 = arith.constant 0 : i32
      %dma_start3A_243 = tpu.memref_slice %arg5[%arg0, %add3A_217, %dma_start3A_242] : memref<2x10240x64xf32, #tpu.memory_space<hbm>> -> memref<1x128x64xf32, #tpu.memory_space<hbm>>
      %dma_start3A_244 = tpu.memref_squeeze %dma_start3A_243 : memref<1x128x64xf32, #tpu.memory_space<hbm>> -> memref<128x64xf32, #tpu.memory_space<hbm>>
      %dma_start3A_245 = arith.constant 0 : i32
      %dma_start3A_246 = tpu.memref_slice %arg5[%arg0, %add3A_217, %dma_start3A_245] : memref<2x10240x64xf32, #tpu.memory_space<hbm>> -> memref<1x128x64xf32, #tpu.memory_space<hbm>>
      %dma_start3A_247 = tpu.memref_squeeze %dma_start3A_246 : memref<1x128x64xf32, #tpu.memory_space<hbm>> -> memref<128x64xf32, #tpu.memory_space<hbm>>
      %dma_start3A_248 = arith.constant 0 : i32
      %dma_start3A_249 = arith.constant 0 : i32
      %dma_start3A_250 = tpu.memref_slice %arg8[%run_scoped3A_218, %dma_start3A_248, %dma_start3A_249] : memref<4x128x64xf32, #tpu.memory_space<vmem>> -> memref<1x128x64xf32, #tpu.memory_space<vmem>>
      %dma_start3A_251 = tpu.memref_squeeze %dma_start3A_250 : memref<1x128x64xf32, #tpu.memory_space<vmem>> -> memref<128x64xf32, #tpu.memory_space<vmem>>
      tpu.enqueue_dma source(%dma_start3A_251 : memref<128x64xf32, #tpu.memory_space<vmem>>) target(%dma_start3A_247 : memref<128x64xf32, #tpu.memory_space<hbm>>) target_semaphore(%run_scoped3A_237 : memref<!tpu.dma_semaphore, #tpu.memory_space<semaphore_mem>>)
      %dma_wait3A_252 = arith.constant 0 : i32
      %dma_wait3A_253 = arith.constant 0 : i32
      %dma_wait3A_254 = tpu.memref_slice %arg8[%run_scoped3A_218, %dma_wait3A_252, %dma_wait3A_253] : memref<4x128x64xf32, #tpu.memory_space<vmem>> -> memref<1x128x64xf32, #tpu.memory_space<vmem>>
      %dma_wait3A_255 = tpu.memref_squeeze %dma_wait3A_254 : memref<1x128x64xf32, #tpu.memory_space<vmem>> -> memref<128x64xf32, #tpu.memory_space<vmem>>
      %dma_wait3A_256 = arith.constant 0 : i32
      %dma_wait3A_257 = tpu.memref_slice %arg5[%arg0, %add3A_217, %dma_wait3A_256] : memref<2x10240x64xf32, #tpu.memory_space<hbm>> -> memref<1x128x64xf32, #tpu.memory_space<hbm>>
      %dma_wait3A_258 = tpu.memref_squeeze %dma_wait3A_257 : memref<1x128x64xf32, #tpu.memory_space<hbm>> -> memref<128x64xf32, #tpu.memory_space<hbm>>
      %dma_wait3A_259 = arith.constant 0 : i32
      %dma_wait3A_260 = tpu.memref_slice %arg5[%arg0, %add3A_217, %dma_wait3A_259] : memref<2x10240x64xf32, #tpu.memory_space<hbm>> -> memref<1x128x64xf32, #tpu.memory_space<hbm>>
      %dma_wait3A_261 = tpu.memref_squeeze %dma_wait3A_260 : memref<1x128x64xf32, #tpu.memory_space<hbm>> -> memref<128x64xf32, #tpu.memory_space<hbm>>
      %dma_wait3A_262 = arith.constant 0 : i32
      %dma_wait3A_263 = arith.constant 0 : i32
      %dma_wait3A_264 = tpu.memref_slice %arg8[%run_scoped3A_218, %dma_wait3A_262, %dma_wait3A_263] : memref<4x128x64xf32, #tpu.memory_space<vmem>> -> memref<1x128x64xf32, #tpu.memory_space<vmem>>
      %dma_wait3A_265 = tpu.memref_squeeze %dma_wait3A_264 : memref<1x128x64xf32, #tpu.memory_space<vmem>> -> memref<128x64xf32, #tpu.memory_space<vmem>>
      tpu.wait_dma2 semaphore(%run_scoped3A_237 : memref<!tpu.dma_semaphore, #tpu.memory_space<semaphore_mem>>) src(%dma_wait3A_265 : memref<128x64xf32, #tpu.memory_space<vmem>>) dst(%dma_wait3A_261 : memref<128x64xf32, #tpu.memory_space<hbm>>)
      tpu.yield
    }) : () -> ()
    %add3A_219 = arith.constant 256 : i32
    %add3A_220 = arith.addi %mul3A_206, %add3A_219 : i32
    %run_scoped3A_221 = arith.constant 0 : i32
    "tpu.region"() ({
      %run_scoped3A_237 = tpu.sem_alloc : memref<!tpu.dma_semaphore, #tpu.memory_space<semaphore_mem>>
      %dma_start3A_238 = arith.constant 0 : i32
      %dma_start3A_239 = arith.constant 0 : i32
      %dma_start3A_240 = tpu.memref_slice %arg8[%run_scoped3A_221, %dma_start3A_238, %dma_start3A_239] : memref<4x128x64xf32, #tpu.memory_space<vmem>> -> memref<1x128x64xf32, #tpu.memory_space<vmem>>
      %dma_start3A_241 = tpu.memref_squeeze %dma_start3A_240 : memref<1x128x64xf32, #tpu.memory_space<vmem>> -> memref<128x64xf32, #tpu.memory_space<vmem>>
      %dma_start3A_242 = arith.constant 0 : i32
      %dma_start3A_243 = tpu.memref_slice %arg10[%add3A_220, %dma_start3A_242] : memref<10240x64xf32, #tpu.memory_space<vmem_shared>> -> memref<128x64xf32, #tpu.memory_space<vmem_shared>>
      %dma_start3A_244 = arith.constant 0 : i32
      %dma_start3A_245 = arith.constant 0 : i32
      %dma_start3A_246 = tpu.memref_slice %arg8[%run_scoped3A_221, %dma_start3A_244, %dma_start3A_245] : memref<4x128x64xf32, #tpu.memory_space<vmem>> -> memref<1x128x64xf32, #tpu.memory_space<vmem>>
      %dma_start3A_247 = tpu.memref_squeeze %dma_start3A_246 : memref<1x128x64xf32, #tpu.memory_space<vmem>> -> memref<128x64xf32, #tpu.memory_space<vmem>>
      %dma_start3A_248 = arith.constant 0 : i32
      %dma_start3A_249 = tpu.memref_slice %arg10[%add3A_220, %dma_start3A_248] : memref<10240x64xf32, #tpu.memory_space<vmem_shared>> -> memref<128x64xf32, #tpu.memory_space<vmem_shared>>
      tpu.enqueue_dma source(%dma_start3A_249 : memref<128x64xf32, #tpu.memory_space<vmem_shared>>) target(%dma_start3A_247 : memref<128x64xf32, #tpu.memory_space<vmem>>) target_semaphore(%run_scoped3A_237 : memref<!tpu.dma_semaphore, #tpu.memory_space<semaphore_mem>>)
      %dma_wait3A_250 = arith.constant 0 : i32
      %dma_wait3A_251 = arith.constant 0 : i32
      %dma_wait3A_252 = tpu.memref_slice %arg8[%run_scoped3A_221, %dma_wait3A_250, %dma_wait3A_251] : memref<4x128x64xf32, #tpu.memory_space<vmem>> -> memref<1x128x64xf32, #tpu.memory_space<vmem>>
      %dma_wait3A_253 = tpu.memref_squeeze %dma_wait3A_252 : memref<1x128x64xf32, #tpu.memory_space<vmem>> -> memref<128x64xf32, #tpu.memory_space<vmem>>
      %dma_wait3A_254 = arith.constant 0 : i32
      %dma_wait3A_255 = tpu.memref_slice %arg10[%add3A_220, %dma_wait3A_254] : memref<10240x64xf32, #tpu.memory_space<vmem_shared>> -> memref<128x64xf32, #tpu.memory_space<vmem_shared>>
      %dma_wait3A_256 = arith.constant 0 : i32
      %dma_wait3A_257 = arith.constant 0 : i32
      %dma_wait3A_258 = tpu.memref_slice %arg8[%run_scoped3A_221, %dma_wait3A_256, %dma_wait3A_257] : memref<4x128x64xf32, #tpu.memory_space<vmem>> -> memref<1x128x64xf32, #tpu.memory_space<vmem>>
      %dma_wait3A_259 = tpu.memref_squeeze %dma_wait3A_258 : memref<1x128x64xf32, #tpu.memory_space<vmem>> -> memref<128x64xf32, #tpu.memory_space<vmem>>
      %dma_wait3A_260 = arith.constant 0 : i32
      %dma_wait3A_261 = tpu.memref_slice %arg10[%add3A_220, %dma_wait3A_260] : memref<10240x64xf32, #tpu.memory_space<vmem_shared>> -> memref<128x64xf32, #tpu.memory_space<vmem_shared>>
      tpu.wait_dma2 semaphore(%run_scoped3A_237 : memref<!tpu.dma_semaphore, #tpu.memory_space<semaphore_mem>>) src(%dma_wait3A_261 : memref<128x64xf32, #tpu.memory_space<vmem_shared>>) dst(%dma_wait3A_259 : memref<128x64xf32, #tpu.memory_space<vmem>>)
      tpu.yield
    }) : () -> ()
    %add3A_222 = arith.constant 256 : i32
    %add3A_223 = arith.addi %mul3A_206, %add3A_222 : i32
    %run_scoped3A_224 = arith.constant 0 : i32
    "tpu.region"() ({
      %run_scoped3A_237 = tpu.sem_alloc : memref<!tpu.dma_semaphore, #tpu.memory_space<semaphore_mem>>
      %dma_start3A_238 = arith.constant 0 : i32
      %dma_start3A_239 = arith.constant 0 : i32
      %dma_start3A_240 = tpu.memref_slice %arg8[%run_scoped3A_224, %dma_start3A_238, %dma_start3A_239] : memref<4x128x64xf32, #tpu.memory_space<vmem>> -> memref<1x128x64xf32, #tpu.memory_space<vmem>>
      %dma_start3A_241 = tpu.memref_squeeze %dma_start3A_240 : memref<1x128x64xf32, #tpu.memory_space<vmem>> -> memref<128x64xf32, #tpu.memory_space<vmem>>
      %dma_start3A_242 = arith.constant 0 : i32
      %dma_start3A_243 = tpu.memref_slice %arg5[%arg0, %add3A_223, %dma_start3A_242] : memref<2x10240x64xf32, #tpu.memory_space<hbm>> -> memref<1x128x64xf32, #tpu.memory_space<hbm>>
      %dma_start3A_244 = tpu.memref_squeeze %dma_start3A_243 : memref<1x128x64xf32, #tpu.memory_space<hbm>> -> memref<128x64xf32, #tpu.memory_space<hbm>>
      %dma_start3A_245 = arith.constant 0 : i32
      %dma_start3A_246 = tpu.memref_slice %arg5[%arg0, %add3A_223, %dma_start3A_245] : memref<2x10240x64xf32, #tpu.memory_space<hbm>> -> memref<1x128x64xf32, #tpu.memory_space<hbm>>
      %dma_start3A_247 = tpu.memref_squeeze %dma_start3A_246 : memref<1x128x64xf32, #tpu.memory_space<hbm>> -> memref<128x64xf32, #tpu.memory_space<hbm>>
      %dma_start3A_248 = arith.constant 0 : i32
      %dma_start3A_249 = arith.constant 0 : i32
      %dma_start3A_250 = tpu.memref_slice %arg8[%run_scoped3A_224, %dma_start3A_248, %dma_start3A_249] : memref<4x128x64xf32, #tpu.memory_space<vmem>> -> memref<1x128x64xf32, #tpu.memory_space<vmem>>
      %dma_start3A_251 = tpu.memref_squeeze %dma_start3A_250 : memref<1x128x64xf32, #tpu.memory_space<vmem>> -> memref<128x64xf32, #tpu.memory_space<vmem>>
      tpu.enqueue_dma source(%dma_start3A_251 : memref<128x64xf32, #tpu.memory_space<vmem>>) target(%dma_start3A_247 : memref<128x64xf32, #tpu.memory_space<hbm>>) target_semaphore(%run_scoped3A_237 : memref<!tpu.dma_semaphore, #tpu.memory_space<semaphore_mem>>)
      %dma_wait3A_252 = arith.constant 0 : i32
      %dma_wait3A_253 = arith.constant 0 : i32
      %dma_wait3A_254 = tpu.memref_slice %arg8[%run_scoped3A_224, %dma_wait3A_252, %dma_wait3A_253] : memref<4x128x64xf32, #tpu.memory_space<vmem>> -> memref<1x128x64xf32, #tpu.memory_space<vmem>>
      %dma_wait3A_255 = tpu.memref_squeeze %dma_wait3A_254 : memref<1x128x64xf32, #tpu.memory_space<vmem>> -> memref<128x64xf32, #tpu.memory_space<vmem>>
      %dma_wait3A_256 = arith.constant 0 : i32
      %dma_wait3A_257 = tpu.memref_slice %arg5[%arg0, %add3A_223, %dma_wait3A_256] : memref<2x10240x64xf32, #tpu.memory_space<hbm>> -> memref<1x128x64xf32, #tpu.memory_space<hbm>>
      %dma_wait3A_258 = tpu.memref_squeeze %dma_wait3A_257 : memref<1x128x64xf32, #tpu.memory_space<hbm>> -> memref<128x64xf32, #tpu.memory_space<hbm>>
      %dma_wait3A_259 = arith.constant 0 : i32
      %dma_wait3A_260 = tpu.memref_slice %arg5[%arg0, %add3A_223, %dma_wait3A_259] : memref<2x10240x64xf32, #tpu.memory_space<hbm>> -> memref<1x128x64xf32, #tpu.memory_space<hbm>>
      %dma_wait3A_261 = tpu.memref_squeeze %dma_wait3A_260 : memref<1x128x64xf32, #tpu.memory_space<hbm>> -> memref<128x64xf32, #tpu.memory_space<hbm>>
      %dma_wait3A_262 = arith.constant 0 : i32
      %dma_wait3A_263 = arith.constant 0 : i32
      %dma_wait3A_264 = tpu.memref_slice %arg8[%run_scoped3A_224, %dma_wait3A_262, %dma_wait3A_263] : memref<4x128x64xf32, #tpu.memory_space<vmem>> -> memref<1x128x64xf32, #tpu.memory_space<vmem>>
      %dma_wait3A_265 = tpu.memref_squeeze %dma_wait3A_264 : memref<1x128x64xf32, #tpu.memory_space<vmem>> -> memref<128x64xf32, #tpu.memory_space<vmem>>
      tpu.wait_dma2 semaphore(%run_scoped3A_237 : memref<!tpu.dma_semaphore, #tpu.memory_space<semaphore_mem>>) src(%dma_wait3A_265 : memref<128x64xf32, #tpu.memory_space<vmem>>) dst(%dma_wait3A_261 : memref<128x64xf32, #tpu.memory_space<hbm>>)
      tpu.yield
    }) : () -> ()
    %add3A_225 = arith.constant 384 : i32
    %add3A_226 = arith.addi %mul3A_206, %add3A_225 : i32
    %run_scoped3A_227 = arith.constant 0 : i32
    "tpu.region"() ({
      %run_scoped3A_237 = tpu.sem_alloc : memref<!tpu.dma_semaphore, #tpu.memory_space<semaphore_mem>>
      %dma_start3A_238 = arith.constant 0 : i32
      %dma_start3A_239 = arith.constant 0 : i32
      %dma_start3A_240 = tpu.memref_slice %arg8[%run_scoped3A_227, %dma_start3A_238, %dma_start3A_239] : memref<4x128x64xf32, #tpu.memory_space<vmem>> -> memref<1x128x64xf32, #tpu.memory_space<vmem>>
      %dma_start3A_241 = tpu.memref_squeeze %dma_start3A_240 : memref<1x128x64xf32, #tpu.memory_space<vmem>> -> memref<128x64xf32, #tpu.memory_space<vmem>>
      %dma_start3A_242 = arith.constant 0 : i32
      %dma_start3A_243 = tpu.memref_slice %arg10[%add3A_226, %dma_start3A_242] : memref<10240x64xf32, #tpu.memory_space<vmem_shared>> -> memref<128x64xf32, #tpu.memory_space<vmem_shared>>
      %dma_start3A_244 = arith.constant 0 : i32
      %dma_start3A_245 = arith.constant 0 : i32
      %dma_start3A_246 = tpu.memref_slice %arg8[%run_scoped3A_227, %dma_start3A_244, %dma_start3A_245] : memref<4x128x64xf32, #tpu.memory_space<vmem>> -> memref<1x128x64xf32, #tpu.memory_space<vmem>>
      %dma_start3A_247 = tpu.memref_squeeze %dma_start3A_246 : memref<1x128x64xf32, #tpu.memory_space<vmem>> -> memref<128x64xf32, #tpu.memory_space<vmem>>
      %dma_start3A_248 = arith.constant 0 : i32
      %dma_start3A_249 = tpu.memref_slice %arg10[%add3A_226, %dma_start3A_248] : memref<10240x64xf32, #tpu.memory_space<vmem_shared>> -> memref<128x64xf32, #tpu.memory_space<vmem_shared>>
      tpu.enqueue_dma source(%dma_start3A_249 : memref<128x64xf32, #tpu.memory_space<vmem_shared>>) target(%dma_start3A_247 : memref<128x64xf32, #tpu.memory_space<vmem>>) target_semaphore(%run_scoped3A_237 : memref<!tpu.dma_semaphore, #tpu.memory_space<semaphore_mem>>)
      %dma_wait3A_250 = arith.constant 0 : i32
      %dma_wait3A_251 = arith.constant 0 : i32
      %dma_wait3A_252 = tpu.memref_slice %arg8[%run_scoped3A_227, %dma_wait3A_250, %dma_wait3A_251] : memref<4x128x64xf32, #tpu.memory_space<vmem>> -> memref<1x128x64xf32, #tpu.memory_space<vmem>>
      %dma_wait3A_253 = tpu.memref_squeeze %dma_wait3A_252 : memref<1x128x64xf32, #tpu.memory_space<vmem>> -> memref<128x64xf32, #tpu.memory_space<vmem>>
      %dma_wait3A_254 = arith.constant 0 : i32
      %dma_wait3A_255 = tpu.memref_slice %arg10[%add3A_226, %dma_wait3A_254] : memref<10240x64xf32, #tpu.memory_space<vmem_shared>> -> memref<128x64xf32, #tpu.memory_space<vmem_shared>>
      %dma_wait3A_256 = arith.constant 0 : i32
      %dma_wait3A_257 = arith.constant 0 : i32
      %dma_wait3A_258 = tpu.memref_slice %arg8[%run_scoped3A_227, %dma_wait3A_256, %dma_wait3A_257] : memref<4x128x64xf32, #tpu.memory_space<vmem>> -> memref<1x128x64xf32, #tpu.memory_space<vmem>>
      %dma_wait3A_259 = tpu.memref_squeeze %dma_wait3A_258 : memref<1x128x64xf32, #tpu.memory_space<vmem>> -> memref<128x64xf32, #tpu.memory_space<vmem>>
      %dma_wait3A_260 = arith.constant 0 : i32
      %dma_wait3A_261 = tpu.memref_slice %arg10[%add3A_226, %dma_wait3A_260] : memref<10240x64xf32, #tpu.memory_space<vmem_shared>> -> memref<128x64xf32, #tpu.memory_space<vmem_shared>>
      tpu.wait_dma2 semaphore(%run_scoped3A_237 : memref<!tpu.dma_semaphore, #tpu.memory_space<semaphore_mem>>) src(%dma_wait3A_261 : memref<128x64xf32, #tpu.memory_space<vmem_shared>>) dst(%dma_wait3A_259 : memref<128x64xf32, #tpu.memory_space<vmem>>)
      tpu.yield
    }) : () -> ()
    %add3A_228 = arith.constant 384 : i32
    %add3A_229 = arith.addi %mul3A_206, %add3A_228 : i32
    %run_scoped3A_230 = arith.constant 0 : i32
    "tpu.region"() ({
      %run_scoped3A_237 = tpu.sem_alloc : memref<!tpu.dma_semaphore, #tpu.memory_space<semaphore_mem>>
      %dma_start3A_238 = arith.constant 0 : i32
      %dma_start3A_239 = arith.constant 0 : i32
      %dma_start3A_240 = tpu.memref_slice %arg8[%run_scoped3A_230, %dma_start3A_238, %dma_start3A_239] : memref<4x128x64xf32, #tpu.memory_space<vmem>> -> memref<1x128x64xf32, #tpu.memory_space<vmem>>
      %dma_start3A_241 = tpu.memref_squeeze %dma_start3A_240 : memref<1x128x64xf32, #tpu.memory_space<vmem>> -> memref<128x64xf32, #tpu.memory_space<vmem>>
      %dma_start3A_242 = arith.constant 0 : i32
      %dma_start3A_243 = tpu.memref_slice %arg5[%arg0, %add3A_229, %dma_start3A_242] : memref<2x10240x64xf32, #tpu.memory_space<hbm>> -> memref<1x128x64xf32, #tpu.memory_space<hbm>>
      %dma_start3A_244 = tpu.memref_squeeze %dma_start3A_243 : memref<1x128x64xf32, #tpu.memory_space<hbm>> -> memref<128x64xf32, #tpu.memory_space<hbm>>
      %dma_start3A_245 = arith.constant 0 : i32
      %dma_start3A_246 = tpu.memref_slice %arg5[%arg0, %add3A_229, %dma_start3A_245] : memref<2x10240x64xf32, #tpu.memory_space<hbm>> -> memref<1x128x64xf32, #tpu.memory_space<hbm>>
      %dma_start3A_247 = tpu.memref_squeeze %dma_start3A_246 : memref<1x128x64xf32, #tpu.memory_space<hbm>> -> memref<128x64xf32, #tpu.memory_space<hbm>>
      %dma_start3A_248 = arith.constant 0 : i32
      %dma_start3A_249 = arith.constant 0 : i32
      %dma_start3A_250 = tpu.memref_slice %arg8[%run_scoped3A_230, %dma_start3A_248, %dma_start3A_249] : memref<4x128x64xf32, #tpu.memory_space<vmem>> -> memref<1x128x64xf32, #tpu.memory_space<vmem>>
      %dma_start3A_251 = tpu.memref_squeeze %dma_start3A_250 : memref<1x128x64xf32, #tpu.memory_space<vmem>> -> memref<128x64xf32, #tpu.memory_space<vmem>>
      tpu.enqueue_dma source(%dma_start3A_251 : memref<128x64xf32, #tpu.memory_space<vmem>>) target(%dma_start3A_247 : memref<128x64xf32, #tpu.memory_space<hbm>>) target_semaphore(%run_scoped3A_237 : memref<!tpu.dma_semaphore, #tpu.memory_space<semaphore_mem>>)
      %dma_wait3A_252 = arith.constant 0 : i32
      %dma_wait3A_253 = arith.constant 0 : i32
      %dma_wait3A_254 = tpu.memref_slice %arg8[%run_scoped3A_230, %dma_wait3A_252, %dma_wait3A_253] : memref<4x128x64xf32, #tpu.memory_space<vmem>> -> memref<1x128x64xf32, #tpu.memory_space<vmem>>
      %dma_wait3A_255 = tpu.memref_squeeze %dma_wait3A_254 : memref<1x128x64xf32, #tpu.memory_space<vmem>> -> memref<128x64xf32, #tpu.memory_space<vmem>>
      %dma_wait3A_256 = arith.constant 0 : i32
      %dma_wait3A_257 = tpu.memref_slice %arg5[%arg0, %add3A_229, %dma_wait3A_256] : memref<2x10240x64xf32, #tpu.memory_space<hbm>> -> memref<1x128x64xf32, #tpu.memory_space<hbm>>
      %dma_wait3A_258 = tpu.memref_squeeze %dma_wait3A_257 : memref<1x128x64xf32, #tpu.memory_space<hbm>> -> memref<128x64xf32, #tpu.memory_space<hbm>>
      %dma_wait3A_259 = arith.constant 0 : i32
      %dma_wait3A_260 = tpu.memref_slice %arg5[%arg0, %add3A_229, %dma_wait3A_259] : memref<2x10240x64xf32, #tpu.memory_space<hbm>> -> memref<1x128x64xf32, #tpu.memory_space<hbm>>
      %dma_wait3A_261 = tpu.memref_squeeze %dma_wait3A_260 : memref<1x128x64xf32, #tpu.memory_space<hbm>> -> memref<128x64xf32, #tpu.memory_space<hbm>>
      %dma_wait3A_262 = arith.constant 0 : i32
      %dma_wait3A_263 = arith.constant 0 : i32
      %dma_wait3A_264 = tpu.memref_slice %arg8[%run_scoped3A_230, %dma_wait3A_262, %dma_wait3A_263] : memref<4x128x64xf32, #tpu.memory_space<vmem>> -> memref<1x128x64xf32, #tpu.memory_space<vmem>>
      %dma_wait3A_265 = tpu.memref_squeeze %dma_wait3A_264 : memref<1x128x64xf32, #tpu.memory_space<vmem>> -> memref<128x64xf32, #tpu.memory_space<vmem>>
      tpu.wait_dma2 semaphore(%run_scoped3A_237 : memref<!tpu.dma_semaphore, #tpu.memory_space<semaphore_mem>>) src(%dma_wait3A_265 : memref<128x64xf32, #tpu.memory_space<vmem>>) dst(%dma_wait3A_261 : memref<128x64xf32, #tpu.memory_space<hbm>>)
      tpu.yield
    }) : () -> ()
    %add3A_231 = arith.constant 512 : i32
    %add3A_232 = arith.addi %mul3A_206, %add3A_231 : i32
    %run_scoped3A_233 = arith.constant 0 : i32
    "tpu.region"() ({
      %run_scoped3A_237 = tpu.sem_alloc : memref<!tpu.dma_semaphore, #tpu.memory_space<semaphore_mem>>
      %dma_start3A_238 = arith.constant 0 : i32
      %dma_start3A_239 = arith.constant 0 : i32
      %dma_start3A_240 = tpu.memref_slice %arg8[%run_scoped3A_233, %dma_start3A_238, %dma_start3A_239] : memref<4x128x64xf32, #tpu.memory_space<vmem>> -> memref<1x128x64xf32, #tpu.memory_space<vmem>>
      %dma_start3A_241 = tpu.memref_squeeze %dma_start3A_240 : memref<1x128x64xf32, #tpu.memory_space<vmem>> -> memref<128x64xf32, #tpu.memory_space<vmem>>
      %dma_start3A_242 = arith.constant 0 : i32
      %dma_start3A_243 = tpu.memref_slice %arg10[%add3A_232, %dma_start3A_242] : memref<10240x64xf32, #tpu.memory_space<vmem_shared>> -> memref<128x64xf32, #tpu.memory_space<vmem_shared>>
      %dma_start3A_244 = arith.constant 0 : i32
      %dma_start3A_245 = arith.constant 0 : i32
      %dma_start3A_246 = tpu.memref_slice %arg8[%run_scoped3A_233, %dma_start3A_244, %dma_start3A_245] : memref<4x128x64xf32, #tpu.memory_space<vmem>> -> memref<1x128x64xf32, #tpu.memory_space<vmem>>
      %dma_start3A_247 = tpu.memref_squeeze %dma_start3A_246 : memref<1x128x64xf32, #tpu.memory_space<vmem>> -> memref<128x64xf32, #tpu.memory_space<vmem>>
      %dma_start3A_248 = arith.constant 0 : i32
      %dma_start3A_249 = tpu.memref_slice %arg10[%add3A_232, %dma_start3A_248] : memref<10240x64xf32, #tpu.memory_space<vmem_shared>> -> memref<128x64xf32, #tpu.memory_space<vmem_shared>>
      tpu.enqueue_dma source(%dma_start3A_249 : memref<128x64xf32, #tpu.memory_space<vmem_shared>>) target(%dma_start3A_247 : memref<128x64xf32, #tpu.memory_space<vmem>>) target_semaphore(%run_scoped3A_237 : memref<!tpu.dma_semaphore, #tpu.memory_space<semaphore_mem>>)
      %dma_wait3A_250 = arith.constant 0 : i32
      %dma_wait3A_251 = arith.constant 0 : i32
      %dma_wait3A_252 = tpu.memref_slice %arg8[%run_scoped3A_233, %dma_wait3A_250, %dma_wait3A_251] : memref<4x128x64xf32, #tpu.memory_space<vmem>> -> memref<1x128x64xf32, #tpu.memory_space<vmem>>
      %dma_wait3A_253 = tpu.memref_squeeze %dma_wait3A_252 : memref<1x128x64xf32, #tpu.memory_space<vmem>> -> memref<128x64xf32, #tpu.memory_space<vmem>>
      %dma_wait3A_254 = arith.constant 0 : i32
      %dma_wait3A_255 = tpu.memref_slice %arg10[%add3A_232, %dma_wait3A_254] : memref<10240x64xf32, #tpu.memory_space<vmem_shared>> -> memref<128x64xf32, #tpu.memory_space<vmem_shared>>
      %dma_wait3A_256 = arith.constant 0 : i32
      %dma_wait3A_257 = arith.constant 0 : i32
      %dma_wait3A_258 = tpu.memref_slice %arg8[%run_scoped3A_233, %dma_wait3A_256, %dma_wait3A_257] : memref<4x128x64xf32, #tpu.memory_space<vmem>> -> memref<1x128x64xf32, #tpu.memory_space<vmem>>
      %dma_wait3A_259 = tpu.memref_squeeze %dma_wait3A_258 : memref<1x128x64xf32, #tpu.memory_space<vmem>> -> memref<128x64xf32, #tpu.memory_space<vmem>>
      %dma_wait3A_260 = arith.constant 0 : i32
      %dma_wait3A_261 = tpu.memref_slice %arg10[%add3A_232, %dma_wait3A_260] : memref<10240x64xf32, #tpu.memory_space<vmem_shared>> -> memref<128x64xf32, #tpu.memory_space<vmem_shared>>
      tpu.wait_dma2 semaphore(%run_scoped3A_237 : memref<!tpu.dma_semaphore, #tpu.memory_space<semaphore_mem>>) src(%dma_wait3A_261 : memref<128x64xf32, #tpu.memory_space<vmem_shared>>) dst(%dma_wait3A_259 : memref<128x64xf32, #tpu.memory_space<vmem>>)
      tpu.yield
    }) : () -> ()
    %add3A_234 = arith.constant 512 : i32
    %add3A_235 = arith.addi %mul3A_206, %add3A_234 : i32
    %run_scoped3A_236 = arith.constant 0 : i32
    "tpu.region"() ({
      %run_scoped3A_237 = tpu.sem_alloc : memref<!tpu.dma_semaphore, #tpu.memory_space<semaphore_mem>>
      %dma_start3A_238 = arith.constant 0 : i32
      %dma_start3A_239 = arith.constant 0 : i32
      %dma_start3A_240 = tpu.memref_slice %arg8[%run_scoped3A_236, %dma_start3A_238, %dma_start3A_239] : memref<4x128x64xf32, #tpu.memory_space<vmem>> -> memref<1x128x64xf32, #tpu.memory_space<vmem>>
      %dma_start3A_241 = tpu.memref_squeeze %dma_start3A_240 : memref<1x128x64xf32, #tpu.memory_space<vmem>> -> memref<128x64xf32, #tpu.memory_space<vmem>>
      %dma_start3A_242 = arith.constant 0 : i32
      %dma_start3A_243 = tpu.memref_slice %arg5[%arg0, %add3A_235, %dma_start3A_242] : memref<2x10240x64xf32, #tpu.memory_space<hbm>> -> memref<1x128x64xf32, #tpu.memory_space<hbm>>
      %dma_start3A_244 = tpu.memref_squeeze %dma_start3A_243 : memref<1x128x64xf32, #tpu.memory_space<hbm>> -> memref<128x64xf32, #tpu.memory_space<hbm>>
      %dma_start3A_245 = arith.constant 0 : i32
      %dma_start3A_246 = tpu.memref_slice %arg5[%arg0, %add3A_235, %dma_start3A_245] : memref<2x10240x64xf32, #tpu.memory_space<hbm>> -> memref<1x128x64xf32, #tpu.memory_space<hbm>>
      %dma_start3A_247 = tpu.memref_squeeze %dma_start3A_246 : memref<1x128x64xf32, #tpu.memory_space<hbm>> -> memref<128x64xf32, #tpu.memory_space<hbm>>
      %dma_start3A_248 = arith.constant 0 : i32
      %dma_start3A_249 = arith.constant 0 : i32
      %dma_start3A_250 = tpu.memref_slice %arg8[%run_scoped3A_236, %dma_start3A_248, %dma_start3A_249] : memref<4x128x64xf32, #tpu.memory_space<vmem>> -> memref<1x128x64xf32, #tpu.memory_space<vmem>>
      %dma_start3A_251 = tpu.memref_squeeze %dma_start3A_250 : memref<1x128x64xf32, #tpu.memory_space<vmem>> -> memref<128x64xf32, #tpu.memory_space<vmem>>
      tpu.enqueue_dma source(%dma_start3A_251 : memref<128x64xf32, #tpu.memory_space<vmem>>) target(%dma_start3A_247 : memref<128x64xf32, #tpu.memory_space<hbm>>) target_semaphore(%run_scoped3A_237 : memref<!tpu.dma_semaphore, #tpu.memory_space<semaphore_mem>>)
      %dma_wait3A_252 = arith.constant 0 : i32
      %dma_wait3A_253 = arith.constant 0 : i32
      %dma_wait3A_254 = tpu.memref_slice %arg8[%run_scoped3A_236, %dma_wait3A_252, %dma_wait3A_253] : memref<4x128x64xf32, #tpu.memory_space<vmem>> -> memref<1x128x64xf32, #tpu.memory_space<vmem>>
      %dma_wait3A_255 = tpu.memref_squeeze %dma_wait3A_254 : memref<1x128x64xf32, #tpu.memory_space<vmem>> -> memref<128x64xf32, #tpu.memory_space<vmem>>
      %dma_wait3A_256 = arith.constant 0 : i32
      %dma_wait3A_257 = tpu.memref_slice %arg5[%arg0, %add3A_235, %dma_wait3A_256] : memref<2x10240x64xf32, #tpu.memory_space<hbm>> -> memref<1x128x64xf32, #tpu.memory_space<hbm>>
      %dma_wait3A_258 = tpu.memref_squeeze %dma_wait3A_257 : memref<1x128x64xf32, #tpu.memory_space<hbm>> -> memref<128x64xf32, #tpu.memory_space<hbm>>
      %dma_wait3A_259 = arith.constant 0 : i32
      %dma_wait3A_260 = tpu.memref_slice %arg5[%arg0, %add3A_235, %dma_wait3A_259] : memref<2x10240x64xf32, #tpu.memory_space<hbm>> -> memref<1x128x64xf32, #tpu.memory_space<hbm>>
      %dma_wait3A_261 = tpu.memref_squeeze %dma_wait3A_260 : memref<1x128x64xf32, #tpu.memory_space<hbm>> -> memref<128x64xf32, #tpu.memory_space<hbm>>
      %dma_wait3A_262 = arith.constant 0 : i32
      %dma_wait3A_263 = arith.constant 0 : i32
      %dma_wait3A_264 = tpu.memref_slice %arg8[%run_scoped3A_236, %dma_wait3A_262, %dma_wait3A_263] : memref<4x128x64xf32, #tpu.memory_space<vmem>> -> memref<1x128x64xf32, #tpu.memory_space<vmem>>
      %dma_wait3A_265 = tpu.memref_squeeze %dma_wait3A_264 : memref<1x128x64xf32, #tpu.memory_space<vmem>> -> memref<128x64xf32, #tpu.memory_space<vmem>>
      tpu.wait_dma2 semaphore(%run_scoped3A_237 : memref<!tpu.dma_semaphore, #tpu.memory_space<semaphore_mem>>) src(%dma_wait3A_265 : memref<128x64xf32, #tpu.memory_space<vmem>>) dst(%dma_wait3A_261 : memref<128x64xf32, #tpu.memory_space<hbm>>)
      tpu.yield
    }) : () -> ()
    return
  }
}

#map = affine_map<(d0, d1) -> (0, 0, 0)>
module attributes {stable_mosaic.version = 14 : i64} {
  func.func @_agg_body(%arg0: i32, %arg1: i32, %arg2: memref<2x10240x64xf32, #tpu.memory_space<hbm>>, %arg3: memref<16x160x128xi32, #tpu.memory_space<hbm>>, %arg4: memref<16x160x128xi32, #tpu.memory_space<hbm>>, %arg5: memref<2x10240x64xf32, #tpu.memory_space<hbm>>, %arg6: memref<160x128xi32, #tpu.memory_space<vmem>>, %arg7: memref<160x128xi32, #tpu.memory_space<vmem>>, %arg8: memref<4x128x64xf32, #tpu.memory_space<vmem>>, %arg9: memref<64x64xf32, #tpu.memory_space<vmem>>, %arg10: memref<10240x64xf32, #tpu.memory_space<vmem_shared>>, %arg11: memref<4x!tpu.dma_semaphore, #tpu.memory_space<semaphore_mem>>) attributes {dimension_semantics = [#tpu.dimension_semantics<core_parallel>, #tpu.dimension_semantics<subcore_parallel>], iteration_bounds = array<i64: 2, 16>, scalar_prefetch = 0 : i64, scratch_operands = 6 : i64, tpu.core_type = #tpu.core_type<sc_vector_subcore>, window_params = [{transform_indices = #map}, {transform_indices = #map}, {transform_indices = #map}, {transform_indices = #map}]} {
    "tpu.region"() ({
      %run_scoped3A_237 = tpu.sem_alloc : memref<!tpu.dma_semaphore, #tpu.memory_space<semaphore_mem>>
      %dma_start3A_238 = arith.constant 0 : i32
      %dma_start3A_239 = arith.constant 0 : i32
      %dma_start3A_240 = tpu.memref_slice %arg3[%arg1, %dma_start3A_238, %dma_start3A_239] : memref<16x160x128xi32, #tpu.memory_space<hbm>> -> memref<1x160x128xi32, #tpu.memory_space<hbm>>
      %dma_start3A_241 = tpu.memref_squeeze %dma_start3A_240 : memref<1x160x128xi32, #tpu.memory_space<hbm>> -> memref<160x128xi32, #tpu.memory_space<hbm>>
      %dma_start3A_242 = arith.constant 0 : i32
      %dma_start3A_243 = arith.constant 0 : i32
      %dma_start3A_244 = tpu.memref_slice %arg3[%arg1, %dma_start3A_242, %dma_start3A_243] : memref<16x160x128xi32, #tpu.memory_space<hbm>> -> memref<1x160x128xi32, #tpu.memory_space<hbm>>
      %dma_start3A_245 = tpu.memref_squeeze %dma_start3A_244 : memref<1x160x128xi32, #tpu.memory_space<hbm>> -> memref<160x128xi32, #tpu.memory_space<hbm>>
      tpu.enqueue_dma source(%dma_start3A_245 : memref<160x128xi32, #tpu.memory_space<hbm>>) target(%arg6 : memref<160x128xi32, #tpu.memory_space<vmem>>) target_semaphore(%run_scoped3A_237 : memref<!tpu.dma_semaphore, #tpu.memory_space<semaphore_mem>>)
      %dma_wait3A_246 = arith.constant 0 : i32
      %dma_wait3A_247 = arith.constant 0 : i32
      %dma_wait3A_248 = tpu.memref_slice %arg3[%arg1, %dma_wait3A_246, %dma_wait3A_247] : memref<16x160x128xi32, #tpu.memory_space<hbm>> -> memref<1x160x128xi32, #tpu.memory_space<hbm>>
      %dma_wait3A_249 = tpu.memref_squeeze %dma_wait3A_248 : memref<1x160x128xi32, #tpu.memory_space<hbm>> -> memref<160x128xi32, #tpu.memory_space<hbm>>
      %dma_wait3A_250 = arith.constant 0 : i32
      %dma_wait3A_251 = arith.constant 0 : i32
      %dma_wait3A_252 = tpu.memref_slice %arg3[%arg1, %dma_wait3A_250, %dma_wait3A_251] : memref<16x160x128xi32, #tpu.memory_space<hbm>> -> memref<1x160x128xi32, #tpu.memory_space<hbm>>
      %dma_wait3A_253 = tpu.memref_squeeze %dma_wait3A_252 : memref<1x160x128xi32, #tpu.memory_space<hbm>> -> memref<160x128xi32, #tpu.memory_space<hbm>>
      tpu.wait_dma2 semaphore(%run_scoped3A_237 : memref<!tpu.dma_semaphore, #tpu.memory_space<semaphore_mem>>) src(%dma_wait3A_253 : memref<160x128xi32, #tpu.memory_space<hbm>>) dst(%arg6 : memref<160x128xi32, #tpu.memory_space<vmem>>)
      tpu.yield
    }) : () -> ()
    "tpu.region"() ({
      %run_scoped3A_237 = tpu.sem_alloc : memref<!tpu.dma_semaphore, #tpu.memory_space<semaphore_mem>>
      %dma_start3A_238 = arith.constant 0 : i32
      %dma_start3A_239 = arith.constant 0 : i32
      %dma_start3A_240 = tpu.memref_slice %arg4[%arg1, %dma_start3A_238, %dma_start3A_239] : memref<16x160x128xi32, #tpu.memory_space<hbm>> -> memref<1x160x128xi32, #tpu.memory_space<hbm>>
      %dma_start3A_241 = tpu.memref_squeeze %dma_start3A_240 : memref<1x160x128xi32, #tpu.memory_space<hbm>> -> memref<160x128xi32, #tpu.memory_space<hbm>>
      %dma_start3A_242 = arith.constant 0 : i32
      %dma_start3A_243 = arith.constant 0 : i32
      %dma_start3A_244 = tpu.memref_slice %arg4[%arg1, %dma_start3A_242, %dma_start3A_243] : memref<16x160x128xi32, #tpu.memory_space<hbm>> -> memref<1x160x128xi32, #tpu.memory_space<hbm>>
      %dma_start3A_245 = tpu.memref_squeeze %dma_start3A_244 : memref<1x160x128xi32, #tpu.memory_space<hbm>> -> memref<160x128xi32, #tpu.memory_space<hbm>>
      tpu.enqueue_dma source(%dma_start3A_245 : memref<160x128xi32, #tpu.memory_space<hbm>>) target(%arg7 : memref<160x128xi32, #tpu.memory_space<vmem>>) target_semaphore(%run_scoped3A_237 : memref<!tpu.dma_semaphore, #tpu.memory_space<semaphore_mem>>)
      %dma_wait3A_246 = arith.constant 0 : i32
      %dma_wait3A_247 = arith.constant 0 : i32
      %dma_wait3A_248 = tpu.memref_slice %arg4[%arg1, %dma_wait3A_246, %dma_wait3A_247] : memref<16x160x128xi32, #tpu.memory_space<hbm>> -> memref<1x160x128xi32, #tpu.memory_space<hbm>>
      %dma_wait3A_249 = tpu.memref_squeeze %dma_wait3A_248 : memref<1x160x128xi32, #tpu.memory_space<hbm>> -> memref<160x128xi32, #tpu.memory_space<hbm>>
      %dma_wait3A_250 = arith.constant 0 : i32
      %dma_wait3A_251 = arith.constant 0 : i32
      %dma_wait3A_252 = tpu.memref_slice %arg4[%arg1, %dma_wait3A_250, %dma_wait3A_251] : memref<16x160x128xi32, #tpu.memory_space<hbm>> -> memref<1x160x128xi32, #tpu.memory_space<hbm>>
      %dma_wait3A_253 = tpu.memref_squeeze %dma_wait3A_252 : memref<1x160x128xi32, #tpu.memory_space<hbm>> -> memref<160x128xi32, #tpu.memory_space<hbm>>
      tpu.wait_dma2 semaphore(%run_scoped3A_237 : memref<!tpu.dma_semaphore, #tpu.memory_space<semaphore_mem>>) src(%dma_wait3A_253 : memref<160x128xi32, #tpu.memory_space<hbm>>) dst(%arg7 : memref<160x128xi32, #tpu.memory_space<vmem>>)
      tpu.yield
    }) : () -> ()
    %dma_start3A = arith.constant 0 : i32
    %dma_start3A_0 = arith.constant 0 : i32
    %dma_start3A_1 = arith.constant 0 : i32
    %dma_start3A_2 = arith.constant 0 : i32
    %dma_start3A_3 = arith.constant 0 : i32
    %dma_start3A_4 = tpu.memref_slice %arg8[%dma_start3A_0, %dma_start3A_2, %dma_start3A_3] : memref<4x128x64xf32, #tpu.memory_space<vmem>> -> memref<1x128x64xf32, #tpu.memory_space<vmem>>
    %dma_start3A_5 = tpu.memref_squeeze %dma_start3A_4 : memref<1x128x64xf32, #tpu.memory_space<vmem>> -> memref<128x64xf32, #tpu.memory_space<vmem>>
    %dma_start3A_6 = arith.constant 0 : i32
    %dma_start3A_7 = tpu.memref_slice %arg6[%dma_start3A, %dma_start3A_6] : memref<160x128xi32, #tpu.memory_space<vmem>> -> memref<1x128xi32, #tpu.memory_space<vmem>>
    %dma_start3A_8 = tpu.memref_squeeze %dma_start3A_7 : memref<1x128xi32, #tpu.memory_space<vmem>> -> memref<128xi32, #tpu.memory_space<vmem>>
    %dma_start3A_9 = arith.constant 0 : i32
    %dma_start3A_10 = arith.constant 0 : i32
    %dma_start3A_11 = tpu.memref_slice %arg2[%arg0, %dma_start3A_9, %dma_start3A_10] : memref<2x10240x64xf32, #tpu.memory_space<hbm>> -> memref<1x10240x64xf32, #tpu.memory_space<hbm>>
    %dma_start3A_12 = tpu.memref_squeeze %dma_start3A_11 : memref<1x10240x64xf32, #tpu.memory_space<hbm>> -> memref<10240x64xf32, #tpu.memory_space<hbm>>
    %dma_start3A_13 = arith.constant 0 : i32
    %dma_start3A_14 = arith.constant 0 : i32
    %dma_start3A_15 = tpu.memref_slice %dma_start3A_12[%dma_start3A_13, %dma_start3A_14] : memref<10240x64xf32, #tpu.memory_space<hbm>> -> memref<10240x64xf32, #tpu.memory_space<hbm>>
    %dma_start3A_16 = tpu.memref_slice %arg11[%dma_start3A_1] : memref<4x!tpu.dma_semaphore, #tpu.memory_space<semaphore_mem>> -> memref<1x!tpu.dma_semaphore, #tpu.memory_space<semaphore_mem>>
    %dma_start3A_17 = tpu.memref_squeeze %dma_start3A_16 : memref<1x!tpu.dma_semaphore, #tpu.memory_space<semaphore_mem>> -> memref<!tpu.dma_semaphore, #tpu.memory_space<semaphore_mem>>
    tpu.enqueue_indirect_dma source(%dma_start3A_15 : memref<10240x64xf32, #tpu.memory_space<hbm>>) target(%dma_start3A_5 : memref<128x64xf32, #tpu.memory_space<vmem>>) offsets(%dma_start3A_8 : memref<128xi32, #tpu.memory_space<vmem>>) semaphore(%dma_start3A_17 : memref<!tpu.dma_semaphore, #tpu.memory_space<semaphore_mem>>)
    %dma_start3A_18 = arith.constant 1 : i32
    %dma_start3A_19 = arith.constant 1 : i32
    %dma_start3A_20 = arith.constant 1 : i32
    %dma_start3A_21 = arith.constant 0 : i32
    %dma_start3A_22 = arith.constant 0 : i32
    %dma_start3A_23 = tpu.memref_slice %arg8[%dma_start3A_19, %dma_start3A_21, %dma_start3A_22] : memref<4x128x64xf32, #tpu.memory_space<vmem>> -> memref<1x128x64xf32, #tpu.memory_space<vmem>>
    %dma_start3A_24 = tpu.memref_squeeze %dma_start3A_23 : memref<1x128x64xf32, #tpu.memory_space<vmem>> -> memref<128x64xf32, #tpu.memory_space<vmem>>
    %dma_start3A_25 = arith.constant 0 : i32
    %dma_start3A_26 = tpu.memref_slice %arg6[%dma_start3A_18, %dma_start3A_25] : memref<160x128xi32, #tpu.memory_space<vmem>> -> memref<1x128xi32, #tpu.memory_space<vmem>>
    %dma_start3A_27 = tpu.memref_squeeze %dma_start3A_26 : memref<1x128xi32, #tpu.memory_space<vmem>> -> memref<128xi32, #tpu.memory_space<vmem>>
    %dma_start3A_28 = arith.constant 0 : i32
    %dma_start3A_29 = arith.constant 0 : i32
    %dma_start3A_30 = tpu.memref_slice %arg2[%arg0, %dma_start3A_28, %dma_start3A_29] : memref<2x10240x64xf32, #tpu.memory_space<hbm>> -> memref<1x10240x64xf32, #tpu.memory_space<hbm>>
    %dma_start3A_31 = tpu.memref_squeeze %dma_start3A_30 : memref<1x10240x64xf32, #tpu.memory_space<hbm>> -> memref<10240x64xf32, #tpu.memory_space<hbm>>
    %dma_start3A_32 = arith.constant 0 : i32
    %dma_start3A_33 = arith.constant 0 : i32
    %dma_start3A_34 = tpu.memref_slice %dma_start3A_31[%dma_start3A_32, %dma_start3A_33] : memref<10240x64xf32, #tpu.memory_space<hbm>> -> memref<10240x64xf32, #tpu.memory_space<hbm>>
    %dma_start3A_35 = tpu.memref_slice %arg11[%dma_start3A_20] : memref<4x!tpu.dma_semaphore, #tpu.memory_space<semaphore_mem>> -> memref<1x!tpu.dma_semaphore, #tpu.memory_space<semaphore_mem>>
    %dma_start3A_36 = tpu.memref_squeeze %dma_start3A_35 : memref<1x!tpu.dma_semaphore, #tpu.memory_space<semaphore_mem>> -> memref<!tpu.dma_semaphore, #tpu.memory_space<semaphore_mem>>
    tpu.enqueue_indirect_dma source(%dma_start3A_34 : memref<10240x64xf32, #tpu.memory_space<hbm>>) target(%dma_start3A_24 : memref<128x64xf32, #tpu.memory_space<vmem>>) offsets(%dma_start3A_27 : memref<128xi32, #tpu.memory_space<vmem>>) semaphore(%dma_start3A_36 : memref<!tpu.dma_semaphore, #tpu.memory_space<semaphore_mem>>)
    %dma_start3A_37 = arith.constant 2 : i32
    %dma_start3A_38 = arith.constant 2 : i32
    %dma_start3A_39 = arith.constant 2 : i32
    %dma_start3A_40 = arith.constant 0 : i32
    %dma_start3A_41 = arith.constant 0 : i32
    %dma_start3A_42 = tpu.memref_slice %arg8[%dma_start3A_38, %dma_start3A_40, %dma_start3A_41] : memref<4x128x64xf32, #tpu.memory_space<vmem>> -> memref<1x128x64xf32, #tpu.memory_space<vmem>>
    %dma_start3A_43 = tpu.memref_squeeze %dma_start3A_42 : memref<1x128x64xf32, #tpu.memory_space<vmem>> -> memref<128x64xf32, #tpu.memory_space<vmem>>
    %dma_start3A_44 = arith.constant 0 : i32
    %dma_start3A_45 = tpu.memref_slice %arg6[%dma_start3A_37, %dma_start3A_44] : memref<160x128xi32, #tpu.memory_space<vmem>> -> memref<1x128xi32, #tpu.memory_space<vmem>>
    %dma_start3A_46 = tpu.memref_squeeze %dma_start3A_45 : memref<1x128xi32, #tpu.memory_space<vmem>> -> memref<128xi32, #tpu.memory_space<vmem>>
    %dma_start3A_47 = arith.constant 0 : i32
    %dma_start3A_48 = arith.constant 0 : i32
    %dma_start3A_49 = tpu.memref_slice %arg2[%arg0, %dma_start3A_47, %dma_start3A_48] : memref<2x10240x64xf32, #tpu.memory_space<hbm>> -> memref<1x10240x64xf32, #tpu.memory_space<hbm>>
    %dma_start3A_50 = tpu.memref_squeeze %dma_start3A_49 : memref<1x10240x64xf32, #tpu.memory_space<hbm>> -> memref<10240x64xf32, #tpu.memory_space<hbm>>
    %dma_start3A_51 = arith.constant 0 : i32
    %dma_start3A_52 = arith.constant 0 : i32
    %dma_start3A_53 = tpu.memref_slice %dma_start3A_50[%dma_start3A_51, %dma_start3A_52] : memref<10240x64xf32, #tpu.memory_space<hbm>> -> memref<10240x64xf32, #tpu.memory_space<hbm>>
    %dma_start3A_54 = tpu.memref_slice %arg11[%dma_start3A_39] : memref<4x!tpu.dma_semaphore, #tpu.memory_space<semaphore_mem>> -> memref<1x!tpu.dma_semaphore, #tpu.memory_space<semaphore_mem>>
    %dma_start3A_55 = tpu.memref_squeeze %dma_start3A_54 : memref<1x!tpu.dma_semaphore, #tpu.memory_space<semaphore_mem>> -> memref<!tpu.dma_semaphore, #tpu.memory_space<semaphore_mem>>
    tpu.enqueue_indirect_dma source(%dma_start3A_53 : memref<10240x64xf32, #tpu.memory_space<hbm>>) target(%dma_start3A_43 : memref<128x64xf32, #tpu.memory_space<vmem>>) offsets(%dma_start3A_46 : memref<128xi32, #tpu.memory_space<vmem>>) semaphore(%dma_start3A_55 : memref<!tpu.dma_semaphore, #tpu.memory_space<semaphore_mem>>)
    %dma_start3A_56 = arith.constant 3 : i32
    %dma_start3A_57 = arith.constant 3 : i32
    %dma_start3A_58 = arith.constant 3 : i32
    %dma_start3A_59 = arith.constant 0 : i32
    %dma_start3A_60 = arith.constant 0 : i32
    %dma_start3A_61 = tpu.memref_slice %arg8[%dma_start3A_57, %dma_start3A_59, %dma_start3A_60] : memref<4x128x64xf32, #tpu.memory_space<vmem>> -> memref<1x128x64xf32, #tpu.memory_space<vmem>>
    %dma_start3A_62 = tpu.memref_squeeze %dma_start3A_61 : memref<1x128x64xf32, #tpu.memory_space<vmem>> -> memref<128x64xf32, #tpu.memory_space<vmem>>
    %dma_start3A_63 = arith.constant 0 : i32
    %dma_start3A_64 = tpu.memref_slice %arg6[%dma_start3A_56, %dma_start3A_63] : memref<160x128xi32, #tpu.memory_space<vmem>> -> memref<1x128xi32, #tpu.memory_space<vmem>>
    %dma_start3A_65 = tpu.memref_squeeze %dma_start3A_64 : memref<1x128xi32, #tpu.memory_space<vmem>> -> memref<128xi32, #tpu.memory_space<vmem>>
    %dma_start3A_66 = arith.constant 0 : i32
    %dma_start3A_67 = arith.constant 0 : i32
    %dma_start3A_68 = tpu.memref_slice %arg2[%arg0, %dma_start3A_66, %dma_start3A_67] : memref<2x10240x64xf32, #tpu.memory_space<hbm>> -> memref<1x10240x64xf32, #tpu.memory_space<hbm>>
    %dma_start3A_69 = tpu.memref_squeeze %dma_start3A_68 : memref<1x10240x64xf32, #tpu.memory_space<hbm>> -> memref<10240x64xf32, #tpu.memory_space<hbm>>
    %dma_start3A_70 = arith.constant 0 : i32
    %dma_start3A_71 = arith.constant 0 : i32
    %dma_start3A_72 = tpu.memref_slice %dma_start3A_69[%dma_start3A_70, %dma_start3A_71] : memref<10240x64xf32, #tpu.memory_space<hbm>> -> memref<10240x64xf32, #tpu.memory_space<hbm>>
    %dma_start3A_73 = tpu.memref_slice %arg11[%dma_start3A_58] : memref<4x!tpu.dma_semaphore, #tpu.memory_space<semaphore_mem>> -> memref<1x!tpu.dma_semaphore, #tpu.memory_space<semaphore_mem>>
    %dma_start3A_74 = tpu.memref_squeeze %dma_start3A_73 : memref<1x!tpu.dma_semaphore, #tpu.memory_space<semaphore_mem>> -> memref<!tpu.dma_semaphore, #tpu.memory_space<semaphore_mem>>
    tpu.enqueue_indirect_dma source(%dma_start3A_72 : memref<10240x64xf32, #tpu.memory_space<hbm>>) target(%dma_start3A_62 : memref<128x64xf32, #tpu.memory_space<vmem>>) offsets(%dma_start3A_65 : memref<128xi32, #tpu.memory_space<vmem>>) semaphore(%dma_start3A_74 : memref<!tpu.dma_semaphore, #tpu.memory_space<semaphore_mem>>)
    %scan3A = arith.constant 0 : i32
    %scan3A_75 = arith.constant 64 : i32
    %scan3A_76 = arith.addi %scan3A, %scan3A_75 : i32
    %scan3A_77 = arith.constant 1 : i32
    scf.for %scan3A_237 = %scan3A to %scan3A_76 step %scan3A_77  : i32 {
      %mul3A_238 = arith.constant 1 : i32
      %mul3A_239 = arith.muli %scan3A_237, %mul3A_238 : i32
      %add3A_240 = arith.constant 0 : i32
      %add3A_241 = arith.addi %add3A_240, %mul3A_239 : i32
      %broadcast_in_dim3A = arith.constant 0.000000e+00 : f32
      %broadcast_in_dim3A_242 = vector.broadcast %broadcast_in_dim3A : f32 to vector<16xf32>
      %swap3A = arith.index_cast %add3A_241 : i32 to index
      %swap3A_243 = arith.constant 0 : index
      %swap3A_244 = tpu.vector_load %arg9[%swap3A, %swap3A_243] {strides = array<i32>} : memref<64x64xf32, #tpu.memory_space<vmem>>, vector<16xf32>,
      tpu.vector_store %arg9[%swap3A, %swap3A_243], %broadcast_in_dim3A_242 {strides = array<i32>} : memref<64x64xf32, #tpu.memory_space<vmem>>, vector<16xf32>,
      %broadcast_in_dim3A_245 = arith.constant 0.000000e+00 : f32
      %broadcast_in_dim3A_246 = vector.broadcast %broadcast_in_dim3A_245 : f32 to vector<16xf32>
      %swap3A_247 = arith.index_cast %add3A_241 : i32 to index
      %swap3A_248 = arith.constant 16 : index
      %swap3A_249 = tpu.vector_load %arg9[%swap3A_247, %swap3A_248] {strides = array<i32>} : memref<64x64xf32, #tpu.memory_space<vmem>>, vector<16xf32>,
      tpu.vector_store %arg9[%swap3A_247, %swap3A_248], %broadcast_in_dim3A_246 {strides = array<i32>} : memref<64x64xf32, #tpu.memory_space<vmem>>, vector<16xf32>,
      %broadcast_in_dim3A_250 = arith.constant 0.000000e+00 : f32
      %broadcast_in_dim3A_251 = vector.broadcast %broadcast_in_dim3A_250 : f32 to vector<16xf32>
      %swap3A_252 = arith.index_cast %add3A_241 : i32 to index
      %swap3A_253 = arith.constant 32 : index
      %swap3A_254 = tpu.vector_load %arg9[%swap3A_252, %swap3A_253] {strides = array<i32>} : memref<64x64xf32, #tpu.memory_space<vmem>>, vector<16xf32>,
      tpu.vector_store %arg9[%swap3A_252, %swap3A_253], %broadcast_in_dim3A_251 {strides = array<i32>} : memref<64x64xf32, #tpu.memory_space<vmem>>, vector<16xf32>,
      %broadcast_in_dim3A_255 = arith.constant 0.000000e+00 : f32
      %broadcast_in_dim3A_256 = vector.broadcast %broadcast_in_dim3A_255 : f32 to vector<16xf32>
      %swap3A_257 = arith.index_cast %add3A_241 : i32 to index
      %swap3A_258 = arith.constant 48 : index
      %swap3A_259 = tpu.vector_load %arg9[%swap3A_257, %swap3A_258] {strides = array<i32>} : memref<64x64xf32, #tpu.memory_space<vmem>>, vector<16xf32>,
      tpu.vector_store %arg9[%swap3A_257, %swap3A_258], %broadcast_in_dim3A_256 {strides = array<i32>} : memref<64x64xf32, #tpu.memory_space<vmem>>, vector<16xf32>,
    }
    %scan3A_78 = arith.constant 64 : i32
    %mul3A = arith.constant 640 : i32
    %mul3A_79 = arith.muli %arg1, %mul3A : i32
    %add3A = arith.constant 0 : i32
    %add3A_80 = arith.addi %mul3A_79, %add3A : i32
    "tpu.region"() ({
      %run_scoped3A_237 = tpu.sem_alloc : memref<!tpu.dma_semaphore, #tpu.memory_space<semaphore_mem>>
      %dma_start3A_238 = arith.constant 0 : i32
      %dma_start3A_239 = tpu.memref_slice %arg10[%add3A_80, %dma_start3A_238] : memref<10240x64xf32, #tpu.memory_space<vmem_shared>> -> memref<64x64xf32, #tpu.memory_space<vmem_shared>>
      %dma_start3A_240 = arith.constant 0 : i32
      %dma_start3A_241 = tpu.memref_slice %arg10[%add3A_80, %dma_start3A_240] : memref<10240x64xf32, #tpu.memory_space<vmem_shared>> -> memref<64x64xf32, #tpu.memory_space<vmem_shared>>
      tpu.enqueue_dma source(%arg9 : memref<64x64xf32, #tpu.memory_space<vmem>>) target(%dma_start3A_241 : memref<64x64xf32, #tpu.memory_space<vmem_shared>>) target_semaphore(%run_scoped3A_237 : memref<!tpu.dma_semaphore, #tpu.memory_space<semaphore_mem>>)
      %dma_wait3A_242 = arith.constant 0 : i32
      %dma_wait3A_243 = tpu.memref_slice %arg10[%add3A_80, %dma_wait3A_242] : memref<10240x64xf32, #tpu.memory_space<vmem_shared>> -> memref<64x64xf32, #tpu.memory_space<vmem_shared>>
      %dma_wait3A_244 = arith.constant 0 : i32
      %dma_wait3A_245 = tpu.memref_slice %arg10[%add3A_80, %dma_wait3A_244] : memref<10240x64xf32, #tpu.memory_space<vmem_shared>> -> memref<64x64xf32, #tpu.memory_space<vmem_shared>>
      tpu.wait_dma2 semaphore(%run_scoped3A_237 : memref<!tpu.dma_semaphore, #tpu.memory_space<semaphore_mem>>) src(%arg9 : memref<64x64xf32, #tpu.memory_space<vmem>>) dst(%dma_wait3A_245 : memref<64x64xf32, #tpu.memory_space<vmem_shared>>)
      tpu.yield
    }) : () -> ()
    %mul3A_81 = arith.constant 640 : i32
    %mul3A_82 = arith.muli %arg1, %mul3A_81 : i32
    %add3A_83 = arith.constant 64 : i32
    %add3A_84 = arith.addi %mul3A_82, %add3A_83 : i32
    "tpu.region"() ({
      %run_scoped3A_237 = tpu.sem_alloc : memref<!tpu.dma_semaphore, #tpu.memory_space<semaphore_mem>>
      %dma_start3A_238 = arith.constant 0 : i32
      %dma_start3A_239 = tpu.memref_slice %arg10[%add3A_84, %dma_start3A_238] : memref<10240x64xf32, #tpu.memory_space<vmem_shared>> -> memref<64x64xf32, #tpu.memory_space<vmem_shared>>
      %dma_start3A_240 = arith.constant 0 : i32
      %dma_start3A_241 = tpu.memref_slice %arg10[%add3A_84, %dma_start3A_240] : memref<10240x64xf32, #tpu.memory_space<vmem_shared>> -> memref<64x64xf32, #tpu.memory_space<vmem_shared>>
      tpu.enqueue_dma source(%arg9 : memref<64x64xf32, #tpu.memory_space<vmem>>) target(%dma_start3A_241 : memref<64x64xf32, #tpu.memory_space<vmem_shared>>) target_semaphore(%run_scoped3A_237 : memref<!tpu.dma_semaphore, #tpu.memory_space<semaphore_mem>>)
      %dma_wait3A_242 = arith.constant 0 : i32
      %dma_wait3A_243 = tpu.memref_slice %arg10[%add3A_84, %dma_wait3A_242] : memref<10240x64xf32, #tpu.memory_space<vmem_shared>> -> memref<64x64xf32, #tpu.memory_space<vmem_shared>>
      %dma_wait3A_244 = arith.constant 0 : i32
      %dma_wait3A_245 = tpu.memref_slice %arg10[%add3A_84, %dma_wait3A_244] : memref<10240x64xf32, #tpu.memory_space<vmem_shared>> -> memref<64x64xf32, #tpu.memory_space<vmem_shared>>
      tpu.wait_dma2 semaphore(%run_scoped3A_237 : memref<!tpu.dma_semaphore, #tpu.memory_space<semaphore_mem>>) src(%arg9 : memref<64x64xf32, #tpu.memory_space<vmem>>) dst(%dma_wait3A_245 : memref<64x64xf32, #tpu.memory_space<vmem_shared>>)
      tpu.yield
    }) : () -> ()
    %mul3A_85 = arith.constant 640 : i32
    %mul3A_86 = arith.muli %arg1, %mul3A_85 : i32
    %add3A_87 = arith.constant 128 : i32
    %add3A_88 = arith.addi %mul3A_86, %add3A_87 : i32
    "tpu.region"() ({
      %run_scoped3A_237 = tpu.sem_alloc : memref<!tpu.dma_semaphore, #tpu.memory_space<semaphore_mem>>
      %dma_start3A_238 = arith.constant 0 : i32
      %dma_start3A_239 = tpu.memref_slice %arg10[%add3A_88, %dma_start3A_238] : memref<10240x64xf32, #tpu.memory_space<vmem_shared>> -> memref<64x64xf32, #tpu.memory_space<vmem_shared>>
      %dma_start3A_240 = arith.constant 0 : i32
      %dma_start3A_241 = tpu.memref_slice %arg10[%add3A_88, %dma_start3A_240] : memref<10240x64xf32, #tpu.memory_space<vmem_shared>> -> memref<64x64xf32, #tpu.memory_space<vmem_shared>>
      tpu.enqueue_dma source(%arg9 : memref<64x64xf32, #tpu.memory_space<vmem>>) target(%dma_start3A_241 : memref<64x64xf32, #tpu.memory_space<vmem_shared>>) target_semaphore(%run_scoped3A_237 : memref<!tpu.dma_semaphore, #tpu.memory_space<semaphore_mem>>)
      %dma_wait3A_242 = arith.constant 0 : i32
      %dma_wait3A_243 = tpu.memref_slice %arg10[%add3A_88, %dma_wait3A_242] : memref<10240x64xf32, #tpu.memory_space<vmem_shared>> -> memref<64x64xf32, #tpu.memory_space<vmem_shared>>
      %dma_wait3A_244 = arith.constant 0 : i32
      %dma_wait3A_245 = tpu.memref_slice %arg10[%add3A_88, %dma_wait3A_244] : memref<10240x64xf32, #tpu.memory_space<vmem_shared>> -> memref<64x64xf32, #tpu.memory_space<vmem_shared>>
      tpu.wait_dma2 semaphore(%run_scoped3A_237 : memref<!tpu.dma_semaphore, #tpu.memory_space<semaphore_mem>>) src(%arg9 : memref<64x64xf32, #tpu.memory_space<vmem>>) dst(%dma_wait3A_245 : memref<64x64xf32, #tpu.memory_space<vmem_shared>>)
      tpu.yield
    }) : () -> ()
    %mul3A_89 = arith.constant 640 : i32
    %mul3A_90 = arith.muli %arg1, %mul3A_89 : i32
    %add3A_91 = arith.constant 192 : i32
    %add3A_92 = arith.addi %mul3A_90, %add3A_91 : i32
    "tpu.region"() ({
      %run_scoped3A_237 = tpu.sem_alloc : memref<!tpu.dma_semaphore, #tpu.memory_space<semaphore_mem>>
      %dma_start3A_238 = arith.constant 0 : i32
      %dma_start3A_239 = tpu.memref_slice %arg10[%add3A_92, %dma_start3A_238] : memref<10240x64xf32, #tpu.memory_space<vmem_shared>> -> memref<64x64xf32, #tpu.memory_space<vmem_shared>>
      %dma_start3A_240 = arith.constant 0 : i32
      %dma_start3A_241 = tpu.memref_slice %arg10[%add3A_92, %dma_start3A_240] : memref<10240x64xf32, #tpu.memory_space<vmem_shared>> -> memref<64x64xf32, #tpu.memory_space<vmem_shared>>
      tpu.enqueue_dma source(%arg9 : memref<64x64xf32, #tpu.memory_space<vmem>>) target(%dma_start3A_241 : memref<64x64xf32, #tpu.memory_space<vmem_shared>>) target_semaphore(%run_scoped3A_237 : memref<!tpu.dma_semaphore, #tpu.memory_space<semaphore_mem>>)
      %dma_wait3A_242 = arith.constant 0 : i32
      %dma_wait3A_243 = tpu.memref_slice %arg10[%add3A_92, %dma_wait3A_242] : memref<10240x64xf32, #tpu.memory_space<vmem_shared>> -> memref<64x64xf32, #tpu.memory_space<vmem_shared>>
      %dma_wait3A_244 = arith.constant 0 : i32
      %dma_wait3A_245 = tpu.memref_slice %arg10[%add3A_92, %dma_wait3A_244] : memref<10240x64xf32, #tpu.memory_space<vmem_shared>> -> memref<64x64xf32, #tpu.memory_space<vmem_shared>>
      tpu.wait_dma2 semaphore(%run_scoped3A_237 : memref<!tpu.dma_semaphore, #tpu.memory_space<semaphore_mem>>) src(%arg9 : memref<64x64xf32, #tpu.memory_space<vmem>>) dst(%dma_wait3A_245 : memref<64x64xf32, #tpu.memory_space<vmem_shared>>)
      tpu.yield
    }) : () -> ()
    %mul3A_93 = arith.constant 640 : i32
    %mul3A_94 = arith.muli %arg1, %mul3A_93 : i32
    %add3A_95 = arith.constant 256 : i32
    %add3A_96 = arith.addi %mul3A_94, %add3A_95 : i32
    "tpu.region"() ({
      %run_scoped3A_237 = tpu.sem_alloc : memref<!tpu.dma_semaphore, #tpu.memory_space<semaphore_mem>>
      %dma_start3A_238 = arith.constant 0 : i32
      %dma_start3A_239 = tpu.memref_slice %arg10[%add3A_96, %dma_start3A_238] : memref<10240x64xf32, #tpu.memory_space<vmem_shared>> -> memref<64x64xf32, #tpu.memory_space<vmem_shared>>
      %dma_start3A_240 = arith.constant 0 : i32
      %dma_start3A_241 = tpu.memref_slice %arg10[%add3A_96, %dma_start3A_240] : memref<10240x64xf32, #tpu.memory_space<vmem_shared>> -> memref<64x64xf32, #tpu.memory_space<vmem_shared>>
      tpu.enqueue_dma source(%arg9 : memref<64x64xf32, #tpu.memory_space<vmem>>) target(%dma_start3A_241 : memref<64x64xf32, #tpu.memory_space<vmem_shared>>) target_semaphore(%run_scoped3A_237 : memref<!tpu.dma_semaphore, #tpu.memory_space<semaphore_mem>>)
      %dma_wait3A_242 = arith.constant 0 : i32
      %dma_wait3A_243 = tpu.memref_slice %arg10[%add3A_96, %dma_wait3A_242] : memref<10240x64xf32, #tpu.memory_space<vmem_shared>> -> memref<64x64xf32, #tpu.memory_space<vmem_shared>>
      %dma_wait3A_244 = arith.constant 0 : i32
      %dma_wait3A_245 = tpu.memref_slice %arg10[%add3A_96, %dma_wait3A_244] : memref<10240x64xf32, #tpu.memory_space<vmem_shared>> -> memref<64x64xf32, #tpu.memory_space<vmem_shared>>
      tpu.wait_dma2 semaphore(%run_scoped3A_237 : memref<!tpu.dma_semaphore, #tpu.memory_space<semaphore_mem>>) src(%arg9 : memref<64x64xf32, #tpu.memory_space<vmem>>) dst(%dma_wait3A_245 : memref<64x64xf32, #tpu.memory_space<vmem_shared>>)
      tpu.yield
    }) : () -> ()
    %mul3A_97 = arith.constant 640 : i32
    %mul3A_98 = arith.muli %arg1, %mul3A_97 : i32
    %add3A_99 = arith.constant 320 : i32
    %add3A_100 = arith.addi %mul3A_98, %add3A_99 : i32
    "tpu.region"() ({
      %run_scoped3A_237 = tpu.sem_alloc : memref<!tpu.dma_semaphore, #tpu.memory_space<semaphore_mem>>
      %dma_start3A_238 = arith.constant 0 : i32
      %dma_start3A_239 = tpu.memref_slice %arg10[%add3A_100, %dma_start3A_238] : memref<10240x64xf32, #tpu.memory_space<vmem_shared>> -> memref<64x64xf32, #tpu.memory_space<vmem_shared>>
      %dma_start3A_240 = arith.constant 0 : i32
      %dma_start3A_241 = tpu.memref_slice %arg10[%add3A_100, %dma_start3A_240] : memref<10240x64xf32, #tpu.memory_space<vmem_shared>> -> memref<64x64xf32, #tpu.memory_space<vmem_shared>>
      tpu.enqueue_dma source(%arg9 : memref<64x64xf32, #tpu.memory_space<vmem>>) target(%dma_start3A_241 : memref<64x64xf32, #tpu.memory_space<vmem_shared>>) target_semaphore(%run_scoped3A_237 : memref<!tpu.dma_semaphore, #tpu.memory_space<semaphore_mem>>)
      %dma_wait3A_242 = arith.constant 0 : i32
      %dma_wait3A_243 = tpu.memref_slice %arg10[%add3A_100, %dma_wait3A_242] : memref<10240x64xf32, #tpu.memory_space<vmem_shared>> -> memref<64x64xf32, #tpu.memory_space<vmem_shared>>
      %dma_wait3A_244 = arith.constant 0 : i32
      %dma_wait3A_245 = tpu.memref_slice %arg10[%add3A_100, %dma_wait3A_244] : memref<10240x64xf32, #tpu.memory_space<vmem_shared>> -> memref<64x64xf32, #tpu.memory_space<vmem_shared>>
      tpu.wait_dma2 semaphore(%run_scoped3A_237 : memref<!tpu.dma_semaphore, #tpu.memory_space<semaphore_mem>>) src(%arg9 : memref<64x64xf32, #tpu.memory_space<vmem>>) dst(%dma_wait3A_245 : memref<64x64xf32, #tpu.memory_space<vmem_shared>>)
      tpu.yield
    }) : () -> ()
    %mul3A_101 = arith.constant 640 : i32
    %mul3A_102 = arith.muli %arg1, %mul3A_101 : i32
    %add3A_103 = arith.constant 384 : i32
    %add3A_104 = arith.addi %mul3A_102, %add3A_103 : i32
    "tpu.region"() ({
      %run_scoped3A_237 = tpu.sem_alloc : memref<!tpu.dma_semaphore, #tpu.memory_space<semaphore_mem>>
      %dma_start3A_238 = arith.constant 0 : i32
      %dma_start3A_239 = tpu.memref_slice %arg10[%add3A_104, %dma_start3A_238] : memref<10240x64xf32, #tpu.memory_space<vmem_shared>> -> memref<64x64xf32, #tpu.memory_space<vmem_shared>>
      %dma_start3A_240 = arith.constant 0 : i32
      %dma_start3A_241 = tpu.memref_slice %arg10[%add3A_104, %dma_start3A_240] : memref<10240x64xf32, #tpu.memory_space<vmem_shared>> -> memref<64x64xf32, #tpu.memory_space<vmem_shared>>
      tpu.enqueue_dma source(%arg9 : memref<64x64xf32, #tpu.memory_space<vmem>>) target(%dma_start3A_241 : memref<64x64xf32, #tpu.memory_space<vmem_shared>>) target_semaphore(%run_scoped3A_237 : memref<!tpu.dma_semaphore, #tpu.memory_space<semaphore_mem>>)
      %dma_wait3A_242 = arith.constant 0 : i32
      %dma_wait3A_243 = tpu.memref_slice %arg10[%add3A_104, %dma_wait3A_242] : memref<10240x64xf32, #tpu.memory_space<vmem_shared>> -> memref<64x64xf32, #tpu.memory_space<vmem_shared>>
      %dma_wait3A_244 = arith.constant 0 : i32
      %dma_wait3A_245 = tpu.memref_slice %arg10[%add3A_104, %dma_wait3A_244] : memref<10240x64xf32, #tpu.memory_space<vmem_shared>> -> memref<64x64xf32, #tpu.memory_space<vmem_shared>>
      tpu.wait_dma2 semaphore(%run_scoped3A_237 : memref<!tpu.dma_semaphore, #tpu.memory_space<semaphore_mem>>) src(%arg9 : memref<64x64xf32, #tpu.memory_space<vmem>>) dst(%dma_wait3A_245 : memref<64x64xf32, #tpu.memory_space<vmem_shared>>)
      tpu.yield
    }) : () -> ()
    %mul3A_105 = arith.constant 640 : i32
    %mul3A_106 = arith.muli %arg1, %mul3A_105 : i32
    %add3A_107 = arith.constant 448 : i32
    %add3A_108 = arith.addi %mul3A_106, %add3A_107 : i32
    "tpu.region"() ({
      %run_scoped3A_237 = tpu.sem_alloc : memref<!tpu.dma_semaphore, #tpu.memory_space<semaphore_mem>>
      %dma_start3A_238 = arith.constant 0 : i32
      %dma_start3A_239 = tpu.memref_slice %arg10[%add3A_108, %dma_start3A_238] : memref<10240x64xf32, #tpu.memory_space<vmem_shared>> -> memref<64x64xf32, #tpu.memory_space<vmem_shared>>
      %dma_start3A_240 = arith.constant 0 : i32
      %dma_start3A_241 = tpu.memref_slice %arg10[%add3A_108, %dma_start3A_240] : memref<10240x64xf32, #tpu.memory_space<vmem_shared>> -> memref<64x64xf32, #tpu.memory_space<vmem_shared>>
      tpu.enqueue_dma source(%arg9 : memref<64x64xf32, #tpu.memory_space<vmem>>) target(%dma_start3A_241 : memref<64x64xf32, #tpu.memory_space<vmem_shared>>) target_semaphore(%run_scoped3A_237 : memref<!tpu.dma_semaphore, #tpu.memory_space<semaphore_mem>>)
      %dma_wait3A_242 = arith.constant 0 : i32
      %dma_wait3A_243 = tpu.memref_slice %arg10[%add3A_108, %dma_wait3A_242] : memref<10240x64xf32, #tpu.memory_space<vmem_shared>> -> memref<64x64xf32, #tpu.memory_space<vmem_shared>>
      %dma_wait3A_244 = arith.constant 0 : i32
      %dma_wait3A_245 = tpu.memref_slice %arg10[%add3A_108, %dma_wait3A_244] : memref<10240x64xf32, #tpu.memory_space<vmem_shared>> -> memref<64x64xf32, #tpu.memory_space<vmem_shared>>
      tpu.wait_dma2 semaphore(%run_scoped3A_237 : memref<!tpu.dma_semaphore, #tpu.memory_space<semaphore_mem>>) src(%arg9 : memref<64x64xf32, #tpu.memory_space<vmem>>) dst(%dma_wait3A_245 : memref<64x64xf32, #tpu.memory_space<vmem_shared>>)
      tpu.yield
    }) : () -> ()
    %mul3A_109 = arith.constant 640 : i32
    %mul3A_110 = arith.muli %arg1, %mul3A_109 : i32
    %add3A_111 = arith.constant 512 : i32
    %add3A_112 = arith.addi %mul3A_110, %add3A_111 : i32
    "tpu.region"() ({
      %run_scoped3A_237 = tpu.sem_alloc : memref<!tpu.dma_semaphore, #tpu.memory_space<semaphore_mem>>
      %dma_start3A_238 = arith.constant 0 : i32
      %dma_start3A_239 = tpu.memref_slice %arg10[%add3A_112, %dma_start3A_238] : memref<10240x64xf32, #tpu.memory_space<vmem_shared>> -> memref<64x64xf32, #tpu.memory_space<vmem_shared>>
      %dma_start3A_240 = arith.constant 0 : i32
      %dma_start3A_241 = tpu.memref_slice %arg10[%add3A_112, %dma_start3A_240] : memref<10240x64xf32, #tpu.memory_space<vmem_shared>> -> memref<64x64xf32, #tpu.memory_space<vmem_shared>>
      tpu.enqueue_dma source(%arg9 : memref<64x64xf32, #tpu.memory_space<vmem>>) target(%dma_start3A_241 : memref<64x64xf32, #tpu.memory_space<vmem_shared>>) target_semaphore(%run_scoped3A_237 : memref<!tpu.dma_semaphore, #tpu.memory_space<semaphore_mem>>)
      %dma_wait3A_242 = arith.constant 0 : i32
      %dma_wait3A_243 = tpu.memref_slice %arg10[%add3A_112, %dma_wait3A_242] : memref<10240x64xf32, #tpu.memory_space<vmem_shared>> -> memref<64x64xf32, #tpu.memory_space<vmem_shared>>
      %dma_wait3A_244 = arith.constant 0 : i32
      %dma_wait3A_245 = tpu.memref_slice %arg10[%add3A_112, %dma_wait3A_244] : memref<10240x64xf32, #tpu.memory_space<vmem_shared>> -> memref<64x64xf32, #tpu.memory_space<vmem_shared>>
      tpu.wait_dma2 semaphore(%run_scoped3A_237 : memref<!tpu.dma_semaphore, #tpu.memory_space<semaphore_mem>>) src(%arg9 : memref<64x64xf32, #tpu.memory_space<vmem>>) dst(%dma_wait3A_245 : memref<64x64xf32, #tpu.memory_space<vmem_shared>>)
      tpu.yield
    }) : () -> ()
    %mul3A_113 = arith.constant 640 : i32
    %mul3A_114 = arith.muli %arg1, %mul3A_113 : i32
    %add3A_115 = arith.constant 576 : i32
    %add3A_116 = arith.addi %mul3A_114, %add3A_115 : i32
    "tpu.region"() ({
      %run_scoped3A_237 = tpu.sem_alloc : memref<!tpu.dma_semaphore, #tpu.memory_space<semaphore_mem>>
      %dma_start3A_238 = arith.constant 0 : i32
      %dma_start3A_239 = tpu.memref_slice %arg10[%add3A_116, %dma_start3A_238] : memref<10240x64xf32, #tpu.memory_space<vmem_shared>> -> memref<64x64xf32, #tpu.memory_space<vmem_shared>>
      %dma_start3A_240 = arith.constant 0 : i32
      %dma_start3A_241 = tpu.memref_slice %arg10[%add3A_116, %dma_start3A_240] : memref<10240x64xf32, #tpu.memory_space<vmem_shared>> -> memref<64x64xf32, #tpu.memory_space<vmem_shared>>
      tpu.enqueue_dma source(%arg9 : memref<64x64xf32, #tpu.memory_space<vmem>>) target(%dma_start3A_241 : memref<64x64xf32, #tpu.memory_space<vmem_shared>>) target_semaphore(%run_scoped3A_237 : memref<!tpu.dma_semaphore, #tpu.memory_space<semaphore_mem>>)
      %dma_wait3A_242 = arith.constant 0 : i32
      %dma_wait3A_243 = tpu.memref_slice %arg10[%add3A_116, %dma_wait3A_242] : memref<10240x64xf32, #tpu.memory_space<vmem_shared>> -> memref<64x64xf32, #tpu.memory_space<vmem_shared>>
      %dma_wait3A_244 = arith.constant 0 : i32
      %dma_wait3A_245 = tpu.memref_slice %arg10[%add3A_116, %dma_wait3A_244] : memref<10240x64xf32, #tpu.memory_space<vmem_shared>> -> memref<64x64xf32, #tpu.memory_space<vmem_shared>>
      tpu.wait_dma2 semaphore(%run_scoped3A_237 : memref<!tpu.dma_semaphore, #tpu.memory_space<semaphore_mem>>) src(%arg9 : memref<64x64xf32, #tpu.memory_space<vmem>>) dst(%dma_wait3A_245 : memref<64x64xf32, #tpu.memory_space<vmem_shared>>)
      tpu.yield
    }) : () -> ()
    %barrier3A = arith.constant 0 : index
    tpu.barrier barrier_id(%barrier3A)
    %scan3A_117 = arith.constant 0 : i32
    %scan3A_118 = arith.constant 39 : i32
    %scan3A_119 = arith.addi %scan3A_117, %scan3A_118 : i32
    %scan3A_120 = arith.constant 1 : i32
    scf.for %scan3A_237 = %scan3A_117 to %scan3A_119 step %scan3A_120  : i32 {
      %mul3A_238 = arith.constant 4 : i32
      %mul3A_239 = arith.muli %scan3A_237, %mul3A_238 : i32
      %add3A_240 = arith.constant 0 : i32
      %add3A_241 = arith.addi %add3A_240, %mul3A_239 : i32
      %add3A_242 = arith.constant 0 : i32
      %add3A_243 = arith.addi %add3A_241, %add3A_242 : i32
      %dma_wait3A_244 = arith.constant 0 : i32
      %dma_wait3A_245 = arith.constant 0 : i32
      %dma_wait3A_246 = arith.constant 0 : i32
      %dma_wait3A_247 = arith.constant 0 : i32
      %dma_wait3A_248 = tpu.memref_slice %arg8[%dma_wait3A_244, %dma_wait3A_246, %dma_wait3A_247] : memref<4x128x64xf32, #tpu.memory_space<vmem>> -> memref<1x128x64xf32, #tpu.memory_space<vmem>>
      %dma_wait3A_249 = tpu.memref_squeeze %dma_wait3A_248 : memref<1x128x64xf32, #tpu.memory_space<vmem>> -> memref<128x64xf32, #tpu.memory_space<vmem>>
      %dma_wait3A_250 = arith.constant 0 : i32
      %dma_wait3A_251 = tpu.memref_slice %arg6[%add3A_243, %dma_wait3A_250] : memref<160x128xi32, #tpu.memory_space<vmem>> -> memref<1x128xi32, #tpu.memory_space<vmem>>
      %dma_wait3A_252 = tpu.memref_squeeze %dma_wait3A_251 : memref<1x128xi32, #tpu.memory_space<vmem>> -> memref<128xi32, #tpu.memory_space<vmem>>
      %dma_wait3A_253 = arith.constant 0 : i32
      %dma_wait3A_254 = arith.constant 0 : i32
      %dma_wait3A_255 = tpu.memref_slice %arg2[%arg0, %dma_wait3A_253, %dma_wait3A_254] : memref<2x10240x64xf32, #tpu.memory_space<hbm>> -> memref<1x10240x64xf32, #tpu.memory_space<hbm>>
      %dma_wait3A_256 = tpu.memref_squeeze %dma_wait3A_255 : memref<1x10240x64xf32, #tpu.memory_space<hbm>> -> memref<10240x64xf32, #tpu.memory_space<hbm>>
      %dma_wait3A_257 = arith.constant 0 : i32
      %dma_wait3A_258 = arith.constant 0 : i32
      %dma_wait3A_259 = tpu.memref_slice %dma_wait3A_256[%dma_wait3A_257, %dma_wait3A_258] : memref<10240x64xf32, #tpu.memory_space<hbm>> -> memref<10240x64xf32, #tpu.memory_space<hbm>>
      %dma_wait3A_260 = tpu.memref_slice %arg11[%dma_wait3A_245] : memref<4x!tpu.dma_semaphore, #tpu.memory_space<semaphore_mem>> -> memref<1x!tpu.dma_semaphore, #tpu.memory_space<semaphore_mem>>
      %dma_wait3A_261 = tpu.memref_squeeze %dma_wait3A_260 : memref<1x!tpu.dma_semaphore, #tpu.memory_space<semaphore_mem>> -> memref<!tpu.dma_semaphore, #tpu.memory_space<semaphore_mem>>
      tpu.wait_indirect_dma semaphore(%dma_wait3A_261 : memref<!tpu.dma_semaphore, #tpu.memory_space<semaphore_mem>>) src(%dma_wait3A_259 : memref<10240x64xf32, #tpu.memory_space<hbm>>) dst(%dma_wait3A_249 : memref<128x64xf32, #tpu.memory_space<vmem>>)
      %run_scoped3A_262 = arith.constant 0 : i32
      "tpu.region"() ({
        %run_scoped3A_406 = tpu.sem_alloc : memref<!tpu.dma_semaphore, #tpu.memory_space<semaphore_mem>>
        %dma_start3A_407 = arith.constant 0 : i32
        %dma_start3A_408 = arith.constant 0 : i32
        %dma_start3A_409 = tpu.memref_slice %arg8[%run_scoped3A_262, %dma_start3A_407, %dma_start3A_408] : memref<4x128x64xf32, #tpu.memory_space<vmem>> -> memref<1x128x64xf32, #tpu.memory_space<vmem>>
        %dma_start3A_410 = tpu.memref_squeeze %dma_start3A_409 : memref<1x128x64xf32, #tpu.memory_space<vmem>> -> memref<128x64xf32, #tpu.memory_space<vmem>>
        %dma_start3A_411 = arith.constant 0 : i32
        %dma_start3A_412 = tpu.memref_slice %arg7[%add3A_243, %dma_start3A_411] : memref<160x128xi32, #tpu.memory_space<vmem>> -> memref<1x128xi32, #tpu.memory_space<vmem>>
        %dma_start3A_413 = tpu.memref_squeeze %dma_start3A_412 : memref<1x128xi32, #tpu.memory_space<vmem>> -> memref<128xi32, #tpu.memory_space<vmem>>
        %dma_start3A_414 = arith.constant 0 : i32
        %dma_start3A_415 = arith.constant 0 : i32
        %dma_start3A_416 = tpu.memref_slice %arg10[%dma_start3A_414, %dma_start3A_415] : memref<10240x64xf32, #tpu.memory_space<vmem_shared>> -> memref<10240x64xf32, #tpu.memory_space<vmem_shared>>
        tpu.enqueue_indirect_dma source(%dma_start3A_410 : memref<128x64xf32, #tpu.memory_space<vmem>>) target(%dma_start3A_416 : memref<10240x64xf32, #tpu.memory_space<vmem_shared>>) offsets(%dma_start3A_413 : memref<128xi32, #tpu.memory_space<vmem>>) semaphore(%run_scoped3A_406 : memref<!tpu.dma_semaphore, #tpu.memory_space<semaphore_mem>>) {add = true}
        %dma_wait3A_417 = arith.constant 0 : i32
        %dma_wait3A_418 = arith.constant 0 : i32
        %dma_wait3A_419 = tpu.memref_slice %arg8[%run_scoped3A_262, %dma_wait3A_417, %dma_wait3A_418] : memref<4x128x64xf32, #tpu.memory_space<vmem>> -> memref<1x128x64xf32, #tpu.memory_space<vmem>>
        %dma_wait3A_420 = tpu.memref_squeeze %dma_wait3A_419 : memref<1x128x64xf32, #tpu.memory_space<vmem>> -> memref<128x64xf32, #tpu.memory_space<vmem>>
        %dma_wait3A_421 = arith.constant 0 : i32
        %dma_wait3A_422 = tpu.memref_slice %arg7[%add3A_243, %dma_wait3A_421] : memref<160x128xi32, #tpu.memory_space<vmem>> -> memref<1x128xi32, #tpu.memory_space<vmem>>
        %dma_wait3A_423 = tpu.memref_squeeze %dma_wait3A_422 : memref<1x128xi32, #tpu.memory_space<vmem>> -> memref<128xi32, #tpu.memory_space<vmem>>
        %dma_wait3A_424 = arith.constant 0 : i32
        %dma_wait3A_425 = arith.constant 0 : i32
        %dma_wait3A_426 = tpu.memref_slice %arg10[%dma_wait3A_424, %dma_wait3A_425] : memref<10240x64xf32, #tpu.memory_space<vmem_shared>> -> memref<10240x64xf32, #tpu.memory_space<vmem_shared>>
        tpu.wait_indirect_dma semaphore(%run_scoped3A_406 : memref<!tpu.dma_semaphore, #tpu.memory_space<semaphore_mem>>) src(%dma_wait3A_420 : memref<128x64xf32, #tpu.memory_space<vmem>>) dst(%dma_wait3A_426 : memref<10240x64xf32, #tpu.memory_space<vmem_shared>>)
        tpu.yield
      }) : () -> ()
      %add3A_263 = arith.constant 4 : i32
      %add3A_264 = arith.addi %add3A_243, %add3A_263 : i32
      %dma_start3A_265 = arith.constant 0 : i32
      %dma_start3A_266 = arith.constant 0 : i32
      %dma_start3A_267 = arith.constant 0 : i32
      %dma_start3A_268 = arith.constant 0 : i32
      %dma_start3A_269 = tpu.memref_slice %arg8[%dma_start3A_265, %dma_start3A_267, %dma_start3A_268] : memref<4x128x64xf32, #tpu.memory_space<vmem>> -> memref<1x128x64xf32, #tpu.memory_space<vmem>>
      %dma_start3A_270 = tpu.memref_squeeze %dma_start3A_269 : memref<1x128x64xf32, #tpu.memory_space<vmem>> -> memref<128x64xf32, #tpu.memory_space<vmem>>
      %dma_start3A_271 = arith.constant 0 : i32
      %dma_start3A_272 = tpu.memref_slice %arg6[%add3A_264, %dma_start3A_271] : memref<160x128xi32, #tpu.memory_space<vmem>> -> memref<1x128xi32, #tpu.memory_space<vmem>>
      %dma_start3A_273 = tpu.memref_squeeze %dma_start3A_272 : memref<1x128xi32, #tpu.memory_space<vmem>> -> memref<128xi32, #tpu.memory_space<vmem>>
      %dma_start3A_274 = arith.constant 0 : i32
      %dma_start3A_275 = arith.constant 0 : i32
      %dma_start3A_276 = tpu.memref_slice %arg2[%arg0, %dma_start3A_274, %dma_start3A_275] : memref<2x10240x64xf32, #tpu.memory_space<hbm>> -> memref<1x10240x64xf32, #tpu.memory_space<hbm>>
      %dma_start3A_277 = tpu.memref_squeeze %dma_start3A_276 : memref<1x10240x64xf32, #tpu.memory_space<hbm>> -> memref<10240x64xf32, #tpu.memory_space<hbm>>
      %dma_start3A_278 = arith.constant 0 : i32
      %dma_start3A_279 = arith.constant 0 : i32
      %dma_start3A_280 = tpu.memref_slice %dma_start3A_277[%dma_start3A_278, %dma_start3A_279] : memref<10240x64xf32, #tpu.memory_space<hbm>> -> memref<10240x64xf32, #tpu.memory_space<hbm>>
      %dma_start3A_281 = tpu.memref_slice %arg11[%dma_start3A_266] : memref<4x!tpu.dma_semaphore, #tpu.memory_space<semaphore_mem>> -> memref<1x!tpu.dma_semaphore, #tpu.memory_space<semaphore_mem>>
      %dma_start3A_282 = tpu.memref_squeeze %dma_start3A_281 : memref<1x!tpu.dma_semaphore, #tpu.memory_space<semaphore_mem>> -> memref<!tpu.dma_semaphore, #tpu.memory_space<semaphore_mem>>
      tpu.enqueue_indirect_dma source(%dma_start3A_280 : memref<10240x64xf32, #tpu.memory_space<hbm>>) target(%dma_start3A_270 : memref<128x64xf32, #tpu.memory_space<vmem>>) offsets(%dma_start3A_273 : memref<128xi32, #tpu.memory_space<vmem>>) semaphore(%dma_start3A_282 : memref<!tpu.dma_semaphore, #tpu.memory_space<semaphore_mem>>)
      %add3A_283 = arith.constant 1 : i32
      %add3A_284 = arith.addi %add3A_241, %add3A_283 : i32
      %dma_wait3A_285 = arith.constant 1 : i32
      %dma_wait3A_286 = arith.constant 1 : i32
      %dma_wait3A_287 = arith.constant 0 : i32
      %dma_wait3A_288 = arith.constant 0 : i32
      %dma_wait3A_289 = tpu.memref_slice %arg8[%dma_wait3A_285, %dma_wait3A_287, %dma_wait3A_288] : memref<4x128x64xf32, #tpu.memory_space<vmem>> -> memref<1x128x64xf32, #tpu.memory_space<vmem>>
      %dma_wait3A_290 = tpu.memref_squeeze %dma_wait3A_289 : memref<1x128x64xf32, #tpu.memory_space<vmem>> -> memref<128x64xf32, #tpu.memory_space<vmem>>
      %dma_wait3A_291 = arith.constant 0 : i32
      %dma_wait3A_292 = tpu.memref_slice %arg6[%add3A_284, %dma_wait3A_291] : memref<160x128xi32, #tpu.memory_space<vmem>> -> memref<1x128xi32, #tpu.memory_space<vmem>>
      %dma_wait3A_293 = tpu.memref_squeeze %dma_wait3A_292 : memref<1x128xi32, #tpu.memory_space<vmem>> -> memref<128xi32, #tpu.memory_space<vmem>>
      %dma_wait3A_294 = arith.constant 0 : i32
      %dma_wait3A_295 = arith.constant 0 : i32
      %dma_wait3A_296 = tpu.memref_slice %arg2[%arg0, %dma_wait3A_294, %dma_wait3A_295] : memref<2x10240x64xf32, #tpu.memory_space<hbm>> -> memref<1x10240x64xf32, #tpu.memory_space<hbm>>
      %dma_wait3A_297 = tpu.memref_squeeze %dma_wait3A_296 : memref<1x10240x64xf32, #tpu.memory_space<hbm>> -> memref<10240x64xf32, #tpu.memory_space<hbm>>
      %dma_wait3A_298 = arith.constant 0 : i32
      %dma_wait3A_299 = arith.constant 0 : i32
      %dma_wait3A_300 = tpu.memref_slice %dma_wait3A_297[%dma_wait3A_298, %dma_wait3A_299] : memref<10240x64xf32, #tpu.memory_space<hbm>> -> memref<10240x64xf32, #tpu.memory_space<hbm>>
      %dma_wait3A_301 = tpu.memref_slice %arg11[%dma_wait3A_286] : memref<4x!tpu.dma_semaphore, #tpu.memory_space<semaphore_mem>> -> memref<1x!tpu.dma_semaphore, #tpu.memory_space<semaphore_mem>>
      %dma_wait3A_302 = tpu.memref_squeeze %dma_wait3A_301 : memref<1x!tpu.dma_semaphore, #tpu.memory_space<semaphore_mem>> -> memref<!tpu.dma_semaphore, #tpu.memory_space<semaphore_mem>>
      tpu.wait_indirect_dma semaphore(%dma_wait3A_302 : memref<!tpu.dma_semaphore, #tpu.memory_space<semaphore_mem>>) src(%dma_wait3A_300 : memref<10240x64xf32, #tpu.memory_space<hbm>>) dst(%dma_wait3A_290 : memref<128x64xf32, #tpu.memory_space<vmem>>)
      %run_scoped3A_303 = arith.constant 1 : i32
      "tpu.region"() ({
        %run_scoped3A_406 = tpu.sem_alloc : memref<!tpu.dma_semaphore, #tpu.memory_space<semaphore_mem>>
        %dma_start3A_407 = arith.constant 0 : i32
        %dma_start3A_408 = arith.constant 0 : i32
        %dma_start3A_409 = tpu.memref_slice %arg8[%run_scoped3A_303, %dma_start3A_407, %dma_start3A_408] : memref<4x128x64xf32, #tpu.memory_space<vmem>> -> memref<1x128x64xf32, #tpu.memory_space<vmem>>
        %dma_start3A_410 = tpu.memref_squeeze %dma_start3A_409 : memref<1x128x64xf32, #tpu.memory_space<vmem>> -> memref<128x64xf32, #tpu.memory_space<vmem>>
        %dma_start3A_411 = arith.constant 0 : i32
        %dma_start3A_412 = tpu.memref_slice %arg7[%add3A_284, %dma_start3A_411] : memref<160x128xi32, #tpu.memory_space<vmem>> -> memref<1x128xi32, #tpu.memory_space<vmem>>
        %dma_start3A_413 = tpu.memref_squeeze %dma_start3A_412 : memref<1x128xi32, #tpu.memory_space<vmem>> -> memref<128xi32, #tpu.memory_space<vmem>>
        %dma_start3A_414 = arith.constant 0 : i32
        %dma_start3A_415 = arith.constant 0 : i32
        %dma_start3A_416 = tpu.memref_slice %arg10[%dma_start3A_414, %dma_start3A_415] : memref<10240x64xf32, #tpu.memory_space<vmem_shared>> -> memref<10240x64xf32, #tpu.memory_space<vmem_shared>>
        tpu.enqueue_indirect_dma source(%dma_start3A_410 : memref<128x64xf32, #tpu.memory_space<vmem>>) target(%dma_start3A_416 : memref<10240x64xf32, #tpu.memory_space<vmem_shared>>) offsets(%dma_start3A_413 : memref<128xi32, #tpu.memory_space<vmem>>) semaphore(%run_scoped3A_406 : memref<!tpu.dma_semaphore, #tpu.memory_space<semaphore_mem>>) {add = true}
        %dma_wait3A_417 = arith.constant 0 : i32
        %dma_wait3A_418 = arith.constant 0 : i32
        %dma_wait3A_419 = tpu.memref_slice %arg8[%run_scoped3A_303, %dma_wait3A_417, %dma_wait3A_418] : memref<4x128x64xf32, #tpu.memory_space<vmem>> -> memref<1x128x64xf32, #tpu.memory_space<vmem>>
        %dma_wait3A_420 = tpu.memref_squeeze %dma_wait3A_419 : memref<1x128x64xf32, #tpu.memory_space<vmem>> -> memref<128x64xf32, #tpu.memory_space<vmem>>
        %dma_wait3A_421 = arith.constant 0 : i32
        %dma_wait3A_422 = tpu.memref_slice %arg7[%add3A_284, %dma_wait3A_421] : memref<160x128xi32, #tpu.memory_space<vmem>> -> memref<1x128xi32, #tpu.memory_space<vmem>>
        %dma_wait3A_423 = tpu.memref_squeeze %dma_wait3A_422 : memref<1x128xi32, #tpu.memory_space<vmem>> -> memref<128xi32, #tpu.memory_space<vmem>>
        %dma_wait3A_424 = arith.constant 0 : i32
        %dma_wait3A_425 = arith.constant 0 : i32
        %dma_wait3A_426 = tpu.memref_slice %arg10[%dma_wait3A_424, %dma_wait3A_425] : memref<10240x64xf32, #tpu.memory_space<vmem_shared>> -> memref<10240x64xf32, #tpu.memory_space<vmem_shared>>
        tpu.wait_indirect_dma semaphore(%run_scoped3A_406 : memref<!tpu.dma_semaphore, #tpu.memory_space<semaphore_mem>>) src(%dma_wait3A_420 : memref<128x64xf32, #tpu.memory_space<vmem>>) dst(%dma_wait3A_426 : memref<10240x64xf32, #tpu.memory_space<vmem_shared>>)
        tpu.yield
      }) : () -> ()
      %add3A_304 = arith.constant 4 : i32
      %add3A_305 = arith.addi %add3A_284, %add3A_304 : i32
      %dma_start3A_306 = arith.constant 1 : i32
      %dma_start3A_307 = arith.constant 1 : i32
      %dma_start3A_308 = arith.constant 0 : i32
      %dma_start3A_309 = arith.constant 0 : i32
      %dma_start3A_310 = tpu.memref_slice %arg8[%dma_start3A_306, %dma_start3A_308, %dma_start3A_309] : memref<4x128x64xf32, #tpu.memory_space<vmem>> -> memref<1x128x64xf32, #tpu.memory_space<vmem>>
      %dma_start3A_311 = tpu.memref_squeeze %dma_start3A_310 : memref<1x128x64xf32, #tpu.memory_space<vmem>> -> memref<128x64xf32, #tpu.memory_space<vmem>>
      %dma_start3A_312 = arith.constant 0 : i32
      %dma_start3A_313 = tpu.memref_slice %arg6[%add3A_305, %dma_start3A_312] : memref<160x128xi32, #tpu.memory_space<vmem>> -> memref<1x128xi32, #tpu.memory_space<vmem>>
      %dma_start3A_314 = tpu.memref_squeeze %dma_start3A_313 : memref<1x128xi32, #tpu.memory_space<vmem>> -> memref<128xi32, #tpu.memory_space<vmem>>
      %dma_start3A_315 = arith.constant 0 : i32
      %dma_start3A_316 = arith.constant 0 : i32
      %dma_start3A_317 = tpu.memref_slice %arg2[%arg0, %dma_start3A_315, %dma_start3A_316] : memref<2x10240x64xf32, #tpu.memory_space<hbm>> -> memref<1x10240x64xf32, #tpu.memory_space<hbm>>
      %dma_start3A_318 = tpu.memref_squeeze %dma_start3A_317 : memref<1x10240x64xf32, #tpu.memory_space<hbm>> -> memref<10240x64xf32, #tpu.memory_space<hbm>>
      %dma_start3A_319 = arith.constant 0 : i32
      %dma_start3A_320 = arith.constant 0 : i32
      %dma_start3A_321 = tpu.memref_slice %dma_start3A_318[%dma_start3A_319, %dma_start3A_320] : memref<10240x64xf32, #tpu.memory_space<hbm>> -> memref<10240x64xf32, #tpu.memory_space<hbm>>
      %dma_start3A_322 = tpu.memref_slice %arg11[%dma_start3A_307] : memref<4x!tpu.dma_semaphore, #tpu.memory_space<semaphore_mem>> -> memref<1x!tpu.dma_semaphore, #tpu.memory_space<semaphore_mem>>
      %dma_start3A_323 = tpu.memref_squeeze %dma_start3A_322 : memref<1x!tpu.dma_semaphore, #tpu.memory_space<semaphore_mem>> -> memref<!tpu.dma_semaphore, #tpu.memory_space<semaphore_mem>>
      tpu.enqueue_indirect_dma source(%dma_start3A_321 : memref<10240x64xf32, #tpu.memory_space<hbm>>) target(%dma_start3A_311 : memref<128x64xf32, #tpu.memory_space<vmem>>) offsets(%dma_start3A_314 : memref<128xi32, #tpu.memory_space<vmem>>) semaphore(%dma_start3A_323 : memref<!tpu.dma_semaphore, #tpu.memory_space<semaphore_mem>>)
      %add3A_324 = arith.constant 2 : i32
      %add3A_325 = arith.addi %add3A_241, %add3A_324 : i32
      %dma_wait3A_326 = arith.constant 2 : i32
      %dma_wait3A_327 = arith.constant 2 : i32
      %dma_wait3A_328 = arith.constant 0 : i32
      %dma_wait3A_329 = arith.constant 0 : i32
      %dma_wait3A_330 = tpu.memref_slice %arg8[%dma_wait3A_326, %dma_wait3A_328, %dma_wait3A_329] : memref<4x128x64xf32, #tpu.memory_space<vmem>> -> memref<1x128x64xf32, #tpu.memory_space<vmem>>
      %dma_wait3A_331 = tpu.memref_squeeze %dma_wait3A_330 : memref<1x128x64xf32, #tpu.memory_space<vmem>> -> memref<128x64xf32, #tpu.memory_space<vmem>>
      %dma_wait3A_332 = arith.constant 0 : i32
      %dma_wait3A_333 = tpu.memref_slice %arg6[%add3A_325, %dma_wait3A_332] : memref<160x128xi32, #tpu.memory_space<vmem>> -> memref<1x128xi32, #tpu.memory_space<vmem>>
      %dma_wait3A_334 = tpu.memref_squeeze %dma_wait3A_333 : memref<1x128xi32, #tpu.memory_space<vmem>> -> memref<128xi32, #tpu.memory_space<vmem>>
      %dma_wait3A_335 = arith.constant 0 : i32
      %dma_wait3A_336 = arith.constant 0 : i32
      %dma_wait3A_337 = tpu.memref_slice %arg2[%arg0, %dma_wait3A_335, %dma_wait3A_336] : memref<2x10240x64xf32, #tpu.memory_space<hbm>> -> memref<1x10240x64xf32, #tpu.memory_space<hbm>>
      %dma_wait3A_338 = tpu.memref_squeeze %dma_wait3A_337 : memref<1x10240x64xf32, #tpu.memory_space<hbm>> -> memref<10240x64xf32, #tpu.memory_space<hbm>>
      %dma_wait3A_339 = arith.constant 0 : i32
      %dma_wait3A_340 = arith.constant 0 : i32
      %dma_wait3A_341 = tpu.memref_slice %dma_wait3A_338[%dma_wait3A_339, %dma_wait3A_340] : memref<10240x64xf32, #tpu.memory_space<hbm>> -> memref<10240x64xf32, #tpu.memory_space<hbm>>
      %dma_wait3A_342 = tpu.memref_slice %arg11[%dma_wait3A_327] : memref<4x!tpu.dma_semaphore, #tpu.memory_space<semaphore_mem>> -> memref<1x!tpu.dma_semaphore, #tpu.memory_space<semaphore_mem>>
      %dma_wait3A_343 = tpu.memref_squeeze %dma_wait3A_342 : memref<1x!tpu.dma_semaphore, #tpu.memory_space<semaphore_mem>> -> memref<!tpu.dma_semaphore, #tpu.memory_space<semaphore_mem>>
      tpu.wait_indirect_dma semaphore(%dma_wait3A_343 : memref<!tpu.dma_semaphore, #tpu.memory_space<semaphore_mem>>) src(%dma_wait3A_341 : memref<10240x64xf32, #tpu.memory_space<hbm>>) dst(%dma_wait3A_331 : memref<128x64xf32, #tpu.memory_space<vmem>>)
      %run_scoped3A_344 = arith.constant 2 : i32
      "tpu.region"() ({
        %run_scoped3A_406 = tpu.sem_alloc : memref<!tpu.dma_semaphore, #tpu.memory_space<semaphore_mem>>
        %dma_start3A_407 = arith.constant 0 : i32
        %dma_start3A_408 = arith.constant 0 : i32
        %dma_start3A_409 = tpu.memref_slice %arg8[%run_scoped3A_344, %dma_start3A_407, %dma_start3A_408] : memref<4x128x64xf32, #tpu.memory_space<vmem>> -> memref<1x128x64xf32, #tpu.memory_space<vmem>>
        %dma_start3A_410 = tpu.memref_squeeze %dma_start3A_409 : memref<1x128x64xf32, #tpu.memory_space<vmem>> -> memref<128x64xf32, #tpu.memory_space<vmem>>
        %dma_start3A_411 = arith.constant 0 : i32
        %dma_start3A_412 = tpu.memref_slice %arg7[%add3A_325, %dma_start3A_411] : memref<160x128xi32, #tpu.memory_space<vmem>> -> memref<1x128xi32, #tpu.memory_space<vmem>>
        %dma_start3A_413 = tpu.memref_squeeze %dma_start3A_412 : memref<1x128xi32, #tpu.memory_space<vmem>> -> memref<128xi32, #tpu.memory_space<vmem>>
        %dma_start3A_414 = arith.constant 0 : i32
        %dma_start3A_415 = arith.constant 0 : i32
        %dma_start3A_416 = tpu.memref_slice %arg10[%dma_start3A_414, %dma_start3A_415] : memref<10240x64xf32, #tpu.memory_space<vmem_shared>> -> memref<10240x64xf32, #tpu.memory_space<vmem_shared>>
        tpu.enqueue_indirect_dma source(%dma_start3A_410 : memref<128x64xf32, #tpu.memory_space<vmem>>) target(%dma_start3A_416 : memref<10240x64xf32, #tpu.memory_space<vmem_shared>>) offsets(%dma_start3A_413 : memref<128xi32, #tpu.memory_space<vmem>>) semaphore(%run_scoped3A_406 : memref<!tpu.dma_semaphore, #tpu.memory_space<semaphore_mem>>) {add = true}
        %dma_wait3A_417 = arith.constant 0 : i32
        %dma_wait3A_418 = arith.constant 0 : i32
        %dma_wait3A_419 = tpu.memref_slice %arg8[%run_scoped3A_344, %dma_wait3A_417, %dma_wait3A_418] : memref<4x128x64xf32, #tpu.memory_space<vmem>> -> memref<1x128x64xf32, #tpu.memory_space<vmem>>
        %dma_wait3A_420 = tpu.memref_squeeze %dma_wait3A_419 : memref<1x128x64xf32, #tpu.memory_space<vmem>> -> memref<128x64xf32, #tpu.memory_space<vmem>>
        %dma_wait3A_421 = arith.constant 0 : i32
        %dma_wait3A_422 = tpu.memref_slice %arg7[%add3A_325, %dma_wait3A_421] : memref<160x128xi32, #tpu.memory_space<vmem>> -> memref<1x128xi32, #tpu.memory_space<vmem>>
        %dma_wait3A_423 = tpu.memref_squeeze %dma_wait3A_422 : memref<1x128xi32, #tpu.memory_space<vmem>> -> memref<128xi32, #tpu.memory_space<vmem>>
        %dma_wait3A_424 = arith.constant 0 : i32
        %dma_wait3A_425 = arith.constant 0 : i32
        %dma_wait3A_426 = tpu.memref_slice %arg10[%dma_wait3A_424, %dma_wait3A_425] : memref<10240x64xf32, #tpu.memory_space<vmem_shared>> -> memref<10240x64xf32, #tpu.memory_space<vmem_shared>>
        tpu.wait_indirect_dma semaphore(%run_scoped3A_406 : memref<!tpu.dma_semaphore, #tpu.memory_space<semaphore_mem>>) src(%dma_wait3A_420 : memref<128x64xf32, #tpu.memory_space<vmem>>) dst(%dma_wait3A_426 : memref<10240x64xf32, #tpu.memory_space<vmem_shared>>)
        tpu.yield
      }) : () -> ()
      %add3A_345 = arith.constant 4 : i32
      %add3A_346 = arith.addi %add3A_325, %add3A_345 : i32
      %dma_start3A_347 = arith.constant 2 : i32
      %dma_start3A_348 = arith.constant 2 : i32
      %dma_start3A_349 = arith.constant 0 : i32
      %dma_start3A_350 = arith.constant 0 : i32
      %dma_start3A_351 = tpu.memref_slice %arg8[%dma_start3A_347, %dma_start3A_349, %dma_start3A_350] : memref<4x128x64xf32, #tpu.memory_space<vmem>> -> memref<1x128x64xf32, #tpu.memory_space<vmem>>
      %dma_start3A_352 = tpu.memref_squeeze %dma_start3A_351 : memref<1x128x64xf32, #tpu.memory_space<vmem>> -> memref<128x64xf32, #tpu.memory_space<vmem>>
      %dma_start3A_353 = arith.constant 0 : i32
      %dma_start3A_354 = tpu.memref_slice %arg6[%add3A_346, %dma_start3A_353] : memref<160x128xi32, #tpu.memory_space<vmem>> -> memref<1x128xi32, #tpu.memory_space<vmem>>
      %dma_start3A_355 = tpu.memref_squeeze %dma_start3A_354 : memref<1x128xi32, #tpu.memory_space<vmem>> -> memref<128xi32, #tpu.memory_space<vmem>>
      %dma_start3A_356 = arith.constant 0 : i32
      %dma_start3A_357 = arith.constant 0 : i32
      %dma_start3A_358 = tpu.memref_slice %arg2[%arg0, %dma_start3A_356, %dma_start3A_357] : memref<2x10240x64xf32, #tpu.memory_space<hbm>> -> memref<1x10240x64xf32, #tpu.memory_space<hbm>>
      %dma_start3A_359 = tpu.memref_squeeze %dma_start3A_358 : memref<1x10240x64xf32, #tpu.memory_space<hbm>> -> memref<10240x64xf32, #tpu.memory_space<hbm>>
      %dma_start3A_360 = arith.constant 0 : i32
      %dma_start3A_361 = arith.constant 0 : i32
      %dma_start3A_362 = tpu.memref_slice %dma_start3A_359[%dma_start3A_360, %dma_start3A_361] : memref<10240x64xf32, #tpu.memory_space<hbm>> -> memref<10240x64xf32, #tpu.memory_space<hbm>>
      %dma_start3A_363 = tpu.memref_slice %arg11[%dma_start3A_348] : memref<4x!tpu.dma_semaphore, #tpu.memory_space<semaphore_mem>> -> memref<1x!tpu.dma_semaphore, #tpu.memory_space<semaphore_mem>>
      %dma_start3A_364 = tpu.memref_squeeze %dma_start3A_363 : memref<1x!tpu.dma_semaphore, #tpu.memory_space<semaphore_mem>> -> memref<!tpu.dma_semaphore, #tpu.memory_space<semaphore_mem>>
      tpu.enqueue_indirect_dma source(%dma_start3A_362 : memref<10240x64xf32, #tpu.memory_space<hbm>>) target(%dma_start3A_352 : memref<128x64xf32, #tpu.memory_space<vmem>>) offsets(%dma_start3A_355 : memref<128xi32, #tpu.memory_space<vmem>>) semaphore(%dma_start3A_364 : memref<!tpu.dma_semaphore, #tpu.memory_space<semaphore_mem>>)
      %add3A_365 = arith.constant 3 : i32
      %add3A_366 = arith.addi %add3A_241, %add3A_365 : i32
      %dma_wait3A_367 = arith.constant 3 : i32
      %dma_wait3A_368 = arith.constant 3 : i32
      %dma_wait3A_369 = arith.constant 0 : i32
      %dma_wait3A_370 = arith.constant 0 : i32
      %dma_wait3A_371 = tpu.memref_slice %arg8[%dma_wait3A_367, %dma_wait3A_369, %dma_wait3A_370] : memref<4x128x64xf32, #tpu.memory_space<vmem>> -> memref<1x128x64xf32, #tpu.memory_space<vmem>>
      %dma_wait3A_372 = tpu.memref_squeeze %dma_wait3A_371 : memref<1x128x64xf32, #tpu.memory_space<vmem>> -> memref<128x64xf32, #tpu.memory_space<vmem>>
      %dma_wait3A_373 = arith.constant 0 : i32
      %dma_wait3A_374 = tpu.memref_slice %arg6[%add3A_366, %dma_wait3A_373] : memref<160x128xi32, #tpu.memory_space<vmem>> -> memref<1x128xi32, #tpu.memory_space<vmem>>
      %dma_wait3A_375 = tpu.memref_squeeze %dma_wait3A_374 : memref<1x128xi32, #tpu.memory_space<vmem>> -> memref<128xi32, #tpu.memory_space<vmem>>
      %dma_wait3A_376 = arith.constant 0 : i32
      %dma_wait3A_377 = arith.constant 0 : i32
      %dma_wait3A_378 = tpu.memref_slice %arg2[%arg0, %dma_wait3A_376, %dma_wait3A_377] : memref<2x10240x64xf32, #tpu.memory_space<hbm>> -> memref<1x10240x64xf32, #tpu.memory_space<hbm>>
      %dma_wait3A_379 = tpu.memref_squeeze %dma_wait3A_378 : memref<1x10240x64xf32, #tpu.memory_space<hbm>> -> memref<10240x64xf32, #tpu.memory_space<hbm>>
      %dma_wait3A_380 = arith.constant 0 : i32
      %dma_wait3A_381 = arith.constant 0 : i32
      %dma_wait3A_382 = tpu.memref_slice %dma_wait3A_379[%dma_wait3A_380, %dma_wait3A_381] : memref<10240x64xf32, #tpu.memory_space<hbm>> -> memref<10240x64xf32, #tpu.memory_space<hbm>>
      %dma_wait3A_383 = tpu.memref_slice %arg11[%dma_wait3A_368] : memref<4x!tpu.dma_semaphore, #tpu.memory_space<semaphore_mem>> -> memref<1x!tpu.dma_semaphore, #tpu.memory_space<semaphore_mem>>
      %dma_wait3A_384 = tpu.memref_squeeze %dma_wait3A_383 : memref<1x!tpu.dma_semaphore, #tpu.memory_space<semaphore_mem>> -> memref<!tpu.dma_semaphore, #tpu.memory_space<semaphore_mem>>
      tpu.wait_indirect_dma semaphore(%dma_wait3A_384 : memref<!tpu.dma_semaphore, #tpu.memory_space<semaphore_mem>>) src(%dma_wait3A_382 : memref<10240x64xf32, #tpu.memory_space<hbm>>) dst(%dma_wait3A_372 : memref<128x64xf32, #tpu.memory_space<vmem>>)
      %run_scoped3A_385 = arith.constant 3 : i32
      "tpu.region"() ({
        %run_scoped3A_406 = tpu.sem_alloc : memref<!tpu.dma_semaphore, #tpu.memory_space<semaphore_mem>>
        %dma_start3A_407 = arith.constant 0 : i32
        %dma_start3A_408 = arith.constant 0 : i32
        %dma_start3A_409 = tpu.memref_slice %arg8[%run_scoped3A_385, %dma_start3A_407, %dma_start3A_408] : memref<4x128x64xf32, #tpu.memory_space<vmem>> -> memref<1x128x64xf32, #tpu.memory_space<vmem>>
        %dma_start3A_410 = tpu.memref_squeeze %dma_start3A_409 : memref<1x128x64xf32, #tpu.memory_space<vmem>> -> memref<128x64xf32, #tpu.memory_space<vmem>>
        %dma_start3A_411 = arith.constant 0 : i32
        %dma_start3A_412 = tpu.memref_slice %arg7[%add3A_366, %dma_start3A_411] : memref<160x128xi32, #tpu.memory_space<vmem>> -> memref<1x128xi32, #tpu.memory_space<vmem>>
        %dma_start3A_413 = tpu.memref_squeeze %dma_start3A_412 : memref<1x128xi32, #tpu.memory_space<vmem>> -> memref<128xi32, #tpu.memory_space<vmem>>
        %dma_start3A_414 = arith.constant 0 : i32
        %dma_start3A_415 = arith.constant 0 : i32
        %dma_start3A_416 = tpu.memref_slice %arg10[%dma_start3A_414, %dma_start3A_415] : memref<10240x64xf32, #tpu.memory_space<vmem_shared>> -> memref<10240x64xf32, #tpu.memory_space<vmem_shared>>
        tpu.enqueue_indirect_dma source(%dma_start3A_410 : memref<128x64xf32, #tpu.memory_space<vmem>>) target(%dma_start3A_416 : memref<10240x64xf32, #tpu.memory_space<vmem_shared>>) offsets(%dma_start3A_413 : memref<128xi32, #tpu.memory_space<vmem>>) semaphore(%run_scoped3A_406 : memref<!tpu.dma_semaphore, #tpu.memory_space<semaphore_mem>>) {add = true}
        %dma_wait3A_417 = arith.constant 0 : i32
        %dma_wait3A_418 = arith.constant 0 : i32
        %dma_wait3A_419 = tpu.memref_slice %arg8[%run_scoped3A_385, %dma_wait3A_417, %dma_wait3A_418] : memref<4x128x64xf32, #tpu.memory_space<vmem>> -> memref<1x128x64xf32, #tpu.memory_space<vmem>>
        %dma_wait3A_420 = tpu.memref_squeeze %dma_wait3A_419 : memref<1x128x64xf32, #tpu.memory_space<vmem>> -> memref<128x64xf32, #tpu.memory_space<vmem>>
        %dma_wait3A_421 = arith.constant 0 : i32
        %dma_wait3A_422 = tpu.memref_slice %arg7[%add3A_366, %dma_wait3A_421] : memref<160x128xi32, #tpu.memory_space<vmem>> -> memref<1x128xi32, #tpu.memory_space<vmem>>
        %dma_wait3A_423 = tpu.memref_squeeze %dma_wait3A_422 : memref<1x128xi32, #tpu.memory_space<vmem>> -> memref<128xi32, #tpu.memory_space<vmem>>
        %dma_wait3A_424 = arith.constant 0 : i32
        %dma_wait3A_425 = arith.constant 0 : i32
        %dma_wait3A_426 = tpu.memref_slice %arg10[%dma_wait3A_424, %dma_wait3A_425] : memref<10240x64xf32, #tpu.memory_space<vmem_shared>> -> memref<10240x64xf32, #tpu.memory_space<vmem_shared>>
        tpu.wait_indirect_dma semaphore(%run_scoped3A_406 : memref<!tpu.dma_semaphore, #tpu.memory_space<semaphore_mem>>) src(%dma_wait3A_420 : memref<128x64xf32, #tpu.memory_space<vmem>>) dst(%dma_wait3A_426 : memref<10240x64xf32, #tpu.memory_space<vmem_shared>>)
        tpu.yield
      }) : () -> ()
      %add3A_386 = arith.constant 4 : i32
      %add3A_387 = arith.addi %add3A_366, %add3A_386 : i32
      %dma_start3A_388 = arith.constant 3 : i32
      %dma_start3A_389 = arith.constant 3 : i32
      %dma_start3A_390 = arith.constant 0 : i32
      %dma_start3A_391 = arith.constant 0 : i32
      %dma_start3A_392 = tpu.memref_slice %arg8[%dma_start3A_388, %dma_start3A_390, %dma_start3A_391] : memref<4x128x64xf32, #tpu.memory_space<vmem>> -> memref<1x128x64xf32, #tpu.memory_space<vmem>>
      %dma_start3A_393 = tpu.memref_squeeze %dma_start3A_392 : memref<1x128x64xf32, #tpu.memory_space<vmem>> -> memref<128x64xf32, #tpu.memory_space<vmem>>
      %dma_start3A_394 = arith.constant 0 : i32
      %dma_start3A_395 = tpu.memref_slice %arg6[%add3A_387, %dma_start3A_394] : memref<160x128xi32, #tpu.memory_space<vmem>> -> memref<1x128xi32, #tpu.memory_space<vmem>>
      %dma_start3A_396 = tpu.memref_squeeze %dma_start3A_395 : memref<1x128xi32, #tpu.memory_space<vmem>> -> memref<128xi32, #tpu.memory_space<vmem>>
      %dma_start3A_397 = arith.constant 0 : i32
      %dma_start3A_398 = arith.constant 0 : i32
      %dma_start3A_399 = tpu.memref_slice %arg2[%arg0, %dma_start3A_397, %dma_start3A_398] : memref<2x10240x64xf32, #tpu.memory_space<hbm>> -> memref<1x10240x64xf32, #tpu.memory_space<hbm>>
      %dma_start3A_400 = tpu.memref_squeeze %dma_start3A_399 : memref<1x10240x64xf32, #tpu.memory_space<hbm>> -> memref<10240x64xf32, #tpu.memory_space<hbm>>
      %dma_start3A_401 = arith.constant 0 : i32
      %dma_start3A_402 = arith.constant 0 : i32
      %dma_start3A_403 = tpu.memref_slice %dma_start3A_400[%dma_start3A_401, %dma_start3A_402] : memref<10240x64xf32, #tpu.memory_space<hbm>> -> memref<10240x64xf32, #tpu.memory_space<hbm>>
      %dma_start3A_404 = tpu.memref_slice %arg11[%dma_start3A_389] : memref<4x!tpu.dma_semaphore, #tpu.memory_space<semaphore_mem>> -> memref<1x!tpu.dma_semaphore, #tpu.memory_space<semaphore_mem>>
      %dma_start3A_405 = tpu.memref_squeeze %dma_start3A_404 : memref<1x!tpu.dma_semaphore, #tpu.memory_space<semaphore_mem>> -> memref<!tpu.dma_semaphore, #tpu.memory_space<semaphore_mem>>
      tpu.enqueue_indirect_dma source(%dma_start3A_403 : memref<10240x64xf32, #tpu.memory_space<hbm>>) target(%dma_start3A_393 : memref<128x64xf32, #tpu.memory_space<vmem>>) offsets(%dma_start3A_396 : memref<128xi32, #tpu.memory_space<vmem>>) semaphore(%dma_start3A_405 : memref<!tpu.dma_semaphore, #tpu.memory_space<semaphore_mem>>)
    }
    %scan3A_121 = arith.constant 39 : i32
    %dma_wait3A = arith.constant 156 : i32
    %dma_wait3A_122 = arith.constant 0 : i32
    %dma_wait3A_123 = arith.constant 0 : i32
    %dma_wait3A_124 = arith.constant 0 : i32
    %dma_wait3A_125 = arith.constant 0 : i32
    %dma_wait3A_126 = tpu.memref_slice %arg8[%dma_wait3A_122, %dma_wait3A_124, %dma_wait3A_125] : memref<4x128x64xf32, #tpu.memory_space<vmem>> -> memref<1x128x64xf32, #tpu.memory_space<vmem>>
    %dma_wait3A_127 = tpu.memref_squeeze %dma_wait3A_126 : memref<1x128x64xf32, #tpu.memory_space<vmem>> -> memref<128x64xf32, #tpu.memory_space<vmem>>
    %dma_wait3A_128 = arith.constant 0 : i32
    %dma_wait3A_129 = tpu.memref_slice %arg6[%dma_wait3A, %dma_wait3A_128] : memref<160x128xi32, #tpu.memory_space<vmem>> -> memref<1x128xi32, #tpu.memory_space<vmem>>
    %dma_wait3A_130 = tpu.memref_squeeze %dma_wait3A_129 : memref<1x128xi32, #tpu.memory_space<vmem>> -> memref<128xi32, #tpu.memory_space<vmem>>
    %dma_wait3A_131 = arith.constant 0 : i32
    %dma_wait3A_132 = arith.constant 0 : i32
    %dma_wait3A_133 = tpu.memref_slice %arg2[%arg0, %dma_wait3A_131, %dma_wait3A_132] : memref<2x10240x64xf32, #tpu.memory_space<hbm>> -> memref<1x10240x64xf32, #tpu.memory_space<hbm>>
    %dma_wait3A_134 = tpu.memref_squeeze %dma_wait3A_133 : memref<1x10240x64xf32, #tpu.memory_space<hbm>> -> memref<10240x64xf32, #tpu.memory_space<hbm>>
    %dma_wait3A_135 = arith.constant 0 : i32
    %dma_wait3A_136 = arith.constant 0 : i32
    %dma_wait3A_137 = tpu.memref_slice %dma_wait3A_134[%dma_wait3A_135, %dma_wait3A_136] : memref<10240x64xf32, #tpu.memory_space<hbm>> -> memref<10240x64xf32, #tpu.memory_space<hbm>>
    %dma_wait3A_138 = tpu.memref_slice %arg11[%dma_wait3A_123] : memref<4x!tpu.dma_semaphore, #tpu.memory_space<semaphore_mem>> -> memref<1x!tpu.dma_semaphore, #tpu.memory_space<semaphore_mem>>
    %dma_wait3A_139 = tpu.memref_squeeze %dma_wait3A_138 : memref<1x!tpu.dma_semaphore, #tpu.memory_space<semaphore_mem>> -> memref<!tpu.dma_semaphore, #tpu.memory_space<semaphore_mem>>
    tpu.wait_indirect_dma semaphore(%dma_wait3A_139 : memref<!tpu.dma_semaphore, #tpu.memory_space<semaphore_mem>>) src(%dma_wait3A_137 : memref<10240x64xf32, #tpu.memory_space<hbm>>) dst(%dma_wait3A_127 : memref<128x64xf32, #tpu.memory_space<vmem>>)
    %run_scoped3A = arith.constant 0 : i32
    %run_scoped3A_140 = arith.constant 156 : i32
    "tpu.region"() ({
      %run_scoped3A_237 = tpu.sem_alloc : memref<!tpu.dma_semaphore, #tpu.memory_space<semaphore_mem>>
      %dma_start3A_238 = arith.constant 0 : i32
      %dma_start3A_239 = arith.constant 0 : i32
      %dma_start3A_240 = tpu.memref_slice %arg8[%run_scoped3A, %dma_start3A_238, %dma_start3A_239] : memref<4x128x64xf32, #tpu.memory_space<vmem>> -> memref<1x128x64xf32, #tpu.memory_space<vmem>>
      %dma_start3A_241 = tpu.memref_squeeze %dma_start3A_240 : memref<1x128x64xf32, #tpu.memory_space<vmem>> -> memref<128x64xf32, #tpu.memory_space<vmem>>
      %dma_start3A_242 = arith.constant 0 : i32
      %dma_start3A_243 = tpu.memref_slice %arg7[%run_scoped3A_140, %dma_start3A_242] : memref<160x128xi32, #tpu.memory_space<vmem>> -> memref<1x128xi32, #tpu.memory_space<vmem>>
      %dma_start3A_244 = tpu.memref_squeeze %dma_start3A_243 : memref<1x128xi32, #tpu.memory_space<vmem>> -> memref<128xi32, #tpu.memory_space<vmem>>
      %dma_start3A_245 = arith.constant 0 : i32
      %dma_start3A_246 = arith.constant 0 : i32
      %dma_start3A_247 = tpu.memref_slice %arg10[%dma_start3A_245, %dma_start3A_246] : memref<10240x64xf32, #tpu.memory_space<vmem_shared>> -> memref<10240x64xf32, #tpu.memory_space<vmem_shared>>
      tpu.enqueue_indirect_dma source(%dma_start3A_241 : memref<128x64xf32, #tpu.memory_space<vmem>>) target(%dma_start3A_247 : memref<10240x64xf32, #tpu.memory_space<vmem_shared>>) offsets(%dma_start3A_244 : memref<128xi32, #tpu.memory_space<vmem>>) semaphore(%run_scoped3A_237 : memref<!tpu.dma_semaphore, #tpu.memory_space<semaphore_mem>>) {add = true}
      %dma_wait3A_248 = arith.constant 0 : i32
      %dma_wait3A_249 = arith.constant 0 : i32
      %dma_wait3A_250 = tpu.memref_slice %arg8[%run_scoped3A, %dma_wait3A_248, %dma_wait3A_249] : memref<4x128x64xf32, #tpu.memory_space<vmem>> -> memref<1x128x64xf32, #tpu.memory_space<vmem>>
      %dma_wait3A_251 = tpu.memref_squeeze %dma_wait3A_250 : memref<1x128x64xf32, #tpu.memory_space<vmem>> -> memref<128x64xf32, #tpu.memory_space<vmem>>
      %dma_wait3A_252 = arith.constant 0 : i32
      %dma_wait3A_253 = tpu.memref_slice %arg7[%run_scoped3A_140, %dma_wait3A_252] : memref<160x128xi32, #tpu.memory_space<vmem>> -> memref<1x128xi32, #tpu.memory_space<vmem>>
      %dma_wait3A_254 = tpu.memref_squeeze %dma_wait3A_253 : memref<1x128xi32, #tpu.memory_space<vmem>> -> memref<128xi32, #tpu.memory_space<vmem>>
      %dma_wait3A_255 = arith.constant 0 : i32
      %dma_wait3A_256 = arith.constant 0 : i32
      %dma_wait3A_257 = tpu.memref_slice %arg10[%dma_wait3A_255, %dma_wait3A_256] : memref<10240x64xf32, #tpu.memory_space<vmem_shared>> -> memref<10240x64xf32, #tpu.memory_space<vmem_shared>>
      tpu.wait_indirect_dma semaphore(%run_scoped3A_237 : memref<!tpu.dma_semaphore, #tpu.memory_space<semaphore_mem>>) src(%dma_wait3A_251 : memref<128x64xf32, #tpu.memory_space<vmem>>) dst(%dma_wait3A_257 : memref<10240x64xf32, #tpu.memory_space<vmem_shared>>)
      tpu.yield
    }) : () -> ()
    %dma_wait3A_141 = arith.constant 157 : i32
    %dma_wait3A_142 = arith.constant 1 : i32
    %dma_wait3A_143 = arith.constant 1 : i32
    %dma_wait3A_144 = arith.constant 0 : i32
    %dma_wait3A_145 = arith.constant 0 : i32
    %dma_wait3A_146 = tpu.memref_slice %arg8[%dma_wait3A_142, %dma_wait3A_144, %dma_wait3A_145] : memref<4x128x64xf32, #tpu.memory_space<vmem>> -> memref<1x128x64xf32, #tpu.memory_space<vmem>>
    %dma_wait3A_147 = tpu.memref_squeeze %dma_wait3A_146 : memref<1x128x64xf32, #tpu.memory_space<vmem>> -> memref<128x64xf32, #tpu.memory_space<vmem>>
    %dma_wait3A_148 = arith.constant 0 : i32
    %dma_wait3A_149 = tpu.memref_slice %arg6[%dma_wait3A_141, %dma_wait3A_148] : memref<160x128xi32, #tpu.memory_space<vmem>> -> memref<1x128xi32, #tpu.memory_space<vmem>>
    %dma_wait3A_150 = tpu.memref_squeeze %dma_wait3A_149 : memref<1x128xi32, #tpu.memory_space<vmem>> -> memref<128xi32, #tpu.memory_space<vmem>>
    %dma_wait3A_151 = arith.constant 0 : i32
    %dma_wait3A_152 = arith.constant 0 : i32
    %dma_wait3A_153 = tpu.memref_slice %arg2[%arg0, %dma_wait3A_151, %dma_wait3A_152] : memref<2x10240x64xf32, #tpu.memory_space<hbm>> -> memref<1x10240x64xf32, #tpu.memory_space<hbm>>
    %dma_wait3A_154 = tpu.memref_squeeze %dma_wait3A_153 : memref<1x10240x64xf32, #tpu.memory_space<hbm>> -> memref<10240x64xf32, #tpu.memory_space<hbm>>
    %dma_wait3A_155 = arith.constant 0 : i32
    %dma_wait3A_156 = arith.constant 0 : i32
    %dma_wait3A_157 = tpu.memref_slice %dma_wait3A_154[%dma_wait3A_155, %dma_wait3A_156] : memref<10240x64xf32, #tpu.memory_space<hbm>> -> memref<10240x64xf32, #tpu.memory_space<hbm>>
    %dma_wait3A_158 = tpu.memref_slice %arg11[%dma_wait3A_143] : memref<4x!tpu.dma_semaphore, #tpu.memory_space<semaphore_mem>> -> memref<1x!tpu.dma_semaphore, #tpu.memory_space<semaphore_mem>>
    %dma_wait3A_159 = tpu.memref_squeeze %dma_wait3A_158 : memref<1x!tpu.dma_semaphore, #tpu.memory_space<semaphore_mem>> -> memref<!tpu.dma_semaphore, #tpu.memory_space<semaphore_mem>>
    tpu.wait_indirect_dma semaphore(%dma_wait3A_159 : memref<!tpu.dma_semaphore, #tpu.memory_space<semaphore_mem>>) src(%dma_wait3A_157 : memref<10240x64xf32, #tpu.memory_space<hbm>>) dst(%dma_wait3A_147 : memref<128x64xf32, #tpu.memory_space<vmem>>)
    %run_scoped3A_160 = arith.constant 1 : i32
    %run_scoped3A_161 = arith.constant 157 : i32
    "tpu.region"() ({
      %run_scoped3A_237 = tpu.sem_alloc : memref<!tpu.dma_semaphore, #tpu.memory_space<semaphore_mem>>
      %dma_start3A_238 = arith.constant 0 : i32
      %dma_start3A_239 = arith.constant 0 : i32
      %dma_start3A_240 = tpu.memref_slice %arg8[%run_scoped3A_160, %dma_start3A_238, %dma_start3A_239] : memref<4x128x64xf32, #tpu.memory_space<vmem>> -> memref<1x128x64xf32, #tpu.memory_space<vmem>>
      %dma_start3A_241 = tpu.memref_squeeze %dma_start3A_240 : memref<1x128x64xf32, #tpu.memory_space<vmem>> -> memref<128x64xf32, #tpu.memory_space<vmem>>
      %dma_start3A_242 = arith.constant 0 : i32
      %dma_start3A_243 = tpu.memref_slice %arg7[%run_scoped3A_161, %dma_start3A_242] : memref<160x128xi32, #tpu.memory_space<vmem>> -> memref<1x128xi32, #tpu.memory_space<vmem>>
      %dma_start3A_244 = tpu.memref_squeeze %dma_start3A_243 : memref<1x128xi32, #tpu.memory_space<vmem>> -> memref<128xi32, #tpu.memory_space<vmem>>
      %dma_start3A_245 = arith.constant 0 : i32
      %dma_start3A_246 = arith.constant 0 : i32
      %dma_start3A_247 = tpu.memref_slice %arg10[%dma_start3A_245, %dma_start3A_246] : memref<10240x64xf32, #tpu.memory_space<vmem_shared>> -> memref<10240x64xf32, #tpu.memory_space<vmem_shared>>
      tpu.enqueue_indirect_dma source(%dma_start3A_241 : memref<128x64xf32, #tpu.memory_space<vmem>>) target(%dma_start3A_247 : memref<10240x64xf32, #tpu.memory_space<vmem_shared>>) offsets(%dma_start3A_244 : memref<128xi32, #tpu.memory_space<vmem>>) semaphore(%run_scoped3A_237 : memref<!tpu.dma_semaphore, #tpu.memory_space<semaphore_mem>>) {add = true}
      %dma_wait3A_248 = arith.constant 0 : i32
      %dma_wait3A_249 = arith.constant 0 : i32
      %dma_wait3A_250 = tpu.memref_slice %arg8[%run_scoped3A_160, %dma_wait3A_248, %dma_wait3A_249] : memref<4x128x64xf32, #tpu.memory_space<vmem>> -> memref<1x128x64xf32, #tpu.memory_space<vmem>>
      %dma_wait3A_251 = tpu.memref_squeeze %dma_wait3A_250 : memref<1x128x64xf32, #tpu.memory_space<vmem>> -> memref<128x64xf32, #tpu.memory_space<vmem>>
      %dma_wait3A_252 = arith.constant 0 : i32
      %dma_wait3A_253 = tpu.memref_slice %arg7[%run_scoped3A_161, %dma_wait3A_252] : memref<160x128xi32, #tpu.memory_space<vmem>> -> memref<1x128xi32, #tpu.memory_space<vmem>>
      %dma_wait3A_254 = tpu.memref_squeeze %dma_wait3A_253 : memref<1x128xi32, #tpu.memory_space<vmem>> -> memref<128xi32, #tpu.memory_space<vmem>>
      %dma_wait3A_255 = arith.constant 0 : i32
      %dma_wait3A_256 = arith.constant 0 : i32
      %dma_wait3A_257 = tpu.memref_slice %arg10[%dma_wait3A_255, %dma_wait3A_256] : memref<10240x64xf32, #tpu.memory_space<vmem_shared>> -> memref<10240x64xf32, #tpu.memory_space<vmem_shared>>
      tpu.wait_indirect_dma semaphore(%run_scoped3A_237 : memref<!tpu.dma_semaphore, #tpu.memory_space<semaphore_mem>>) src(%dma_wait3A_251 : memref<128x64xf32, #tpu.memory_space<vmem>>) dst(%dma_wait3A_257 : memref<10240x64xf32, #tpu.memory_space<vmem_shared>>)
      tpu.yield
    }) : () -> ()
    %dma_wait3A_162 = arith.constant 158 : i32
    %dma_wait3A_163 = arith.constant 2 : i32
    %dma_wait3A_164 = arith.constant 2 : i32
    %dma_wait3A_165 = arith.constant 0 : i32
    %dma_wait3A_166 = arith.constant 0 : i32
    %dma_wait3A_167 = tpu.memref_slice %arg8[%dma_wait3A_163, %dma_wait3A_165, %dma_wait3A_166] : memref<4x128x64xf32, #tpu.memory_space<vmem>> -> memref<1x128x64xf32, #tpu.memory_space<vmem>>
    %dma_wait3A_168 = tpu.memref_squeeze %dma_wait3A_167 : memref<1x128x64xf32, #tpu.memory_space<vmem>> -> memref<128x64xf32, #tpu.memory_space<vmem>>
    %dma_wait3A_169 = arith.constant 0 : i32
    %dma_wait3A_170 = tpu.memref_slice %arg6[%dma_wait3A_162, %dma_wait3A_169] : memref<160x128xi32, #tpu.memory_space<vmem>> -> memref<1x128xi32, #tpu.memory_space<vmem>>
    %dma_wait3A_171 = tpu.memref_squeeze %dma_wait3A_170 : memref<1x128xi32, #tpu.memory_space<vmem>> -> memref<128xi32, #tpu.memory_space<vmem>>
    %dma_wait3A_172 = arith.constant 0 : i32
    %dma_wait3A_173 = arith.constant 0 : i32
    %dma_wait3A_174 = tpu.memref_slice %arg2[%arg0, %dma_wait3A_172, %dma_wait3A_173] : memref<2x10240x64xf32, #tpu.memory_space<hbm>> -> memref<1x10240x64xf32, #tpu.memory_space<hbm>>
    %dma_wait3A_175 = tpu.memref_squeeze %dma_wait3A_174 : memref<1x10240x64xf32, #tpu.memory_space<hbm>> -> memref<10240x64xf32, #tpu.memory_space<hbm>>
    %dma_wait3A_176 = arith.constant 0 : i32
    %dma_wait3A_177 = arith.constant 0 : i32
    %dma_wait3A_178 = tpu.memref_slice %dma_wait3A_175[%dma_wait3A_176, %dma_wait3A_177] : memref<10240x64xf32, #tpu.memory_space<hbm>> -> memref<10240x64xf32, #tpu.memory_space<hbm>>
    %dma_wait3A_179 = tpu.memref_slice %arg11[%dma_wait3A_164] : memref<4x!tpu.dma_semaphore, #tpu.memory_space<semaphore_mem>> -> memref<1x!tpu.dma_semaphore, #tpu.memory_space<semaphore_mem>>
    %dma_wait3A_180 = tpu.memref_squeeze %dma_wait3A_179 : memref<1x!tpu.dma_semaphore, #tpu.memory_space<semaphore_mem>> -> memref<!tpu.dma_semaphore, #tpu.memory_space<semaphore_mem>>
    tpu.wait_indirect_dma semaphore(%dma_wait3A_180 : memref<!tpu.dma_semaphore, #tpu.memory_space<semaphore_mem>>) src(%dma_wait3A_178 : memref<10240x64xf32, #tpu.memory_space<hbm>>) dst(%dma_wait3A_168 : memref<128x64xf32, #tpu.memory_space<vmem>>)
    %run_scoped3A_181 = arith.constant 2 : i32
    %run_scoped3A_182 = arith.constant 158 : i32
    "tpu.region"() ({
      %run_scoped3A_237 = tpu.sem_alloc : memref<!tpu.dma_semaphore, #tpu.memory_space<semaphore_mem>>
      %dma_start3A_238 = arith.constant 0 : i32
      %dma_start3A_239 = arith.constant 0 : i32
      %dma_start3A_240 = tpu.memref_slice %arg8[%run_scoped3A_181, %dma_start3A_238, %dma_start3A_239] : memref<4x128x64xf32, #tpu.memory_space<vmem>> -> memref<1x128x64xf32, #tpu.memory_space<vmem>>
      %dma_start3A_241 = tpu.memref_squeeze %dma_start3A_240 : memref<1x128x64xf32, #tpu.memory_space<vmem>> -> memref<128x64xf32, #tpu.memory_space<vmem>>
      %dma_start3A_242 = arith.constant 0 : i32
      %dma_start3A_243 = tpu.memref_slice %arg7[%run_scoped3A_182, %dma_start3A_242] : memref<160x128xi32, #tpu.memory_space<vmem>> -> memref<1x128xi32, #tpu.memory_space<vmem>>
      %dma_start3A_244 = tpu.memref_squeeze %dma_start3A_243 : memref<1x128xi32, #tpu.memory_space<vmem>> -> memref<128xi32, #tpu.memory_space<vmem>>
      %dma_start3A_245 = arith.constant 0 : i32
      %dma_start3A_246 = arith.constant 0 : i32
      %dma_start3A_247 = tpu.memref_slice %arg10[%dma_start3A_245, %dma_start3A_246] : memref<10240x64xf32, #tpu.memory_space<vmem_shared>> -> memref<10240x64xf32, #tpu.memory_space<vmem_shared>>
      tpu.enqueue_indirect_dma source(%dma_start3A_241 : memref<128x64xf32, #tpu.memory_space<vmem>>) target(%dma_start3A_247 : memref<10240x64xf32, #tpu.memory_space<vmem_shared>>) offsets(%dma_start3A_244 : memref<128xi32, #tpu.memory_space<vmem>>) semaphore(%run_scoped3A_237 : memref<!tpu.dma_semaphore, #tpu.memory_space<semaphore_mem>>) {add = true}
      %dma_wait3A_248 = arith.constant 0 : i32
      %dma_wait3A_249 = arith.constant 0 : i32
      %dma_wait3A_250 = tpu.memref_slice %arg8[%run_scoped3A_181, %dma_wait3A_248, %dma_wait3A_249] : memref<4x128x64xf32, #tpu.memory_space<vmem>> -> memref<1x128x64xf32, #tpu.memory_space<vmem>>
      %dma_wait3A_251 = tpu.memref_squeeze %dma_wait3A_250 : memref<1x128x64xf32, #tpu.memory_space<vmem>> -> memref<128x64xf32, #tpu.memory_space<vmem>>
      %dma_wait3A_252 = arith.constant 0 : i32
      %dma_wait3A_253 = tpu.memref_slice %arg7[%run_scoped3A_182, %dma_wait3A_252] : memref<160x128xi32, #tpu.memory_space<vmem>> -> memref<1x128xi32, #tpu.memory_space<vmem>>
      %dma_wait3A_254 = tpu.memref_squeeze %dma_wait3A_253 : memref<1x128xi32, #tpu.memory_space<vmem>> -> memref<128xi32, #tpu.memory_space<vmem>>
      %dma_wait3A_255 = arith.constant 0 : i32
      %dma_wait3A_256 = arith.constant 0 : i32
      %dma_wait3A_257 = tpu.memref_slice %arg10[%dma_wait3A_255, %dma_wait3A_256] : memref<10240x64xf32, #tpu.memory_space<vmem_shared>> -> memref<10240x64xf32, #tpu.memory_space<vmem_shared>>
      tpu.wait_indirect_dma semaphore(%run_scoped3A_237 : memref<!tpu.dma_semaphore, #tpu.memory_space<semaphore_mem>>) src(%dma_wait3A_251 : memref<128x64xf32, #tpu.memory_space<vmem>>) dst(%dma_wait3A_257 : memref<10240x64xf32, #tpu.memory_space<vmem_shared>>)
      tpu.yield
    }) : () -> ()
    %dma_wait3A_183 = arith.constant 159 : i32
    %dma_wait3A_184 = arith.constant 3 : i32
    %dma_wait3A_185 = arith.constant 3 : i32
    %dma_wait3A_186 = arith.constant 0 : i32
    %dma_wait3A_187 = arith.constant 0 : i32
    %dma_wait3A_188 = tpu.memref_slice %arg8[%dma_wait3A_184, %dma_wait3A_186, %dma_wait3A_187] : memref<4x128x64xf32, #tpu.memory_space<vmem>> -> memref<1x128x64xf32, #tpu.memory_space<vmem>>
    %dma_wait3A_189 = tpu.memref_squeeze %dma_wait3A_188 : memref<1x128x64xf32, #tpu.memory_space<vmem>> -> memref<128x64xf32, #tpu.memory_space<vmem>>
    %dma_wait3A_190 = arith.constant 0 : i32
    %dma_wait3A_191 = tpu.memref_slice %arg6[%dma_wait3A_183, %dma_wait3A_190] : memref<160x128xi32, #tpu.memory_space<vmem>> -> memref<1x128xi32, #tpu.memory_space<vmem>>
    %dma_wait3A_192 = tpu.memref_squeeze %dma_wait3A_191 : memref<1x128xi32, #tpu.memory_space<vmem>> -> memref<128xi32, #tpu.memory_space<vmem>>
    %dma_wait3A_193 = arith.constant 0 : i32
    %dma_wait3A_194 = arith.constant 0 : i32
    %dma_wait3A_195 = tpu.memref_slice %arg2[%arg0, %dma_wait3A_193, %dma_wait3A_194] : memref<2x10240x64xf32, #tpu.memory_space<hbm>> -> memref<1x10240x64xf32, #tpu.memory_space<hbm>>
    %dma_wait3A_196 = tpu.memref_squeeze %dma_wait3A_195 : memref<1x10240x64xf32, #tpu.memory_space<hbm>> -> memref<10240x64xf32, #tpu.memory_space<hbm>>
    %dma_wait3A_197 = arith.constant 0 : i32
    %dma_wait3A_198 = arith.constant 0 : i32
    %dma_wait3A_199 = tpu.memref_slice %dma_wait3A_196[%dma_wait3A_197, %dma_wait3A_198] : memref<10240x64xf32, #tpu.memory_space<hbm>> -> memref<10240x64xf32, #tpu.memory_space<hbm>>
    %dma_wait3A_200 = tpu.memref_slice %arg11[%dma_wait3A_185] : memref<4x!tpu.dma_semaphore, #tpu.memory_space<semaphore_mem>> -> memref<1x!tpu.dma_semaphore, #tpu.memory_space<semaphore_mem>>
    %dma_wait3A_201 = tpu.memref_squeeze %dma_wait3A_200 : memref<1x!tpu.dma_semaphore, #tpu.memory_space<semaphore_mem>> -> memref<!tpu.dma_semaphore, #tpu.memory_space<semaphore_mem>>
    tpu.wait_indirect_dma semaphore(%dma_wait3A_201 : memref<!tpu.dma_semaphore, #tpu.memory_space<semaphore_mem>>) src(%dma_wait3A_199 : memref<10240x64xf32, #tpu.memory_space<hbm>>) dst(%dma_wait3A_189 : memref<128x64xf32, #tpu.memory_space<vmem>>)
    %run_scoped3A_202 = arith.constant 3 : i32
    %run_scoped3A_203 = arith.constant 159 : i32
    "tpu.region"() ({
      %run_scoped3A_237 = tpu.sem_alloc : memref<!tpu.dma_semaphore, #tpu.memory_space<semaphore_mem>>
      %dma_start3A_238 = arith.constant 0 : i32
      %dma_start3A_239 = arith.constant 0 : i32
      %dma_start3A_240 = tpu.memref_slice %arg8[%run_scoped3A_202, %dma_start3A_238, %dma_start3A_239] : memref<4x128x64xf32, #tpu.memory_space<vmem>> -> memref<1x128x64xf32, #tpu.memory_space<vmem>>
      %dma_start3A_241 = tpu.memref_squeeze %dma_start3A_240 : memref<1x128x64xf32, #tpu.memory_space<vmem>> -> memref<128x64xf32, #tpu.memory_space<vmem>>
      %dma_start3A_242 = arith.constant 0 : i32
      %dma_start3A_243 = tpu.memref_slice %arg7[%run_scoped3A_203, %dma_start3A_242] : memref<160x128xi32, #tpu.memory_space<vmem>> -> memref<1x128xi32, #tpu.memory_space<vmem>>
      %dma_start3A_244 = tpu.memref_squeeze %dma_start3A_243 : memref<1x128xi32, #tpu.memory_space<vmem>> -> memref<128xi32, #tpu.memory_space<vmem>>
      %dma_start3A_245 = arith.constant 0 : i32
      %dma_start3A_246 = arith.constant 0 : i32
      %dma_start3A_247 = tpu.memref_slice %arg10[%dma_start3A_245, %dma_start3A_246] : memref<10240x64xf32, #tpu.memory_space<vmem_shared>> -> memref<10240x64xf32, #tpu.memory_space<vmem_shared>>
      tpu.enqueue_indirect_dma source(%dma_start3A_241 : memref<128x64xf32, #tpu.memory_space<vmem>>) target(%dma_start3A_247 : memref<10240x64xf32, #tpu.memory_space<vmem_shared>>) offsets(%dma_start3A_244 : memref<128xi32, #tpu.memory_space<vmem>>) semaphore(%run_scoped3A_237 : memref<!tpu.dma_semaphore, #tpu.memory_space<semaphore_mem>>) {add = true}
      %dma_wait3A_248 = arith.constant 0 : i32
      %dma_wait3A_249 = arith.constant 0 : i32
      %dma_wait3A_250 = tpu.memref_slice %arg8[%run_scoped3A_202, %dma_wait3A_248, %dma_wait3A_249] : memref<4x128x64xf32, #tpu.memory_space<vmem>> -> memref<1x128x64xf32, #tpu.memory_space<vmem>>
      %dma_wait3A_251 = tpu.memref_squeeze %dma_wait3A_250 : memref<1x128x64xf32, #tpu.memory_space<vmem>> -> memref<128x64xf32, #tpu.memory_space<vmem>>
      %dma_wait3A_252 = arith.constant 0 : i32
      %dma_wait3A_253 = tpu.memref_slice %arg7[%run_scoped3A_203, %dma_wait3A_252] : memref<160x128xi32, #tpu.memory_space<vmem>> -> memref<1x128xi32, #tpu.memory_space<vmem>>
      %dma_wait3A_254 = tpu.memref_squeeze %dma_wait3A_253 : memref<1x128xi32, #tpu.memory_space<vmem>> -> memref<128xi32, #tpu.memory_space<vmem>>
      %dma_wait3A_255 = arith.constant 0 : i32
      %dma_wait3A_256 = arith.constant 0 : i32
      %dma_wait3A_257 = tpu.memref_slice %arg10[%dma_wait3A_255, %dma_wait3A_256] : memref<10240x64xf32, #tpu.memory_space<vmem_shared>> -> memref<10240x64xf32, #tpu.memory_space<vmem_shared>>
      tpu.wait_indirect_dma semaphore(%run_scoped3A_237 : memref<!tpu.dma_semaphore, #tpu.memory_space<semaphore_mem>>) src(%dma_wait3A_251 : memref<128x64xf32, #tpu.memory_space<vmem>>) dst(%dma_wait3A_257 : memref<10240x64xf32, #tpu.memory_space<vmem_shared>>)
      tpu.yield
    }) : () -> ()
    %barrier3A_204 = arith.constant 0 : index
    tpu.barrier barrier_id(%barrier3A_204)
    %mul3A_205 = arith.constant 640 : i32
    %mul3A_206 = arith.muli %arg1, %mul3A_205 : i32
    %add3A_207 = arith.constant 0 : i32
    %add3A_208 = arith.addi %mul3A_206, %add3A_207 : i32
    %run_scoped3A_209 = arith.constant 0 : i32
    "tpu.region"() ({
      %run_scoped3A_237 = tpu.sem_alloc : memref<!tpu.dma_semaphore, #tpu.memory_space<semaphore_mem>>
      %dma_start3A_238 = arith.constant 0 : i32
      %dma_start3A_239 = arith.constant 0 : i32
      %dma_start3A_240 = tpu.memref_slice %arg8[%run_scoped3A_209, %dma_start3A_238, %dma_start3A_239] : memref<4x128x64xf32, #tpu.memory_space<vmem>> -> memref<1x128x64xf32, #tpu.memory_space<vmem>>
      %dma_start3A_241 = tpu.memref_squeeze %dma_start3A_240 : memref<1x128x64xf32, #tpu.memory_space<vmem>> -> memref<128x64xf32, #tpu.memory_space<vmem>>
      %dma_start3A_242 = arith.constant 0 : i32
      %dma_start3A_243 = tpu.memref_slice %arg10[%add3A_208, %dma_start3A_242] : memref<10240x64xf32, #tpu.memory_space<vmem_shared>> -> memref<128x64xf32, #tpu.memory_space<vmem_shared>>
      %dma_start3A_244 = arith.constant 0 : i32
      %dma_start3A_245 = arith.constant 0 : i32
      %dma_start3A_246 = tpu.memref_slice %arg8[%run_scoped3A_209, %dma_start3A_244, %dma_start3A_245] : memref<4x128x64xf32, #tpu.memory_space<vmem>> -> memref<1x128x64xf32, #tpu.memory_space<vmem>>
      %dma_start3A_247 = tpu.memref_squeeze %dma_start3A_246 : memref<1x128x64xf32, #tpu.memory_space<vmem>> -> memref<128x64xf32, #tpu.memory_space<vmem>>
      %dma_start3A_248 = arith.constant 0 : i32
      %dma_start3A_249 = tpu.memref_slice %arg10[%add3A_208, %dma_start3A_248] : memref<10240x64xf32, #tpu.memory_space<vmem_shared>> -> memref<128x64xf32, #tpu.memory_space<vmem_shared>>
      tpu.enqueue_dma source(%dma_start3A_249 : memref<128x64xf32, #tpu.memory_space<vmem_shared>>) target(%dma_start3A_247 : memref<128x64xf32, #tpu.memory_space<vmem>>) target_semaphore(%run_scoped3A_237 : memref<!tpu.dma_semaphore, #tpu.memory_space<semaphore_mem>>)
      %dma_wait3A_250 = arith.constant 0 : i32
      %dma_wait3A_251 = arith.constant 0 : i32
      %dma_wait3A_252 = tpu.memref_slice %arg8[%run_scoped3A_209, %dma_wait3A_250, %dma_wait3A_251] : memref<4x128x64xf32, #tpu.memory_space<vmem>> -> memref<1x128x64xf32, #tpu.memory_space<vmem>>
      %dma_wait3A_253 = tpu.memref_squeeze %dma_wait3A_252 : memref<1x128x64xf32, #tpu.memory_space<vmem>> -> memref<128x64xf32, #tpu.memory_space<vmem>>
      %dma_wait3A_254 = arith.constant 0 : i32
      %dma_wait3A_255 = tpu.memref_slice %arg10[%add3A_208, %dma_wait3A_254] : memref<10240x64xf32, #tpu.memory_space<vmem_shared>> -> memref<128x64xf32, #tpu.memory_space<vmem_shared>>
      %dma_wait3A_256 = arith.constant 0 : i32
      %dma_wait3A_257 = arith.constant 0 : i32
      %dma_wait3A_258 = tpu.memref_slice %arg8[%run_scoped3A_209, %dma_wait3A_256, %dma_wait3A_257] : memref<4x128x64xf32, #tpu.memory_space<vmem>> -> memref<1x128x64xf32, #tpu.memory_space<vmem>>
      %dma_wait3A_259 = tpu.memref_squeeze %dma_wait3A_258 : memref<1x128x64xf32, #tpu.memory_space<vmem>> -> memref<128x64xf32, #tpu.memory_space<vmem>>
      %dma_wait3A_260 = arith.constant 0 : i32
      %dma_wait3A_261 = tpu.memref_slice %arg10[%add3A_208, %dma_wait3A_260] : memref<10240x64xf32, #tpu.memory_space<vmem_shared>> -> memref<128x64xf32, #tpu.memory_space<vmem_shared>>
      tpu.wait_dma2 semaphore(%run_scoped3A_237 : memref<!tpu.dma_semaphore, #tpu.memory_space<semaphore_mem>>) src(%dma_wait3A_261 : memref<128x64xf32, #tpu.memory_space<vmem_shared>>) dst(%dma_wait3A_259 : memref<128x64xf32, #tpu.memory_space<vmem>>)
      tpu.yield
    }) : () -> ()
    %add3A_210 = arith.constant 0 : i32
    %add3A_211 = arith.addi %mul3A_206, %add3A_210 : i32
    %run_scoped3A_212 = arith.constant 0 : i32
    "tpu.region"() ({
      %run_scoped3A_237 = tpu.sem_alloc : memref<!tpu.dma_semaphore, #tpu.memory_space<semaphore_mem>>
      %dma_start3A_238 = arith.constant 0 : i32
      %dma_start3A_239 = arith.constant 0 : i32
      %dma_start3A_240 = tpu.memref_slice %arg8[%run_scoped3A_212, %dma_start3A_238, %dma_start3A_239] : memref<4x128x64xf32, #tpu.memory_space<vmem>> -> memref<1x128x64xf32, #tpu.memory_space<vmem>>
      %dma_start3A_241 = tpu.memref_squeeze %dma_start3A_240 : memref<1x128x64xf32, #tpu.memory_space<vmem>> -> memref<128x64xf32, #tpu.memory_space<vmem>>
      %dma_start3A_242 = arith.constant 0 : i32
      %dma_start3A_243 = tpu.memref_slice %arg5[%arg0, %add3A_211, %dma_start3A_242] : memref<2x10240x64xf32, #tpu.memory_space<hbm>> -> memref<1x128x64xf32, #tpu.memory_space<hbm>>
      %dma_start3A_244 = tpu.memref_squeeze %dma_start3A_243 : memref<1x128x64xf32, #tpu.memory_space<hbm>> -> memref<128x64xf32, #tpu.memory_space<hbm>>
      %dma_start3A_245 = arith.constant 0 : i32
      %dma_start3A_246 = tpu.memref_slice %arg5[%arg0, %add3A_211, %dma_start3A_245] : memref<2x10240x64xf32, #tpu.memory_space<hbm>> -> memref<1x128x64xf32, #tpu.memory_space<hbm>>
      %dma_start3A_247 = tpu.memref_squeeze %dma_start3A_246 : memref<1x128x64xf32, #tpu.memory_space<hbm>> -> memref<128x64xf32, #tpu.memory_space<hbm>>
      %dma_start3A_248 = arith.constant 0 : i32
      %dma_start3A_249 = arith.constant 0 : i32
      %dma_start3A_250 = tpu.memref_slice %arg8[%run_scoped3A_212, %dma_start3A_248, %dma_start3A_249] : memref<4x128x64xf32, #tpu.memory_space<vmem>> -> memref<1x128x64xf32, #tpu.memory_space<vmem>>
      %dma_start3A_251 = tpu.memref_squeeze %dma_start3A_250 : memref<1x128x64xf32, #tpu.memory_space<vmem>> -> memref<128x64xf32, #tpu.memory_space<vmem>>
      tpu.enqueue_dma source(%dma_start3A_251 : memref<128x64xf32, #tpu.memory_space<vmem>>) target(%dma_start3A_247 : memref<128x64xf32, #tpu.memory_space<hbm>>) target_semaphore(%run_scoped3A_237 : memref<!tpu.dma_semaphore, #tpu.memory_space<semaphore_mem>>)
      %dma_wait3A_252 = arith.constant 0 : i32
      %dma_wait3A_253 = arith.constant 0 : i32
      %dma_wait3A_254 = tpu.memref_slice %arg8[%run_scoped3A_212, %dma_wait3A_252, %dma_wait3A_253] : memref<4x128x64xf32, #tpu.memory_space<vmem>> -> memref<1x128x64xf32, #tpu.memory_space<vmem>>
      %dma_wait3A_255 = tpu.memref_squeeze %dma_wait3A_254 : memref<1x128x64xf32, #tpu.memory_space<vmem>> -> memref<128x64xf32, #tpu.memory_space<vmem>>
      %dma_wait3A_256 = arith.constant 0 : i32
      %dma_wait3A_257 = tpu.memref_slice %arg5[%arg0, %add3A_211, %dma_wait3A_256] : memref<2x10240x64xf32, #tpu.memory_space<hbm>> -> memref<1x128x64xf32, #tpu.memory_space<hbm>>
      %dma_wait3A_258 = tpu.memref_squeeze %dma_wait3A_257 : memref<1x128x64xf32, #tpu.memory_space<hbm>> -> memref<128x64xf32, #tpu.memory_space<hbm>>
      %dma_wait3A_259 = arith.constant 0 : i32
      %dma_wait3A_260 = tpu.memref_slice %arg5[%arg0, %add3A_211, %dma_wait3A_259] : memref<2x10240x64xf32, #tpu.memory_space<hbm>> -> memref<1x128x64xf32, #tpu.memory_space<hbm>>
      %dma_wait3A_261 = tpu.memref_squeeze %dma_wait3A_260 : memref<1x128x64xf32, #tpu.memory_space<hbm>> -> memref<128x64xf32, #tpu.memory_space<hbm>>
      %dma_wait3A_262 = arith.constant 0 : i32
      %dma_wait3A_263 = arith.constant 0 : i32
      %dma_wait3A_264 = tpu.memref_slice %arg8[%run_scoped3A_212, %dma_wait3A_262, %dma_wait3A_263] : memref<4x128x64xf32, #tpu.memory_space<vmem>> -> memref<1x128x64xf32, #tpu.memory_space<vmem>>
      %dma_wait3A_265 = tpu.memref_squeeze %dma_wait3A_264 : memref<1x128x64xf32, #tpu.memory_space<vmem>> -> memref<128x64xf32, #tpu.memory_space<vmem>>
      tpu.wait_dma2 semaphore(%run_scoped3A_237 : memref<!tpu.dma_semaphore, #tpu.memory_space<semaphore_mem>>) src(%dma_wait3A_265 : memref<128x64xf32, #tpu.memory_space<vmem>>) dst(%dma_wait3A_261 : memref<128x64xf32, #tpu.memory_space<hbm>>)
      tpu.yield
    }) : () -> ()
    %add3A_213 = arith.constant 128 : i32
    %add3A_214 = arith.addi %mul3A_206, %add3A_213 : i32
    %run_scoped3A_215 = arith.constant 0 : i32
    "tpu.region"() ({
      %run_scoped3A_237 = tpu.sem_alloc : memref<!tpu.dma_semaphore, #tpu.memory_space<semaphore_mem>>
      %dma_start3A_238 = arith.constant 0 : i32
      %dma_start3A_239 = arith.constant 0 : i32
      %dma_start3A_240 = tpu.memref_slice %arg8[%run_scoped3A_215, %dma_start3A_238, %dma_start3A_239] : memref<4x128x64xf32, #tpu.memory_space<vmem>> -> memref<1x128x64xf32, #tpu.memory_space<vmem>>
      %dma_start3A_241 = tpu.memref_squeeze %dma_start3A_240 : memref<1x128x64xf32, #tpu.memory_space<vmem>> -> memref<128x64xf32, #tpu.memory_space<vmem>>
      %dma_start3A_242 = arith.constant 0 : i32
      %dma_start3A_243 = tpu.memref_slice %arg10[%add3A_214, %dma_start3A_242] : memref<10240x64xf32, #tpu.memory_space<vmem_shared>> -> memref<128x64xf32, #tpu.memory_space<vmem_shared>>
      %dma_start3A_244 = arith.constant 0 : i32
      %dma_start3A_245 = arith.constant 0 : i32
      %dma_start3A_246 = tpu.memref_slice %arg8[%run_scoped3A_215, %dma_start3A_244, %dma_start3A_245] : memref<4x128x64xf32, #tpu.memory_space<vmem>> -> memref<1x128x64xf32, #tpu.memory_space<vmem>>
      %dma_start3A_247 = tpu.memref_squeeze %dma_start3A_246 : memref<1x128x64xf32, #tpu.memory_space<vmem>> -> memref<128x64xf32, #tpu.memory_space<vmem>>
      %dma_start3A_248 = arith.constant 0 : i32
      %dma_start3A_249 = tpu.memref_slice %arg10[%add3A_214, %dma_start3A_248] : memref<10240x64xf32, #tpu.memory_space<vmem_shared>> -> memref<128x64xf32, #tpu.memory_space<vmem_shared>>
      tpu.enqueue_dma source(%dma_start3A_249 : memref<128x64xf32, #tpu.memory_space<vmem_shared>>) target(%dma_start3A_247 : memref<128x64xf32, #tpu.memory_space<vmem>>) target_semaphore(%run_scoped3A_237 : memref<!tpu.dma_semaphore, #tpu.memory_space<semaphore_mem>>)
      %dma_wait3A_250 = arith.constant 0 : i32
      %dma_wait3A_251 = arith.constant 0 : i32
      %dma_wait3A_252 = tpu.memref_slice %arg8[%run_scoped3A_215, %dma_wait3A_250, %dma_wait3A_251] : memref<4x128x64xf32, #tpu.memory_space<vmem>> -> memref<1x128x64xf32, #tpu.memory_space<vmem>>
      %dma_wait3A_253 = tpu.memref_squeeze %dma_wait3A_252 : memref<1x128x64xf32, #tpu.memory_space<vmem>> -> memref<128x64xf32, #tpu.memory_space<vmem>>
      %dma_wait3A_254 = arith.constant 0 : i32
      %dma_wait3A_255 = tpu.memref_slice %arg10[%add3A_214, %dma_wait3A_254] : memref<10240x64xf32, #tpu.memory_space<vmem_shared>> -> memref<128x64xf32, #tpu.memory_space<vmem_shared>>
      %dma_wait3A_256 = arith.constant 0 : i32
      %dma_wait3A_257 = arith.constant 0 : i32
      %dma_wait3A_258 = tpu.memref_slice %arg8[%run_scoped3A_215, %dma_wait3A_256, %dma_wait3A_257] : memref<4x128x64xf32, #tpu.memory_space<vmem>> -> memref<1x128x64xf32, #tpu.memory_space<vmem>>
      %dma_wait3A_259 = tpu.memref_squeeze %dma_wait3A_258 : memref<1x128x64xf32, #tpu.memory_space<vmem>> -> memref<128x64xf32, #tpu.memory_space<vmem>>
      %dma_wait3A_260 = arith.constant 0 : i32
      %dma_wait3A_261 = tpu.memref_slice %arg10[%add3A_214, %dma_wait3A_260] : memref<10240x64xf32, #tpu.memory_space<vmem_shared>> -> memref<128x64xf32, #tpu.memory_space<vmem_shared>>
      tpu.wait_dma2 semaphore(%run_scoped3A_237 : memref<!tpu.dma_semaphore, #tpu.memory_space<semaphore_mem>>) src(%dma_wait3A_261 : memref<128x64xf32, #tpu.memory_space<vmem_shared>>) dst(%dma_wait3A_259 : memref<128x64xf32, #tpu.memory_space<vmem>>)
      tpu.yield
    }) : () -> ()
    %add3A_216 = arith.constant 128 : i32
    %add3A_217 = arith.addi %mul3A_206, %add3A_216 : i32
    %run_scoped3A_218 = arith.constant 0 : i32
    "tpu.region"() ({
      %run_scoped3A_237 = tpu.sem_alloc : memref<!tpu.dma_semaphore, #tpu.memory_space<semaphore_mem>>
      %dma_start3A_238 = arith.constant 0 : i32
      %dma_start3A_239 = arith.constant 0 : i32
      %dma_start3A_240 = tpu.memref_slice %arg8[%run_scoped3A_218, %dma_start3A_238, %dma_start3A_239] : memref<4x128x64xf32, #tpu.memory_space<vmem>> -> memref<1x128x64xf32, #tpu.memory_space<vmem>>
      %dma_start3A_241 = tpu.memref_squeeze %dma_start3A_240 : memref<1x128x64xf32, #tpu.memory_space<vmem>> -> memref<128x64xf32, #tpu.memory_space<vmem>>
      %dma_start3A_242 = arith.constant 0 : i32
      %dma_start3A_243 = tpu.memref_slice %arg5[%arg0, %add3A_217, %dma_start3A_242] : memref<2x10240x64xf32, #tpu.memory_space<hbm>> -> memref<1x128x64xf32, #tpu.memory_space<hbm>>
      %dma_start3A_244 = tpu.memref_squeeze %dma_start3A_243 : memref<1x128x64xf32, #tpu.memory_space<hbm>> -> memref<128x64xf32, #tpu.memory_space<hbm>>
      %dma_start3A_245 = arith.constant 0 : i32
      %dma_start3A_246 = tpu.memref_slice %arg5[%arg0, %add3A_217, %dma_start3A_245] : memref<2x10240x64xf32, #tpu.memory_space<hbm>> -> memref<1x128x64xf32, #tpu.memory_space<hbm>>
      %dma_start3A_247 = tpu.memref_squeeze %dma_start3A_246 : memref<1x128x64xf32, #tpu.memory_space<hbm>> -> memref<128x64xf32, #tpu.memory_space<hbm>>
      %dma_start3A_248 = arith.constant 0 : i32
      %dma_start3A_249 = arith.constant 0 : i32
      %dma_start3A_250 = tpu.memref_slice %arg8[%run_scoped3A_218, %dma_start3A_248, %dma_start3A_249] : memref<4x128x64xf32, #tpu.memory_space<vmem>> -> memref<1x128x64xf32, #tpu.memory_space<vmem>>
      %dma_start3A_251 = tpu.memref_squeeze %dma_start3A_250 : memref<1x128x64xf32, #tpu.memory_space<vmem>> -> memref<128x64xf32, #tpu.memory_space<vmem>>
      tpu.enqueue_dma source(%dma_start3A_251 : memref<128x64xf32, #tpu.memory_space<vmem>>) target(%dma_start3A_247 : memref<128x64xf32, #tpu.memory_space<hbm>>) target_semaphore(%run_scoped3A_237 : memref<!tpu.dma_semaphore, #tpu.memory_space<semaphore_mem>>)
      %dma_wait3A_252 = arith.constant 0 : i32
      %dma_wait3A_253 = arith.constant 0 : i32
      %dma_wait3A_254 = tpu.memref_slice %arg8[%run_scoped3A_218, %dma_wait3A_252, %dma_wait3A_253] : memref<4x128x64xf32, #tpu.memory_space<vmem>> -> memref<1x128x64xf32, #tpu.memory_space<vmem>>
      %dma_wait3A_255 = tpu.memref_squeeze %dma_wait3A_254 : memref<1x128x64xf32, #tpu.memory_space<vmem>> -> memref<128x64xf32, #tpu.memory_space<vmem>>
      %dma_wait3A_256 = arith.constant 0 : i32
      %dma_wait3A_257 = tpu.memref_slice %arg5[%arg0, %add3A_217, %dma_wait3A_256] : memref<2x10240x64xf32, #tpu.memory_space<hbm>> -> memref<1x128x64xf32, #tpu.memory_space<hbm>>
      %dma_wait3A_258 = tpu.memref_squeeze %dma_wait3A_257 : memref<1x128x64xf32, #tpu.memory_space<hbm>> -> memref<128x64xf32, #tpu.memory_space<hbm>>
      %dma_wait3A_259 = arith.constant 0 : i32
      %dma_wait3A_260 = tpu.memref_slice %arg5[%arg0, %add3A_217, %dma_wait3A_259] : memref<2x10240x64xf32, #tpu.memory_space<hbm>> -> memref<1x128x64xf32, #tpu.memory_space<hbm>>
      %dma_wait3A_261 = tpu.memref_squeeze %dma_wait3A_260 : memref<1x128x64xf32, #tpu.memory_space<hbm>> -> memref<128x64xf32, #tpu.memory_space<hbm>>
      %dma_wait3A_262 = arith.constant 0 : i32
      %dma_wait3A_263 = arith.constant 0 : i32
      %dma_wait3A_264 = tpu.memref_slice %arg8[%run_scoped3A_218, %dma_wait3A_262, %dma_wait3A_263] : memref<4x128x64xf32, #tpu.memory_space<vmem>> -> memref<1x128x64xf32, #tpu.memory_space<vmem>>
      %dma_wait3A_265 = tpu.memref_squeeze %dma_wait3A_264 : memref<1x128x64xf32, #tpu.memory_space<vmem>> -> memref<128x64xf32, #tpu.memory_space<vmem>>
      tpu.wait_dma2 semaphore(%run_scoped3A_237 : memref<!tpu.dma_semaphore, #tpu.memory_space<semaphore_mem>>) src(%dma_wait3A_265 : memref<128x64xf32, #tpu.memory_space<vmem>>) dst(%dma_wait3A_261 : memref<128x64xf32, #tpu.memory_space<hbm>>)
      tpu.yield
    }) : () -> ()
    %add3A_219 = arith.constant 256 : i32
    %add3A_220 = arith.addi %mul3A_206, %add3A_219 : i32
    %run_scoped3A_221 = arith.constant 0 : i32
    "tpu.region"() ({
      %run_scoped3A_237 = tpu.sem_alloc : memref<!tpu.dma_semaphore, #tpu.memory_space<semaphore_mem>>
      %dma_start3A_238 = arith.constant 0 : i32
      %dma_start3A_239 = arith.constant 0 : i32
      %dma_start3A_240 = tpu.memref_slice %arg8[%run_scoped3A_221, %dma_start3A_238, %dma_start3A_239] : memref<4x128x64xf32, #tpu.memory_space<vmem>> -> memref<1x128x64xf32, #tpu.memory_space<vmem>>
      %dma_start3A_241 = tpu.memref_squeeze %dma_start3A_240 : memref<1x128x64xf32, #tpu.memory_space<vmem>> -> memref<128x64xf32, #tpu.memory_space<vmem>>
      %dma_start3A_242 = arith.constant 0 : i32
      %dma_start3A_243 = tpu.memref_slice %arg10[%add3A_220, %dma_start3A_242] : memref<10240x64xf32, #tpu.memory_space<vmem_shared>> -> memref<128x64xf32, #tpu.memory_space<vmem_shared>>
      %dma_start3A_244 = arith.constant 0 : i32
      %dma_start3A_245 = arith.constant 0 : i32
      %dma_start3A_246 = tpu.memref_slice %arg8[%run_scoped3A_221, %dma_start3A_244, %dma_start3A_245] : memref<4x128x64xf32, #tpu.memory_space<vmem>> -> memref<1x128x64xf32, #tpu.memory_space<vmem>>
      %dma_start3A_247 = tpu.memref_squeeze %dma_start3A_246 : memref<1x128x64xf32, #tpu.memory_space<vmem>> -> memref<128x64xf32, #tpu.memory_space<vmem>>
      %dma_start3A_248 = arith.constant 0 : i32
      %dma_start3A_249 = tpu.memref_slice %arg10[%add3A_220, %dma_start3A_248] : memref<10240x64xf32, #tpu.memory_space<vmem_shared>> -> memref<128x64xf32, #tpu.memory_space<vmem_shared>>
      tpu.enqueue_dma source(%dma_start3A_249 : memref<128x64xf32, #tpu.memory_space<vmem_shared>>) target(%dma_start3A_247 : memref<128x64xf32, #tpu.memory_space<vmem>>) target_semaphore(%run_scoped3A_237 : memref<!tpu.dma_semaphore, #tpu.memory_space<semaphore_mem>>)
      %dma_wait3A_250 = arith.constant 0 : i32
      %dma_wait3A_251 = arith.constant 0 : i32
      %dma_wait3A_252 = tpu.memref_slice %arg8[%run_scoped3A_221, %dma_wait3A_250, %dma_wait3A_251] : memref<4x128x64xf32, #tpu.memory_space<vmem>> -> memref<1x128x64xf32, #tpu.memory_space<vmem>>
      %dma_wait3A_253 = tpu.memref_squeeze %dma_wait3A_252 : memref<1x128x64xf32, #tpu.memory_space<vmem>> -> memref<128x64xf32, #tpu.memory_space<vmem>>
      %dma_wait3A_254 = arith.constant 0 : i32
      %dma_wait3A_255 = tpu.memref_slice %arg10[%add3A_220, %dma_wait3A_254] : memref<10240x64xf32, #tpu.memory_space<vmem_shared>> -> memref<128x64xf32, #tpu.memory_space<vmem_shared>>
      %dma_wait3A_256 = arith.constant 0 : i32
      %dma_wait3A_257 = arith.constant 0 : i32
      %dma_wait3A_258 = tpu.memref_slice %arg8[%run_scoped3A_221, %dma_wait3A_256, %dma_wait3A_257] : memref<4x128x64xf32, #tpu.memory_space<vmem>> -> memref<1x128x64xf32, #tpu.memory_space<vmem>>
      %dma_wait3A_259 = tpu.memref_squeeze %dma_wait3A_258 : memref<1x128x64xf32, #tpu.memory_space<vmem>> -> memref<128x64xf32, #tpu.memory_space<vmem>>
      %dma_wait3A_260 = arith.constant 0 : i32
      %dma_wait3A_261 = tpu.memref_slice %arg10[%add3A_220, %dma_wait3A_260] : memref<10240x64xf32, #tpu.memory_space<vmem_shared>> -> memref<128x64xf32, #tpu.memory_space<vmem_shared>>
      tpu.wait_dma2 semaphore(%run_scoped3A_237 : memref<!tpu.dma_semaphore, #tpu.memory_space<semaphore_mem>>) src(%dma_wait3A_261 : memref<128x64xf32, #tpu.memory_space<vmem_shared>>) dst(%dma_wait3A_259 : memref<128x64xf32, #tpu.memory_space<vmem>>)
      tpu.yield
    }) : () -> ()
    %add3A_222 = arith.constant 256 : i32
    %add3A_223 = arith.addi %mul3A_206, %add3A_222 : i32
    %run_scoped3A_224 = arith.constant 0 : i32
    "tpu.region"() ({
      %run_scoped3A_237 = tpu.sem_alloc : memref<!tpu.dma_semaphore, #tpu.memory_space<semaphore_mem>>
      %dma_start3A_238 = arith.constant 0 : i32
      %dma_start3A_239 = arith.constant 0 : i32
      %dma_start3A_240 = tpu.memref_slice %arg8[%run_scoped3A_224, %dma_start3A_238, %dma_start3A_239] : memref<4x128x64xf32, #tpu.memory_space<vmem>> -> memref<1x128x64xf32, #tpu.memory_space<vmem>>
      %dma_start3A_241 = tpu.memref_squeeze %dma_start3A_240 : memref<1x128x64xf32, #tpu.memory_space<vmem>> -> memref<128x64xf32, #tpu.memory_space<vmem>>
      %dma_start3A_242 = arith.constant 0 : i32
      %dma_start3A_243 = tpu.memref_slice %arg5[%arg0, %add3A_223, %dma_start3A_242] : memref<2x10240x64xf32, #tpu.memory_space<hbm>> -> memref<1x128x64xf32, #tpu.memory_space<hbm>>
      %dma_start3A_244 = tpu.memref_squeeze %dma_start3A_243 : memref<1x128x64xf32, #tpu.memory_space<hbm>> -> memref<128x64xf32, #tpu.memory_space<hbm>>
      %dma_start3A_245 = arith.constant 0 : i32
      %dma_start3A_246 = tpu.memref_slice %arg5[%arg0, %add3A_223, %dma_start3A_245] : memref<2x10240x64xf32, #tpu.memory_space<hbm>> -> memref<1x128x64xf32, #tpu.memory_space<hbm>>
      %dma_start3A_247 = tpu.memref_squeeze %dma_start3A_246 : memref<1x128x64xf32, #tpu.memory_space<hbm>> -> memref<128x64xf32, #tpu.memory_space<hbm>>
      %dma_start3A_248 = arith.constant 0 : i32
      %dma_start3A_249 = arith.constant 0 : i32
      %dma_start3A_250 = tpu.memref_slice %arg8[%run_scoped3A_224, %dma_start3A_248, %dma_start3A_249] : memref<4x128x64xf32, #tpu.memory_space<vmem>> -> memref<1x128x64xf32, #tpu.memory_space<vmem>>
      %dma_start3A_251 = tpu.memref_squeeze %dma_start3A_250 : memref<1x128x64xf32, #tpu.memory_space<vmem>> -> memref<128x64xf32, #tpu.memory_space<vmem>>
      tpu.enqueue_dma source(%dma_start3A_251 : memref<128x64xf32, #tpu.memory_space<vmem>>) target(%dma_start3A_247 : memref<128x64xf32, #tpu.memory_space<hbm>>) target_semaphore(%run_scoped3A_237 : memref<!tpu.dma_semaphore, #tpu.memory_space<semaphore_mem>>)
      %dma_wait3A_252 = arith.constant 0 : i32
      %dma_wait3A_253 = arith.constant 0 : i32
      %dma_wait3A_254 = tpu.memref_slice %arg8[%run_scoped3A_224, %dma_wait3A_252, %dma_wait3A_253] : memref<4x128x64xf32, #tpu.memory_space<vmem>> -> memref<1x128x64xf32, #tpu.memory_space<vmem>>
      %dma_wait3A_255 = tpu.memref_squeeze %dma_wait3A_254 : memref<1x128x64xf32, #tpu.memory_space<vmem>> -> memref<128x64xf32, #tpu.memory_space<vmem>>
      %dma_wait3A_256 = arith.constant 0 : i32
      %dma_wait3A_257 = tpu.memref_slice %arg5[%arg0, %add3A_223, %dma_wait3A_256] : memref<2x10240x64xf32, #tpu.memory_space<hbm>> -> memref<1x128x64xf32, #tpu.memory_space<hbm>>
      %dma_wait3A_258 = tpu.memref_squeeze %dma_wait3A_257 : memref<1x128x64xf32, #tpu.memory_space<hbm>> -> memref<128x64xf32, #tpu.memory_space<hbm>>
      %dma_wait3A_259 = arith.constant 0 : i32
      %dma_wait3A_260 = tpu.memref_slice %arg5[%arg0, %add3A_223, %dma_wait3A_259] : memref<2x10240x64xf32, #tpu.memory_space<hbm>> -> memref<1x128x64xf32, #tpu.memory_space<hbm>>
      %dma_wait3A_261 = tpu.memref_squeeze %dma_wait3A_260 : memref<1x128x64xf32, #tpu.memory_space<hbm>> -> memref<128x64xf32, #tpu.memory_space<hbm>>
      %dma_wait3A_262 = arith.constant 0 : i32
      %dma_wait3A_263 = arith.constant 0 : i32
      %dma_wait3A_264 = tpu.memref_slice %arg8[%run_scoped3A_224, %dma_wait3A_262, %dma_wait3A_263] : memref<4x128x64xf32, #tpu.memory_space<vmem>> -> memref<1x128x64xf32, #tpu.memory_space<vmem>>
      %dma_wait3A_265 = tpu.memref_squeeze %dma_wait3A_264 : memref<1x128x64xf32, #tpu.memory_space<vmem>> -> memref<128x64xf32, #tpu.memory_space<vmem>>
      tpu.wait_dma2 semaphore(%run_scoped3A_237 : memref<!tpu.dma_semaphore, #tpu.memory_space<semaphore_mem>>) src(%dma_wait3A_265 : memref<128x64xf32, #tpu.memory_space<vmem>>) dst(%dma_wait3A_261 : memref<128x64xf32, #tpu.memory_space<hbm>>)
      tpu.yield
    }) : () -> ()
    %add3A_225 = arith.constant 384 : i32
    %add3A_226 = arith.addi %mul3A_206, %add3A_225 : i32
    %run_scoped3A_227 = arith.constant 0 : i32
    "tpu.region"() ({
      %run_scoped3A_237 = tpu.sem_alloc : memref<!tpu.dma_semaphore, #tpu.memory_space<semaphore_mem>>
      %dma_start3A_238 = arith.constant 0 : i32
      %dma_start3A_239 = arith.constant 0 : i32
      %dma_start3A_240 = tpu.memref_slice %arg8[%run_scoped3A_227, %dma_start3A_238, %dma_start3A_239] : memref<4x128x64xf32, #tpu.memory_space<vmem>> -> memref<1x128x64xf32, #tpu.memory_space<vmem>>
      %dma_start3A_241 = tpu.memref_squeeze %dma_start3A_240 : memref<1x128x64xf32, #tpu.memory_space<vmem>> -> memref<128x64xf32, #tpu.memory_space<vmem>>
      %dma_start3A_242 = arith.constant 0 : i32
      %dma_start3A_243 = tpu.memref_slice %arg10[%add3A_226, %dma_start3A_242] : memref<10240x64xf32, #tpu.memory_space<vmem_shared>> -> memref<128x64xf32, #tpu.memory_space<vmem_shared>>
      %dma_start3A_244 = arith.constant 0 : i32
      %dma_start3A_245 = arith.constant 0 : i32
      %dma_start3A_246 = tpu.memref_slice %arg8[%run_scoped3A_227, %dma_start3A_244, %dma_start3A_245] : memref<4x128x64xf32, #tpu.memory_space<vmem>> -> memref<1x128x64xf32, #tpu.memory_space<vmem>>
      %dma_start3A_247 = tpu.memref_squeeze %dma_start3A_246 : memref<1x128x64xf32, #tpu.memory_space<vmem>> -> memref<128x64xf32, #tpu.memory_space<vmem>>
      %dma_start3A_248 = arith.constant 0 : i32
      %dma_start3A_249 = tpu.memref_slice %arg10[%add3A_226, %dma_start3A_248] : memref<10240x64xf32, #tpu.memory_space<vmem_shared>> -> memref<128x64xf32, #tpu.memory_space<vmem_shared>>
      tpu.enqueue_dma source(%dma_start3A_249 : memref<128x64xf32, #tpu.memory_space<vmem_shared>>) target(%dma_start3A_247 : memref<128x64xf32, #tpu.memory_space<vmem>>) target_semaphore(%run_scoped3A_237 : memref<!tpu.dma_semaphore, #tpu.memory_space<semaphore_mem>>)
      %dma_wait3A_250 = arith.constant 0 : i32
      %dma_wait3A_251 = arith.constant 0 : i32
      %dma_wait3A_252 = tpu.memref_slice %arg8[%run_scoped3A_227, %dma_wait3A_250, %dma_wait3A_251] : memref<4x128x64xf32, #tpu.memory_space<vmem>> -> memref<1x128x64xf32, #tpu.memory_space<vmem>>
      %dma_wait3A_253 = tpu.memref_squeeze %dma_wait3A_252 : memref<1x128x64xf32, #tpu.memory_space<vmem>> -> memref<128x64xf32, #tpu.memory_space<vmem>>
      %dma_wait3A_254 = arith.constant 0 : i32
      %dma_wait3A_255 = tpu.memref_slice %arg10[%add3A_226, %dma_wait3A_254] : memref<10240x64xf32, #tpu.memory_space<vmem_shared>> -> memref<128x64xf32, #tpu.memory_space<vmem_shared>>
      %dma_wait3A_256 = arith.constant 0 : i32
      %dma_wait3A_257 = arith.constant 0 : i32
      %dma_wait3A_258 = tpu.memref_slice %arg8[%run_scoped3A_227, %dma_wait3A_256, %dma_wait3A_257] : memref<4x128x64xf32, #tpu.memory_space<vmem>> -> memref<1x128x64xf32, #tpu.memory_space<vmem>>
      %dma_wait3A_259 = tpu.memref_squeeze %dma_wait3A_258 : memref<1x128x64xf32, #tpu.memory_space<vmem>> -> memref<128x64xf32, #tpu.memory_space<vmem>>
      %dma_wait3A_260 = arith.constant 0 : i32
      %dma_wait3A_261 = tpu.memref_slice %arg10[%add3A_226, %dma_wait3A_260] : memref<10240x64xf32, #tpu.memory_space<vmem_shared>> -> memref<128x64xf32, #tpu.memory_space<vmem_shared>>
      tpu.wait_dma2 semaphore(%run_scoped3A_237 : memref<!tpu.dma_semaphore, #tpu.memory_space<semaphore_mem>>) src(%dma_wait3A_261 : memref<128x64xf32, #tpu.memory_space<vmem_shared>>) dst(%dma_wait3A_259 : memref<128x64xf32, #tpu.memory_space<vmem>>)
      tpu.yield
    }) : () -> ()
    %add3A_228 = arith.constant 384 : i32
    %add3A_229 = arith.addi %mul3A_206, %add3A_228 : i32
    %run_scoped3A_230 = arith.constant 0 : i32
    "tpu.region"() ({
      %run_scoped3A_237 = tpu.sem_alloc : memref<!tpu.dma_semaphore, #tpu.memory_space<semaphore_mem>>
      %dma_start3A_238 = arith.constant 0 : i32
      %dma_start3A_239 = arith.constant 0 : i32
      %dma_start3A_240 = tpu.memref_slice %arg8[%run_scoped3A_230, %dma_start3A_238, %dma_start3A_239] : memref<4x128x64xf32, #tpu.memory_space<vmem>> -> memref<1x128x64xf32, #tpu.memory_space<vmem>>
      %dma_start3A_241 = tpu.memref_squeeze %dma_start3A_240 : memref<1x128x64xf32, #tpu.memory_space<vmem>> -> memref<128x64xf32, #tpu.memory_space<vmem>>
      %dma_start3A_242 = arith.constant 0 : i32
      %dma_start3A_243 = tpu.memref_slice %arg5[%arg0, %add3A_229, %dma_start3A_242] : memref<2x10240x64xf32, #tpu.memory_space<hbm>> -> memref<1x128x64xf32, #tpu.memory_space<hbm>>
      %dma_start3A_244 = tpu.memref_squeeze %dma_start3A_243 : memref<1x128x64xf32, #tpu.memory_space<hbm>> -> memref<128x64xf32, #tpu.memory_space<hbm>>
      %dma_start3A_245 = arith.constant 0 : i32
      %dma_start3A_246 = tpu.memref_slice %arg5[%arg0, %add3A_229, %dma_start3A_245] : memref<2x10240x64xf32, #tpu.memory_space<hbm>> -> memref<1x128x64xf32, #tpu.memory_space<hbm>>
      %dma_start3A_247 = tpu.memref_squeeze %dma_start3A_246 : memref<1x128x64xf32, #tpu.memory_space<hbm>> -> memref<128x64xf32, #tpu.memory_space<hbm>>
      %dma_start3A_248 = arith.constant 0 : i32
      %dma_start3A_249 = arith.constant 0 : i32
      %dma_start3A_250 = tpu.memref_slice %arg8[%run_scoped3A_230, %dma_start3A_248, %dma_start3A_249] : memref<4x128x64xf32, #tpu.memory_space<vmem>> -> memref<1x128x64xf32, #tpu.memory_space<vmem>>
      %dma_start3A_251 = tpu.memref_squeeze %dma_start3A_250 : memref<1x128x64xf32, #tpu.memory_space<vmem>> -> memref<128x64xf32, #tpu.memory_space<vmem>>
      tpu.enqueue_dma source(%dma_start3A_251 : memref<128x64xf32, #tpu.memory_space<vmem>>) target(%dma_start3A_247 : memref<128x64xf32, #tpu.memory_space<hbm>>) target_semaphore(%run_scoped3A_237 : memref<!tpu.dma_semaphore, #tpu.memory_space<semaphore_mem>>)
      %dma_wait3A_252 = arith.constant 0 : i32
      %dma_wait3A_253 = arith.constant 0 : i32
      %dma_wait3A_254 = tpu.memref_slice %arg8[%run_scoped3A_230, %dma_wait3A_252, %dma_wait3A_253] : memref<4x128x64xf32, #tpu.memory_space<vmem>> -> memref<1x128x64xf32, #tpu.memory_space<vmem>>
      %dma_wait3A_255 = tpu.memref_squeeze %dma_wait3A_254 : memref<1x128x64xf32, #tpu.memory_space<vmem>> -> memref<128x64xf32, #tpu.memory_space<vmem>>
      %dma_wait3A_256 = arith.constant 0 : i32
      %dma_wait3A_257 = tpu.memref_slice %arg5[%arg0, %add3A_229, %dma_wait3A_256] : memref<2x10240x64xf32, #tpu.memory_space<hbm>> -> memref<1x128x64xf32, #tpu.memory_space<hbm>>
      %dma_wait3A_258 = tpu.memref_squeeze %dma_wait3A_257 : memref<1x128x64xf32, #tpu.memory_space<hbm>> -> memref<128x64xf32, #tpu.memory_space<hbm>>
      %dma_wait3A_259 = arith.constant 0 : i32
      %dma_wait3A_260 = tpu.memref_slice %arg5[%arg0, %add3A_229, %dma_wait3A_259] : memref<2x10240x64xf32, #tpu.memory_space<hbm>> -> memref<1x128x64xf32, #tpu.memory_space<hbm>>
      %dma_wait3A_261 = tpu.memref_squeeze %dma_wait3A_260 : memref<1x128x64xf32, #tpu.memory_space<hbm>> -> memref<128x64xf32, #tpu.memory_space<hbm>>
      %dma_wait3A_262 = arith.constant 0 : i32
      %dma_wait3A_263 = arith.constant 0 : i32
      %dma_wait3A_264 = tpu.memref_slice %arg8[%run_scoped3A_230, %dma_wait3A_262, %dma_wait3A_263] : memref<4x128x64xf32, #tpu.memory_space<vmem>> -> memref<1x128x64xf32, #tpu.memory_space<vmem>>
      %dma_wait3A_265 = tpu.memref_squeeze %dma_wait3A_264 : memref<1x128x64xf32, #tpu.memory_space<vmem>> -> memref<128x64xf32, #tpu.memory_space<vmem>>
      tpu.wait_dma2 semaphore(%run_scoped3A_237 : memref<!tpu.dma_semaphore, #tpu.memory_space<semaphore_mem>>) src(%dma_wait3A_265 : memref<128x64xf32, #tpu.memory_space<vmem>>) dst(%dma_wait3A_261 : memref<128x64xf32, #tpu.memory_space<hbm>>)
      tpu.yield
    }) : () -> ()
    %add3A_231 = arith.constant 512 : i32
    %add3A_232 = arith.addi %mul3A_206, %add3A_231 : i32
    %run_scoped3A_233 = arith.constant 0 : i32
    "tpu.region"() ({
      %run_scoped3A_237 = tpu.sem_alloc : memref<!tpu.dma_semaphore, #tpu.memory_space<semaphore_mem>>
      %dma_start3A_238 = arith.constant 0 : i32
      %dma_start3A_239 = arith.constant 0 : i32
      %dma_start3A_240 = tpu.memref_slice %arg8[%run_scoped3A_233, %dma_start3A_238, %dma_start3A_239] : memref<4x128x64xf32, #tpu.memory_space<vmem>> -> memref<1x128x64xf32, #tpu.memory_space<vmem>>
      %dma_start3A_241 = tpu.memref_squeeze %dma_start3A_240 : memref<1x128x64xf32, #tpu.memory_space<vmem>> -> memref<128x64xf32, #tpu.memory_space<vmem>>
      %dma_start3A_242 = arith.constant 0 : i32
      %dma_start3A_243 = tpu.memref_slice %arg10[%add3A_232, %dma_start3A_242] : memref<10240x64xf32, #tpu.memory_space<vmem_shared>> -> memref<128x64xf32, #tpu.memory_space<vmem_shared>>
      %dma_start3A_244 = arith.constant 0 : i32
      %dma_start3A_245 = arith.constant 0 : i32
      %dma_start3A_246 = tpu.memref_slice %arg8[%run_scoped3A_233, %dma_start3A_244, %dma_start3A_245] : memref<4x128x64xf32, #tpu.memory_space<vmem>> -> memref<1x128x64xf32, #tpu.memory_space<vmem>>
      %dma_start3A_247 = tpu.memref_squeeze %dma_start3A_246 : memref<1x128x64xf32, #tpu.memory_space<vmem>> -> memref<128x64xf32, #tpu.memory_space<vmem>>
      %dma_start3A_248 = arith.constant 0 : i32
      %dma_start3A_249 = tpu.memref_slice %arg10[%add3A_232, %dma_start3A_248] : memref<10240x64xf32, #tpu.memory_space<vmem_shared>> -> memref<128x64xf32, #tpu.memory_space<vmem_shared>>
      tpu.enqueue_dma source(%dma_start3A_249 : memref<128x64xf32, #tpu.memory_space<vmem_shared>>) target(%dma_start3A_247 : memref<128x64xf32, #tpu.memory_space<vmem>>) target_semaphore(%run_scoped3A_237 : memref<!tpu.dma_semaphore, #tpu.memory_space<semaphore_mem>>)
      %dma_wait3A_250 = arith.constant 0 : i32
      %dma_wait3A_251 = arith.constant 0 : i32
      %dma_wait3A_252 = tpu.memref_slice %arg8[%run_scoped3A_233, %dma_wait3A_250, %dma_wait3A_251] : memref<4x128x64xf32, #tpu.memory_space<vmem>> -> memref<1x128x64xf32, #tpu.memory_space<vmem>>
      %dma_wait3A_253 = tpu.memref_squeeze %dma_wait3A_252 : memref<1x128x64xf32, #tpu.memory_space<vmem>> -> memref<128x64xf32, #tpu.memory_space<vmem>>
      %dma_wait3A_254 = arith.constant 0 : i32
      %dma_wait3A_255 = tpu.memref_slice %arg10[%add3A_232, %dma_wait3A_254] : memref<10240x64xf32, #tpu.memory_space<vmem_shared>> -> memref<128x64xf32, #tpu.memory_space<vmem_shared>>
      %dma_wait3A_256 = arith.constant 0 : i32
      %dma_wait3A_257 = arith.constant 0 : i32
      %dma_wait3A_258 = tpu.memref_slice %arg8[%run_scoped3A_233, %dma_wait3A_256, %dma_wait3A_257] : memref<4x128x64xf32, #tpu.memory_space<vmem>> -> memref<1x128x64xf32, #tpu.memory_space<vmem>>
      %dma_wait3A_259 = tpu.memref_squeeze %dma_wait3A_258 : memref<1x128x64xf32, #tpu.memory_space<vmem>> -> memref<128x64xf32, #tpu.memory_space<vmem>>
      %dma_wait3A_260 = arith.constant 0 : i32
      %dma_wait3A_261 = tpu.memref_slice %arg10[%add3A_232, %dma_wait3A_260] : memref<10240x64xf32, #tpu.memory_space<vmem_shared>> -> memref<128x64xf32, #tpu.memory_space<vmem_shared>>
      tpu.wait_dma2 semaphore(%run_scoped3A_237 : memref<!tpu.dma_semaphore, #tpu.memory_space<semaphore_mem>>) src(%dma_wait3A_261 : memref<128x64xf32, #tpu.memory_space<vmem_shared>>) dst(%dma_wait3A_259 : memref<128x64xf32, #tpu.memory_space<vmem>>)
      tpu.yield
    }) : () -> ()
    %add3A_234 = arith.constant 512 : i32
    %add3A_235 = arith.addi %mul3A_206, %add3A_234 : i32
    %run_scoped3A_236 = arith.constant 0 : i32
    "tpu.region"() ({
      %run_scoped3A_237 = tpu.sem_alloc : memref<!tpu.dma_semaphore, #tpu.memory_space<semaphore_mem>>
      %dma_start3A_238 = arith.constant 0 : i32
      %dma_start3A_239 = arith.constant 0 : i32
      %dma_start3A_240 = tpu.memref_slice %arg8[%run_scoped3A_236, %dma_start3A_238, %dma_start3A_239] : memref<4x128x64xf32, #tpu.memory_space<vmem>> -> memref<1x128x64xf32, #tpu.memory_space<vmem>>
      %dma_start3A_241 = tpu.memref_squeeze %dma_start3A_240 : memref<1x128x64xf32, #tpu.memory_space<vmem>> -> memref<128x64xf32, #tpu.memory_space<vmem>>
      %dma_start3A_242 = arith.constant 0 : i32
      %dma_start3A_243 = tpu.memref_slice %arg5[%arg0, %add3A_235, %dma_start3A_242] : memref<2x10240x64xf32, #tpu.memory_space<hbm>> -> memref<1x128x64xf32, #tpu.memory_space<hbm>>
      %dma_start3A_244 = tpu.memref_squeeze %dma_start3A_243 : memref<1x128x64xf32, #tpu.memory_space<hbm>> -> memref<128x64xf32, #tpu.memory_space<hbm>>
      %dma_start3A_245 = arith.constant 0 : i32
      %dma_start3A_246 = tpu.memref_slice %arg5[%arg0, %add3A_235, %dma_start3A_245] : memref<2x10240x64xf32, #tpu.memory_space<hbm>> -> memref<1x128x64xf32, #tpu.memory_space<hbm>>
      %dma_start3A_247 = tpu.memref_squeeze %dma_start3A_246 : memref<1x128x64xf32, #tpu.memory_space<hbm>> -> memref<128x64xf32, #tpu.memory_space<hbm>>
      %dma_start3A_248 = arith.constant 0 : i32
      %dma_start3A_249 = arith.constant 0 : i32
      %dma_start3A_250 = tpu.memref_slice %arg8[%run_scoped3A_236, %dma_start3A_248, %dma_start3A_249] : memref<4x128x64xf32, #tpu.memory_space<vmem>> -> memref<1x128x64xf32, #tpu.memory_space<vmem>>
      %dma_start3A_251 = tpu.memref_squeeze %dma_start3A_250 : memref<1x128x64xf32, #tpu.memory_space<vmem>> -> memref<128x64xf32, #tpu.memory_space<vmem>>
      tpu.enqueue_dma source(%dma_start3A_251 : memref<128x64xf32, #tpu.memory_space<vmem>>) target(%dma_start3A_247 : memref<128x64xf32, #tpu.memory_space<hbm>>) target_semaphore(%run_scoped3A_237 : memref<!tpu.dma_semaphore, #tpu.memory_space<semaphore_mem>>)
      %dma_wait3A_252 = arith.constant 0 : i32
      %dma_wait3A_253 = arith.constant 0 : i32
      %dma_wait3A_254 = tpu.memref_slice %arg8[%run_scoped3A_236, %dma_wait3A_252, %dma_wait3A_253] : memref<4x128x64xf32, #tpu.memory_space<vmem>> -> memref<1x128x64xf32, #tpu.memory_space<vmem>>
      %dma_wait3A_255 = tpu.memref_squeeze %dma_wait3A_254 : memref<1x128x64xf32, #tpu.memory_space<vmem>> -> memref<128x64xf32, #tpu.memory_space<vmem>>
      %dma_wait3A_256 = arith.constant 0 : i32
      %dma_wait3A_257 = tpu.memref_slice %arg5[%arg0, %add3A_235, %dma_wait3A_256] : memref<2x10240x64xf32, #tpu.memory_space<hbm>> -> memref<1x128x64xf32, #tpu.memory_space<hbm>>
      %dma_wait3A_258 = tpu.memref_squeeze %dma_wait3A_257 : memref<1x128x64xf32, #tpu.memory_space<hbm>> -> memref<128x64xf32, #tpu.memory_space<hbm>>
      %dma_wait3A_259 = arith.constant 0 : i32
      %dma_wait3A_260 = tpu.memref_slice %arg5[%arg0, %add3A_235, %dma_wait3A_259] : memref<2x10240x64xf32, #tpu.memory_space<hbm>> -> memref<1x128x64xf32, #tpu.memory_space<hbm>>
      %dma_wait3A_261 = tpu.memref_squeeze %dma_wait3A_260 : memref<1x128x64xf32, #tpu.memory_space<hbm>> -> memref<128x64xf32, #tpu.memory_space<hbm>>
      %dma_wait3A_262 = arith.constant 0 : i32
      %dma_wait3A_263 = arith.constant 0 : i32
      %dma_wait3A_264 = tpu.memref_slice %arg8[%run_scoped3A_236, %dma_wait3A_262, %dma_wait3A_263] : memref<4x128x64xf32, #tpu.memory_space<vmem>> -> memref<1x128x64xf32, #tpu.memory_space<vmem>>
      %dma_wait3A_265 = tpu.memref_squeeze %dma_wait3A_264 : memref<1x128x64xf32, #tpu.memory_space<vmem>> -> memref<128x64xf32, #tpu.memory_space<vmem>>
      tpu.wait_dma2 semaphore(%run_scoped3A_237 : memref<!tpu.dma_semaphore, #tpu.memory_space<semaphore_mem>>) src(%dma_wait3A_265 : memref<128x64xf32, #tpu.memory_space<vmem>>) dst(%dma_wait3A_261 : memref<128x64xf32, #tpu.memory_space<hbm>>)
      tpu.yield
    }) : () -> ()
    return
  }
}

module attributes {stable_mosaic.version = 14 : i64} {
  func.func @_mm1_body(%arg0: i32, %arg1: memref<32x1024xf32, #tpu.memory_space<vmem>>, %arg2: memref<1024x128xf32, #tpu.memory_space<vmem>>, %arg3: memref<128x64xf32, #tpu.memory_space<vmem>>, %arg4: memref<128x64xf32, #tpu.memory_space<vmem>>, %arg5: memref<2x1024x64xf32, #tpu.memory_space<vmem>>) attributes {dimension_semantics = [#tpu.dimension_semantics<arbitrary>], iteration_bounds = array<i64: 10>, scalar_prefetch = 0 : i64, scratch_operands = 0 : i64, tpu.core_type = #tpu.core_type<tc>, window_params = [{transform_indices = @transform_0, window_bounds = array<i64: 32, 1024>}, {transform_indices = @transform_1, window_bounds = array<i64: 1024, 128>}, {pipeline_mode = #tpu.pipeline_mode<synchronous>, transform_indices = @transform_2, window_bounds = array<i64: 128, 64>}, {pipeline_mode = #tpu.pipeline_mode<synchronous>, transform_indices = @transform_3, window_bounds = array<i64: 128, 64>}, {transform_indices = @transform_4, window_bounds = array<i64: 2, 1024, 64>}]} {
    %get3A = arith.constant 0 : index
    %get3A_0 = arith.constant 0 : index
    %get3A_1 = vector.load %arg1[%get3A, %get3A_0] : memref<32x1024xf32, #tpu.memory_space<vmem>>, vector<32x1024xf32>
    %reduce_sum3A = arith.constant dense<0.000000e+00> : vector<1024xf32>
    %reduce_sum3A_2 = vector.multi_reduction <add>, %get3A_1, %reduce_sum3A [0] : vector<32x1024xf32> to vector<1024xf32>
    %add3A = arith.constant 1.000000e+00 : f32
    %add3A_3 = vector.broadcast %add3A : f32 to vector<1024xf32>
    %add3A_4 = arith.addf %reduce_sum3A_2, %add3A_3 : vector<1024xf32>
    %rsqrt3A = math.rsqrt %add3A_4 : vector<1024xf32>
    %broadcast_in_dim3A = vector.shape_cast %rsqrt3A : vector<1024xf32> to vector<1024x1xf32>
    %get3A_5 = arith.constant 0 : index
    %get3A_6 = arith.constant 0 : index
    %get3A_7 = vector.load %arg2[%get3A_5, %get3A_6] : memref<1024x128xf32, #tpu.memory_space<vmem>>, vector<1024x128xf32>
    %get3A_8 = arith.constant 0 : index
    %get3A_9 = arith.constant 0 : index
    %get3A_10 = vector.load %arg3[%get3A_8, %get3A_9] : memref<128x64xf32, #tpu.memory_space<vmem>>, vector<128x64xf32>
    %dot_general3A = arith.constant dense<0.000000e+00> : vector<1024x64xf32>
    %dot_general3A_11 = tpu.matmul %get3A_7, %get3A_10, %dot_general3A {dimension_numbers = #tpu.dot_dimension_numbers<[1], [0], [0], [1], [0, 0, 1, 1], [], []>, transpose_lhs_hint = false} : vector<1024x128xf32>, vector<128x64xf32>, vector<1024x64xf32> -> vector<1024x64xf32>
    %mul3A = vector.broadcast %broadcast_in_dim3A : vector<1024x1xf32> to vector<1024x64xf32>
    %mul3A_12 = arith.mulf %dot_general3A_11, %mul3A : vector<1024x64xf32>
    %swap3A = arith.constant 0 : index
    %swap3A_13 = arith.constant 0 : index
    %swap3A_14 = arith.constant 0 : index
    %swap3A_15 = vector.load %arg5[%swap3A, %swap3A_13, %swap3A_14] : memref<2x1024x64xf32, #tpu.memory_space<vmem>>, vector<1x1024x64xf32>
    %swap3A_16 = vector.shape_cast %swap3A_15 : vector<1x1024x64xf32> to vector<1024x64xf32>
    %swap3A_17 = vector.shape_cast %mul3A_12 : vector<1024x64xf32> to vector<1x1024x64xf32>
    tpu.vector_store %arg5[%swap3A, %swap3A_13, %swap3A_14], %swap3A_17 {strides = array<i32>} : memref<2x1024x64xf32, #tpu.memory_space<vmem>>, vector<1x1024x64xf32>,
    %get3A_18 = arith.constant 0 : index
    %get3A_19 = arith.constant 0 : index
    %get3A_20 = vector.load %arg4[%get3A_18, %get3A_19] : memref<128x64xf32, #tpu.memory_space<vmem>>, vector<128x64xf32>
    %dot_general3A_21 = arith.constant dense<0.000000e+00> : vector<1024x64xf32>
    %dot_general3A_22 = tpu.matmul %get3A_7, %get3A_20, %dot_general3A_21 {dimension_numbers = #tpu.dot_dimension_numbers<[1], [0], [0], [1], [0, 0, 1, 1], [], []>, transpose_lhs_hint = false} : vector<1024x128xf32>, vector<128x64xf32>, vector<1024x64xf32> -> vector<1024x64xf32>
    %mul3A_23 = vector.broadcast %broadcast_in_dim3A : vector<1024x1xf32> to vector<1024x64xf32>
    %mul3A_24 = arith.mulf %dot_general3A_22, %mul3A_23 : vector<1024x64xf32>
    %swap3A_25 = arith.constant 1 : index
    %swap3A_26 = arith.constant 0 : index
    %swap3A_27 = arith.constant 0 : index
    %swap3A_28 = vector.load %arg5[%swap3A_25, %swap3A_26, %swap3A_27] : memref<2x1024x64xf32, #tpu.memory_space<vmem>>, vector<1x1024x64xf32>
    %swap3A_29 = vector.shape_cast %swap3A_28 : vector<1x1024x64xf32> to vector<1024x64xf32>
    %swap3A_30 = vector.shape_cast %mul3A_24 : vector<1024x64xf32> to vector<1x1024x64xf32>
    tpu.vector_store %arg5[%swap3A_25, %swap3A_26, %swap3A_27], %swap3A_30 {strides = array<i32>} : memref<2x1024x64xf32, #tpu.memory_space<vmem>>, vector<1x1024x64xf32>,
    return
  }
  func.func @transform_0(%arg0: i32) -> (i32, i32) {
    %c0_i32 = arith.constant 0 : i32
    %c0_i32_0 = arith.constant 0 : i32
    return %c0_i32, %arg0 : i32, i32
  }
  func.func @transform_1(%arg0: i32) -> (i32, i32) {
    %c0_i32 = arith.constant 0 : i32
    %c0_i32_0 = arith.constant 0 : i32
    return %arg0, %c0_i32 : i32, i32
  }
  func.func @transform_2(%arg0: i32) -> (i32, i32) {
    %c0_i32 = arith.constant 0 : i32
    %c0_i32_0 = arith.constant 0 : i32
    %c0_i32_1 = arith.constant 0 : i32
    return %c0_i32, %c0_i32_0 : i32, i32
  }
  func.func @transform_3(%arg0: i32) -> (i32, i32) {
    %c0_i32 = arith.constant 0 : i32
    %c0_i32_0 = arith.constant 0 : i32
    %c0_i32_1 = arith.constant 0 : i32
    return %c0_i32, %c0_i32_0 : i32, i32
  }
  func.func @transform_4(%arg0: i32) -> (i32, i32, i32) {
    %c0_i32 = arith.constant 0 : i32
    %c0_i32_0 = arith.constant 0 : i32
    %c0_i32_1 = arith.constant 0 : i32
    return %c0_i32, %arg0, %c0_i32_0 : i32, i32, i32
  }
}

module attributes {stable_mosaic.version = 14 : i64} {
  func.func @_mid_body(%arg0: i32, %arg1: memref<32x1024xf32, #tpu.memory_space<vmem>>, %arg2: memref<1x1024x64xf32, #tpu.memory_space<vmem>>, %arg3: memref<1x1024x64xf32, #tpu.memory_space<vmem>>, %arg4: memref<2x1024x64xf32, #tpu.memory_space<vmem>>, %arg5: memref<1x64xf32, #tpu.memory_space<vmem>>, %arg6: memref<1x64xf32, #tpu.memory_space<vmem>>, %arg7: memref<64x64xf32, #tpu.memory_space<vmem>>, %arg8: memref<64x64xf32, #tpu.memory_space<vmem>>, %arg9: memref<64x64xf32, #tpu.memory_space<vmem>>, %arg10: memref<64x64xf32, #tpu.memory_space<vmem>>, %arg11: memref<2x1024x64xf32, #tpu.memory_space<vmem>>) attributes {dimension_semantics = [#tpu.dimension_semantics<arbitrary>], iteration_bounds = array<i64: 10>, scalar_prefetch = 0 : i64, scratch_operands = 0 : i64, tpu.core_type = #tpu.core_type<tc>, window_params = [{transform_indices = @transform_0, window_bounds = array<i64: 32, 1024>}, {transform_indices = @transform_1, window_bounds = array<i64: 1, 1024, 64>}, {transform_indices = @transform_2, window_bounds = array<i64: 1, 1024, 64>}, {transform_indices = @transform_3, window_bounds = array<i64: 2, 1024, 64>}, {pipeline_mode = #tpu.pipeline_mode<synchronous>, transform_indices = @transform_4, window_bounds = array<i64: 1, 64>}, {pipeline_mode = #tpu.pipeline_mode<synchronous>, transform_indices = @transform_5, window_bounds = array<i64: 1, 64>}, {pipeline_mode = #tpu.pipeline_mode<synchronous>, transform_indices = @transform_6, window_bounds = array<i64: 64, 64>}, {pipeline_mode = #tpu.pipeline_mode<synchronous>, transform_indices = @transform_7, window_bounds = array<i64: 64, 64>}, {pipeline_mode = #tpu.pipeline_mode<synchronous>, transform_indices = @transform_8, window_bounds = array<i64: 64, 64>}, {pipeline_mode = #tpu.pipeline_mode<synchronous>, transform_indices = @transform_9, window_bounds = array<i64: 64, 64>}, {transform_indices = @transform_10, window_bounds = array<i64: 2, 1024, 64>}]} {
    %get3A = arith.constant 0 : index
    %get3A_0 = arith.constant 0 : index
    %get3A_1 = vector.load %arg1[%get3A, %get3A_0] : memref<32x1024xf32, #tpu.memory_space<vmem>>, vector<32x1024xf32>
    %reduce_sum3A = arith.constant dense<0.000000e+00> : vector<1024xf32>
    %reduce_sum3A_2 = vector.multi_reduction <add>, %get3A_1, %reduce_sum3A [0] : vector<32x1024xf32> to vector<1024xf32>
    %add3A = arith.constant 1.000000e+00 : f32
    %add3A_3 = vector.broadcast %add3A : f32 to vector<1024xf32>
    %add3A_4 = arith.addf %reduce_sum3A_2, %add3A_3 : vector<1024xf32>
    %rsqrt3A = math.rsqrt %add3A_4 : vector<1024xf32>
    %broadcast_in_dim3A = vector.shape_cast %rsqrt3A : vector<1024xf32> to vector<1024x1xf32>
    %get3A_5 = arith.constant 0 : index
    %get3A_6 = arith.constant 0 : index
    %get3A_7 = arith.constant 0 : index
    %get3A_8 = vector.load %arg2[%get3A_5, %get3A_6, %get3A_7] : memref<1x1024x64xf32, #tpu.memory_space<vmem>>, vector<1x1024x64xf32>
    %get3A_9 = vector.shape_cast %get3A_8 : vector<1x1024x64xf32> to vector<1024x64xf32>
    %get3A_10 = arith.constant 0 : index
    %get3A_11 = arith.constant 0 : index
    %get3A_12 = arith.constant 0 : index
    %get3A_13 = vector.load %arg4[%get3A_10, %get3A_11, %get3A_12] : memref<2x1024x64xf32, #tpu.memory_space<vmem>>, vector<1x1024x64xf32>
    %get3A_14 = vector.shape_cast %get3A_13 : vector<1x1024x64xf32> to vector<1024x64xf32>
    %add3A_15 = arith.addf %get3A_9, %get3A_14 : vector<1024x64xf32>
    %mul3A = vector.broadcast %broadcast_in_dim3A : vector<1024x1xf32> to vector<1024x64xf32>
    %mul3A_16 = arith.mulf %add3A_15, %mul3A : vector<1024x64xf32>
    %get3A_17 = arith.constant 0 : index
    %get3A_18 = arith.constant 0 : index
    %get3A_19 = vector.load %arg5[%get3A_17, %get3A_18] : memref<1x64xf32, #tpu.memory_space<vmem>>, vector<1x64xf32>
    %add3A_20 = vector.broadcast %get3A_19 : vector<1x64xf32> to vector<1024x64xf32>
    %add3A_21 = arith.addf %mul3A_16, %add3A_20 : vector<1024x64xf32>
    %max3A = arith.constant 0.000000e+00 : f32
    %max3A_22 = vector.broadcast %max3A : f32 to vector<1024x64xf32>
    %max3A_23 = arith.maximumf %add3A_21, %max3A_22 : vector<1024x64xf32>
    %get3A_24 = arith.constant 0 : index
    %get3A_25 = arith.constant 0 : index
    %get3A_26 = arith.constant 0 : index
    %get3A_27 = vector.load %arg3[%get3A_24, %get3A_25, %get3A_26] : memref<1x1024x64xf32, #tpu.memory_space<vmem>>, vector<1x1024x64xf32>
    %get3A_28 = vector.shape_cast %get3A_27 : vector<1x1024x64xf32> to vector<1024x64xf32>
    %get3A_29 = arith.constant 1 : index
    %get3A_30 = arith.constant 0 : index
    %get3A_31 = arith.constant 0 : index
    %get3A_32 = vector.load %arg4[%get3A_29, %get3A_30, %get3A_31] : memref<2x1024x64xf32, #tpu.memory_space<vmem>>, vector<1x1024x64xf32>
    %get3A_33 = vector.shape_cast %get3A_32 : vector<1x1024x64xf32> to vector<1024x64xf32>
    %add3A_34 = arith.addf %get3A_28, %get3A_33 : vector<1024x64xf32>
    %mul3A_35 = vector.broadcast %broadcast_in_dim3A : vector<1024x1xf32> to vector<1024x64xf32>
    %mul3A_36 = arith.mulf %add3A_34, %mul3A_35 : vector<1024x64xf32>
    %get3A_37 = arith.constant 0 : index
    %get3A_38 = arith.constant 0 : index
    %get3A_39 = vector.load %arg6[%get3A_37, %get3A_38] : memref<1x64xf32, #tpu.memory_space<vmem>>, vector<1x64xf32>
    %add3A_40 = vector.broadcast %get3A_39 : vector<1x64xf32> to vector<1024x64xf32>
    %add3A_41 = arith.addf %mul3A_36, %add3A_40 : vector<1024x64xf32>
    %max3A_42 = arith.constant 0.000000e+00 : f32
    %max3A_43 = vector.broadcast %max3A_42 : f32 to vector<1024x64xf32>
    %max3A_44 = arith.maximumf %add3A_41, %max3A_43 : vector<1024x64xf32>
    %get3A_45 = arith.constant 0 : index
    %get3A_46 = arith.constant 0 : index
    %get3A_47 = vector.load %arg7[%get3A_45, %get3A_46] : memref<64x64xf32, #tpu.memory_space<vmem>>, vector<64x64xf32>
    %dot_general3A = arith.constant dense<0.000000e+00> : vector<1024x64xf32>
    %dot_general3A_48 = tpu.matmul %max3A_23, %get3A_47, %dot_general3A {dimension_numbers = #tpu.dot_dimension_numbers<[1], [0], [0], [1], [0, 0, 1, 1], [], []>, transpose_lhs_hint = false} : vector<1024x64xf32>, vector<64x64xf32>, vector<1024x64xf32> -> vector<1024x64xf32>
    %get3A_49 = arith.constant 0 : index
    %get3A_50 = arith.constant 0 : index
    %get3A_51 = vector.load %arg9[%get3A_49, %get3A_50] : memref<64x64xf32, #tpu.memory_space<vmem>>, vector<64x64xf32>
    %dot_general3A_52 = arith.constant dense<0.000000e+00> : vector<1024x64xf32>
    %dot_general3A_53 = tpu.matmul %max3A_44, %get3A_51, %dot_general3A_52 {dimension_numbers = #tpu.dot_dimension_numbers<[1], [0], [0], [1], [0, 0, 1, 1], [], []>, transpose_lhs_hint = false} : vector<1024x64xf32>, vector<64x64xf32>, vector<1024x64xf32> -> vector<1024x64xf32>
    %add3A_54 = arith.addf %dot_general3A_48, %dot_general3A_53 : vector<1024x64xf32>
    %mul3A_55 = vector.broadcast %broadcast_in_dim3A : vector<1024x1xf32> to vector<1024x64xf32>
    %mul3A_56 = arith.mulf %add3A_54, %mul3A_55 : vector<1024x64xf32>
    %swap3A = arith.constant 0 : index
    %swap3A_57 = arith.constant 0 : index
    %swap3A_58 = arith.constant 0 : index
    %swap3A_59 = vector.load %arg11[%swap3A, %swap3A_57, %swap3A_58] : memref<2x1024x64xf32, #tpu.memory_space<vmem>>, vector<1x1024x64xf32>
    %swap3A_60 = vector.shape_cast %swap3A_59 : vector<1x1024x64xf32> to vector<1024x64xf32>
    %swap3A_61 = vector.shape_cast %mul3A_56 : vector<1024x64xf32> to vector<1x1024x64xf32>
    tpu.vector_store %arg11[%swap3A, %swap3A_57, %swap3A_58], %swap3A_61 {strides = array<i32>} : memref<2x1024x64xf32, #tpu.memory_space<vmem>>, vector<1x1024x64xf32>,
    %get3A_62 = arith.constant 0 : index
    %get3A_63 = arith.constant 0 : index
    %get3A_64 = vector.load %arg8[%get3A_62, %get3A_63] : memref<64x64xf32, #tpu.memory_space<vmem>>, vector<64x64xf32>
    %dot_general3A_65 = arith.constant dense<0.000000e+00> : vector<1024x64xf32>
    %dot_general3A_66 = tpu.matmul %max3A_23, %get3A_64, %dot_general3A_65 {dimension_numbers = #tpu.dot_dimension_numbers<[1], [0], [0], [1], [0, 0, 1, 1], [], []>, transpose_lhs_hint = false} : vector<1024x64xf32>, vector<64x64xf32>, vector<1024x64xf32> -> vector<1024x64xf32>
    %get3A_67 = arith.constant 0 : index
    %get3A_68 = arith.constant 0 : index
    %get3A_69 = vector.load %arg10[%get3A_67, %get3A_68] : memref<64x64xf32, #tpu.memory_space<vmem>>, vector<64x64xf32>
    %dot_general3A_70 = arith.constant dense<0.000000e+00> : vector<1024x64xf32>
    %dot_general3A_71 = tpu.matmul %max3A_44, %get3A_69, %dot_general3A_70 {dimension_numbers = #tpu.dot_dimension_numbers<[1], [0], [0], [1], [0, 0, 1, 1], [], []>, transpose_lhs_hint = false} : vector<1024x64xf32>, vector<64x64xf32>, vector<1024x64xf32> -> vector<1024x64xf32>
    %add3A_72 = arith.addf %dot_general3A_66, %dot_general3A_71 : vector<1024x64xf32>
    %mul3A_73 = vector.broadcast %broadcast_in_dim3A : vector<1024x1xf32> to vector<1024x64xf32>
    %mul3A_74 = arith.mulf %add3A_72, %mul3A_73 : vector<1024x64xf32>
    %swap3A_75 = arith.constant 1 : index
    %swap3A_76 = arith.constant 0 : index
    %swap3A_77 = arith.constant 0 : index
    %swap3A_78 = vector.load %arg11[%swap3A_75, %swap3A_76, %swap3A_77] : memref<2x1024x64xf32, #tpu.memory_space<vmem>>, vector<1x1024x64xf32>
    %swap3A_79 = vector.shape_cast %swap3A_78 : vector<1x1024x64xf32> to vector<1024x64xf32>
    %swap3A_80 = vector.shape_cast %mul3A_74 : vector<1024x64xf32> to vector<1x1024x64xf32>
    tpu.vector_store %arg11[%swap3A_75, %swap3A_76, %swap3A_77], %swap3A_80 {strides = array<i32>} : memref<2x1024x64xf32, #tpu.memory_space<vmem>>, vector<1x1024x64xf32>,
    return
  }
  func.func @transform_0(%arg0: i32) -> (i32, i32) {
    %c0_i32 = arith.constant 0 : i32
    %c0_i32_0 = arith.constant 0 : i32
    return %c0_i32, %arg0 : i32, i32
  }
  func.func @transform_1(%arg0: i32) -> (i32, i32, i32) {
    %c0_i32 = arith.constant 0 : i32
    %c0_i32_0 = arith.constant 0 : i32
    %c0_i32_1 = arith.constant 0 : i32
    return %c0_i32, %arg0, %c0_i32_0 : i32, i32, i32
  }
  func.func @transform_2(%arg0: i32) -> (i32, i32, i32) {
    %c1_i32 = arith.constant 1 : i32
    %c0_i32 = arith.constant 0 : i32
    %c0_i32_0 = arith.constant 0 : i32
    return %c1_i32, %arg0, %c0_i32 : i32, i32, i32
  }
  func.func @transform_3(%arg0: i32) -> (i32, i32, i32) {
    %c0_i32 = arith.constant 0 : i32
    %c0_i32_0 = arith.constant 0 : i32
    %c0_i32_1 = arith.constant 0 : i32
    return %c0_i32, %arg0, %c0_i32_0 : i32, i32, i32
  }
  func.func @transform_4(%arg0: i32) -> (i32, i32) {
    %c0_i32 = arith.constant 0 : i32
    %c0_i32_0 = arith.constant 0 : i32
    %c0_i32_1 = arith.constant 0 : i32
    return %c0_i32, %c0_i32_0 : i32, i32
  }
  func.func @transform_5(%arg0: i32) -> (i32, i32) {
    %c0_i32 = arith.constant 0 : i32
    %c0_i32_0 = arith.constant 0 : i32
    %c0_i32_1 = arith.constant 0 : i32
    return %c0_i32, %c0_i32_0 : i32, i32
  }
  func.func @transform_6(%arg0: i32) -> (i32, i32) {
    %c0_i32 = arith.constant 0 : i32
    %c0_i32_0 = arith.constant 0 : i32
    %c0_i32_1 = arith.constant 0 : i32
    return %c0_i32, %c0_i32_0 : i32, i32
  }
  func.func @transform_7(%arg0: i32) -> (i32, i32) {
    %c0_i32 = arith.constant 0 : i32
    %c0_i32_0 = arith.constant 0 : i32
    %c0_i32_1 = arith.constant 0 : i32
    return %c0_i32, %c0_i32_0 : i32, i32
  }
  func.func @transform_8(%arg0: i32) -> (i32, i32) {
    %c0_i32 = arith.constant 0 : i32
    %c0_i32_0 = arith.constant 0 : i32
    %c0_i32_1 = arith.constant 0 : i32
    return %c0_i32, %c0_i32_0 : i32, i32
  }
  func.func @transform_9(%arg0: i32) -> (i32, i32) {
    %c0_i32 = arith.constant 0 : i32
    %c0_i32_0 = arith.constant 0 : i32
    %c0_i32_1 = arith.constant 0 : i32
    return %c0_i32, %c0_i32_0 : i32, i32
  }
  func.func @transform_10(%arg0: i32) -> (i32, i32, i32) {
    %c0_i32 = arith.constant 0 : i32
    %c0_i32_0 = arith.constant 0 : i32
    %c0_i32_1 = arith.constant 0 : i32
    return %c0_i32, %arg0, %c0_i32_0 : i32, i32, i32
  }
}

module attributes {stable_mosaic.version = 14 : i64} {
  func.func @_pool_body(%arg0: i32, %arg1: memref<32x1024xf32, #tpu.memory_space<vmem>>, %arg2: memref<1x1024x64xf32, #tpu.memory_space<vmem>>, %arg3: memref<1x1024x64xf32, #tpu.memory_space<vmem>>, %arg4: memref<2x1024x64xf32, #tpu.memory_space<vmem>>, %arg5: memref<1x64xf32, #tpu.memory_space<vmem>>, %arg6: memref<1x64xf32, #tpu.memory_space<vmem>>, %arg7: memref<1024x1xi32, #tpu.memory_space<vmem>>, %arg8: memref<2x64x64xf32, #tpu.memory_space<vmem>>, %arg9: memref<64x64xf32, #tpu.memory_space<vmem>>, %arg10: memref<64x64xf32, #tpu.memory_space<vmem>>, %arg11: memref<64x64xf32, #tpu.memory_space<vmem>>) attributes {dimension_semantics = [#tpu.dimension_semantics<arbitrary>], iteration_bounds = array<i64: 10>, scalar_prefetch = 0 : i64, scratch_operands = 3 : i64, tpu.core_type = #tpu.core_type<tc>, window_params = [{transform_indices = @transform_0, window_bounds = array<i64: 32, 1024>}, {transform_indices = @transform_1, window_bounds = array<i64: 1, 1024, 64>}, {transform_indices = @transform_2, window_bounds = array<i64: 1, 1024, 64>}, {transform_indices = @transform_3, window_bounds = array<i64: 2, 1024, 64>}, {pipeline_mode = #tpu.pipeline_mode<synchronous>, transform_indices = @transform_4, window_bounds = array<i64: 1, 64>}, {pipeline_mode = #tpu.pipeline_mode<synchronous>, transform_indices = @transform_5, window_bounds = array<i64: 1, 64>}, {transform_indices = @transform_6, window_bounds = array<i64: 1024, 1>}, {pipeline_mode = #tpu.pipeline_mode<synchronous>, transform_indices = @transform_7, window_bounds = array<i64: 2, 64, 64>}]} {
    %get3A = arith.constant 0 : index
    %get3A_0 = arith.constant 0 : index
    %get3A_1 = vector.load %arg1[%get3A, %get3A_0] : memref<32x1024xf32, #tpu.memory_space<vmem>>, vector<32x1024xf32>
    %reduce_sum3A = arith.constant dense<0.000000e+00> : vector<1024xf32>
    %reduce_sum3A_2 = vector.multi_reduction <add>, %get3A_1, %reduce_sum3A [0] : vector<32x1024xf32> to vector<1024xf32>
    %add3A = arith.constant 1.000000e+00 : f32
    %add3A_3 = vector.broadcast %add3A : f32 to vector<1024xf32>
    %add3A_4 = arith.addf %reduce_sum3A_2, %add3A_3 : vector<1024xf32>
    %rsqrt3A = math.rsqrt %add3A_4 : vector<1024xf32>
    %broadcast_in_dim3A = vector.shape_cast %rsqrt3A : vector<1024xf32> to vector<1024x1xf32>
    %get3A_5 = arith.constant 0 : index
    %get3A_6 = arith.constant 0 : index
    %get3A_7 = arith.constant 0 : index
    %get3A_8 = vector.load %arg2[%get3A_5, %get3A_6, %get3A_7] : memref<1x1024x64xf32, #tpu.memory_space<vmem>>, vector<1x1024x64xf32>
    %get3A_9 = vector.shape_cast %get3A_8 : vector<1x1024x64xf32> to vector<1024x64xf32>
    %get3A_10 = arith.constant 0 : index
    %get3A_11 = arith.constant 0 : index
    %get3A_12 = arith.constant 0 : index
    %get3A_13 = vector.load %arg4[%get3A_10, %get3A_11, %get3A_12] : memref<2x1024x64xf32, #tpu.memory_space<vmem>>, vector<1x1024x64xf32>
    %get3A_14 = vector.shape_cast %get3A_13 : vector<1x1024x64xf32> to vector<1024x64xf32>
    %add3A_15 = arith.addf %get3A_9, %get3A_14 : vector<1024x64xf32>
    %mul3A = vector.broadcast %broadcast_in_dim3A : vector<1024x1xf32> to vector<1024x64xf32>
    %mul3A_16 = arith.mulf %add3A_15, %mul3A : vector<1024x64xf32>
    %get3A_17 = arith.constant 0 : index
    %get3A_18 = arith.constant 0 : index
    %get3A_19 = vector.load %arg5[%get3A_17, %get3A_18] : memref<1x64xf32, #tpu.memory_space<vmem>>, vector<1x64xf32>
    %add3A_20 = vector.broadcast %get3A_19 : vector<1x64xf32> to vector<1024x64xf32>
    %add3A_21 = arith.addf %mul3A_16, %add3A_20 : vector<1024x64xf32>
    %get3A_22 = arith.constant 0 : index
    %get3A_23 = arith.constant 0 : index
    %get3A_24 = arith.constant 0 : index
    %get3A_25 = vector.load %arg3[%get3A_22, %get3A_23, %get3A_24] : memref<1x1024x64xf32, #tpu.memory_space<vmem>>, vector<1x1024x64xf32>
    %get3A_26 = vector.shape_cast %get3A_25 : vector<1x1024x64xf32> to vector<1024x64xf32>
    %get3A_27 = arith.constant 1 : index
    %get3A_28 = arith.constant 0 : index
    %get3A_29 = arith.constant 0 : index
    %get3A_30 = vector.load %arg4[%get3A_27, %get3A_28, %get3A_29] : memref<2x1024x64xf32, #tpu.memory_space<vmem>>, vector<1x1024x64xf32>
    %get3A_31 = vector.shape_cast %get3A_30 : vector<1x1024x64xf32> to vector<1024x64xf32>
    %add3A_32 = arith.addf %get3A_26, %get3A_31 : vector<1024x64xf32>
    %mul3A_33 = vector.broadcast %broadcast_in_dim3A : vector<1024x1xf32> to vector<1024x64xf32>
    %mul3A_34 = arith.mulf %add3A_32, %mul3A_33 : vector<1024x64xf32>
    %get3A_35 = arith.constant 0 : index
    %get3A_36 = arith.constant 0 : index
    %get3A_37 = vector.load %arg6[%get3A_35, %get3A_36] : memref<1x64xf32, #tpu.memory_space<vmem>>, vector<1x64xf32>
    %add3A_38 = vector.broadcast %get3A_37 : vector<1x64xf32> to vector<1024x64xf32>
    %add3A_39 = arith.addf %mul3A_34, %add3A_38 : vector<1024x64xf32>
    %iota3A = tpu.iota {dimensions = array<i32: 1>} : vector<1024x64xi32>
    %get3A_40 = arith.constant 0 : index
    %get3A_41 = arith.constant 0 : index
    %get3A_42 = vector.load %arg7[%get3A_40, %get3A_41] : memref<1024x1xi32, #tpu.memory_space<vmem>>, vector<1024x1xi32>
    %eq3A = vector.broadcast %get3A_42 : vector<1024x1xi32> to vector<1024x64xi32>
    %eq3A_43 = arith.cmpi eq, %eq3A, %iota3A : vector<1024x64xi32>
    %convert_element_type3A = arith.extui %eq3A_43 : vector<1024x64xi1> to vector<1024x64xi32>
    %convert_element_type3A_44 = arith.sitofp %convert_element_type3A : vector<1024x64xi32> to vector<1024x64xf32>
    %dot_general3A = arith.constant dense<0.000000e+00> : vector<64x64xf32>
    %dot_general3A_45 = tpu.matmul %convert_element_type3A_44, %add3A_21, %dot_general3A {dimension_numbers = #tpu.dot_dimension_numbers<[0], [0], [1], [1], [0, 1, 1, 1], [], []>, transpose_lhs_hint = false} : vector<1024x64xf32>, vector<1024x64xf32>, vector<64x64xf32> -> vector<64x64xf32>
    %dot_general3A_46 = arith.constant dense<0.000000e+00> : vector<64x64xf32>
    %dot_general3A_47 = tpu.matmul %convert_element_type3A_44, %add3A_39, %dot_general3A_46 {dimension_numbers = #tpu.dot_dimension_numbers<[0], [0], [1], [1], [0, 1, 1, 1], [], []>, transpose_lhs_hint = false} : vector<1024x64xf32>, vector<1024x64xf32>, vector<64x64xf32> -> vector<64x64xf32>
    %reduce_sum3A_48 = arith.constant dense<0.000000e+00> : vector<64xf32>
    %reduce_sum3A_49 = vector.multi_reduction <add>, %convert_element_type3A_44, %reduce_sum3A_48 [0] : vector<1024x64xf32> to vector<64xf32>
    %broadcast_in_dim3A_50 = vector.shape_cast %reduce_sum3A_49 : vector<64xf32> to vector<64x1xf32>
    %broadcast_in_dim3A_51 = arith.constant 1.000000e+00 : f32
    %broadcast_in_dim3A_52 = vector.broadcast %broadcast_in_dim3A_51 : f32 to vector<1x64xf32>
    %mul3A_53 = vector.broadcast %broadcast_in_dim3A_50 : vector<64x1xf32> to vector<64x64xf32>
    %mul3A_54 = vector.broadcast %broadcast_in_dim3A_52 : vector<1x64xf32> to vector<64x64xf32>
    %mul3A_55 = arith.mulf %mul3A_53, %mul3A_54 : vector<64x64xf32>
    %eq3A_56 = arith.constant 0 : i32
    %eq3A_57 = arith.cmpi eq, %arg0, %eq3A_56 : i32
    %convert_element_type3A_58 = arith.extui %eq3A_57 : i1 to i32
    %cond3A = arith.constant 0 : i32
    %cond3A_59 = arith.cmpi ne, %convert_element_type3A_58, %cond3A : i32
    scf.if %cond3A_59 {
      %broadcast_in_dim3A_85 = arith.constant 0.000000e+00 : f32
      %broadcast_in_dim3A_86 = vector.broadcast %broadcast_in_dim3A_85 : f32 to vector<64x64xf32>
      %swap3A_87 = arith.constant 0 : index
      %swap3A_88 = arith.constant 0 : index
      %swap3A_89 = vector.load %arg9[%swap3A_87, %swap3A_88] : memref<64x64xf32, #tpu.memory_space<vmem>>, vector<64x64xf32>
      tpu.vector_store %arg9[%swap3A_87, %swap3A_88], %broadcast_in_dim3A_86 {strides = array<i32>} : memref<64x64xf32, #tpu.memory_space<vmem>>, vector<64x64xf32>,
      %broadcast_in_dim3A_90 = arith.constant 0.000000e+00 : f32
      %broadcast_in_dim3A_91 = vector.broadcast %broadcast_in_dim3A_90 : f32 to vector<64x64xf32>
      %swap3A_92 = arith.constant 0 : index
      %swap3A_93 = arith.constant 0 : index
      %swap3A_94 = vector.load %arg10[%swap3A_92, %swap3A_93] : memref<64x64xf32, #tpu.memory_space<vmem>>, vector<64x64xf32>
      tpu.vector_store %arg10[%swap3A_92, %swap3A_93], %broadcast_in_dim3A_91 {strides = array<i32>} : memref<64x64xf32, #tpu.memory_space<vmem>>, vector<64x64xf32>,
      %broadcast_in_dim3A_95 = arith.constant 0.000000e+00 : f32
      %broadcast_in_dim3A_96 = vector.broadcast %broadcast_in_dim3A_95 : f32 to vector<64x64xf32>
      %swap3A_97 = arith.constant 0 : index
      %swap3A_98 = arith.constant 0 : index
      %swap3A_99 = vector.load %arg11[%swap3A_97, %swap3A_98] : memref<64x64xf32, #tpu.memory_space<vmem>>, vector<64x64xf32>
      tpu.vector_store %arg11[%swap3A_97, %swap3A_98], %broadcast_in_dim3A_96 {strides = array<i32>} : memref<64x64xf32, #tpu.memory_space<vmem>>, vector<64x64xf32>,
    } else {
    }
    %get3A_60 = arith.constant 0 : index
    %get3A_61 = arith.constant 0 : index
    %get3A_62 = vector.load %arg9[%get3A_60, %get3A_61] : memref<64x64xf32, #tpu.memory_space<vmem>>, vector<64x64xf32>
    %add3A_63 = arith.addf %get3A_62, %dot_general3A_45 : vector<64x64xf32>
    %swap3A = arith.constant 0 : index
    %swap3A_64 = arith.constant 0 : index
    %swap3A_65 = vector.load %arg9[%swap3A, %swap3A_64] : memref<64x64xf32, #tpu.memory_space<vmem>>, vector<64x64xf32>
    tpu.vector_store %arg9[%swap3A, %swap3A_64], %add3A_63 {strides = array<i32>} : memref<64x64xf32, #tpu.memory_space<vmem>>, vector<64x64xf32>,
    %get3A_66 = arith.constant 0 : index
    %get3A_67 = arith.constant 0 : index
    %get3A_68 = vector.load %arg10[%get3A_66, %get3A_67] : memref<64x64xf32, #tpu.memory_space<vmem>>, vector<64x64xf32>
    %add3A_69 = arith.addf %get3A_68, %dot_general3A_47 : vector<64x64xf32>
    %swap3A_70 = arith.constant 0 : index
    %swap3A_71 = arith.constant 0 : index
    %swap3A_72 = vector.load %arg10[%swap3A_70, %swap3A_71] : memref<64x64xf32, #tpu.memory_space<vmem>>, vector<64x64xf32>
    tpu.vector_store %arg10[%swap3A_70, %swap3A_71], %add3A_69 {strides = array<i32>} : memref<64x64xf32, #tpu.memory_space<vmem>>, vector<64x64xf32>,
    %get3A_73 = arith.constant 0 : index
    %get3A_74 = arith.constant 0 : index
    %get3A_75 = vector.load %arg11[%get3A_73, %get3A_74] : memref<64x64xf32, #tpu.memory_space<vmem>>, vector<64x64xf32>
    %add3A_76 = arith.addf %get3A_75, %mul3A_55 : vector<64x64xf32>
    %swap3A_77 = arith.constant 0 : index
    %swap3A_78 = arith.constant 0 : index
    %swap3A_79 = vector.load %arg11[%swap3A_77, %swap3A_78] : memref<64x64xf32, #tpu.memory_space<vmem>>, vector<64x64xf32>
    tpu.vector_store %arg11[%swap3A_77, %swap3A_78], %add3A_76 {strides = array<i32>} : memref<64x64xf32, #tpu.memory_space<vmem>>, vector<64x64xf32>,
    %eq3A_80 = arith.constant 9 : i32
    %eq3A_81 = arith.cmpi eq, %arg0, %eq3A_80 : i32
    %convert_element_type3A_82 = arith.extui %eq3A_81 : i1 to i32
    %cond3A_83 = arith.constant 0 : i32
    %cond3A_84 = arith.cmpi ne, %convert_element_type3A_82, %cond3A_83 : i32
    scf.if %cond3A_84 {
      %get3A_85 = arith.constant 0 : index
      %get3A_86 = arith.constant 0 : index
      %get3A_87 = vector.load %arg11[%get3A_85, %get3A_86] : memref<64x64xf32, #tpu.memory_space<vmem>>, vector<64x64xf32>
      %max3A = arith.constant 1.000000e+00 : f32
      %max3A_88 = vector.broadcast %max3A : f32 to vector<64x64xf32>
      %max3A_89 = arith.maximumf %get3A_87, %max3A_88 : vector<64x64xf32>
      %get3A_90 = arith.constant 0 : index
      %get3A_91 = arith.constant 0 : index
      %get3A_92 = vector.load %arg9[%get3A_90, %get3A_91] : memref<64x64xf32, #tpu.memory_space<vmem>>, vector<64x64xf32>
      %div3A = arith.divf %get3A_92, %max3A_89 : vector<64x64xf32>
      %swap3A_93 = arith.constant 0 : index
      %swap3A_94 = arith.constant 0 : index
      %swap3A_95 = arith.constant 0 : index
      %swap3A_96 = vector.load %arg8[%swap3A_93, %swap3A_94, %swap3A_95] : memref<2x64x64xf32, #tpu.memory_space<vmem>>, vector<1x64x64xf32>
      %swap3A_97 = vector.shape_cast %swap3A_96 : vector<1x64x64xf32> to vector<64x64xf32>
      %swap3A_98 = vector.shape_cast %div3A : vector<64x64xf32> to vector<1x64x64xf32>
      tpu.vector_store %arg8[%swap3A_93, %swap3A_94, %swap3A_95], %swap3A_98 {strides = array<i32>} : memref<2x64x64xf32, #tpu.memory_space<vmem>>, vector<1x64x64xf32>,
      %get3A_99 = arith.constant 0 : index
      %get3A_100 = arith.constant 0 : index
      %get3A_101 = vector.load %arg10[%get3A_99, %get3A_100] : memref<64x64xf32, #tpu.memory_space<vmem>>, vector<64x64xf32>
      %div3A_102 = arith.divf %get3A_101, %max3A_89 : vector<64x64xf32>
      %swap3A_103 = arith.constant 1 : index
      %swap3A_104 = arith.constant 0 : index
      %swap3A_105 = arith.constant 0 : index
      %swap3A_106 = vector.load %arg8[%swap3A_103, %swap3A_104, %swap3A_105] : memref<2x64x64xf32, #tpu.memory_space<vmem>>, vector<1x64x64xf32>
      %swap3A_107 = vector.shape_cast %swap3A_106 : vector<1x64x64xf32> to vector<64x64xf32>
      %swap3A_108 = vector.shape_cast %div3A_102 : vector<64x64xf32> to vector<1x64x64xf32>
      tpu.vector_store %arg8[%swap3A_103, %swap3A_104, %swap3A_105], %swap3A_108 {strides = array<i32>} : memref<2x64x64xf32, #tpu.memory_space<vmem>>, vector<1x64x64xf32>,
    } else {
    }
    return
  }
  func.func @transform_0(%arg0: i32) -> (i32, i32) {
    %c0_i32 = arith.constant 0 : i32
    %c0_i32_0 = arith.constant 0 : i32
    return %c0_i32, %arg0 : i32, i32
  }
  func.func @transform_1(%arg0: i32) -> (i32, i32, i32) {
    %c0_i32 = arith.constant 0 : i32
    %c0_i32_0 = arith.constant 0 : i32
    %c0_i32_1 = arith.constant 0 : i32
    return %c0_i32, %arg0, %c0_i32_0 : i32, i32, i32
  }
  func.func @transform_2(%arg0: i32) -> (i32, i32, i32) {
    %c1_i32 = arith.constant 1 : i32
    %c0_i32 = arith.constant 0 : i32
    %c0_i32_0 = arith.constant 0 : i32
    return %c1_i32, %arg0, %c0_i32 : i32, i32, i32
  }
  func.func @transform_3(%arg0: i32) -> (i32, i32, i32) {
    %c0_i32 = arith.constant 0 : i32
    %c0_i32_0 = arith.constant 0 : i32
    %c0_i32_1 = arith.constant 0 : i32
    return %c0_i32, %arg0, %c0_i32_0 : i32, i32, i32
  }
  func.func @transform_4(%arg0: i32) -> (i32, i32) {
    %c0_i32 = arith.constant 0 : i32
    %c0_i32_0 = arith.constant 0 : i32
    %c0_i32_1 = arith.constant 0 : i32
    return %c0_i32, %c0_i32_0 : i32, i32
  }
  func.func @transform_5(%arg0: i32) -> (i32, i32) {
    %c0_i32 = arith.constant 0 : i32
    %c0_i32_0 = arith.constant 0 : i32
    %c0_i32_1 = arith.constant 0 : i32
    return %c0_i32, %c0_i32_0 : i32, i32
  }
  func.func @transform_6(%arg0: i32) -> (i32, i32) {
    %c0_i32 = arith.constant 0 : i32
    %c0_i32_0 = arith.constant 0 : i32
    return %arg0, %c0_i32 : i32, i32
  }
  func.func @transform_7(%arg0: i32) -> (i32, i32, i32) {
    %c0_i32 = arith.constant 0 : i32
    %c0_i32_0 = arith.constant 0 : i32
    %c0_i32_1 = arith.constant 0 : i32
    %c0_i32_2 = arith.constant 0 : i32
    return %c0_i32, %c0_i32_0, %c0_i32_1 : i32, i32, i32
  }
}

</mosaic_0001>

<sc_bundles>
// kernel: kernel.10.cloned.1.call-start
scs
__scs_entry_jumppad:
0x0: {  	(pc) =	sbr.rel $0x88, $3  }
0x1: {  	(tag) =	ssettag $0x0;
	lr =	simm.s32 $0x1  }
0x2: {  	[smem:$0x3F98] =	sst lr;
	_ =	strace $0xD0000000  }
0x3: {  	_ = 	snop  }
0x4: {  	_ = 	snop  }
0x5: {  	_ = 	snop  }
0x6: {  	_ = 	snop  }
0x7: {  	_ = 	snop  }
__scs_overlays_trampoline_lowered:
0x8: {  	[smem:$0x3FA7] =	sst s0  }
0x9: {  	[smem:$0x3FA8] =	sst s1  }
0xa: {  	[smem:$0x3FA9] =	sst s2  }
0xb: {  	[smem:$0x3FAA] =	sst s3  }
0xc: {  	[smem:$0x3FAB] =	sst s4  }
0xd: {  	[smem:$0x3FAC] =	sst s5  }
0xe: {  	[smem:$0x3FAD] =	sst s6  }
0xf: {  	[smem:$0x3FAE] =	sst s7  }
0x10: {  	[smem:$0x3FAF] =	sst s8  }
0x11: {  	[smem:$0x3FB0] =	sst s9;
	s0 =	simm.s32 @!p0 $0x0  }
0x12: {  	s1 =	sld [smem:$0x3F96];
	s0 =	simm.s32 @p0 $0x1  }
0x13: {  	[smem:$0x3FB1] =	sst s0;
	s0 =	simm.s32 @!p1 $0x0  }
0x14: {  	s2 =	sld [smem:$0x3F95];
	s0 =	simm.s32 @p1 $0x1  }
0x15: {  	[smem:$0x3FB2] =	sst s0;
	s0 =	simm.s32 @!p2 $0x0  }
0x16: {  	s3 =	sld [smem:$0x3FDB];
	s0 =	simm.s32 @p2 $0x1  }
0x17: {  	s4 =	simm.s32 $0x1BF5;
	[smem:$0x3FB4] =	sst s0  }
0x18: {  	s0 =	sld [smem:$0x3F97];
	_ =	swait.ge [sflag:s4], $0x0  }
0x19: {  	s7 =	sld [smem:$0x3F98]  }
0x1a: {  	s8 =	sadd.s32 $0xFFFFE003, lr  }
0x1b: {  	s9 =	sadd.s32 $0xFFFFFEF7, lr;
	s5 =	simm.s32 $0xFFFFFFFF;
	p2 =	slt.u32 s8, $0xFFFFF086  }
0x1c: {  	p1 =	slt.u32 s9, $0xF7A;
	s5 =	simm.s32 @!p2 $0x0  }
0x1d: {  	s5 =	simm.s32 @p1 $0x1;
	p0 =	seq.s32 s7, s2  }
0x1e: {  	s7 =	smul.u32 @!p0 $0xF7A, s2;
	p2 =	seq.s32 @!p0 s5, $0x0  }
0x1f: {  	s9 =	smul.u32 $0xF7A, s1;
	s8 =	simm.s32 @!p0 $0x1BF5;
	p2 =	por !p2, p0  }
0x20: {  	[sflag:s8] =	ssyncset.s32 @!p0 $0xFFFFF086;
	s6 =	sadd.s32 @!p0 s3, s7;
	s7 =	simm.s32 @!p0 $0x108  }
0x21: {  	s3 =	sadd.s32 s3, s9;
	s6 =	sadd.s32 @!p0 $0x88, s6;
	s7 =	simm.s32 @p2 $0x1082  }
0x22: {  	[simem:s7], [sflag:s8] =	dma.local @!p0 [hbm:s6], $0xF7A  }
0x23: {  	s9 =	sor.u32 $0xD0000000, s2;
	s6 =	simm.s32 $0x108;
	_ =	swait.ge @!p0 [sflag:s8], $0x0  }
0x24: {  	s3 =	sadd.s32 $0x88, s3;
	s6 =	simm.s32 @!p1 $0x1082;
	[sflag:s4] =	ssyncset.s32 $0xFFFFF086  }
0x25: {  	[simem:s6], [sflag:s4] =	dma.local [hbm:s3], $0xF7A  }
0x26: {  	[smem:$0x3F98] =	sst s1;
	(tag) =	ssettag s2;
	_ =	strace s9  }
0x27: {  	s1 =	sld [smem:$0x3FA8]  }
0x28: {  	s2 =	sld [smem:$0x3FA9]  }
0x29: {  	s4 =	sld [smem:$0x3FAB]  }
0x2a: {  	p0 =	seq.s32 s5, $0x0;
	s5 =	sld [smem:$0x3FAC]  }
0x2b: {  	s6 =	sld [smem:$0x3FAD]  }
0x2c: {  	s7 =	sld [smem:$0x3FAE]  }
0x2d: {  	s3 =	simm.s32 $0x108;
	s8 =	sld [smem:$0x3FAF]  }
0x2e: {  	s3 =	simm.s32 @!p0 $0x1082;
	s9 =	sld [smem:$0x3FB0]  }
0x2f: {  	lr =	sadd.s32 s0, s3;
	s0 =	sld [smem:$0x3FA7]  }
0x30: {  	s3 =	sld [smem:$0x3FAA]  }
0x31: {  	[smem:$0x3FB3] =	sst s10  }
0x32: {  	s10 =	sld [smem:$0x3FB1];
	_ =	sdelay $0x3  }
0x33: {  	p0 =	seq.s32 s10, $0x1;
	s10 =	sld [smem:$0x3FB3];
	_ =	sdelay $0x3  }
0x34: {  	[smem:$0x3FB3] =	sst s10  }
0x35: {  	s10 =	sld [smem:$0x3FB2];
	_ =	sdelay $0x3  }
0x36: {  	p1 =	seq.s32 s10, $0x1;
	s10 =	sld [smem:$0x3FB3];
	_ =	sdelay $0x3  }
0x37: {  	[smem:$0x3FB3] =	sst s10  }
0x38: {  	s10 =	sld [smem:$0x3FB4]  }
0x39: {  	_ = 	snop;
	(pc) =	sbr.ind lr, $3  }
0x3a: {  	_ = 	snop  }
0x3b: {  	_ = 	snop  }
0x3c: {  	p2 =	seq.s32 s10, $0x1;
	s10 =	sld [smem:$0x3FB3]  }
0x3d: {  	_ =	shalt  }
0x3e: {  	_ =	shalt  }
0x3f: {  	_ =	shalt  }
0x40: {  	_ =	shalt  }
0x41: {  	_ =	shalt  }
0x42: {  	_ =	shalt  }
0x43: {  	_ =	shalt  }
0x44: {  	_ =	shalt  }
0x45: {  	_ =	shalt  }
0x46: {  	_ =	shalt  }
0x47: {  	_ =	shalt  }
0x48: {  	_ =	shalt  }
0x49: {  	_ =	shalt  }
0x4a: {  	_ =	shalt  }
0x4b: {  	_ =	shalt  }
0x4c: {  	_ =	shalt  }
0x4d: {  	_ =	shalt  }
0x4e: {  	_ =	shalt  }
0x4f: {  	_ =	shalt  }
0x50: {  	_ =	shalt  }
0x51: {  	_ =	shalt  }
0x52: {  	_ =	shalt  }
0x53: {  	_ =	shalt  }
0x54: {  	_ =	shalt  }
0x55: {  	_ =	shalt  }
0x56: {  	_ =	shalt  }
0x57: {  	_ =	shalt  }
0x58: {  	_ =	shalt  }
0x59: {  	_ =	shalt  }
0x5a: {  	_ =	shalt  }
0x5b: {  	_ =	shalt  }
0x5c: {  	_ =	shalt  }
0x5d: {  	_ =	shalt  }
0x5e: {  	_ =	shalt  }
0x5f: {  	_ =	shalt  }
0x60: {  	_ =	shalt  }
0x61: {  	_ =	shalt  }
0x62: {  	_ =	shalt  }
0x63: {  	_ =	shalt  }
0x64: {  	_ =	shalt  }
0x65: {  	_ =	shalt  }
0x66: {  	_ =	shalt  }
0x67: {  	_ =	shalt  }
0x68: {  	_ =	shalt  }
0x69: {  	_ =	shalt  }
0x6a: {  	_ =	shalt  }
0x6b: {  	_ =	shalt  }
0x6c: {  	_ =	shalt  }
0x6d: {  	_ =	shalt  }
0x6e: {  	_ =	shalt  }
0x6f: {  	_ =	shalt  }
0x70: {  	_ =	shalt  }
0x71: {  	_ =	shalt  }
0x72: {  	_ =	shalt  }
0x73: {  	_ =	shalt  }
0x74: {  	_ =	shalt  }
0x75: {  	_ =	shalt  }
0x76: {  	_ =	shalt  }
0x77: {  	_ =	shalt  }
0x78: {  	_ =	shalt  }
0x79: {  	_ =	shalt  }
0x7a: {  	_ =	shalt  }
0x7b: {  	_ =	shalt  }
0x7c: {  	_ =	shalt  }
0x7d: {  	_ =	shalt  }
0x7e: {  	_ =	shalt  }
0x7f: {  	_ =	shalt  }
0x80: {  	_ =	shalt  }
0x81: {  	_ =	shalt  }
0x82: {  	_ =	shalt  }
0x83: {  	_ =	shalt  }
0x84: {  	_ =	shalt  }
0x85: {  	_ =	shalt  }
0x86: {  	_ =	shalt  }
0x87: {  	_ =	shalt  }
.Lfunc_end0:
.L_simem_size_0:
called_computation_lowered:
.L_overlay_start_0:
0x88: {  	s2 =	sld [smem:$0x3FD9]  }
0x89: {  	s3 =	sld [smem:$0x3FFE];
	_ =	sdelay $0x1  }
0x8a: {  	s1 =	srdreg.scid  }
0x8b: {  	s0 =	sand.u32 $0x1, s1  }
0x8c: {  	s16 =	sshll.u32 s0, $0xA;
	s2 =	sadd.s32 s3, s2  }
0x8d: {  	s2 =	sadd.s32 s2, s16  }
0x8e: {  	[smem:$0x3FBF] =	sst s2  }
0x8f: {  	_ = 	snop  }
0x90: {  	(tm) =	ssettm $0x1  }
0x91: {  	s17 =	sld [smem:$0x3FFB];
	_ =	sdelay $0x3  }
0x92: {  	_ =	strace s17  }
0x93: {  	s2 =	sld [smem:$0x3FFC];
	_ =	sdelay $0x3  }
0x94: {  	_ =	strace s2  }
0x95: {  	s2 =	sld [smem:$0x3FFD];
	_ =	sdelay $0x3  }
0x96: {  	_ =	strace s2  }
0x97: {  	_ =	strace $0x8FFFFFFF  }
0x98: {  	s18 =	sld [smem:$0x3FDB];
	_ =	sdelay $0x1  }
0x99: {  	s19 =	simm.s32 $_scs_section_size  }
0x9a: {  	s4 =	simm.s32 $_size__tile_overlayer_lowered;
	s5 =	simm.s32 $_tile_overlayer_lowered  }
0x9b: {  	s22 =	simm.s32 $0x1BFF;
	s21 =	sshll.u32 s5, $0x1;
	s2 =	sadd.s32 s19, s18  }
0x9c: {  	s6 =	simm.s32 $0x0;
	s20 =	sshll.u32 s4, $0x1;
	s4 =	sadd.s32 s21, s2  }
0x9d: {  	[timem:s6], [sflag:s22] =	dma.local [hbm:s4], s20  }
0x9e: {  	_ =	swait.ge [sflag:s22], s20  }
0x9f: {  	s3 =	ssub.s32 $0x0, s20;
	[sflag:s22] =	ssyncset.done $0x0  }
0xa0: {  	[sflag:s22] =	ssyncadd.s32 s3;
	_ =	sdelay $0x1  }
0xa1: {  	s23 =	simm.s32 $0x1B8B  }
0xa2: {  	_ =	swait.ge [sflag:s23], $0x1  }
0xa3: {  	[sflag:s23] =	ssyncset.done $0x0  }
0xa4: {  	s25 =	simm.s32 $0x1B8E;
	s24 =	sld [smem:$0x3FFE];
	[sflag:s23] =	ssyncadd.s32 $0xFFFFFFFF  }
0xa5: {  	s26 =	simm.s32 $execute0_lowered;
	[smem:$0x3FD2] =	sst s25  }
0xa6: {  	s4 =	sshll.u32 s26, $0x1;
	_ =	strace $0x80000046;
	[dreg:$0x1] =	wrdreg $0xFFFFFFFF  }
0xa7: {  	s28 =	simm.s32 $_size_execute0_lowered;
	s2 =	sadd.s32 s2, s4;
	[dreg:$0x0] =	wrdreg $0x0  }
0xa8: {  	s4 =	sshll.u32 s28, $0x1;
	[dreg:$0x2] =	wrdreg s2  }
0xa9: {  	[dreg:$0x3] =	wrdreg s4  }
0xaa: {  	[dreg:$0x4] =	wrdreg $0xC0  }
0xab: {  	_ =	task [dreg:s6], $0x5FFFF  }
0xac: {  	[dreg:$0x1] =	wrdreg $0xFFFFFFFF  }
0xad: {  	[dreg:$0x0] =	wrdreg $0x60  }
0xae: {  	[dreg:$0x2] =	wrdreg s24  }
0xaf: {  	[dreg:$0x3] =	wrdreg $0x9  }
0xb0: {  	_ =	task.clear_ibuf [dreg:s6], $0x4FFFF;
	_ =	strace $0x90000046  }
0xb1: {  	s29 =	simm.s32 $0x9;
	_ =	strace $0x80000048  }
0xb2: {  	_ =	swait.ge [sflag:s29], $0x1  }
0xb3: {  	[sflag:s29] =	ssyncadd.s32 $0xFFFFFFFF  }
0xb4: {  	_ =	strace $0x90000048  }
0xb5: {  	_ =	sfence  }
0xb6: {  	s30 =	sld [smem:$0x0];
	_ =	sdelay $0x2  }
0xb7: {  	s31 =	sshll.u32 s1, $0xD;
	s1 =	sshrl.u32 s1, $0x2  }
0xb8: {  	s3 =	sand.u32 $0x4000, s31;
	s1 =	sadd.s32 s1, s30  }
0xb9: {  	s0 =	sor.u32 s3, s0;
	s1 =	sshll.u32 s1, $0x11  }
0xba: {  	s0 =	sor.u32 s1, s0  }
0xbb: {  	s0 =	sadd.s32 $0x8F2B, s0  }
0xbc: {  	[sflag:s0] =	ssyncadd.remote.s32 $0x1  }
0xbd: {  	_ =	sfence.sel $0xFFFF  }
0xbe: {  	[dreg:$0x0] =	wrdreg $0xFFFFFFFF;
	(pc) =	sbr.abs _section_cstart, $3  }
0xbf: {  	[dreg:$0x1] =	wrdreg $0xFFFFFFFF  }
0xc0: {  	_ =	task.clear_ibuf [dreg:s6], $0x2FFFF;
	_ =	strace $0x9FFFFFFF  }
0xc1: {  	(tm) =	ssettm $0x7FFFFFFF  }
tec
execute0_lowered:
.L_overlay_start_1:
0x0: {  	(tag) =	ssettag $0x1  }
0x1: {  	s0 =	srdreg.scid  }
0x2: {  	s4 =	rddreg [dreg:$0x0];
	s3 =	sand.u32 $0x1, s0  }
0x3: {  	s1 =	stileid.u32;
	s7 =	simm.s32 $0x2800;
	s2 =	sshll.u32 s3, $0x4  }
0x4: {  	s0 =	rddreg [dreg:$0x1];
	s3 =	ssub.s32 $0x2, s3;
	s5 =	sor.u32 s1, s2  }
0x5: {  	s2 =	simm.s32 $0x0;
	s6 =	sshrl.u32 s3, $0x1;
	s5 =	smul.u32 $0x500, s5  }
0x6: {  	s8 =	simm.s32 $0x0;
	[smem:$0x7FF] =	sst s2;
	s31 =	ssub.s32 s3, s6  }
0x7: {  	s6 =	simm.s32 $0x1;
	_ =	strace $0x80000047;
	s4 =	sadd.s32 s5, s4  }
0x8: {  	v0 =	vimm.f32 $0.0e+00;
	v1 =	vimm.f32 $1.000000000e+00;
	s5 =	smax.u32 s31, $0x1;
	s3 =	sadd.s32 $0x3600, s4;
	s4 =	sadd.s32 $0xD600, s4  }
.LBB2_1:
0x9: {  	[tilespmem:s2], [sflag:$0x1] =	stream.linear.gather [hbm4b:s3+s2], $0x2800, $0x38;
	[tilespmem:$0x5000] =	vst v63  }
0xa: {  	_ =	swait.ge [sflag:s6], $0x2800  }
0xb: {  	[sflag:s6] =	ssyncset.done $0x0  }
0xc: {  	s9 =	simm.s32 $0x0;
	[sflag:s6] =	ssyncadd.s32 $0xFFFFD800  }
.LBB2_2:
0xd: {  	p0 =	sne.s32 s9, $0x9FC0  }
.Ltmp0:
0xe: {  	_ = 	snop;
	(pc) =	sbr.rel @p0 .LBB2_2-.Ltmp0, $3  }
0xf: {  	_ =	sdelay $0x1  }
0x10: {  	s10 =	sshra.s32 s9, $0x2  }
0x11: {  	s9 =	sadd.s32 $0x40, s9;
	[tilespmem:s10+$0x2800] =	vst v0  }
0x12: {  	s10 =	simm.s32 $0x0;
	s9 =	simm.s32 $0x40  }
.LBB2_4:
0x13: {  	p0 =	sne.s32 s9, $0x9FC0;
	v2 =	vld [tilespmem:s10+$0x0];
	_ =	sdelay $0x3  }
.Ltmp1:
0x14: {  	(pc) =	sbr.rel @p0 .LBB2_4-.Ltmp1, $2  }
0x15: {  	_ =	sdelay $0x2  }
0x16: {  	s10 =	sshra.s32 s9, $0x2;
	s9 =	sadd.s32 $0x40, s9;
	[tilespmem:v2+s7+$0x0] =	vst.idx.add.f32.msk $0xffff, v1  }
0x17: {  	v2 =	vld [tilespmem:s10+$0x0];
	_ =	sdelay $0x5  }
0x18: {  	s8 =	sadd.s32 $0x1, s8  }
0x19: {  	p0 =	sne.s32 s8, s5  }
.Ltmp2:
0x1a: {  	[tilespmem:v2+s7+$0x0] =	vst.idx.add.f32.msk $0xffff, v1;
	(pc) =	sbr.rel @p0 .LBB2_1-.Ltmp2, $4  }
0x1b: {  	[hbm4b:s4+s2] =	stream.linear.scatter [tilespmem:s7], [sflag:$0x1], $0x2800, $0x38;
	[tilespmem:$0x5000] =	vst v63  }
0x1c: {  	_ =	swait.ge [sflag:s6], $0x2800  }
0x1d: {  	[sflag:s6] =	ssyncset.done $0x0  }
0x1e: {  	[sflag:s6] =	ssyncadd.s32 $0xFFFFD800  }
0x1f: {  	_ =	sfence.sel $0x180000  }
0x20: {  	[bflag:$0x0] =	sbarrier.arrive $0xFFFF  }
0x21: {  	p0 =	sne.s32 s1, $0x0;
	_ =	strace $0x90000047  }
0x22: {  	s0 =	sadd.s32 @!p0 $0x100000, s0;
	[bflag:$0x2] =	sbarrier.arrive $0xFFFF  }
0x23: {  	[sflag:s0] =	ssyncadd.tile.s32 @!p0 $0x1;
	_ =	shalt  }
.Lfunc_end2:
_tile_overlayer_lowered:
.L_overlay_start_2:
0x24: {  	(tag) =	ssettag $0x2  }
0x25: {  	s0 =	rddreg [dreg:$0x0];
	s2 =	stileid.u32  }
0x26: {  	s1 =	rddreg [dreg:$0x1];
	p0 =	sne.s32 s2, $0x0  }
0x27: {  	s3 =	rddreg [dreg:$0x2];
	[bflag:$0x3] =	sbarrier.arrive $0xFFFF;
	s2 =	simm.s32 @!p0 $0x1C01  }
0x28: {  	[timem:s3], [sflag:s2] =	dma.local @!p0 [hbm:s0], s1  }
0x29: {  	s0 =	simm.s32 @!p0 $0x1  }
0x2a: {  	_ =	swait.ge @!p0 [sflag:s0], s1  }
0x2b: {  	s1 =	ssub.s32 @!p0 $0x0, s1;
	[sflag:s0] =	ssyncset.done @!p0 $0x0  }
0x2c: {  	[sflag:s0] =	ssyncadd.s32 @!p0 s1  }
0x2d: {  	[bflag:$0x3] =	sbarrier.arrive $0xFFFF  }
0x2e: {  	_ =	shalt  }

// kernel: kernel.13.cloned.1.call-start
scs
__scs_entry_jumppad:
0x0: {  	(pc) =	sbr.rel $0x88, $3  }
0x1: {  	(tag) =	ssettag $0x0;
	lr =	simm.s32 $0x1  }
0x2: {  	[smem:$0x3F98] =	sst lr;
	_ =	strace $0xD0000000  }
0x3: {  	_ = 	snop  }
0x4: {  	_ = 	snop  }
0x5: {  	_ = 	snop  }
0x6: {  	_ = 	snop  }
0x7: {  	_ = 	snop  }
__scs_overlays_trampoline_lowered:
0x8: {  	[smem:$0x3FA7] =	sst s0  }
0x9: {  	[smem:$0x3FA8] =	sst s1  }
0xa: {  	[smem:$0x3FA9] =	sst s2  }
0xb: {  	[smem:$0x3FAA] =	sst s3  }
0xc: {  	[smem:$0x3FAB] =	sst s4  }
0xd: {  	[smem:$0x3FAC] =	sst s5  }
0xe: {  	[smem:$0x3FAD] =	sst s6  }
0xf: {  	[smem:$0x3FAE] =	sst s7  }
0x10: {  	[smem:$0x3FAF] =	sst s8  }
0x11: {  	[smem:$0x3FB0] =	sst s9;
	s0 =	simm.s32 @!p0 $0x0  }
0x12: {  	s1 =	sld [smem:$0x3F96];
	s0 =	simm.s32 @p0 $0x1  }
0x13: {  	[smem:$0x3FB1] =	sst s0;
	s0 =	simm.s32 @!p1 $0x0  }
0x14: {  	s2 =	sld [smem:$0x3F95];
	s0 =	simm.s32 @p1 $0x1  }
0x15: {  	[smem:$0x3FB2] =	sst s0;
	s0 =	simm.s32 @!p2 $0x0  }
0x16: {  	s3 =	sld [smem:$0x3FDB];
	s0 =	simm.s32 @p2 $0x1  }
0x17: {  	s4 =	simm.s32 $0x1BF5;
	[smem:$0x3FB4] =	sst s0  }
0x18: {  	s0 =	sld [smem:$0x3F97];
	_ =	swait.ge [sflag:s4], $0x0  }
0x19: {  	s7 =	sld [smem:$0x3F98]  }
0x1a: {  	s8 =	sadd.s32 $0xFFFFE003, lr  }
0x1b: {  	s9 =	sadd.s32 $0xFFFFFEF7, lr;
	s5 =	simm.s32 $0xFFFFFFFF;
	p2 =	slt.u32 s8, $0xFFFFF086  }
0x1c: {  	p1 =	slt.u32 s9, $0xF7A;
	s5 =	simm.s32 @!p2 $0x0  }
0x1d: {  	s5 =	simm.s32 @p1 $0x1;
	p0 =	seq.s32 s7, s2  }
0x1e: {  	s7 =	smul.u32 @!p0 $0xF7A, s2;
	p2 =	seq.s32 @!p0 s5, $0x0  }
0x1f: {  	s9 =	smul.u32 $0xF7A, s1;
	s8 =	simm.s32 @!p0 $0x1BF5;
	p2 =	por !p2, p0  }
0x20: {  	[sflag:s8] =	ssyncset.s32 @!p0 $0xFFFFF086;
	s6 =	sadd.s32 @!p0 s3, s7;
	s7 =	simm.s32 @!p0 $0x108  }
0x21: {  	s3 =	sadd.s32 s3, s9;
	s6 =	sadd.s32 @!p0 $0x88, s6;
	s7 =	simm.s32 @p2 $0x1082  }
0x22: {  	[simem:s7], [sflag:s8] =	dma.local @!p0 [hbm:s6], $0xF7A  }
0x23: {  	s9 =	sor.u32 $0xD0000000, s2;
	s6 =	simm.s32 $0x108;
	_ =	swait.ge @!p0 [sflag:s8], $0x0  }
0x24: {  	s3 =	sadd.s32 $0x88, s3;
	s6 =	simm.s32 @!p1 $0x1082;
	[sflag:s4] =	ssyncset.s32 $0xFFFFF086  }
0x25: {  	[simem:s6], [sflag:s4] =	dma.local [hbm:s3], $0xF7A  }
0x26: {  	[smem:$0x3F98] =	sst s1;
	(tag) =	ssettag s2;
	_ =	strace s9  }
0x27: {  	s1 =	sld [smem:$0x3FA8]  }
0x28: {  	s2 =	sld [smem:$0x3FA9]  }
0x29: {  	s4 =	sld [smem:$0x3FAB]  }
0x2a: {  	p0 =	seq.s32 s5, $0x0;
	s5 =	sld [smem:$0x3FAC]  }
0x2b: {  	s6 =	sld [smem:$0x3FAD]  }
0x2c: {  	s7 =	sld [smem:$0x3FAE]  }
0x2d: {  	s3 =	simm.s32 $0x108;
	s8 =	sld [smem:$0x3FAF]  }
0x2e: {  	s3 =	simm.s32 @!p0 $0x1082;
	s9 =	sld [smem:$0x3FB0]  }
0x2f: {  	lr =	sadd.s32 s0, s3;
	s0 =	sld [smem:$0x3FA7]  }
0x30: {  	s3 =	sld [smem:$0x3FAA]  }
0x31: {  	[smem:$0x3FB3] =	sst s10  }
0x32: {  	s10 =	sld [smem:$0x3FB1];
	_ =	sdelay $0x3  }
0x33: {  	p0 =	seq.s32 s10, $0x1;
	s10 =	sld [smem:$0x3FB3];
	_ =	sdelay $0x3  }
0x34: {  	[smem:$0x3FB3] =	sst s10  }
0x35: {  	s10 =	sld [smem:$0x3FB2];
	_ =	sdelay $0x3  }
0x36: {  	p1 =	seq.s32 s10, $0x1;
	s10 =	sld [smem:$0x3FB3];
	_ =	sdelay $0x3  }
0x37: {  	[smem:$0x3FB3] =	sst s10  }
0x38: {  	s10 =	sld [smem:$0x3FB4]  }
0x39: {  	_ = 	snop;
	(pc) =	sbr.ind lr, $3  }
0x3a: {  	_ = 	snop  }
0x3b: {  	_ = 	snop  }
0x3c: {  	p2 =	seq.s32 s10, $0x1;
	s10 =	sld [smem:$0x3FB3]  }
0x3d: {  	_ =	shalt  }
0x3e: {  	_ =	shalt  }
0x3f: {  	_ =	shalt  }
0x40: {  	_ =	shalt  }
0x41: {  	_ =	shalt  }
0x42: {  	_ =	shalt  }
0x43: {  	_ =	shalt  }
0x44: {  	_ =	shalt  }
0x45: {  	_ =	shalt  }
0x46: {  	_ =	shalt  }
0x47: {  	_ =	shalt  }
0x48: {  	_ =	shalt  }
0x49: {  	_ =	shalt  }
0x4a: {  	_ =	shalt  }
0x4b: {  	_ =	shalt  }
0x4c: {  	_ =	shalt  }
0x4d: {  	_ =	shalt  }
0x4e: {  	_ =	shalt  }
0x4f: {  	_ =	shalt  }
0x50: {  	_ =	shalt  }
0x51: {  	_ =	shalt  }
0x52: {  	_ =	shalt  }
0x53: {  	_ =	shalt  }
0x54: {  	_ =	shalt  }
0x55: {  	_ =	shalt  }
0x56: {  	_ =	shalt  }
0x57: {  	_ =	shalt  }
0x58: {  	_ =	shalt  }
0x59: {  	_ =	shalt  }
0x5a: {  	_ =	shalt  }
0x5b: {  	_ =	shalt  }
0x5c: {  	_ =	shalt  }
0x5d: {  	_ =	shalt  }
0x5e: {  	_ =	shalt  }
0x5f: {  	_ =	shalt  }
0x60: {  	_ =	shalt  }
0x61: {  	_ =	shalt  }
0x62: {  	_ =	shalt  }
0x63: {  	_ =	shalt  }
0x64: {  	_ =	shalt  }
0x65: {  	_ =	shalt  }
0x66: {  	_ =	shalt  }
0x67: {  	_ =	shalt  }
0x68: {  	_ =	shalt  }
0x69: {  	_ =	shalt  }
0x6a: {  	_ =	shalt  }
0x6b: {  	_ =	shalt  }
0x6c: {  	_ =	shalt  }
0x6d: {  	_ =	shalt  }
0x6e: {  	_ =	shalt  }
0x6f: {  	_ =	shalt  }
0x70: {  	_ =	shalt  }
0x71: {  	_ =	shalt  }
0x72: {  	_ =	shalt  }
0x73: {  	_ =	shalt  }
0x74: {  	_ =	shalt  }
0x75: {  	_ =	shalt  }
0x76: {  	_ =	shalt  }
0x77: {  	_ =	shalt  }
0x78: {  	_ =	shalt  }
0x79: {  	_ =	shalt  }
0x7a: {  	_ =	shalt  }
0x7b: {  	_ =	shalt  }
0x7c: {  	_ =	shalt  }
0x7d: {  	_ =	shalt  }
0x7e: {  	_ =	shalt  }
0x7f: {  	_ =	shalt  }
0x80: {  	_ =	shalt  }
0x81: {  	_ =	shalt  }
0x82: {  	_ =	shalt  }
0x83: {  	_ =	shalt  }
0x84: {  	_ =	shalt  }
0x85: {  	_ =	shalt  }
0x86: {  	_ =	shalt  }
0x87: {  	_ =	shalt  }
.Lfunc_end0:
.L_simem_size_0:
called_computation.1_lowered:
.L_overlay_start_0:
0x88: {  	s2 =	sld [smem:$0x3FD9]  }
0x89: {  	s3 =	sld [smem:$0x3FFE];
	_ =	sdelay $0x1  }
0x8a: {  	s1 =	srdreg.scid  }
0x8b: {  	s0 =	sand.u32 $0x1, s1  }
0x8c: {  	s16 =	sshll.u32 s0, $0xA;
	s2 =	sadd.s32 s3, s2  }
0x8d: {  	s2 =	sadd.s32 s2, s16  }
0x8e: {  	[smem:$0x3FBF] =	sst s2  }
0x8f: {  	_ = 	snop  }
0x90: {  	(tm) =	ssettm $0x1  }
0x91: {  	s17 =	sld [smem:$0x3FFB];
	_ =	sdelay $0x3  }
0x92: {  	_ =	strace s17  }
0x93: {  	s2 =	sld [smem:$0x3FFC];
	_ =	sdelay $0x3  }
0x94: {  	_ =	strace s2  }
0x95: {  	s2 =	sld [smem:$0x3FFD];
	_ =	sdelay $0x3  }
0x96: {  	_ =	strace s2  }
0x97: {  	_ =	strace $0x8FFFFFFF  }
0x98: {  	s18 =	sld [smem:$0x3FDB];
	_ =	sdelay $0x1  }
0x99: {  	s19 =	simm.s32 $_scs_section_size  }
0x9a: {  	s4 =	simm.s32 $_size__tile_overlayer_lowered;
	s5 =	simm.s32 $_tile_overlayer_lowered  }
0x9b: {  	s22 =	simm.s32 $0x1BFF;
	s21 =	sshll.u32 s5, $0x1;
	s2 =	sadd.s32 s19, s18  }
0x9c: {  	s6 =	simm.s32 $0x0;
	s20 =	sshll.u32 s4, $0x1;
	s4 =	sadd.s32 s21, s2  }
0x9d: {  	[timem:s6], [sflag:s22] =	dma.local [hbm:s4], s20  }
0x9e: {  	_ =	swait.ge [sflag:s22], s20  }
0x9f: {  	s3 =	ssub.s32 $0x0, s20;
	[sflag:s22] =	ssyncset.done $0x0  }
0xa0: {  	[sflag:s22] =	ssyncadd.s32 s3;
	_ =	sdelay $0x1  }
0xa1: {  	s23 =	simm.s32 $0x1B8B  }
0xa2: {  	_ =	swait.ge [sflag:s23], $0x1  }
0xa3: {  	[sflag:s23] =	ssyncset.done $0x0  }
0xa4: {  	s25 =	simm.s32 $0x1B8E;
	s24 =	sld [smem:$0x3FFE];
	[sflag:s23] =	ssyncadd.s32 $0xFFFFFFFF  }
0xa5: {  	s26 =	simm.s32 $execute0_lowered;
	[smem:$0x3FD2] =	sst s25  }
0xa6: {  	s4 =	sshll.u32 s26, $0x1;
	_ =	strace $0x80000049;
	[dreg:$0x1] =	wrdreg $0xFFFFFFFF  }
0xa7: {  	s28 =	simm.s32 $_size_execute0_lowered;
	s2 =	sadd.s32 s2, s4;
	[dreg:$0x0] =	wrdreg $0x0  }
0xa8: {  	s4 =	sshll.u32 s28, $0x1;
	[dreg:$0x2] =	wrdreg s2  }
0xa9: {  	[dreg:$0x3] =	wrdreg s4  }
0xaa: {  	[dreg:$0x4] =	wrdreg $0xC0  }
0xab: {  	_ =	task [dreg:s6], $0x5FFFF  }
0xac: {  	[dreg:$0x1] =	wrdreg $0xFFFFFFFF  }
0xad: {  	[dreg:$0x0] =	wrdreg $0x60  }
0xae: {  	[dreg:$0x2] =	wrdreg s24  }
0xaf: {  	[dreg:$0x3] =	wrdreg $0x130000  }
0xb0: {  	[dreg:$0x4] =	wrdreg $0x9  }
0xb1: {  	_ =	task.clear_ibuf [dreg:s6], $0x5FFFF;
	_ =	strace $0x90000049  }
0xb2: {  	s29 =	simm.s32 $0x9;
	_ =	strace $0x8000004B  }
0xb3: {  	_ =	swait.ge [sflag:s29], $0x1  }
0xb4: {  	[sflag:s29] =	ssyncadd.s32 $0xFFFFFFFF  }
0xb5: {  	_ =	strace $0x9000004B  }
0xb6: {  	_ =	sfence  }
0xb7: {  	s30 =	sld [smem:$0x0];
	_ =	sdelay $0x2  }
0xb8: {  	s31 =	sshll.u32 s1, $0xD;
	s1 =	sshrl.u32 s1, $0x2  }
0xb9: {  	s3 =	sand.u32 $0x4000, s31;
	s1 =	sadd.s32 s1, s30  }
0xba: {  	s0 =	sor.u32 s3, s0;
	s1 =	sshll.u32 s1, $0x11  }
0xbb: {  	s0 =	sor.u32 s1, s0  }
0xbc: {  	s0 =	sadd.s32 $0x8F2B, s0  }
0xbd: {  	[sflag:s0] =	ssyncadd.remote.s32 $0x1  }
0xbe: {  	_ =	sfence.sel $0xFFFF  }
0xbf: {  	[dreg:$0x0] =	wrdreg $0xFFFFFFFF;
	(pc) =	sbr.abs _section_cstart, $3  }
0xc0: {  	[dreg:$0x1] =	wrdreg $0xFFFFFFFF  }
0xc1: {  	_ =	task.clear_ibuf [dreg:s6], $0x2FFFF;
	_ =	strace $0x9FFFFFFF  }
0xc2: {  	(tm) =	ssettm $0x7FFFFFFF  }
0xc3: {  	_ =	shalt  }
tec
execute0_lowered:
.L_overlay_start_1:
0x0: {  	(tag) =	ssettag $0x1  }
0x1: {  	s0 =	srdreg.scid;
	s1 =	rddreg [dreg:$0x0]  }
0x2: {  	s2 =	rddreg [dreg:$0x1];
	s3 =	simm.s32 $0x0;
	s9 =	stileid.u32  }
0x3: {  	s28 =	simm.s32 $0xC000;
	s30 =	simm.s32 $0xE000;
	s6 =	smul.u32 $0xA00, s9  }
0x4: {  	s29 =	simm.s32 $0x2;
	s31 =	simm.s32 $0x3;
	s8 =	smul.u32 $0x28000, s9  }
0x5: {  	s0 =	sand.u32 $0x1, s0;
	[smem:$0x7FF] =	sst s3;
	s10 =	smul.u32 $0xA000, s9  }
0x6: {  	s4 =	smul.u32 $0xA0000, s0;
	_ =	strace $0x8000004A;
	s0 =	ssub.s32 $0x2, s0  }
0x7: {  	s6 =	sadd.s32 s6, s1;
	s7 =	sshrl.u32 s0, $0x1;
	s17 =	sshrl.u32 s8, $0x2  }
0x8: {  	s22 =	sadd.s32 $0x2000, s10;
	s19 =	sadd.s32 $0x4000, s10;
	s20 =	sadd.s32 $0x6000, s10  }
0x9: {  	s21 =	sadd.s32 $0x8000, s10;
	s5 =	sshrl.u32 s4, $0x3;
	s0 =	ssub.s32 s0, s7  }
0xa: {  	s16 =	sadd.s32 $0x17600, s6;
	s6 =	sadd.s32 $0x3600, s6;
	s18 =	sadd.s32 s17, s2  }
0xb: {  	s7 =	sadd.s32 s10, s2;
	s9 =	sadd.s32 s22, s2;
	s13 =	sadd.s32 s20, s2  }
0xc: {  	s10 =	sadd.s32 s10, s4;
	s15 =	sadd.s32 s21, s2;
	s8 =	sadd.s32 s4, s22  }
0xd: {  	s25 =	sadd.s32 s4, s19;
	s26 =	sadd.s32 s4, s20;
	s4 =	sadd.s32 s4, s21  }
0xe: {  	s5 =	sadd.s32 s5, s1;
	s1 =	sadd.s32 $0x99600, s1;
	[dreg:$0x3] =	wrdreg s16  }
0xf: {  	[dreg:$0x4] =	wrdreg s6;
	s23 =	sadd.s32 $0x1000, s18;
	s11 =	sadd.s32 $0x3000, s18  }
0x10: {  	s12 =	sadd.s32 $0x5000, s18;
	s14 =	sadd.s32 $0x7000, s18;
	s10 =	sshrl.u32 s10, $0x3  }
0x11: {  	s16 =	sadd.s32 $0x9000, s18;
	s24 =	sshrl.u32 s8, $0x3;
	s8 =	sshrl.u32 s26, $0x3  }
0x12: {  	s4 =	sshrl.u32 s4, $0x3;
	s22 =	smax.u32 s0, $0x1;
	[dreg:$0x5] =	wrdreg s23  }
0x13: {  	s26 =	simm.s32 $0xA000;
	s0 =	simm.s32 $0x10000;
	[dreg:$0x6] =	wrdreg s11  }
0x14: {  	s6 =	sadd.s32 $0x71600, s5;
	s11 =	sadd.s32 s19, s2;
	[dreg:$0x7] =	wrdreg s12  }
0x15: {  	s17 =	sadd.s32 s1, s10;
	s18 =	sadd.s32 s1, s24;
	s5 =	sshrl.u32 s25, $0x3  }
0x16: {  	s20 =	sadd.s32 s1, s8;
	s21 =	sadd.s32 s1, s4;
	s23 =	simm.s32 $0x5  }
0x17: {  	s25 =	simm.s32 $0x80;
	s24 =	simm.s32 $0x1;
	s4 =	simm.s32 $0x4  }
0x18: {  	v0 =	vimm.f32 $0.0e+00;
	s19 =	sadd.s32 s1, s5;
	s1 =	simm.s32 $0x12000;
	s5 =	simm.s32 $0x0  }
.LBB2_1:
0x19: {  	s8 =	rddreg [dreg:$0x3]  }
0x1a: {  	[tilespmem:s3], [sflag:$0x5] =	stream.linear.gather [hbm4b:s8+s3], $0x5000, $0x38;
	[tilespmem:$0x1D000] =	vst v63  }
0x1b: {  	_ =	swait.ge [sflag:s23], $0x5000  }
0x1c: {  	[sflag:s23] =	ssyncset.done $0x0  }
0x1d: {  	s10 =	simm.s32 $0x5000;
	s12 =	rddreg [dreg:$0x4];
	[sflag:s23] =	ssyncadd.s32 $0xFFFFB000  }
0x1e: {  	[tilespmem:s10], [sflag:$0x5] =	stream.linear.gather [hbm4b:s12+s3], $0x5000, $0x38;
	[tilespmem:$0x1D000] =	vst v63  }
0x1f: {  	_ =	swait.ge [sflag:s23], $0x5000  }
0x20: {  	[sflag:s23] =	ssyncset.done $0x0  }
0x21: {  	[sflag:s23] =	ssyncadd.s32 $0xFFFFB000  }
0x22: {  	[tilespmem:s26], [sflag:$0x1] =	stream.indirect.gather [hbm4b:s6+s25], $0x40, s3, s25, $0xb8;
	[tilespmem:$0x1D000] =	vst v63  }
0x23: {  	_ = 	snop  }
0x24: {  	[tilespmem:s28], [sflag:$0x2] =	stream.indirect.gather [hbm4b:s6+s25], $0x40, s25, s25, $0xb8;
	[tilespmem:$0x1D000] =	vst v63  }
0x25: {  	s10 =	simm.s32 $0x100  }
0x26: {  	[tilespmem:s30], [sflag:$0x3] =	stream.indirect.gather [hbm4b:s6+s25], $0x40, s10, s25, $0xb8;
	[tilespmem:$0x1D000] =	vst v63  }
0x27: {  	s8 =	simm.s32 $0x0;
	s12 =	simm.s32 $0x180;
	s10 =	simm.s32 $0x100  }
0x28: {  	[tilespmem:s0], [sflag:$0x4] =	stream.indirect.gather [hbm4b:s6+s25], $0x40, s12, s25, $0xb8;
	[tilespmem:$0x1D000] =	vst v63  }
.LBB2_2:
0x29: {  	p0 =	sne.s32 s10, $0x3F00;
	[tilespmem:s8+$0x12030] =	vst v0;
	s12 =	smov.u32 s10;
	s10 =	sadd.s32 $0x100, s10  }
.Ltmp0:
0x2a: {  	[tilespmem:s8+$0x12020] =	vst v0;
	(pc) =	sbr.rel @p0 .LBB2_2-.Ltmp0, $3  }
0x2b: {  	[tilespmem:s8+$0x12000] =	vst v0  }
0x2c: {  	[tilespmem:s8+$0x12010] =	vst v0;
	_ =	sdelay $0x1  }
0x2d: {  	s8 =	sshra.s32 s12, $0x2  }
0x2e: {  	[tilespmem:s8+$0x12030] =	vst v0  }
0x2f: {  	[tilespmem:s8+$0x12020] =	vst v0  }
0x30: {  	[tilespmem:s8+$0x12000] =	vst v0  }
0x31: {  	[tilespmem:s8+$0x12010] =	vst v0  }
0x32: {  	[spmem:s7] =	stream.linear.scatter [tilespmem:s1], [sflag:$0x5], $0x1000, $0x38;
	[tilespmem:$0x1D000] =	vst v63  }
0x33: {  	_ =	swait.ge [sflag:s23], $0x1000  }
0x34: {  	[sflag:s23] =	ssyncset.done $0x0  }
0x35: {  	s10 =	rddreg [dreg:$0x5];
	[sflag:s23] =	ssyncadd.s32 $0xFFFFF000  }
0x36: {  	[spmem:s10] =	stream.linear.scatter [tilespmem:s1], [sflag:$0x5], $0x1000, $0x38;
	[tilespmem:$0x1D000] =	vst v63  }
0x37: {  	_ =	swait.ge [sflag:s23], $0x1000  }
0x38: {  	[sflag:s23] =	ssyncset.done $0x0  }
0x39: {  	[sflag:s23] =	ssyncadd.s32 $0xFFFFF000  }
0x3a: {  	[spmem:s9] =	stream.linear.scatter [tilespmem:s1], [sflag:$0x5], $0x1000, $0x38;
	[tilespmem:$0x1D000] =	vst v63  }
0x3b: {  	_ =	swait.ge [sflag:s23], $0x1000  }
0x3c: {  	[sflag:s23] =	ssyncset.done $0x0  }
0x3d: {  	s12 =	rddreg [dreg:$0x6];
	[sflag:s23] =	ssyncadd.s32 $0xFFFFF000  }
0x3e: {  	[spmem:s12] =	stream.linear.scatter [tilespmem:s1], [sflag:$0x5], $0x1000, $0x38;
	[tilespmem:$0x1D000] =	vst v63  }
0x3f: {  	_ =	swait.ge [sflag:s23], $0x1000  }
0x40: {  	[sflag:s23] =	ssyncset.done $0x0  }
0x41: {  	[sflag:s23] =	ssyncadd.s32 $0xFFFFF000  }
0x42: {  	[spmem:s11] =	stream.linear.scatter [tilespmem:s1], [sflag:$0x5], $0x1000, $0x38;
	[tilespmem:$0x1D000] =	vst v63  }
0x43: {  	_ =	swait.ge [sflag:s23], $0x1000  }
0x44: {  	[sflag:s23] =	ssyncset.done $0x0  }
0x45: {  	s10 =	rddreg [dreg:$0x7];
	[sflag:s23] =	ssyncadd.s32 $0xFFFFF000  }
0x46: {  	[spmem:s10] =	stream.linear.scatter [tilespmem:s1], [sflag:$0x5], $0x1000, $0x38;
	[tilespmem:$0x1D000] =	vst v63  }
0x47: {  	_ =	swait.ge [sflag:s23], $0x1000  }
0x48: {  	[sflag:s23] =	ssyncset.done $0x0  }
0x49: {  	[sflag:s23] =	ssyncadd.s32 $0xFFFFF000  }
0x4a: {  	[spmem:s13] =	stream.linear.scatter [tilespmem:s1], [sflag:$0x5], $0x1000, $0x38;
	[tilespmem:$0x1D000] =	vst v63  }
0x4b: {  	_ =	swait.ge [sflag:s23], $0x1000  }
0x4c: {  	[sflag:s23] =	ssyncset.done $0x0  }
0x4d: {  	[sflag:s23] =	ssyncadd.s32 $0xFFFFF000  }
0x4e: {  	[spmem:s14] =	stream.linear.scatter [tilespmem:s1], [sflag:$0x5], $0x1000, $0x38;
	[tilespmem:$0x1D000] =	vst v63  }
0x4f: {  	_ =	swait.ge [sflag:s23], $0x1000  }
0x50: {  	[sflag:s23] =	ssyncset.done $0x0  }
0x51: {  	[sflag:s23] =	ssyncadd.s32 $0xFFFFF000  }
0x52: {  	[spmem:s15] =	stream.linear.scatter [tilespmem:s1], [sflag:$0x5], $0x1000, $0x38;
	[tilespmem:$0x1D000] =	vst v63  }
0x53: {  	_ =	swait.ge [sflag:s23], $0x1000  }
0x54: {  	[sflag:s23] =	ssyncset.done $0x0  }
0x55: {  	[sflag:s23] =	ssyncadd.s32 $0xFFFFF000  }
0x56: {  	[spmem:s16] =	stream.linear.scatter [tilespmem:s1], [sflag:$0x5], $0x1000, $0x38;
	[tilespmem:$0x1D000] =	vst v63  }
0x57: {  	_ =	swait.ge [sflag:s23], $0x1000  }
0x58: {  	[sflag:s23] =	ssyncset.done $0x0  }
0x59: {  	[sflag:s23] =	ssyncadd.s32 $0xFFFFF000  }
0x5a: {  	[bflag:$0x0] =	sbarrier.arrive $0xFFFF  }
0x5b: {  	_ =	swait.ge [sflag:s24], $0x2000  }
0x5c: {  	[sflag:s24] =	ssyncset.done $0x0  }
0x5d: {  	s12 =	simm.s32 $0x5000;
	[sflag:s24] =	ssyncadd.s32 $0xFFFFE000  }
0x5e: {  	[spmem:s2] =	stream.indirect.scatter.add.f32 [tilespmem:s26], [sflag:$0x5], $0x40, s12, s25, $0xb8;
	[tilespmem:$0x1D000] =	vst v63  }
0x5f: {  	_ =	swait.ge [sflag:s23], $0x2000  }
0x60: {  	[sflag:s23] =	ssyncset.done $0x0  }
0x61: {  	s10 =	simm.s32 $0x200;
	[sflag:s23] =	ssyncadd.s32 $0xFFFFE000  }
0x62: {  	[tilespmem:s26], [sflag:$0x1] =	stream.indirect.gather [hbm4b:s6+s25], $0x40, s10, s25, $0xb8;
	[tilespmem:$0x1D000] =	vst v63  }
0x63: {  	_ =	swait.ge [sflag:s29], $0x2000  }
0x64: {  	[sflag:s29] =	ssyncset.done $0x0  }
0x65: {  	s12 =	simm.s32 $0x5080;
	[sflag:s29] =	ssyncadd.s32 $0xFFFFE000  }
0x66: {  	[spmem:s2] =	stream.indirect.scatter.add.f32 [tilespmem:s28], [sflag:$0x5], $0x40, s12, s25, $0xb8;
	[tilespmem:$0x1D000] =	vst v63  }
0x67: {  	_ =	swait.ge [sflag:s23], $0x2000  }
0x68: {  	[sflag:s23] =	ssyncset.done $0x0  }
0x69: {  	s10 =	simm.s32 $0x280;
	[sflag:s23] =	ssyncadd.s32 $0xFFFFE000  }
0x6a: {  	[tilespmem:s28], [sflag:$0x2] =	stream.indirect.gather [hbm4b:s6+s25], $0x40, s10, s25, $0xb8;
	[tilespmem:$0x1D000] =	vst v63  }
0x6b: {  	_ =	swait.ge [sflag:s31], $0x2000  }
0x6c: {  	[sflag:s31] =	ssyncset.done $0x0  }
0x6d: {  	s12 =	simm.s32 $0x5100;
	[sflag:s31] =	ssyncadd.s32 $0xFFFFE000  }
0x6e: {  	[spmem:s2] =	stream.indirect.scatter.add.f32 [tilespmem:s30], [sflag:$0x5], $0x40, s12, s25, $0xb8;
	[tilespmem:$0x1D000] =	vst v63  }
0x6f: {  	_ =	swait.ge [sflag:s23], $0x2000  }
0x70: {  	[sflag:s23] =	ssyncset.done $0x0  }
0x71: {  	s10 =	simm.s32 $0x300;
	[sflag:s23] =	ssyncadd.s32 $0xFFFFE000  }
0x72: {  	[tilespmem:s30], [sflag:$0x3] =	stream.indirect.gather [hbm4b:s6+s25], $0x40, s10, s25, $0xb8;
	[tilespmem:$0x1D000] =	vst v63  }
0x73: {  	_ =	swait.ge [sflag:s4], $0x2000  }
0x74: {  	[sflag:s4] =	ssyncset.done $0x0  }
0x75: {  	s12 =	simm.s32 $0x5180;
	[sflag:s4] =	ssyncadd.s32 $0xFFFFE000  }
0x76: {  	[spmem:s2] =	stream.indirect.scatter.add.f32 [tilespmem:s0], [sflag:$0x5], $0x40, s12, s25, $0xb8;
	[tilespmem:$0x1D000] =	vst v63  }
0x77: {  	_ =	swait.ge [sflag:s23], $0x2000  }
0x78: {  	[sflag:s23] =	ssyncset.done $0x0  }
0x79: {  	s8 =	simm.s32 $0x800;
	s10 =	simm.s32 $0x380;
	[sflag:s23] =	ssyncadd.s32 $0xFFFFE000  }
.LBB2_4:
0x7a: {  	[tilespmem:s0], [sflag:$0x4] =	stream.indirect.gather [hbm4b:s6+s25], $0x40, s10, s25, $0xb8;
	[tilespmem:$0x1D000] =	vst v63  }
0x7b: {  	s10 =	smov.u32 s8  }
0x7c: {  	p0 =	sne.s32 s8, $0x13000;
	s8 =	sadd.s32 $0x800, s8;
	_ =	swait.ge [sflag:s24], $0x2000  }
0x7d: {  	s10 =	sshra.s32 s10, $0x2;
	[sflag:s24] =	ssyncset.done $0x0  }
0x7e: {  	s12 =	sadd.s32 $0x5000, s10;
	[sflag:s24] =	ssyncadd.s32 $0xFFFFE000  }
0x7f: {  	[spmem:s2] =	stream.indirect.scatter.add.f32 [tilespmem:s26], [sflag:$0x5], $0x40, s12, s25, $0xb8;
	[tilespmem:$0x1D000] =	vst v63  }
0x80: {  	_ =	swait.ge [sflag:s23], $0x2000  }
0x81: {  	[sflag:s23] =	ssyncset.done $0x0  }
0x82: {  	s12 =	sadd.s32 $0x200, s10;
	[sflag:s23] =	ssyncadd.s32 $0xFFFFE000  }
0x83: {  	[tilespmem:s26], [sflag:$0x1] =	stream.indirect.gather [hbm4b:s6+s25], $0x40, s12, s25, $0xb8;
	[tilespmem:$0x1D000] =	vst v63  }
0x84: {  	_ =	swait.ge [sflag:s29], $0x2000  }
0x85: {  	[sflag:s29] =	ssyncset.done $0x0  }
0x86: {  	s12 =	sadd.s32 $0x5080, s10;
	[sflag:s29] =	ssyncadd.s32 $0xFFFFE000  }
0x87: {  	[spmem:s2] =	stream.indirect.scatter.add.f32 [tilespmem:s28], [sflag:$0x5], $0x40, s12, s25, $0xb8;
	[tilespmem:$0x1D000] =	vst v63  }
0x88: {  	_ =	swait.ge [sflag:s23], $0x2000  }
0x89: {  	[sflag:s23] =	ssyncset.done $0x0  }
0x8a: {  	s12 =	sadd.s32 $0x280, s10;
	[sflag:s23] =	ssyncadd.s32 $0xFFFFE000  }
0x8b: {  	[tilespmem:s28], [sflag:$0x2] =	stream.indirect.gather [hbm4b:s6+s25], $0x40, s12, s25, $0xb8;
	[tilespmem:$0x1D000] =	vst v63  }
0x8c: {  	_ =	swait.ge [sflag:s31], $0x2000  }
0x8d: {  	[sflag:s31] =	ssyncset.done $0x0  }
0x8e: {  	s12 =	sadd.s32 $0x5100, s10;
	[sflag:s31] =	ssyncadd.s32 $0xFFFFE000  }
0x8f: {  	[spmem:s2] =	stream.indirect.scatter.add.f32 [tilespmem:s30], [sflag:$0x5], $0x40, s12, s25, $0xb8;
	[tilespmem:$0x1D000] =	vst v63  }
0x90: {  	_ =	swait.ge [sflag:s23], $0x2000  }
0x91: {  	[sflag:s23] =	ssyncset.done $0x0  }
0x92: {  	s12 =	sadd.s32 $0x300, s10;
	[sflag:s23] =	ssyncadd.s32 $0xFFFFE000  }
0x93: {  	[tilespmem:s30], [sflag:$0x3] =	stream.indirect.gather [hbm4b:s6+s25], $0x40, s12, s25, $0xb8;
	[tilespmem:$0x1D000] =	vst v63  }
0x94: {  	_ =	swait.ge [sflag:s4], $0x2000  }
0x95: {  	[sflag:s4] =	ssyncset.done $0x0  }
.Ltmp1:
0x96: {  	s12 =	sadd.s32 $0x5180, s10;
	[sflag:s4] =	ssyncadd.s32 $0xFFFFE000;
	(pc) =	sbr.rel @p0 .LBB2_4-.Ltmp1, $4  }
0x97: {  	[spmem:s2] =	stream.indirect.scatter.add.f32 [tilespmem:s0], [sflag:$0x5], $0x40, s12, s25, $0xb8;
	[tilespmem:$0x1D000] =	vst v63  }
0x98: {  	_ =	swait.ge [sflag:s23], $0x2000  }
0x99: {  	[sflag:s23] =	ssyncset.done $0x0  }
0x9a: {  	s10 =	sadd.s32 $0x380, s10;
	[sflag:s23] =	ssyncadd.s32 $0xFFFFE000  }
0x9b: {  	[tilespmem:s0], [sflag:$0x4] =	stream.indirect.gather [hbm4b:s6+s25], $0x40, s10, s25, $0xb8;
	[tilespmem:$0x1D000] =	vst v63  }
0x9c: {  	_ =	swait.ge [sflag:s24], $0x2000  }
0x9d: {  	[sflag:s24] =	ssyncset.done $0x0  }
0x9e: {  	s8 =	simm.s32 $0x9E00;
	[sflag:s24] =	ssyncadd.s32 $0xFFFFE000  }
0x9f: {  	[spmem:s2] =	stream.indirect.scatter.add.f32 [tilespmem:s26], [sflag:$0x5], $0x40, s8, s25, $0xb8;
	[tilespmem:$0x1D000] =	vst v63  }
0xa0: {  	_ =	swait.ge [sflag:s23], $0x2000  }
0xa1: {  	[sflag:s23] =	ssyncset.done $0x0  }
0xa2: {  	[sflag:s23] =	ssyncadd.s32 $0xFFFFE000  }
0xa3: {  	_ =	swait.ge [sflag:s29], $0x2000  }
0xa4: {  	[sflag:s29] =	ssyncset.done $0x0  }
0xa5: {  	s12 =	simm.s32 $0x9E80;
	[sflag:s29] =	ssyncadd.s32 $0xFFFFE000  }
0xa6: {  	[spmem:s2] =	stream.indirect.scatter.add.f32 [tilespmem:s28], [sflag:$0x5], $0x40, s12, s25, $0xb8;
	[tilespmem:$0x1D000] =	vst v63  }
0xa7: {  	_ =	swait.ge [sflag:s23], $0x2000  }
0xa8: {  	[sflag:s23] =	ssyncset.done $0x0  }
0xa9: {  	[sflag:s23] =	ssyncadd.s32 $0xFFFFE000  }
0xaa: {  	_ =	swait.ge [sflag:s31], $0x2000  }
0xab: {  	[sflag:s31] =	ssyncset.done $0x0  }
0xac: {  	s10 =	simm.s32 $0x9F00;
	[sflag:s31] =	ssyncadd.s32 $0xFFFFE000  }
0xad: {  	[spmem:s2] =	stream.indirect.scatter.add.f32 [tilespmem:s30], [sflag:$0x5], $0x40, s10, s25, $0xb8;
	[tilespmem:$0x1D000] =	vst v63  }
0xae: {  	_ =	swait.ge [sflag:s23], $0x2000  }
0xaf: {  	[sflag:s23] =	ssyncset.done $0x0  }
0xb0: {  	[sflag:s23] =	ssyncadd.s32 $0xFFFFE000  }
0xb1: {  	_ =	swait.ge [sflag:s4], $0x2000  }
0xb2: {  	[sflag:s4] =	ssyncset.done $0x0  }
0xb3: {  	s12 =	simm.s32 $0x9F80;
	[sflag:s4] =	ssyncadd.s32 $0xFFFFE000  }
0xb4: {  	[spmem:s2] =	stream.indirect.scatter.add.f32 [tilespmem:s0], [sflag:$0x5], $0x40, s12, s25, $0xb8;
	[tilespmem:$0x1D000] =	vst v63  }
0xb5: {  	_ =	swait.ge [sflag:s23], $0x2000  }
0xb6: {  	[sflag:s23] =	ssyncset.done $0x0  }
0xb7: {  	[sflag:s23] =	ssyncadd.s32 $0xFFFFE000  }
0xb8: {  	[bflag:$0x0] =	sbarrier.arrive $0xFFFF  }
0xb9: {  	[tilespmem:s26], [sflag:$0x5] =	stream.linear.gather [spmem:s7], $0x2000, $0x38;
	[tilespmem:$0x1D000] =	vst v63  }
0xba: {  	_ =	swait.ge [sflag:s23], $0x2000  }
0xbb: {  	[sflag:s23] =	ssyncset.done $0x0  }
0xbc: {  	[sflag:s23] =	ssyncadd.s32 $0xFFFFE000  }
0xbd: {  	[hbm4b:s17+s3] =	stream.linear.scatter [tilespmem:s26], [sflag:$0x5], $0x2000, $0x38;
	[tilespmem:$0x1D000] =	vst v63  }
0xbe: {  	_ =	swait.ge [sflag:s23], $0x2000  }
0xbf: {  	[sflag:s23] =	ssyncset.done $0x0  }
0xc0: {  	[sflag:s23] =	ssyncadd.s32 $0xFFFFE000  }
0xc1: {  	[tilespmem:s26], [sflag:$0x5] =	stream.linear.gather [spmem:s9], $0x2000, $0x38;
	[tilespmem:$0x1D000] =	vst v63  }
0xc2: {  	_ =	swait.ge [sflag:s23], $0x2000  }
0xc3: {  	[sflag:s23] =	ssyncset.done $0x0  }
0xc4: {  	[sflag:s23] =	ssyncadd.s32 $0xFFFFE000  }
0xc5: {  	[hbm4b:s18+s3] =	stream.linear.scatter [tilespmem:s26], [sflag:$0x5], $0x2000, $0x38;
	[tilespmem:$0x1D000] =	vst v63  }
0xc6: {  	_ =	swait.ge [sflag:s23], $0x2000  }
0xc7: {  	[sflag:s23] =	ssyncset.done $0x0  }
0xc8: {  	[sflag:s23] =	ssyncadd.s32 $0xFFFFE000  }
0xc9: {  	[tilespmem:s26], [sflag:$0x5] =	stream.linear.gather [spmem:s11], $0x2000, $0x38;
	[tilespmem:$0x1D000] =	vst v63  }
0xca: {  	_ =	swait.ge [sflag:s23], $0x2000  }
0xcb: {  	[sflag:s23] =	ssyncset.done $0x0  }
0xcc: {  	[sflag:s23] =	ssyncadd.s32 $0xFFFFE000  }
0xcd: {  	[hbm4b:s19+s3] =	stream.linear.scatter [tilespmem:s26], [sflag:$0x5], $0x2000, $0x38;
	[tilespmem:$0x1D000] =	vst v63  }
0xce: {  	_ =	swait.ge [sflag:s23], $0x2000  }
0xcf: {  	[sflag:s23] =	ssyncset.done $0x0  }
0xd0: {  	[sflag:s23] =	ssyncadd.s32 $0xFFFFE000  }
0xd1: {  	[tilespmem:s26], [sflag:$0x5] =	stream.linear.gather [spmem:s13], $0x2000, $0x38;
	[tilespmem:$0x1D000] =	vst v63  }
0xd2: {  	_ =	swait.ge [sflag:s23], $0x2000  }
0xd3: {  	[sflag:s23] =	ssyncset.done $0x0  }
0xd4: {  	[sflag:s23] =	ssyncadd.s32 $0xFFFFE000  }
0xd5: {  	[hbm4b:s20+s3] =	stream.linear.scatter [tilespmem:s26], [sflag:$0x5], $0x2000, $0x38;
	[tilespmem:$0x1D000] =	vst v63  }
0xd6: {  	_ =	swait.ge [sflag:s23], $0x2000  }
0xd7: {  	[sflag:s23] =	ssyncset.done $0x0  }
0xd8: {  	[sflag:s23] =	ssyncadd.s32 $0xFFFFE000  }
0xd9: {  	[tilespmem:s26], [sflag:$0x5] =	stream.linear.gather [spmem:s15], $0x2000, $0x38;
	[tilespmem:$0x1D000] =	vst v63  }
0xda: {  	s5 =	sadd.s32 $0x1, s5;
	_ =	swait.ge [sflag:s23], $0x2000  }
0xdb: {  	p0 =	sne.s32 s5, s22;
	[sflag:s23] =	ssyncset.done $0x0  }
.Ltmp2:
0xdc: {  	[sflag:s23] =	ssyncadd.s32 $0xFFFFE000;
	(pc) =	sbr.rel @p0 .LBB2_1-.Ltmp2, $4  }
0xdd: {  	[hbm4b:s21+s3] =	stream.linear.scatter [tilespmem:s26], [sflag:$0x5], $0x2000, $0x38;
	[tilespmem:$0x1D000] =	vst v63  }
0xde: {  	_ =	swait.ge [sflag:s23], $0x2000  }
0xdf: {  	[sflag:s23] =	ssyncset.done $0x0  }
0xe0: {  	[sflag:s23] =	ssyncadd.s32 $0xFFFFE000  }
0xe1: {  	_ =	sfence.sel $0x180000  }
0xe2: {  	[bflag:$0x0] =	sbarrier.arrive $0xFFFF  }
0xe3: {  	_ =	strace $0x9000004A  }
0xe4: {  	s0 =	stileid.u32;
	[bflag:$0x2] =	sbarrier.arrive $0xFFFF  }
0xe5: {  	p0 =	sne.s32 s0, $0x0;
	s0 =	rddreg [dreg:$0x2]  }
0xe6: {  	s0 =	sadd.s32 @!p0 $0x100000, s0  }
0xe7: {  	[sflag:s0] =	ssyncadd.tile.s32 @!p0 $0x1;
	_ =	shalt  }
.Lfunc_end2:
_tile_overlayer_lowered:
.L_overlay_start_2:
0xe8: {  	(tag) =	ssettag $0x2  }
0xe9: {  	s0 =	rddreg [dreg:$0x0];
	s2 =	stileid.u32  }
0xea: {  	s1 =	rddreg [dreg:$0x1];
	p0 =	sne.s32 s2, $0x0  }
0xeb: {  	s3 =	rddreg [dreg:$0x2];
	[bflag:$0x3] =	sbarrier.arrive $0xFFFF;
	s2 =	simm.s32 @!p0 $0x1C05  }
0xec: {  	[timem:s3], [sflag:s2] =	dma.local @!p0 [hbm:s0], s1  }
0xed: {  	s0 =	simm.s32 @!p0 $0x5  }
0xee: {  	_ =	swait.ge @!p0 [sflag:s0], s1  }
0xef: {  	s1 =	ssub.s32 @!p0 $0x0, s1;
	[sflag:s0] =	ssyncset.done @!p0 $0x0  }
0xf0: {  	[sflag:s0] =	ssyncadd.s32 @!p0 s1  }
0xf1: {  	[bflag:$0x3] =	sbarrier.arrive $0xFFFF  }
0xf2: {  	_ =	shalt  }

// kernel: kernel.16.cloned.1.call-start
scs
__scs_entry_jumppad:
0x0: {  	(pc) =	sbr.rel $0x88, $3  }
0x1: {  	(tag) =	ssettag $0x0;
	lr =	simm.s32 $0x1  }
0x2: {  	[smem:$0x3F98] =	sst lr;
	_ =	strace $0xD0000000  }
0x3: {  	_ = 	snop  }
0x4: {  	_ = 	snop  }
0x5: {  	_ = 	snop  }
0x6: {  	_ = 	snop  }
0x7: {  	_ = 	snop  }
__scs_overlays_trampoline_lowered:
0x8: {  	[smem:$0x3FA7] =	sst s0  }
0x9: {  	[smem:$0x3FA8] =	sst s1  }
0xa: {  	[smem:$0x3FA9] =	sst s2  }
0xb: {  	[smem:$0x3FAA] =	sst s3  }
0xc: {  	[smem:$0x3FAB] =	sst s4  }
0xd: {  	[smem:$0x3FAC] =	sst s5  }
0xe: {  	[smem:$0x3FAD] =	sst s6  }
0xf: {  	[smem:$0x3FAE] =	sst s7  }
0x10: {  	[smem:$0x3FAF] =	sst s8  }
0x11: {  	[smem:$0x3FB0] =	sst s9;
	s0 =	simm.s32 @!p0 $0x0  }
0x12: {  	s1 =	sld [smem:$0x3F96];
	s0 =	simm.s32 @p0 $0x1  }
0x13: {  	[smem:$0x3FB1] =	sst s0;
	s0 =	simm.s32 @!p1 $0x0  }
0x14: {  	s2 =	sld [smem:$0x3F95];
	s0 =	simm.s32 @p1 $0x1  }
0x15: {  	[smem:$0x3FB2] =	sst s0;
	s0 =	simm.s32 @!p2 $0x0  }
0x16: {  	s3 =	sld [smem:$0x3FDB];
	s0 =	simm.s32 @p2 $0x1  }
0x17: {  	s4 =	simm.s32 $0x1BF5;
	[smem:$0x3FB4] =	sst s0  }
0x18: {  	s0 =	sld [smem:$0x3F97];
	_ =	swait.ge [sflag:s4], $0x0  }
0x19: {  	s7 =	sld [smem:$0x3F98]  }
0x1a: {  	s8 =	sadd.s32 $0xFFFFE003, lr  }
0x1b: {  	s9 =	sadd.s32 $0xFFFFFEF7, lr;
	s5 =	simm.s32 $0xFFFFFFFF;
	p2 =	slt.u32 s8, $0xFFFFF086  }
0x1c: {  	p1 =	slt.u32 s9, $0xF7A;
	s5 =	simm.s32 @!p2 $0x0  }
0x1d: {  	s5 =	simm.s32 @p1 $0x1;
	p0 =	seq.s32 s7, s2  }
0x1e: {  	s7 =	smul.u32 @!p0 $0xF7A, s2;
	p2 =	seq.s32 @!p0 s5, $0x0  }
0x1f: {  	s9 =	smul.u32 $0xF7A, s1;
	s8 =	simm.s32 @!p0 $0x1BF5;
	p2 =	por !p2, p0  }
0x20: {  	[sflag:s8] =	ssyncset.s32 @!p0 $0xFFFFF086;
	s6 =	sadd.s32 @!p0 s3, s7;
	s7 =	simm.s32 @!p0 $0x108  }
0x21: {  	s3 =	sadd.s32 s3, s9;
	s6 =	sadd.s32 @!p0 $0x88, s6;
	s7 =	simm.s32 @p2 $0x1082  }
0x22: {  	[simem:s7], [sflag:s8] =	dma.local @!p0 [hbm:s6], $0xF7A  }
0x23: {  	s9 =	sor.u32 $0xD0000000, s2;
	s6 =	simm.s32 $0x108;
	_ =	swait.ge @!p0 [sflag:s8], $0x0  }
0x24: {  	s3 =	sadd.s32 $0x88, s3;
	s6 =	simm.s32 @!p1 $0x1082;
	[sflag:s4] =	ssyncset.s32 $0xFFFFF086  }
0x25: {  	[simem:s6], [sflag:s4] =	dma.local [hbm:s3], $0xF7A  }
0x26: {  	[smem:$0x3F98] =	sst s1;
	(tag) =	ssettag s2;
	_ =	strace s9  }
0x27: {  	s1 =	sld [smem:$0x3FA8]  }
0x28: {  	s2 =	sld [smem:$0x3FA9]  }
0x29: {  	s4 =	sld [smem:$0x3FAB]  }
0x2a: {  	p0 =	seq.s32 s5, $0x0;
	s5 =	sld [smem:$0x3FAC]  }
0x2b: {  	s6 =	sld [smem:$0x3FAD]  }
0x2c: {  	s7 =	sld [smem:$0x3FAE]  }
0x2d: {  	s3 =	simm.s32 $0x108;
	s8 =	sld [smem:$0x3FAF]  }
0x2e: {  	s3 =	simm.s32 @!p0 $0x1082;
	s9 =	sld [smem:$0x3FB0]  }
0x2f: {  	lr =	sadd.s32 s0, s3;
	s0 =	sld [smem:$0x3FA7]  }
0x30: {  	s3 =	sld [smem:$0x3FAA]  }
0x31: {  	[smem:$0x3FB3] =	sst s10  }
0x32: {  	s10 =	sld [smem:$0x3FB1];
	_ =	sdelay $0x3  }
0x33: {  	p0 =	seq.s32 s10, $0x1;
	s10 =	sld [smem:$0x3FB3];
	_ =	sdelay $0x3  }
0x34: {  	[smem:$0x3FB3] =	sst s10  }
0x35: {  	s10 =	sld [smem:$0x3FB2];
	_ =	sdelay $0x3  }
0x36: {  	p1 =	seq.s32 s10, $0x1;
	s10 =	sld [smem:$0x3FB3];
	_ =	sdelay $0x3  }
0x37: {  	[smem:$0x3FB3] =	sst s10  }
0x38: {  	s10 =	sld [smem:$0x3FB4]  }
0x39: {  	_ = 	snop;
	(pc) =	sbr.ind lr, $3  }
0x3a: {  	_ = 	snop  }
0x3b: {  	_ = 	snop  }
0x3c: {  	p2 =	seq.s32 s10, $0x1;
	s10 =	sld [smem:$0x3FB3]  }
0x3d: {  	_ =	shalt  }
0x3e: {  	_ =	shalt  }
0x3f: {  	_ =	shalt  }
0x40: {  	_ =	shalt  }
0x41: {  	_ =	shalt  }
0x42: {  	_ =	shalt  }
0x43: {  	_ =	shalt  }
0x44: {  	_ =	shalt  }
0x45: {  	_ =	shalt  }
0x46: {  	_ =	shalt  }
0x47: {  	_ =	shalt  }
0x48: {  	_ =	shalt  }
0x49: {  	_ =	shalt  }
0x4a: {  	_ =	shalt  }
0x4b: {  	_ =	shalt  }
0x4c: {  	_ =	shalt  }
0x4d: {  	_ =	shalt  }
0x4e: {  	_ =	shalt  }
0x4f: {  	_ =	shalt  }
0x50: {  	_ =	shalt  }
0x51: {  	_ =	shalt  }
0x52: {  	_ =	shalt  }
0x53: {  	_ =	shalt  }
0x54: {  	_ =	shalt  }
0x55: {  	_ =	shalt  }
0x56: {  	_ =	shalt  }
0x57: {  	_ =	shalt  }
0x58: {  	_ =	shalt  }
0x59: {  	_ =	shalt  }
0x5a: {  	_ =	shalt  }
0x5b: {  	_ =	shalt  }
0x5c: {  	_ =	shalt  }
0x5d: {  	_ =	shalt  }
0x5e: {  	_ =	shalt  }
0x5f: {  	_ =	shalt  }
0x60: {  	_ =	shalt  }
0x61: {  	_ =	shalt  }
0x62: {  	_ =	shalt  }
0x63: {  	_ =	shalt  }
0x64: {  	_ =	shalt  }
0x65: {  	_ =	shalt  }
0x66: {  	_ =	shalt  }
0x67: {  	_ =	shalt  }
0x68: {  	_ =	shalt  }
0x69: {  	_ =	shalt  }
0x6a: {  	_ =	shalt  }
0x6b: {  	_ =	shalt  }
0x6c: {  	_ =	shalt  }
0x6d: {  	_ =	shalt  }
0x6e: {  	_ =	shalt  }
0x6f: {  	_ =	shalt  }
0x70: {  	_ =	shalt  }
0x71: {  	_ =	shalt  }
0x72: {  	_ =	shalt  }
0x73: {  	_ =	shalt  }
0x74: {  	_ =	shalt  }
0x75: {  	_ =	shalt  }
0x76: {  	_ =	shalt  }
0x77: {  	_ =	shalt  }
0x78: {  	_ =	shalt  }
0x79: {  	_ =	shalt  }
0x7a: {  	_ =	shalt  }
0x7b: {  	_ =	shalt  }
0x7c: {  	_ =	shalt  }
0x7d: {  	_ =	shalt  }
0x7e: {  	_ =	shalt  }
0x7f: {  	_ =	shalt  }
0x80: {  	_ =	shalt  }
0x81: {  	_ =	shalt  }
0x82: {  	_ =	shalt  }
0x83: {  	_ =	shalt  }
0x84: {  	_ =	shalt  }
0x85: {  	_ =	shalt  }
0x86: {  	_ =	shalt  }
0x87: {  	_ =	shalt  }
.Lfunc_end0:
.L_simem_size_0:
called_computation.2_lowered:
.L_overlay_start_0:
0x88: {  	s2 =	sld [smem:$0x3FD9]  }
0x89: {  	s3 =	sld [smem:$0x3FFE];
	_ =	sdelay $0x1  }
0x8a: {  	s1 =	srdreg.scid  }
0x8b: {  	s0 =	sand.u32 $0x1, s1  }
0x8c: {  	s16 =	sshll.u32 s0, $0xA;
	s2 =	sadd.s32 s3, s2  }
0x8d: {  	s2 =	sadd.s32 s2, s16  }
0x8e: {  	[smem:$0x3FBF] =	sst s2  }
0x8f: {  	_ = 	snop  }
0x90: {  	(tm) =	ssettm $0x1  }
0x91: {  	s17 =	sld [smem:$0x3FFB];
	_ =	sdelay $0x3  }
0x92: {  	_ =	strace s17  }
0x93: {  	s2 =	sld [smem:$0x3FFC];
	_ =	sdelay $0x3  }
0x94: {  	_ =	strace s2  }
0x95: {  	s2 =	sld [smem:$0x3FFD];
	_ =	sdelay $0x3  }
0x96: {  	_ =	strace s2  }
0x97: {  	_ =	strace $0x8FFFFFFF  }
0x98: {  	s18 =	sld [smem:$0x3FDB];
	_ =	sdelay $0x1  }
0x99: {  	s19 =	simm.s32 $_scs_section_size  }
0x9a: {  	s4 =	simm.s32 $_size__tile_overlayer_lowered;
	s5 =	simm.s32 $_tile_overlayer_lowered  }
0x9b: {  	s22 =	simm.s32 $0x1BFF;
	s21 =	sshll.u32 s5, $0x1;
	s2 =	sadd.s32 s19, s18  }
0x9c: {  	s6 =	simm.s32 $0x0;
	s20 =	sshll.u32 s4, $0x1;
	s4 =	sadd.s32 s21, s2  }
0x9d: {  	[timem:s6], [sflag:s22] =	dma.local [hbm:s4], s20  }
0x9e: {  	_ =	swait.ge [sflag:s22], s20  }
0x9f: {  	s3 =	ssub.s32 $0x0, s20;
	[sflag:s22] =	ssyncset.done $0x0  }
0xa0: {  	[sflag:s22] =	ssyncadd.s32 s3;
	_ =	sdelay $0x1  }
0xa1: {  	s23 =	simm.s32 $0x1B8B  }
0xa2: {  	_ =	swait.ge [sflag:s23], $0x1  }
0xa3: {  	[sflag:s23] =	ssyncset.done $0x0  }
0xa4: {  	s25 =	simm.s32 $0x1B8E;
	s24 =	sld [smem:$0x3FFE];
	[sflag:s23] =	ssyncadd.s32 $0xFFFFFFFF  }
0xa5: {  	s26 =	simm.s32 $execute0_lowered;
	[smem:$0x3FD2] =	sst s25  }
0xa6: {  	s4 =	sshll.u32 s26, $0x1;
	_ =	strace $0x8000004C;
	[dreg:$0x1] =	wrdreg $0xFFFFFFFF  }
0xa7: {  	s28 =	simm.s32 $_size_execute0_lowered;
	s2 =	sadd.s32 s2, s4;
	[dreg:$0x0] =	wrdreg $0x0  }
0xa8: {  	s4 =	sshll.u32 s28, $0x1;
	[dreg:$0x2] =	wrdreg s2  }
0xa9: {  	[dreg:$0x3] =	wrdreg s4  }
0xaa: {  	[dreg:$0x4] =	wrdreg $0xC0  }
0xab: {  	_ =	task [dreg:s6], $0x5FFFF  }
0xac: {  	[dreg:$0x1] =	wrdreg $0xFFFFFFFF  }
0xad: {  	[dreg:$0x0] =	wrdreg $0x60  }
0xae: {  	[dreg:$0x2] =	wrdreg s24  }
0xaf: {  	[dreg:$0x3] =	wrdreg $0x130000  }
0xb0: {  	[dreg:$0x4] =	wrdreg $0x9  }
0xb1: {  	_ =	task.clear_ibuf [dreg:s6], $0x5FFFF;
	_ =	strace $0x9000004C  }
0xb2: {  	s29 =	simm.s32 $0x9;
	_ =	strace $0x8000004E  }
0xb3: {  	_ =	swait.ge [sflag:s29], $0x1  }
0xb4: {  	[sflag:s29] =	ssyncadd.s32 $0xFFFFFFFF  }
0xb5: {  	_ =	strace $0x9000004E  }
0xb6: {  	_ =	sfence  }
0xb7: {  	s30 =	sld [smem:$0x0];
	_ =	sdelay $0x2  }
0xb8: {  	s31 =	sshll.u32 s1, $0xD;
	s1 =	sshrl.u32 s1, $0x2  }
0xb9: {  	s3 =	sand.u32 $0x4000, s31;
	s1 =	sadd.s32 s1, s30  }
0xba: {  	s0 =	sor.u32 s3, s0;
	s1 =	sshll.u32 s1, $0x11  }
0xbb: {  	s0 =	sor.u32 s1, s0  }
0xbc: {  	s0 =	sadd.s32 $0x8F2B, s0  }
0xbd: {  	[sflag:s0] =	ssyncadd.remote.s32 $0x1  }
0xbe: {  	_ =	sfence.sel $0xFFFF  }
0xbf: {  	[dreg:$0x0] =	wrdreg $0xFFFFFFFF;
	(pc) =	sbr.abs _section_cstart, $3  }
0xc0: {  	[dreg:$0x1] =	wrdreg $0xFFFFFFFF  }
0xc1: {  	_ =	task.clear_ibuf [dreg:s6], $0x2FFFF;
	_ =	strace $0x9FFFFFFF  }
0xc2: {  	(tm) =	ssettm $0x7FFFFFFF  }
0xc3: {  	_ =	shalt  }
tec
execute0_lowered:
.L_overlay_start_1:
0x0: {  	(tag) =	ssettag $0x1  }
0x1: {  	s0 =	srdreg.scid;
	s1 =	rddreg [dreg:$0x0]  }
0x2: {  	s2 =	rddreg [dreg:$0x1];
	s3 =	simm.s32 $0x0;
	s9 =	stileid.u32  }
0x3: {  	s28 =	simm.s32 $0xC000;
	s30 =	simm.s32 $0xE000;
	s6 =	smul.u32 $0xA00, s9  }
0x4: {  	s29 =	simm.s32 $0x2;
	s31 =	simm.s32 $0x3;
	s8 =	smul.u32 $0x28000, s9  }
0x5: {  	s0 =	sand.u32 $0x1, s0;
	[smem:$0x7FF] =	sst s3;
	s10 =	smul.u32 $0xA000, s9  }
0x6: {  	s4 =	smul.u32 $0xA0000, s0;
	_ =	strace $0x8000004D;
	s0 =	ssub.s32 $0x2, s0  }
0x7: {  	s6 =	sadd.s32 s6, s1;
	s7 =	sshrl.u32 s0, $0x1;
	s17 =	sshrl.u32 s8, $0x2  }
0x8: {  	s22 =	sadd.s32 $0x2000, s10;
	s19 =	sadd.s32 $0x4000, s10;
	s20 =	sadd.s32 $0x6000, s10  }
0x9: {  	s21 =	sadd.s32 $0x8000, s10;
	s5 =	sshrl.u32 s4, $0x3;
	s0 =	ssub.s32 s0, s7  }
0xa: {  	s16 =	sadd.s32 $0x17600, s6;
	s6 =	sadd.s32 $0x3600, s6;
	s18 =	sadd.s32 s17, s2  }
0xb: {  	s7 =	sadd.s32 s10, s2;
	s9 =	sadd.s32 s22, s2;
	s13 =	sadd.s32 s20, s2  }
0xc: {  	s10 =	sadd.s32 s10, s4;
	s15 =	sadd.s32 s21, s2;
	s8 =	sadd.s32 s4, s22  }
0xd: {  	s25 =	sadd.s32 s4, s19;
	s26 =	sadd.s32 s4, s20;
	s4 =	sadd.s32 s4, s21  }
0xe: {  	s5 =	sadd.s32 s5, s1;
	s1 =	sadd.s32 $0x99600, s1;
	[dreg:$0x3] =	wrdreg s16  }
0xf: {  	[dreg:$0x4] =	wrdreg s6;
	s23 =	sadd.s32 $0x1000, s18;
	s11 =	sadd.s32 $0x3000, s18  }
0x10: {  	s12 =	sadd.s32 $0x5000, s18;
	s14 =	sadd.s32 $0x7000, s18;
	s10 =	sshrl.u32 s10, $0x3  }
0x11: {  	s16 =	sadd.s32 $0x9000, s18;
	s24 =	sshrl.u32 s8, $0x3;
	s8 =	sshrl.u32 s26, $0x3  }
0x12: {  	s4 =	sshrl.u32 s4, $0x3;
	s22 =	smax.u32 s0, $0x1;
	[dreg:$0x5] =	wrdreg s23  }
0x13: {  	s26 =	simm.s32 $0xA000;
	s0 =	simm.s32 $0x10000;
	[dreg:$0x6] =	wrdreg s11  }
0x14: {  	s6 =	sadd.s32 $0x71600, s5;
	s11 =	sadd.s32 s19, s2;
	[dreg:$0x7] =	wrdreg s12  }
0x15: {  	s17 =	sadd.s32 s1, s10;
	s18 =	sadd.s32 s1, s24;
	s5 =	sshrl.u32 s25, $0x3  }
0x16: {  	s20 =	sadd.s32 s1, s8;
	s21 =	sadd.s32 s1, s4;
	s23 =	simm.s32 $0x5  }
0x17: {  	s25 =	simm.s32 $0x80;
	s24 =	simm.s32 $0x1;
	s4 =	simm.s32 $0x4  }
0x18: {  	v0 =	vimm.f32 $0.0e+00;
	s19 =	sadd.s32 s1, s5;
	s1 =	simm.s32 $0x12000;
	s5 =	simm.s32 $0x0  }
.LBB2_1:
0x19: {  	s8 =	rddreg [dreg:$0x3]  }
0x1a: {  	[tilespmem:s3], [sflag:$0x5] =	stream.linear.gather [hbm4b:s8+s3], $0x5000, $0x38;
	[tilespmem:$0x1D000] =	vst v63  }
0x1b: {  	_ =	swait.ge [sflag:s23], $0x5000  }
0x1c: {  	[sflag:s23] =	ssyncset.done $0x0  }
0x1d: {  	s10 =	simm.s32 $0x5000;
	s12 =	rddreg [dreg:$0x4];
	[sflag:s23] =	ssyncadd.s32 $0xFFFFB000  }
0x1e: {  	[tilespmem:s10], [sflag:$0x5] =	stream.linear.gather [hbm4b:s12+s3], $0x5000, $0x38;
	[tilespmem:$0x1D000] =	vst v63  }
0x1f: {  	_ =	swait.ge [sflag:s23], $0x5000  }
0x20: {  	[sflag:s23] =	ssyncset.done $0x0  }
0x21: {  	[sflag:s23] =	ssyncadd.s32 $0xFFFFB000  }
0x22: {  	[tilespmem:s26], [sflag:$0x1] =	stream.indirect.gather [hbm4b:s6+s25], $0x40, s3, s25, $0xb8;
	[tilespmem:$0x1D000] =	vst v63  }
0x23: {  	_ = 	snop  }
0x24: {  	[tilespmem:s28], [sflag:$0x2] =	stream.indirect.gather [hbm4b:s6+s25], $0x40, s25, s25, $0xb8;
	[tilespmem:$0x1D000] =	vst v63  }
0x25: {  	s10 =	simm.s32 $0x100  }
0x26: {  	[tilespmem:s30], [sflag:$0x3] =	stream.indirect.gather [hbm4b:s6+s25], $0x40, s10, s25, $0xb8;
	[tilespmem:$0x1D000] =	vst v63  }
0x27: {  	s8 =	simm.s32 $0x0;
	s12 =	simm.s32 $0x180;
	s10 =	simm.s32 $0x100  }
0x28: {  	[tilespmem:s0], [sflag:$0x4] =	stream.indirect.gather [hbm4b:s6+s25], $0x40, s12, s25, $0xb8;
	[tilespmem:$0x1D000] =	vst v63  }
.LBB2_2:
0x29: {  	p0 =	sne.s32 s10, $0x3F00;
	[tilespmem:s8+$0x12030] =	vst v0;
	s12 =	smov.u32 s10;
	s10 =	sadd.s32 $0x100, s10  }
.Ltmp0:
0x2a: {  	[tilespmem:s8+$0x12020] =	vst v0;
	(pc) =	sbr.rel @p0 .LBB2_2-.Ltmp0, $3  }
0x2b: {  	[tilespmem:s8+$0x12000] =	vst v0  }
0x2c: {  	[tilespmem:s8+$0x12010] =	vst v0;
	_ =	sdelay $0x1  }
0x2d: {  	s8 =	sshra.s32 s12, $0x2  }
0x2e: {  	[tilespmem:s8+$0x12030] =	vst v0  }
0x2f: {  	[tilespmem:s8+$0x12020] =	vst v0  }
0x30: {  	[tilespmem:s8+$0x12000] =	vst v0  }
0x31: {  	[tilespmem:s8+$0x12010] =	vst v0  }
0x32: {  	[spmem:s7] =	stream.linear.scatter [tilespmem:s1], [sflag:$0x5], $0x1000, $0x38;
	[tilespmem:$0x1D000] =	vst v63  }
0x33: {  	_ =	swait.ge [sflag:s23], $0x1000  }
0x34: {  	[sflag:s23] =	ssyncset.done $0x0  }
0x35: {  	s10 =	rddreg [dreg:$0x5];
	[sflag:s23] =	ssyncadd.s32 $0xFFFFF000  }
0x36: {  	[spmem:s10] =	stream.linear.scatter [tilespmem:s1], [sflag:$0x5], $0x1000, $0x38;
	[tilespmem:$0x1D000] =	vst v63  }
0x37: {  	_ =	swait.ge [sflag:s23], $0x1000  }
0x38: {  	[sflag:s23] =	ssyncset.done $0x0  }
0x39: {  	[sflag:s23] =	ssyncadd.s32 $0xFFFFF000  }
0x3a: {  	[spmem:s9] =	stream.linear.scatter [tilespmem:s1], [sflag:$0x5], $0x1000, $0x38;
	[tilespmem:$0x1D000] =	vst v63  }
0x3b: {  	_ =	swait.ge [sflag:s23], $0x1000  }
0x3c: {  	[sflag:s23] =	ssyncset.done $0x0  }
0x3d: {  	s12 =	rddreg [dreg:$0x6];
	[sflag:s23] =	ssyncadd.s32 $0xFFFFF000  }
0x3e: {  	[spmem:s12] =	stream.linear.scatter [tilespmem:s1], [sflag:$0x5], $0x1000, $0x38;
	[tilespmem:$0x1D000] =	vst v63  }
0x3f: {  	_ =	swait.ge [sflag:s23], $0x1000  }
0x40: {  	[sflag:s23] =	ssyncset.done $0x0  }
0x41: {  	[sflag:s23] =	ssyncadd.s32 $0xFFFFF000  }
0x42: {  	[spmem:s11] =	stream.linear.scatter [tilespmem:s1], [sflag:$0x5], $0x1000, $0x38;
	[tilespmem:$0x1D000] =	vst v63  }
0x43: {  	_ =	swait.ge [sflag:s23], $0x1000  }
0x44: {  	[sflag:s23] =	ssyncset.done $0x0  }
0x45: {  	s10 =	rddreg [dreg:$0x7];
	[sflag:s23] =	ssyncadd.s32 $0xFFFFF000  }
0x46: {  	[spmem:s10] =	stream.linear.scatter [tilespmem:s1], [sflag:$0x5], $0x1000, $0x38;
	[tilespmem:$0x1D000] =	vst v63  }
0x47: {  	_ =	swait.ge [sflag:s23], $0x1000  }
0x48: {  	[sflag:s23] =	ssyncset.done $0x0  }
0x49: {  	[sflag:s23] =	ssyncadd.s32 $0xFFFFF000  }
0x4a: {  	[spmem:s13] =	stream.linear.scatter [tilespmem:s1], [sflag:$0x5], $0x1000, $0x38;
	[tilespmem:$0x1D000] =	vst v63  }
0x4b: {  	_ =	swait.ge [sflag:s23], $0x1000  }
0x4c: {  	[sflag:s23] =	ssyncset.done $0x0  }
0x4d: {  	[sflag:s23] =	ssyncadd.s32 $0xFFFFF000  }
0x4e: {  	[spmem:s14] =	stream.linear.scatter [tilespmem:s1], [sflag:$0x5], $0x1000, $0x38;
	[tilespmem:$0x1D000] =	vst v63  }
0x4f: {  	_ =	swait.ge [sflag:s23], $0x1000  }
0x50: {  	[sflag:s23] =	ssyncset.done $0x0  }
0x51: {  	[sflag:s23] =	ssyncadd.s32 $0xFFFFF000  }
0x52: {  	[spmem:s15] =	stream.linear.scatter [tilespmem:s1], [sflag:$0x5], $0x1000, $0x38;
	[tilespmem:$0x1D000] =	vst v63  }
0x53: {  	_ =	swait.ge [sflag:s23], $0x1000  }
0x54: {  	[sflag:s23] =	ssyncset.done $0x0  }
0x55: {  	[sflag:s23] =	ssyncadd.s32 $0xFFFFF000  }
0x56: {  	[spmem:s16] =	stream.linear.scatter [tilespmem:s1], [sflag:$0x5], $0x1000, $0x38;
	[tilespmem:$0x1D000] =	vst v63  }
0x57: {  	_ =	swait.ge [sflag:s23], $0x1000  }
0x58: {  	[sflag:s23] =	ssyncset.done $0x0  }
0x59: {  	[sflag:s23] =	ssyncadd.s32 $0xFFFFF000  }
0x5a: {  	[bflag:$0x0] =	sbarrier.arrive $0xFFFF  }
0x5b: {  	_ =	swait.ge [sflag:s24], $0x2000  }
0x5c: {  	[sflag:s24] =	ssyncset.done $0x0  }
0x5d: {  	s12 =	simm.s32 $0x5000;
	[sflag:s24] =	ssyncadd.s32 $0xFFFFE000  }
0x5e: {  	[spmem:s2] =	stream.indirect.scatter.add.f32 [tilespmem:s26], [sflag:$0x5], $0x40, s12, s25, $0xb8;
	[tilespmem:$0x1D000] =	vst v63  }
0x5f: {  	_ =	swait.ge [sflag:s23], $0x2000  }
0x60: {  	[sflag:s23] =	ssyncset.done $0x0  }
0x61: {  	s10 =	simm.s32 $0x200;
	[sflag:s23] =	ssyncadd.s32 $0xFFFFE000  }
0x62: {  	[tilespmem:s26], [sflag:$0x1] =	stream.indirect.gather [hbm4b:s6+s25], $0x40, s10, s25, $0xb8;
	[tilespmem:$0x1D000] =	vst v63  }
0x63: {  	_ =	swait.ge [sflag:s29], $0x2000  }
0x64: {  	[sflag:s29] =	ssyncset.done $0x0  }
0x65: {  	s12 =	simm.s32 $0x5080;
	[sflag:s29] =	ssyncadd.s32 $0xFFFFE000  }
0x66: {  	[spmem:s2] =	stream.indirect.scatter.add.f32 [tilespmem:s28], [sflag:$0x5], $0x40, s12, s25, $0xb8;
	[tilespmem:$0x1D000] =	vst v63  }
0x67: {  	_ =	swait.ge [sflag:s23], $0x2000  }
0x68: {  	[sflag:s23] =	ssyncset.done $0x0  }
0x69: {  	s10 =	simm.s32 $0x280;
	[sflag:s23] =	ssyncadd.s32 $0xFFFFE000  }
0x6a: {  	[tilespmem:s28], [sflag:$0x2] =	stream.indirect.gather [hbm4b:s6+s25], $0x40, s10, s25, $0xb8;
	[tilespmem:$0x1D000] =	vst v63  }
0x6b: {  	_ =	swait.ge [sflag:s31], $0x2000  }
0x6c: {  	[sflag:s31] =	ssyncset.done $0x0  }
0x6d: {  	s12 =	simm.s32 $0x5100;
	[sflag:s31] =	ssyncadd.s32 $0xFFFFE000  }
0x6e: {  	[spmem:s2] =	stream.indirect.scatter.add.f32 [tilespmem:s30], [sflag:$0x5], $0x40, s12, s25, $0xb8;
	[tilespmem:$0x1D000] =	vst v63  }
0x6f: {  	_ =	swait.ge [sflag:s23], $0x2000  }
0x70: {  	[sflag:s23] =	ssyncset.done $0x0  }
0x71: {  	s10 =	simm.s32 $0x300;
	[sflag:s23] =	ssyncadd.s32 $0xFFFFE000  }
0x72: {  	[tilespmem:s30], [sflag:$0x3] =	stream.indirect.gather [hbm4b:s6+s25], $0x40, s10, s25, $0xb8;
	[tilespmem:$0x1D000] =	vst v63  }
0x73: {  	_ =	swait.ge [sflag:s4], $0x2000  }
0x74: {  	[sflag:s4] =	ssyncset.done $0x0  }
0x75: {  	s12 =	simm.s32 $0x5180;
	[sflag:s4] =	ssyncadd.s32 $0xFFFFE000  }
0x76: {  	[spmem:s2] =	stream.indirect.scatter.add.f32 [tilespmem:s0], [sflag:$0x5], $0x40, s12, s25, $0xb8;
	[tilespmem:$0x1D000] =	vst v63  }
0x77: {  	_ =	swait.ge [sflag:s23], $0x2000  }
0x78: {  	[sflag:s23] =	ssyncset.done $0x0  }
0x79: {  	s8 =	simm.s32 $0x800;
	s10 =	simm.s32 $0x380;
	[sflag:s23] =	ssyncadd.s32 $0xFFFFE000  }
.LBB2_4:
0x7a: {  	[tilespmem:s0], [sflag:$0x4] =	stream.indirect.gather [hbm4b:s6+s25], $0x40, s10, s25, $0xb8;
	[tilespmem:$0x1D000] =	vst v63  }
0x7b: {  	s10 =	smov.u32 s8  }
0x7c: {  	p0 =	sne.s32 s8, $0x13000;
	s8 =	sadd.s32 $0x800, s8;
	_ =	swait.ge [sflag:s24], $0x2000  }
0x7d: {  	s10 =	sshra.s32 s10, $0x2;
	[sflag:s24] =	ssyncset.done $0x0  }
0x7e: {  	s12 =	sadd.s32 $0x5000, s10;
	[sflag:s24] =	ssyncadd.s32 $0xFFFFE000  }
0x7f: {  	[spmem:s2] =	stream.indirect.scatter.add.f32 [tilespmem:s26], [sflag:$0x5], $0x40, s12, s25, $0xb8;
	[tilespmem:$0x1D000] =	vst v63  }
0x80: {  	_ =	swait.ge [sflag:s23], $0x2000  }
0x81: {  	[sflag:s23] =	ssyncset.done $0x0  }
0x82: {  	s12 =	sadd.s32 $0x200, s10;
	[sflag:s23] =	ssyncadd.s32 $0xFFFFE000  }
0x83: {  	[tilespmem:s26], [sflag:$0x1] =	stream.indirect.gather [hbm4b:s6+s25], $0x40, s12, s25, $0xb8;
	[tilespmem:$0x1D000] =	vst v63  }
0x84: {  	_ =	swait.ge [sflag:s29], $0x2000  }
0x85: {  	[sflag:s29] =	ssyncset.done $0x0  }
0x86: {  	s12 =	sadd.s32 $0x5080, s10;
	[sflag:s29] =	ssyncadd.s32 $0xFFFFE000  }
0x87: {  	[spmem:s2] =	stream.indirect.scatter.add.f32 [tilespmem:s28], [sflag:$0x5], $0x40, s12, s25, $0xb8;
	[tilespmem:$0x1D000] =	vst v63  }
0x88: {  	_ =	swait.ge [sflag:s23], $0x2000  }
0x89: {  	[sflag:s23] =	ssyncset.done $0x0  }
0x8a: {  	s12 =	sadd.s32 $0x280, s10;
	[sflag:s23] =	ssyncadd.s32 $0xFFFFE000  }
0x8b: {  	[tilespmem:s28], [sflag:$0x2] =	stream.indirect.gather [hbm4b:s6+s25], $0x40, s12, s25, $0xb8;
	[tilespmem:$0x1D000] =	vst v63  }
0x8c: {  	_ =	swait.ge [sflag:s31], $0x2000  }
0x8d: {  	[sflag:s31] =	ssyncset.done $0x0  }
0x8e: {  	s12 =	sadd.s32 $0x5100, s10;
	[sflag:s31] =	ssyncadd.s32 $0xFFFFE000  }
0x8f: {  	[spmem:s2] =	stream.indirect.scatter.add.f32 [tilespmem:s30], [sflag:$0x5], $0x40, s12, s25, $0xb8;
	[tilespmem:$0x1D000] =	vst v63  }
0x90: {  	_ =	swait.ge [sflag:s23], $0x2000  }
0x91: {  	[sflag:s23] =	ssyncset.done $0x0  }
0x92: {  	s12 =	sadd.s32 $0x300, s10;
	[sflag:s23] =	ssyncadd.s32 $0xFFFFE000  }
0x93: {  	[tilespmem:s30], [sflag:$0x3] =	stream.indirect.gather [hbm4b:s6+s25], $0x40, s12, s25, $0xb8;
	[tilespmem:$0x1D000] =	vst v63  }
0x94: {  	_ =	swait.ge [sflag:s4], $0x2000  }
0x95: {  	[sflag:s4] =	ssyncset.done $0x0  }
.Ltmp1:
0x96: {  	s12 =	sadd.s32 $0x5180, s10;
	[sflag:s4] =	ssyncadd.s32 $0xFFFFE000;
	(pc) =	sbr.rel @p0 .LBB2_4-.Ltmp1, $4  }
0x97: {  	[spmem:s2] =	stream.indirect.scatter.add.f32 [tilespmem:s0], [sflag:$0x5], $0x40, s12, s25, $0xb8;
	[tilespmem:$0x1D000] =	vst v63  }
0x98: {  	_ =	swait.ge [sflag:s23], $0x2000  }
0x99: {  	[sflag:s23] =	ssyncset.done $0x0  }
0x9a: {  	s10 =	sadd.s32 $0x380, s10;
	[sflag:s23] =	ssyncadd.s32 $0xFFFFE000  }
0x9b: {  	[tilespmem:s0], [sflag:$0x4] =	stream.indirect.gather [hbm4b:s6+s25], $0x40, s10, s25, $0xb8;
	[tilespmem:$0x1D000] =	vst v63  }
0x9c: {  	_ =	swait.ge [sflag:s24], $0x2000  }
0x9d: {  	[sflag:s24] =	ssyncset.done $0x0  }
0x9e: {  	s8 =	simm.s32 $0x9E00;
	[sflag:s24] =	ssyncadd.s32 $0xFFFFE000  }
0x9f: {  	[spmem:s2] =	stream.indirect.scatter.add.f32 [tilespmem:s26], [sflag:$0x5], $0x40, s8, s25, $0xb8;
	[tilespmem:$0x1D000] =	vst v63  }
0xa0: {  	_ =	swait.ge [sflag:s23], $0x2000  }
0xa1: {  	[sflag:s23] =	ssyncset.done $0x0  }
0xa2: {  	[sflag:s23] =	ssyncadd.s32 $0xFFFFE000  }
0xa3: {  	_ =	swait.ge [sflag:s29], $0x2000  }
0xa4: {  	[sflag:s29] =	ssyncset.done $0x0  }
0xa5: {  	s12 =	simm.s32 $0x9E80;
	[sflag:s29] =	ssyncadd.s32 $0xFFFFE000  }
0xa6: {  	[spmem:s2] =	stream.indirect.scatter.add.f32 [tilespmem:s28], [sflag:$0x5], $0x40, s12, s25, $0xb8;
	[tilespmem:$0x1D000] =	vst v63  }
0xa7: {  	_ =	swait.ge [sflag:s23], $0x2000  }
0xa8: {  	[sflag:s23] =	ssyncset.done $0x0  }
0xa9: {  	[sflag:s23] =	ssyncadd.s32 $0xFFFFE000  }
0xaa: {  	_ =	swait.ge [sflag:s31], $0x2000  }
0xab: {  	[sflag:s31] =	ssyncset.done $0x0  }
0xac: {  	s10 =	simm.s32 $0x9F00;
	[sflag:s31] =	ssyncadd.s32 $0xFFFFE000  }
0xad: {  	[spmem:s2] =	stream.indirect.scatter.add.f32 [tilespmem:s30], [sflag:$0x5], $0x40, s10, s25, $0xb8;
	[tilespmem:$0x1D000] =	vst v63  }
0xae: {  	_ =	swait.ge [sflag:s23], $0x2000  }
0xaf: {  	[sflag:s23] =	ssyncset.done $0x0  }
0xb0: {  	[sflag:s23] =	ssyncadd.s32 $0xFFFFE000  }
0xb1: {  	_ =	swait.ge [sflag:s4], $0x2000  }
0xb2: {  	[sflag:s4] =	ssyncset.done $0x0  }
0xb3: {  	s12 =	simm.s32 $0x9F80;
	[sflag:s4] =	ssyncadd.s32 $0xFFFFE000  }
0xb4: {  	[spmem:s2] =	stream.indirect.scatter.add.f32 [tilespmem:s0], [sflag:$0x5], $0x40, s12, s25, $0xb8;
	[tilespmem:$0x1D000] =	vst v63  }
0xb5: {  	_ =	swait.ge [sflag:s23], $0x2000  }
0xb6: {  	[sflag:s23] =	ssyncset.done $0x0  }
0xb7: {  	[sflag:s23] =	ssyncadd.s32 $0xFFFFE000  }
0xb8: {  	[bflag:$0x0] =	sbarrier.arrive $0xFFFF  }
0xb9: {  	[tilespmem:s26], [sflag:$0x5] =	stream.linear.gather [spmem:s7], $0x2000, $0x38;
	[tilespmem:$0x1D000] =	vst v63  }
0xba: {  	_ =	swait.ge [sflag:s23], $0x2000  }
0xbb: {  	[sflag:s23] =	ssyncset.done $0x0  }
0xbc: {  	[sflag:s23] =	ssyncadd.s32 $0xFFFFE000  }
0xbd: {  	[hbm4b:s17+s3] =	stream.linear.scatter [tilespmem:s26], [sflag:$0x5], $0x2000, $0x38;
	[tilespmem:$0x1D000] =	vst v63  }
0xbe: {  	_ =	swait.ge [sflag:s23], $0x2000  }
0xbf: {  	[sflag:s23] =	ssyncset.done $0x0  }
0xc0: {  	[sflag:s23] =	ssyncadd.s32 $0xFFFFE000  }
0xc1: {  	[tilespmem:s26], [sflag:$0x5] =	stream.linear.gather [spmem:s9], $0x2000, $0x38;
	[tilespmem:$0x1D000] =	vst v63  }
0xc2: {  	_ =	swait.ge [sflag:s23], $0x2000  }
0xc3: {  	[sflag:s23] =	ssyncset.done $0x0  }
0xc4: {  	[sflag:s23] =	ssyncadd.s32 $0xFFFFE000  }
0xc5: {  	[hbm4b:s18+s3] =	stream.linear.scatter [tilespmem:s26], [sflag:$0x5], $0x2000, $0x38;
	[tilespmem:$0x1D000] =	vst v63  }
0xc6: {  	_ =	swait.ge [sflag:s23], $0x2000  }
0xc7: {  	[sflag:s23] =	ssyncset.done $0x0  }
0xc8: {  	[sflag:s23] =	ssyncadd.s32 $0xFFFFE000  }
0xc9: {  	[tilespmem:s26], [sflag:$0x5] =	stream.linear.gather [spmem:s11], $0x2000, $0x38;
	[tilespmem:$0x1D000] =	vst v63  }
0xca: {  	_ =	swait.ge [sflag:s23], $0x2000  }
0xcb: {  	[sflag:s23] =	ssyncset.done $0x0  }
0xcc: {  	[sflag:s23] =	ssyncadd.s32 $0xFFFFE000  }
0xcd: {  	[hbm4b:s19+s3] =	stream.linear.scatter [tilespmem:s26], [sflag:$0x5], $0x2000, $0x38;
	[tilespmem:$0x1D000] =	vst v63  }
0xce: {  	_ =	swait.ge [sflag:s23], $0x2000  }
0xcf: {  	[sflag:s23] =	ssyncset.done $0x0  }
0xd0: {  	[sflag:s23] =	ssyncadd.s32 $0xFFFFE000  }
0xd1: {  	[tilespmem:s26], [sflag:$0x5] =	stream.linear.gather [spmem:s13], $0x2000, $0x38;
	[tilespmem:$0x1D000] =	vst v63  }
0xd2: {  	_ =	swait.ge [sflag:s23], $0x2000  }
0xd3: {  	[sflag:s23] =	ssyncset.done $0x0  }
0xd4: {  	[sflag:s23] =	ssyncadd.s32 $0xFFFFE000  }
0xd5: {  	[hbm4b:s20+s3] =	stream.linear.scatter [tilespmem:s26], [sflag:$0x5], $0x2000, $0x38;
	[tilespmem:$0x1D000] =	vst v63  }
0xd6: {  	_ =	swait.ge [sflag:s23], $0x2000  }
0xd7: {  	[sflag:s23] =	ssyncset.done $0x0  }
0xd8: {  	[sflag:s23] =	ssyncadd.s32 $0xFFFFE000  }
0xd9: {  	[tilespmem:s26], [sflag:$0x5] =	stream.linear.gather [spmem:s15], $0x2000, $0x38;
	[tilespmem:$0x1D000] =	vst v63  }
0xda: {  	s5 =	sadd.s32 $0x1, s5;
	_ =	swait.ge [sflag:s23], $0x2000  }
0xdb: {  	p0 =	sne.s32 s5, s22;
	[sflag:s23] =	ssyncset.done $0x0  }
.Ltmp2:
0xdc: {  	[sflag:s23] =	ssyncadd.s32 $0xFFFFE000;
	(pc) =	sbr.rel @p0 .LBB2_1-.Ltmp2, $4  }
0xdd: {  	[hbm4b:s21+s3] =	stream.linear.scatter [tilespmem:s26], [sflag:$0x5], $0x2000, $0x38;
	[tilespmem:$0x1D000] =	vst v63  }
0xde: {  	_ =	swait.ge [sflag:s23], $0x2000  }
0xdf: {  	[sflag:s23] =	ssyncset.done $0x0  }
0xe0: {  	[sflag:s23] =	ssyncadd.s32 $0xFFFFE000  }
0xe1: {  	_ =	sfence.sel $0x180000  }
0xe2: {  	[bflag:$0x0] =	sbarrier.arrive $0xFFFF  }
0xe3: {  	_ =	strace $0x9000004D  }
0xe4: {  	s0 =	stileid.u32;
	[bflag:$0x2] =	sbarrier.arrive $0xFFFF  }
0xe5: {  	p0 =	sne.s32 s0, $0x0;
	s0 =	rddreg [dreg:$0x2]  }
0xe6: {  	s0 =	sadd.s32 @!p0 $0x100000, s0  }
0xe7: {  	[sflag:s0] =	ssyncadd.tile.s32 @!p0 $0x1;
	_ =	shalt  }
.Lfunc_end2:
_tile_overlayer_lowered:
.L_overlay_start_2:
0xe8: {  	(tag) =	ssettag $0x2  }
0xe9: {  	s0 =	rddreg [dreg:$0x0];
	s2 =	stileid.u32  }
0xea: {  	s1 =	rddreg [dreg:$0x1];
	p0 =	sne.s32 s2, $0x0  }
0xeb: {  	s3 =	rddreg [dreg:$0x2];
	[bflag:$0x3] =	sbarrier.arrive $0xFFFF;
	s2 =	simm.s32 @!p0 $0x1C05  }
0xec: {  	[timem:s3], [sflag:s2] =	dma.local @!p0 [hbm:s0], s1  }
0xed: {  	s0 =	simm.s32 @!p0 $0x5  }
0xee: {  	_ =	swait.ge @!p0 [sflag:s0], s1  }
0xef: {  	s1 =	ssub.s32 @!p0 $0x0, s1;
	[sflag:s0] =	ssyncset.done @!p0 $0x0  }
0xf0: {  	[sflag:s0] =	ssyncadd.s32 @!p0 s1  }
0xf1: {  	[bflag:$0x3] =	sbarrier.arrive $0xFFFF  }
0xf2: {  	_ =	shalt  }

// kernel: kernel.19.cloned.1.call-start
scs
__scs_entry_jumppad:
0x0: {  	(pc) =	sbr.rel $0x88, $3  }
0x1: {  	(tag) =	ssettag $0x0;
	lr =	simm.s32 $0x1  }
0x2: {  	[smem:$0x3F98] =	sst lr;
	_ =	strace $0xD0000000  }
0x3: {  	_ = 	snop  }
0x4: {  	_ = 	snop  }
0x5: {  	_ = 	snop  }
0x6: {  	_ = 	snop  }
0x7: {  	_ = 	snop  }
__scs_overlays_trampoline_lowered:
0x8: {  	[smem:$0x3FA7] =	sst s0  }
0x9: {  	[smem:$0x3FA8] =	sst s1  }
0xa: {  	[smem:$0x3FA9] =	sst s2  }
0xb: {  	[smem:$0x3FAA] =	sst s3  }
0xc: {  	[smem:$0x3FAB] =	sst s4  }
0xd: {  	[smem:$0x3FAC] =	sst s5  }
0xe: {  	[smem:$0x3FAD] =	sst s6  }
0xf: {  	[smem:$0x3FAE] =	sst s7  }
0x10: {  	[smem:$0x3FAF] =	sst s8  }
0x11: {  	[smem:$0x3FB0] =	sst s9;
	s0 =	simm.s32 @!p0 $0x0  }
0x12: {  	s1 =	sld [smem:$0x3F96];
	s0 =	simm.s32 @p0 $0x1  }
0x13: {  	[smem:$0x3FB1] =	sst s0;
	s0 =	simm.s32 @!p1 $0x0  }
0x14: {  	s2 =	sld [smem:$0x3F95];
	s0 =	simm.s32 @p1 $0x1  }
0x15: {  	[smem:$0x3FB2] =	sst s0;
	s0 =	simm.s32 @!p2 $0x0  }
0x16: {  	s3 =	sld [smem:$0x3FDB];
	s0 =	simm.s32 @p2 $0x1  }
0x17: {  	s4 =	simm.s32 $0x1BF5;
	[smem:$0x3FB4] =	sst s0  }
0x18: {  	s0 =	sld [smem:$0x3F97];
	_ =	swait.ge [sflag:s4], $0x0  }
0x19: {  	s7 =	sld [smem:$0x3F98]  }
0x1a: {  	s8 =	sadd.s32 $0xFFFFE003, lr  }
0x1b: {  	s9 =	sadd.s32 $0xFFFFFEF7, lr;
	s5 =	simm.s32 $0xFFFFFFFF;
	p2 =	slt.u32 s8, $0xFFFFF086  }
0x1c: {  	p1 =	slt.u32 s9, $0xF7A;
	s5 =	simm.s32 @!p2 $0x0  }
0x1d: {  	s5 =	simm.s32 @p1 $0x1;
	p0 =	seq.s32 s7, s2  }
0x1e: {  	s7 =	smul.u32 @!p0 $0xF7A, s2;
	p2 =	seq.s32 @!p0 s5, $0x0  }
0x1f: {  	s9 =	smul.u32 $0xF7A, s1;
	s8 =	simm.s32 @!p0 $0x1BF5;
	p2 =	por !p2, p0  }
0x20: {  	[sflag:s8] =	ssyncset.s32 @!p0 $0xFFFFF086;
	s6 =	sadd.s32 @!p0 s3, s7;
	s7 =	simm.s32 @!p0 $0x108  }
0x21: {  	s3 =	sadd.s32 s3, s9;
	s6 =	sadd.s32 @!p0 $0x88, s6;
	s7 =	simm.s32 @p2 $0x1082  }
0x22: {  	[simem:s7], [sflag:s8] =	dma.local @!p0 [hbm:s6], $0xF7A  }
0x23: {  	s9 =	sor.u32 $0xD0000000, s2;
	s6 =	simm.s32 $0x108;
	_ =	swait.ge @!p0 [sflag:s8], $0x0  }
0x24: {  	s3 =	sadd.s32 $0x88, s3;
	s6 =	simm.s32 @!p1 $0x1082;
	[sflag:s4] =	ssyncset.s32 $0xFFFFF086  }
0x25: {  	[simem:s6], [sflag:s4] =	dma.local [hbm:s3], $0xF7A  }
0x26: {  	[smem:$0x3F98] =	sst s1;
	(tag) =	ssettag s2;
	_ =	strace s9  }
0x27: {  	s1 =	sld [smem:$0x3FA8]  }
0x28: {  	s2 =	sld [smem:$0x3FA9]  }
0x29: {  	s4 =	sld [smem:$0x3FAB]  }
0x2a: {  	p0 =	seq.s32 s5, $0x0;
	s5 =	sld [smem:$0x3FAC]  }
0x2b: {  	s6 =	sld [smem:$0x3FAD]  }
0x2c: {  	s7 =	sld [smem:$0x3FAE]  }
0x2d: {  	s3 =	simm.s32 $0x108;
	s8 =	sld [smem:$0x3FAF]  }
0x2e: {  	s3 =	simm.s32 @!p0 $0x1082;
	s9 =	sld [smem:$0x3FB0]  }
0x2f: {  	lr =	sadd.s32 s0, s3;
	s0 =	sld [smem:$0x3FA7]  }
0x30: {  	s3 =	sld [smem:$0x3FAA]  }
0x31: {  	[smem:$0x3FB3] =	sst s10  }
0x32: {  	s10 =	sld [smem:$0x3FB1];
	_ =	sdelay $0x3  }
0x33: {  	p0 =	seq.s32 s10, $0x1;
	s10 =	sld [smem:$0x3FB3];
	_ =	sdelay $0x3  }
0x34: {  	[smem:$0x3FB3] =	sst s10  }
0x35: {  	s10 =	sld [smem:$0x3FB2];
	_ =	sdelay $0x3  }
0x36: {  	p1 =	seq.s32 s10, $0x1;
	s10 =	sld [smem:$0x3FB3];
	_ =	sdelay $0x3  }
0x37: {  	[smem:$0x3FB3] =	sst s10  }
0x38: {  	s10 =	sld [smem:$0x3FB4]  }
0x39: {  	_ = 	snop;
	(pc) =	sbr.ind lr, $3  }
0x3a: {  	_ = 	snop  }
0x3b: {  	_ = 	snop  }
0x3c: {  	p2 =	seq.s32 s10, $0x1;
	s10 =	sld [smem:$0x3FB3]  }
0x3d: {  	_ =	shalt  }
0x3e: {  	_ =	shalt  }
0x3f: {  	_ =	shalt  }
0x40: {  	_ =	shalt  }
0x41: {  	_ =	shalt  }
0x42: {  	_ =	shalt  }
0x43: {  	_ =	shalt  }
0x44: {  	_ =	shalt  }
0x45: {  	_ =	shalt  }
0x46: {  	_ =	shalt  }
0x47: {  	_ =	shalt  }
0x48: {  	_ =	shalt  }
0x49: {  	_ =	shalt  }
0x4a: {  	_ =	shalt  }
0x4b: {  	_ =	shalt  }
0x4c: {  	_ =	shalt  }
0x4d: {  	_ =	shalt  }
0x4e: {  	_ =	shalt  }
0x4f: {  	_ =	shalt  }
0x50: {  	_ =	shalt  }
0x51: {  	_ =	shalt  }
0x52: {  	_ =	shalt  }
0x53: {  	_ =	shalt  }
0x54: {  	_ =	shalt  }
0x55: {  	_ =	shalt  }
0x56: {  	_ =	shalt  }
0x57: {  	_ =	shalt  }
0x58: {  	_ =	shalt  }
0x59: {  	_ =	shalt  }
0x5a: {  	_ =	shalt  }
0x5b: {  	_ =	shalt  }
0x5c: {  	_ =	shalt  }
0x5d: {  	_ =	shalt  }
0x5e: {  	_ =	shalt  }
0x5f: {  	_ =	shalt  }
0x60: {  	_ =	shalt  }
0x61: {  	_ =	shalt  }
0x62: {  	_ =	shalt  }
0x63: {  	_ =	shalt  }
0x64: {  	_ =	shalt  }
0x65: {  	_ =	shalt  }
0x66: {  	_ =	shalt  }
0x67: {  	_ =	shalt  }
0x68: {  	_ =	shalt  }
0x69: {  	_ =	shalt  }
0x6a: {  	_ =	shalt  }
0x6b: {  	_ =	shalt  }
0x6c: {  	_ =	shalt  }
0x6d: {  	_ =	shalt  }
0x6e: {  	_ =	shalt  }
0x6f: {  	_ =	shalt  }
0x70: {  	_ =	shalt  }
0x71: {  	_ =	shalt  }
0x72: {  	_ =	shalt  }
0x73: {  	_ =	shalt  }
0x74: {  	_ =	shalt  }
0x75: {  	_ =	shalt  }
0x76: {  	_ =	shalt  }
0x77: {  	_ =	shalt  }
0x78: {  	_ =	shalt  }
0x79: {  	_ =	shalt  }
0x7a: {  	_ =	shalt  }
0x7b: {  	_ =	shalt  }
0x7c: {  	_ =	shalt  }
0x7d: {  	_ =	shalt  }
0x7e: {  	_ =	shalt  }
0x7f: {  	_ =	shalt  }
0x80: {  	_ =	shalt  }
0x81: {  	_ =	shalt  }
0x82: {  	_ =	shalt  }
0x83: {  	_ =	shalt  }
0x84: {  	_ =	shalt  }
0x85: {  	_ =	shalt  }
0x86: {  	_ =	shalt  }
0x87: {  	_ =	shalt  }
.Lfunc_end0:
.L_simem_size_0:
called_computation.3_lowered:
.L_overlay_start_0:
0x88: {  	s2 =	sld [smem:$0x3FD9]  }
0x89: {  	s3 =	sld [smem:$0x3FFE];
	_ =	sdelay $0x1  }
0x8a: {  	s1 =	srdreg.scid  }
0x8b: {  	s0 =	sand.u32 $0x1, s1  }
0x8c: {  	s16 =	sshll.u32 s0, $0xA;
	s2 =	sadd.s32 s3, s2  }
0x8d: {  	s2 =	sadd.s32 s2, s16  }
0x8e: {  	[smem:$0x3FBF] =	sst s2  }
0x8f: {  	_ = 	snop  }
0x90: {  	(tm) =	ssettm $0x1  }
0x91: {  	s17 =	sld [smem:$0x3FFB];
	_ =	sdelay $0x3  }
0x92: {  	_ =	strace s17  }
0x93: {  	s2 =	sld [smem:$0x3FFC];
	_ =	sdelay $0x3  }
0x94: {  	_ =	strace s2  }
0x95: {  	s2 =	sld [smem:$0x3FFD];
	_ =	sdelay $0x3  }
0x96: {  	_ =	strace s2  }
0x97: {  	_ =	strace $0x8FFFFFFF  }
0x98: {  	s18 =	sld [smem:$0x3FDB];
	_ =	sdelay $0x1  }
0x99: {  	s19 =	simm.s32 $_scs_section_size  }
0x9a: {  	s4 =	simm.s32 $_size__tile_overlayer_lowered;
	s5 =	simm.s32 $_tile_overlayer_lowered  }
0x9b: {  	s22 =	simm.s32 $0x1BFF;
	s21 =	sshll.u32 s5, $0x1;
	s2 =	sadd.s32 s19, s18  }
0x9c: {  	s6 =	simm.s32 $0x0;
	s20 =	sshll.u32 s4, $0x1;
	s4 =	sadd.s32 s21, s2  }
0x9d: {  	[timem:s6], [sflag:s22] =	dma.local [hbm:s4], s20  }
0x9e: {  	_ =	swait.ge [sflag:s22], s20  }
0x9f: {  	s3 =	ssub.s32 $0x0, s20;
	[sflag:s22] =	ssyncset.done $0x0  }
0xa0: {  	[sflag:s22] =	ssyncadd.s32 s3;
	_ =	sdelay $0x1  }
0xa1: {  	s23 =	simm.s32 $0x1B8B  }
0xa2: {  	_ =	swait.ge [sflag:s23], $0x1  }
0xa3: {  	[sflag:s23] =	ssyncset.done $0x0  }
0xa4: {  	s25 =	simm.s32 $0x1B8E;
	s24 =	sld [smem:$0x3FFE];
	[sflag:s23] =	ssyncadd.s32 $0xFFFFFFFF  }
0xa5: {  	s26 =	simm.s32 $execute0_lowered;
	[smem:$0x3FD2] =	sst s25  }
0xa6: {  	s4 =	sshll.u32 s26, $0x1;
	_ =	strace $0x8000004F;
	[dreg:$0x1] =	wrdreg $0xFFFFFFFF  }
0xa7: {  	s28 =	simm.s32 $_size_execute0_lowered;
	s2 =	sadd.s32 s2, s4;
	[dreg:$0x0] =	wrdreg $0x0  }
0xa8: {  	s4 =	sshll.u32 s28, $0x1;
	[dreg:$0x2] =	wrdreg s2  }
0xa9: {  	[dreg:$0x3] =	wrdreg s4  }
0xaa: {  	[dreg:$0x4] =	wrdreg $0xC0  }
0xab: {  	_ =	task [dreg:s6], $0x5FFFF  }
0xac: {  	[dreg:$0x1] =	wrdreg $0xFFFFFFFF  }
0xad: {  	[dreg:$0x0] =	wrdreg $0x60  }
0xae: {  	[dreg:$0x2] =	wrdreg s24  }
0xaf: {  	[dreg:$0x3] =	wrdreg $0x130000  }
0xb0: {  	[dreg:$0x4] =	wrdreg $0x9  }
0xb1: {  	_ =	task.clear_ibuf [dreg:s6], $0x5FFFF;
	_ =	strace $0x9000004F  }
0xb2: {  	s29 =	simm.s32 $0x9;
	_ =	strace $0x80000051  }
0xb3: {  	_ =	swait.ge [sflag:s29], $0x1  }
0xb4: {  	[sflag:s29] =	ssyncadd.s32 $0xFFFFFFFF  }
0xb5: {  	_ =	strace $0x90000051  }
0xb6: {  	_ =	sfence  }
0xb7: {  	s30 =	sld [smem:$0x0];
	_ =	sdelay $0x2  }
0xb8: {  	s31 =	sshll.u32 s1, $0xD;
	s1 =	sshrl.u32 s1, $0x2  }
0xb9: {  	s3 =	sand.u32 $0x4000, s31;
	s1 =	sadd.s32 s1, s30  }
0xba: {  	s0 =	sor.u32 s3, s0;
	s1 =	sshll.u32 s1, $0x11  }
0xbb: {  	s0 =	sor.u32 s1, s0  }
0xbc: {  	s0 =	sadd.s32 $0x8F2B, s0  }
0xbd: {  	[sflag:s0] =	ssyncadd.remote.s32 $0x1  }
0xbe: {  	_ =	sfence.sel $0xFFFF  }
0xbf: {  	[dreg:$0x0] =	wrdreg $0xFFFFFFFF;
	(pc) =	sbr.abs _section_cstart, $3  }
0xc0: {  	[dreg:$0x1] =	wrdreg $0xFFFFFFFF  }
0xc1: {  	_ =	task.clear_ibuf [dreg:s6], $0x2FFFF;
	_ =	strace $0x9FFFFFFF  }
0xc2: {  	(tm) =	ssettm $0x7FFFFFFF  }
0xc3: {  	_ =	shalt  }
tec
execute0_lowered:
.L_overlay_start_1:
0x0: {  	(tag) =	ssettag $0x1  }
0x1: {  	s0 =	srdreg.scid;
	s1 =	rddreg [dreg:$0x0]  }
0x2: {  	s2 =	rddreg [dreg:$0x1];
	s3 =	simm.s32 $0x0;
	s9 =	stileid.u32  }
0x3: {  	s28 =	simm.s32 $0xC000;
	s30 =	simm.s32 $0xE000;
	s6 =	smul.u32 $0xA00, s9  }
0x4: {  	s29 =	simm.s32 $0x2;
	s31 =	simm.s32 $0x3;
	s8 =	smul.u32 $0x28000, s9  }
0x5: {  	s0 =	sand.u32 $0x1, s0;
	[smem:$0x7FF] =	sst s3;
	s10 =	smul.u32 $0xA000, s9  }
0x6: {  	s4 =	smul.u32 $0xA0000, s0;
	_ =	strace $0x80000050;
	s0 =	ssub.s32 $0x2, s0  }
0x7: {  	s6 =	sadd.s32 s6, s1;
	s7 =	sshrl.u32 s0, $0x1;
	s17 =	sshrl.u32 s8, $0x2  }
0x8: {  	s22 =	sadd.s32 $0x2000, s10;
	s19 =	sadd.s32 $0x4000, s10;
	s20 =	sadd.s32 $0x6000, s10  }
0x9: {  	s21 =	sadd.s32 $0x8000, s10;
	s5 =	sshrl.u32 s4, $0x3;
	s0 =	ssub.s32 s0, s7  }
0xa: {  	s16 =	sadd.s32 $0x17600, s6;
	s6 =	sadd.s32 $0x3600, s6;
	s18 =	sadd.s32 s17, s2  }
0xb: {  	s7 =	sadd.s32 s10, s2;
	s9 =	sadd.s32 s22, s2;
	s13 =	sadd.s32 s20, s2  }
0xc: {  	s10 =	sadd.s32 s10, s4;
	s15 =	sadd.s32 s21, s2;
	s8 =	sadd.s32 s4, s22  }
0xd: {  	s25 =	sadd.s32 s4, s19;
	s26 =	sadd.s32 s4, s20;
	s4 =	sadd.s32 s4, s21  }
0xe: {  	s5 =	sadd.s32 s5, s1;
	s1 =	sadd.s32 $0x99600, s1;
	[dreg:$0x3] =	wrdreg s16  }
0xf: {  	[dreg:$0x4] =	wrdreg s6;
	s23 =	sadd.s32 $0x1000, s18;
	s11 =	sadd.s32 $0x3000, s18  }
0x10: {  	s12 =	sadd.s32 $0x5000, s18;
	s14 =	sadd.s32 $0x7000, s18;
	s10 =	sshrl.u32 s10, $0x3  }
0x11: {  	s16 =	sadd.s32 $0x9000, s18;
	s24 =	sshrl.u32 s8, $0x3;
	s8 =	sshrl.u32 s26, $0x3  }
0x12: {  	s4 =	sshrl.u32 s4, $0x3;
	s22 =	smax.u32 s0, $0x1;
	[dreg:$0x5] =	wrdreg s23  }
0x13: {  	s26 =	simm.s32 $0xA000;
	s0 =	simm.s32 $0x10000;
	[dreg:$0x6] =	wrdreg s11  }
0x14: {  	s6 =	sadd.s32 $0x71600, s5;
	s11 =	sadd.s32 s19, s2;
	[dreg:$0x7] =	wrdreg s12  }
0x15: {  	s17 =	sadd.s32 s1, s10;
	s18 =	sadd.s32 s1, s24;
	s5 =	sshrl.u32 s25, $0x3  }
0x16: {  	s20 =	sadd.s32 s1, s8;
	s21 =	sadd.s32 s1, s4;
	s23 =	simm.s32 $0x5  }
0x17: {  	s25 =	simm.s32 $0x80;
	s24 =	simm.s32 $0x1;
	s4 =	simm.s32 $0x4  }
0x18: {  	v0 =	vimm.f32 $0.0e+00;
	s19 =	sadd.s32 s1, s5;
	s1 =	simm.s32 $0x12000;
	s5 =	simm.s32 $0x0  }
.LBB2_1:
0x19: {  	s8 =	rddreg [dreg:$0x3]  }
0x1a: {  	[tilespmem:s3], [sflag:$0x5] =	stream.linear.gather [hbm4b:s8+s3], $0x5000, $0x38;
	[tilespmem:$0x1D000] =	vst v63  }
0x1b: {  	_ =	swait.ge [sflag:s23], $0x5000  }
0x1c: {  	[sflag:s23] =	ssyncset.done $0x0  }
0x1d: {  	s10 =	simm.s32 $0x5000;
	s12 =	rddreg [dreg:$0x4];
	[sflag:s23] =	ssyncadd.s32 $0xFFFFB000  }
0x1e: {  	[tilespmem:s10], [sflag:$0x5] =	stream.linear.gather [hbm4b:s12+s3], $0x5000, $0x38;
	[tilespmem:$0x1D000] =	vst v63  }
0x1f: {  	_ =	swait.ge [sflag:s23], $0x5000  }
0x20: {  	[sflag:s23] =	ssyncset.done $0x0  }
0x21: {  	[sflag:s23] =	ssyncadd.s32 $0xFFFFB000  }
0x22: {  	[tilespmem:s26], [sflag:$0x1] =	stream.indirect.gather [hbm4b:s6+s25], $0x40, s3, s25, $0xb8;
	[tilespmem:$0x1D000] =	vst v63  }
0x23: {  	_ = 	snop  }
0x24: {  	[tilespmem:s28], [sflag:$0x2] =	stream.indirect.gather [hbm4b:s6+s25], $0x40, s25, s25, $0xb8;
	[tilespmem:$0x1D000] =	vst v63  }
0x25: {  	s10 =	simm.s32 $0x100  }
0x26: {  	[tilespmem:s30], [sflag:$0x3] =	stream.indirect.gather [hbm4b:s6+s25], $0x40, s10, s25, $0xb8;
	[tilespmem:$0x1D000] =	vst v63  }
0x27: {  	s8 =	simm.s32 $0x0;
	s12 =	simm.s32 $0x180;
	s10 =	simm.s32 $0x100  }
0x28: {  	[tilespmem:s0], [sflag:$0x4] =	stream.indirect.gather [hbm4b:s6+s25], $0x40, s12, s25, $0xb8;
	[tilespmem:$0x1D000] =	vst v63  }
.LBB2_2:
0x29: {  	p0 =	sne.s32 s10, $0x3F00;
	[tilespmem:s8+$0x12030] =	vst v0;
	s12 =	smov.u32 s10;
	s10 =	sadd.s32 $0x100, s10  }
.Ltmp0:
0x2a: {  	[tilespmem:s8+$0x12020] =	vst v0;
	(pc) =	sbr.rel @p0 .LBB2_2-.Ltmp0, $3  }
0x2b: {  	[tilespmem:s8+$0x12000] =	vst v0  }
0x2c: {  	[tilespmem:s8+$0x12010] =	vst v0;
	_ =	sdelay $0x1  }
0x2d: {  	s8 =	sshra.s32 s12, $0x2  }
0x2e: {  	[tilespmem:s8+$0x12030] =	vst v0  }
0x2f: {  	[tilespmem:s8+$0x12020] =	vst v0  }
0x30: {  	[tilespmem:s8+$0x12000] =	vst v0  }
0x31: {  	[tilespmem:s8+$0x12010] =	vst v0  }
0x32: {  	[spmem:s7] =	stream.linear.scatter [tilespmem:s1], [sflag:$0x5], $0x1000, $0x38;
	[tilespmem:$0x1D000] =	vst v63  }
0x33: {  	_ =	swait.ge [sflag:s23], $0x1000  }
0x34: {  	[sflag:s23] =	ssyncset.done $0x0  }
0x35: {  	s10 =	rddreg [dreg:$0x5];
	[sflag:s23] =	ssyncadd.s32 $0xFFFFF000  }
0x36: {  	[spmem:s10] =	stream.linear.scatter [tilespmem:s1], [sflag:$0x5], $0x1000, $0x38;
	[tilespmem:$0x1D000] =	vst v63  }
0x37: {  	_ =	swait.ge [sflag:s23], $0x1000  }
0x38: {  	[sflag:s23] =	ssyncset.done $0x0  }
0x39: {  	[sflag:s23] =	ssyncadd.s32 $0xFFFFF000  }
0x3a: {  	[spmem:s9] =	stream.linear.scatter [tilespmem:s1], [sflag:$0x5], $0x1000, $0x38;
	[tilespmem:$0x1D000] =	vst v63  }
0x3b: {  	_ =	swait.ge [sflag:s23], $0x1000  }
0x3c: {  	[sflag:s23] =	ssyncset.done $0x0  }
0x3d: {  	s12 =	rddreg [dreg:$0x6];
	[sflag:s23] =	ssyncadd.s32 $0xFFFFF000  }
0x3e: {  	[spmem:s12] =	stream.linear.scatter [tilespmem:s1], [sflag:$0x5], $0x1000, $0x38;
	[tilespmem:$0x1D000] =	vst v63  }
0x3f: {  	_ =	swait.ge [sflag:s23], $0x1000  }
0x40: {  	[sflag:s23] =	ssyncset.done $0x0  }
0x41: {  	[sflag:s23] =	ssyncadd.s32 $0xFFFFF000  }
0x42: {  	[spmem:s11] =	stream.linear.scatter [tilespmem:s1], [sflag:$0x5], $0x1000, $0x38;
	[tilespmem:$0x1D000] =	vst v63  }
0x43: {  	_ =	swait.ge [sflag:s23], $0x1000  }
0x44: {  	[sflag:s23] =	ssyncset.done $0x0  }
0x45: {  	s10 =	rddreg [dreg:$0x7];
	[sflag:s23] =	ssyncadd.s32 $0xFFFFF000  }
0x46: {  	[spmem:s10] =	stream.linear.scatter [tilespmem:s1], [sflag:$0x5], $0x1000, $0x38;
	[tilespmem:$0x1D000] =	vst v63  }
0x47: {  	_ =	swait.ge [sflag:s23], $0x1000  }
0x48: {  	[sflag:s23] =	ssyncset.done $0x0  }
0x49: {  	[sflag:s23] =	ssyncadd.s32 $0xFFFFF000  }
0x4a: {  	[spmem:s13] =	stream.linear.scatter [tilespmem:s1], [sflag:$0x5], $0x1000, $0x38;
	[tilespmem:$0x1D000] =	vst v63  }
0x4b: {  	_ =	swait.ge [sflag:s23], $0x1000  }
0x4c: {  	[sflag:s23] =	ssyncset.done $0x0  }
0x4d: {  	[sflag:s23] =	ssyncadd.s32 $0xFFFFF000  }
0x4e: {  	[spmem:s14] =	stream.linear.scatter [tilespmem:s1], [sflag:$0x5], $0x1000, $0x38;
	[tilespmem:$0x1D000] =	vst v63  }
0x4f: {  	_ =	swait.ge [sflag:s23], $0x1000  }
0x50: {  	[sflag:s23] =	ssyncset.done $0x0  }
0x51: {  	[sflag:s23] =	ssyncadd.s32 $0xFFFFF000  }
0x52: {  	[spmem:s15] =	stream.linear.scatter [tilespmem:s1], [sflag:$0x5], $0x1000, $0x38;
	[tilespmem:$0x1D000] =	vst v63  }
0x53: {  	_ =	swait.ge [sflag:s23], $0x1000  }
0x54: {  	[sflag:s23] =	ssyncset.done $0x0  }
0x55: {  	[sflag:s23] =	ssyncadd.s32 $0xFFFFF000  }
0x56: {  	[spmem:s16] =	stream.linear.scatter [tilespmem:s1], [sflag:$0x5], $0x1000, $0x38;
	[tilespmem:$0x1D000] =	vst v63  }
0x57: {  	_ =	swait.ge [sflag:s23], $0x1000  }
0x58: {  	[sflag:s23] =	ssyncset.done $0x0  }
0x59: {  	[sflag:s23] =	ssyncadd.s32 $0xFFFFF000  }
0x5a: {  	[bflag:$0x0] =	sbarrier.arrive $0xFFFF  }
0x5b: {  	_ =	swait.ge [sflag:s24], $0x2000  }
0x5c: {  	[sflag:s24] =	ssyncset.done $0x0  }
0x5d: {  	s12 =	simm.s32 $0x5000;
	[sflag:s24] =	ssyncadd.s32 $0xFFFFE000  }
0x5e: {  	[spmem:s2] =	stream.indirect.scatter.add.f32 [tilespmem:s26], [sflag:$0x5], $0x40, s12, s25, $0xb8;
	[tilespmem:$0x1D000] =	vst v63  }
0x5f: {  	_ =	swait.ge [sflag:s23], $0x2000  }
0x60: {  	[sflag:s23] =	ssyncset.done $0x0  }
0x61: {  	s10 =	simm.s32 $0x200;
	[sflag:s23] =	ssyncadd.s32 $0xFFFFE000  }
0x62: {  	[tilespmem:s26], [sflag:$0x1] =	stream.indirect.gather [hbm4b:s6+s25], $0x40, s10, s25, $0xb8;
	[tilespmem:$0x1D000] =	vst v63  }
0x63: {  	_ =	swait.ge [sflag:s29], $0x2000  }
0x64: {  	[sflag:s29] =	ssyncset.done $0x0  }
0x65: {  	s12 =	simm.s32 $0x5080;
	[sflag:s29] =	ssyncadd.s32 $0xFFFFE000  }
0x66: {  	[spmem:s2] =	stream.indirect.scatter.add.f32 [tilespmem:s28], [sflag:$0x5], $0x40, s12, s25, $0xb8;
	[tilespmem:$0x1D000] =	vst v63  }
0x67: {  	_ =	swait.ge [sflag:s23], $0x2000  }
0x68: {  	[sflag:s23] =	ssyncset.done $0x0  }
0x69: {  	s10 =	simm.s32 $0x280;
	[sflag:s23] =	ssyncadd.s32 $0xFFFFE000  }
0x6a: {  	[tilespmem:s28], [sflag:$0x2] =	stream.indirect.gather [hbm4b:s6+s25], $0x40, s10, s25, $0xb8;
	[tilespmem:$0x1D000] =	vst v63  }
0x6b: {  	_ =	swait.ge [sflag:s31], $0x2000  }
0x6c: {  	[sflag:s31] =	ssyncset.done $0x0  }
0x6d: {  	s12 =	simm.s32 $0x5100;
	[sflag:s31] =	ssyncadd.s32 $0xFFFFE000  }
0x6e: {  	[spmem:s2] =	stream.indirect.scatter.add.f32 [tilespmem:s30], [sflag:$0x5], $0x40, s12, s25, $0xb8;
	[tilespmem:$0x1D000] =	vst v63  }
0x6f: {  	_ =	swait.ge [sflag:s23], $0x2000  }
0x70: {  	[sflag:s23] =	ssyncset.done $0x0  }
0x71: {  	s10 =	simm.s32 $0x300;
	[sflag:s23] =	ssyncadd.s32 $0xFFFFE000  }
0x72: {  	[tilespmem:s30], [sflag:$0x3] =	stream.indirect.gather [hbm4b:s6+s25], $0x40, s10, s25, $0xb8;
	[tilespmem:$0x1D000] =	vst v63  }
0x73: {  	_ =	swait.ge [sflag:s4], $0x2000  }
0x74: {  	[sflag:s4] =	ssyncset.done $0x0  }
0x75: {  	s12 =	simm.s32 $0x5180;
	[sflag:s4] =	ssyncadd.s32 $0xFFFFE000  }
0x76: {  	[spmem:s2] =	stream.indirect.scatter.add.f32 [tilespmem:s0], [sflag:$0x5], $0x40, s12, s25, $0xb8;
	[tilespmem:$0x1D000] =	vst v63  }
0x77: {  	_ =	swait.ge [sflag:s23], $0x2000  }
0x78: {  	[sflag:s23] =	ssyncset.done $0x0  }
0x79: {  	s8 =	simm.s32 $0x800;
	s10 =	simm.s32 $0x380;
	[sflag:s23] =	ssyncadd.s32 $0xFFFFE000  }
.LBB2_4:
0x7a: {  	[tilespmem:s0], [sflag:$0x4] =	stream.indirect.gather [hbm4b:s6+s25], $0x40, s10, s25, $0xb8;
	[tilespmem:$0x1D000] =	vst v63  }
0x7b: {  	s10 =	smov.u32 s8  }
0x7c: {  	p0 =	sne.s32 s8, $0x13000;
	s8 =	sadd.s32 $0x800, s8;
	_ =	swait.ge [sflag:s24], $0x2000  }
0x7d: {  	s10 =	sshra.s32 s10, $0x2;
	[sflag:s24] =	ssyncset.done $0x0  }
0x7e: {  	s12 =	sadd.s32 $0x5000, s10;
	[sflag:s24] =	ssyncadd.s32 $0xFFFFE000  }
0x7f: {  	[spmem:s2] =	stream.indirect.scatter.add.f32 [tilespmem:s26], [sflag:$0x5], $0x40, s12, s25, $0xb8;
	[tilespmem:$0x1D000] =	vst v63  }
0x80: {  	_ =	swait.ge [sflag:s23], $0x2000  }
0x81: {  	[sflag:s23] =	ssyncset.done $0x0  }
0x82: {  	s12 =	sadd.s32 $0x200, s10;
	[sflag:s23] =	ssyncadd.s32 $0xFFFFE000  }
0x83: {  	[tilespmem:s26], [sflag:$0x1] =	stream.indirect.gather [hbm4b:s6+s25], $0x40, s12, s25, $0xb8;
	[tilespmem:$0x1D000] =	vst v63  }
0x84: {  	_ =	swait.ge [sflag:s29], $0x2000  }
0x85: {  	[sflag:s29] =	ssyncset.done $0x0  }
0x86: {  	s12 =	sadd.s32 $0x5080, s10;
	[sflag:s29] =	ssyncadd.s32 $0xFFFFE000  }
0x87: {  	[spmem:s2] =	stream.indirect.scatter.add.f32 [tilespmem:s28], [sflag:$0x5], $0x40, s12, s25, $0xb8;
	[tilespmem:$0x1D000] =	vst v63  }
0x88: {  	_ =	swait.ge [sflag:s23], $0x2000  }
0x89: {  	[sflag:s23] =	ssyncset.done $0x0  }
0x8a: {  	s12 =	sadd.s32 $0x280, s10;
	[sflag:s23] =	ssyncadd.s32 $0xFFFFE000  }
0x8b: {  	[tilespmem:s28], [sflag:$0x2] =	stream.indirect.gather [hbm4b:s6+s25], $0x40, s12, s25, $0xb8;
	[tilespmem:$0x1D000] =	vst v63  }
0x8c: {  	_ =	swait.ge [sflag:s31], $0x2000  }
0x8d: {  	[sflag:s31] =	ssyncset.done $0x0  }
0x8e: {  	s12 =	sadd.s32 $0x5100, s10;
	[sflag:s31] =	ssyncadd.s32 $0xFFFFE000  }
0x8f: {  	[spmem:s2] =	stream.indirect.scatter.add.f32 [tilespmem:s30], [sflag:$0x5], $0x40, s12, s25, $0xb8;
	[tilespmem:$0x1D000] =	vst v63  }
0x90: {  	_ =	swait.ge [sflag:s23], $0x2000  }
0x91: {  	[sflag:s23] =	ssyncset.done $0x0  }
0x92: {  	s12 =	sadd.s32 $0x300, s10;
	[sflag:s23] =	ssyncadd.s32 $0xFFFFE000  }
0x93: {  	[tilespmem:s30], [sflag:$0x3] =	stream.indirect.gather [hbm4b:s6+s25], $0x40, s12, s25, $0xb8;
	[tilespmem:$0x1D000] =	vst v63  }
0x94: {  	_ =	swait.ge [sflag:s4], $0x2000  }
0x95: {  	[sflag:s4] =	ssyncset.done $0x0  }
.Ltmp1:
0x96: {  	s12 =	sadd.s32 $0x5180, s10;
	[sflag:s4] =	ssyncadd.s32 $0xFFFFE000;
	(pc) =	sbr.rel @p0 .LBB2_4-.Ltmp1, $4  }
0x97: {  	[spmem:s2] =	stream.indirect.scatter.add.f32 [tilespmem:s0], [sflag:$0x5], $0x40, s12, s25, $0xb8;
	[tilespmem:$0x1D000] =	vst v63  }
0x98: {  	_ =	swait.ge [sflag:s23], $0x2000  }
0x99: {  	[sflag:s23] =	ssyncset.done $0x0  }
0x9a: {  	s10 =	sadd.s32 $0x380, s10;
	[sflag:s23] =	ssyncadd.s32 $0xFFFFE000  }
0x9b: {  	[tilespmem:s0], [sflag:$0x4] =	stream.indirect.gather [hbm4b:s6+s25], $0x40, s10, s25, $0xb8;
	[tilespmem:$0x1D000] =	vst v63  }
0x9c: {  	_ =	swait.ge [sflag:s24], $0x2000  }
0x9d: {  	[sflag:s24] =	ssyncset.done $0x0  }
0x9e: {  	s8 =	simm.s32 $0x9E00;
	[sflag:s24] =	ssyncadd.s32 $0xFFFFE000  }
0x9f: {  	[spmem:s2] =	stream.indirect.scatter.add.f32 [tilespmem:s26], [sflag:$0x5], $0x40, s8, s25, $0xb8;
	[tilespmem:$0x1D000] =	vst v63  }
0xa0: {  	_ =	swait.ge [sflag:s23], $0x2000  }
0xa1: {  	[sflag:s23] =	ssyncset.done $0x0  }
0xa2: {  	[sflag:s23] =	ssyncadd.s32 $0xFFFFE000  }
0xa3: {  	_ =	swait.ge [sflag:s29], $0x2000  }
0xa4: {  	[sflag:s29] =	ssyncset.done $0x0  }
0xa5: {  	s12 =	simm.s32 $0x9E80;
	[sflag:s29] =	ssyncadd.s32 $0xFFFFE000  }
0xa6: {  	[spmem:s2] =	stream.indirect.scatter.add.f32 [tilespmem:s28], [sflag:$0x5], $0x40, s12, s25, $0xb8;
	[tilespmem:$0x1D000] =	vst v63  }
0xa7: {  	_ =	swait.ge [sflag:s23], $0x2000  }
0xa8: {  	[sflag:s23] =	ssyncset.done $0x0  }
0xa9: {  	[sflag:s23] =	ssyncadd.s32 $0xFFFFE000  }
0xaa: {  	_ =	swait.ge [sflag:s31], $0x2000  }
0xab: {  	[sflag:s31] =	ssyncset.done $0x0  }
0xac: {  	s10 =	simm.s32 $0x9F00;
	[sflag:s31] =	ssyncadd.s32 $0xFFFFE000  }
0xad: {  	[spmem:s2] =	stream.indirect.scatter.add.f32 [tilespmem:s30], [sflag:$0x5], $0x40, s10, s25, $0xb8;
	[tilespmem:$0x1D000] =	vst v63  }
0xae: {  	_ =	swait.ge [sflag:s23], $0x2000  }
0xaf: {  	[sflag:s23] =	ssyncset.done $0x0  }
0xb0: {  	[sflag:s23] =	ssyncadd.s32 $0xFFFFE000  }
0xb1: {  	_ =	swait.ge [sflag:s4], $0x2000  }
0xb2: {  	[sflag:s4] =	ssyncset.done $0x0  }
0xb3: {  	s12 =	simm.s32 $0x9F80;
	[sflag:s4] =	ssyncadd.s32 $0xFFFFE000  }
0xb4: {  	[spmem:s2] =	stream.indirect.scatter.add.f32 [tilespmem:s0], [sflag:$0x5], $0x40, s12, s25, $0xb8;
	[tilespmem:$0x1D000] =	vst v63  }
0xb5: {  	_ =	swait.ge [sflag:s23], $0x2000  }
0xb6: {  	[sflag:s23] =	ssyncset.done $0x0  }
0xb7: {  	[sflag:s23] =	ssyncadd.s32 $0xFFFFE000  }
0xb8: {  	[bflag:$0x0] =	sbarrier.arrive $0xFFFF  }
0xb9: {  	[tilespmem:s26], [sflag:$0x5] =	stream.linear.gather [spmem:s7], $0x2000, $0x38;
	[tilespmem:$0x1D000] =	vst v63  }
0xba: {  	_ =	swait.ge [sflag:s23], $0x2000  }
0xbb: {  	[sflag:s23] =	ssyncset.done $0x0  }
0xbc: {  	[sflag:s23] =	ssyncadd.s32 $0xFFFFE000  }
0xbd: {  	[hbm4b:s17+s3] =	stream.linear.scatter [tilespmem:s26], [sflag:$0x5], $0x2000, $0x38;
	[tilespmem:$0x1D000] =	vst v63  }
0xbe: {  	_ =	swait.ge [sflag:s23], $0x2000  }
0xbf: {  	[sflag:s23] =	ssyncset.done $0x0  }
0xc0: {  	[sflag:s23] =	ssyncadd.s32 $0xFFFFE000  }
0xc1: {  	[tilespmem:s26], [sflag:$0x5] =	stream.linear.gather [spmem:s9], $0x2000, $0x38;
	[tilespmem:$0x1D000] =	vst v63  }
0xc2: {  	_ =	swait.ge [sflag:s23], $0x2000  }
0xc3: {  	[sflag:s23] =	ssyncset.done $0x0  }
0xc4: {  	[sflag:s23] =	ssyncadd.s32 $0xFFFFE000  }
0xc5: {  	[hbm4b:s18+s3] =	stream.linear.scatter [tilespmem:s26], [sflag:$0x5], $0x2000, $0x38;
	[tilespmem:$0x1D000] =	vst v63  }
0xc6: {  	_ =	swait.ge [sflag:s23], $0x2000  }
0xc7: {  	[sflag:s23] =	ssyncset.done $0x0  }
0xc8: {  	[sflag:s23] =	ssyncadd.s32 $0xFFFFE000  }
0xc9: {  	[tilespmem:s26], [sflag:$0x5] =	stream.linear.gather [spmem:s11], $0x2000, $0x38;
	[tilespmem:$0x1D000] =	vst v63  }
0xca: {  	_ =	swait.ge [sflag:s23], $0x2000  }
0xcb: {  	[sflag:s23] =	ssyncset.done $0x0  }
0xcc: {  	[sflag:s23] =	ssyncadd.s32 $0xFFFFE000  }
0xcd: {  	[hbm4b:s19+s3] =	stream.linear.scatter [tilespmem:s26], [sflag:$0x5], $0x2000, $0x38;
	[tilespmem:$0x1D000] =	vst v63  }
0xce: {  	_ =	swait.ge [sflag:s23], $0x2000  }
0xcf: {  	[sflag:s23] =	ssyncset.done $0x0  }
0xd0: {  	[sflag:s23] =	ssyncadd.s32 $0xFFFFE000  }
0xd1: {  	[tilespmem:s26], [sflag:$0x5] =	stream.linear.gather [spmem:s13], $0x2000, $0x38;
	[tilespmem:$0x1D000] =	vst v63  }
0xd2: {  	_ =	swait.ge [sflag:s23], $0x2000  }
0xd3: {  	[sflag:s23] =	ssyncset.done $0x0  }
0xd4: {  	[sflag:s23] =	ssyncadd.s32 $0xFFFFE000  }
0xd5: {  	[hbm4b:s20+s3] =	stream.linear.scatter [tilespmem:s26], [sflag:$0x5], $0x2000, $0x38;
	[tilespmem:$0x1D000] =	vst v63  }
0xd6: {  	_ =	swait.ge [sflag:s23], $0x2000  }
0xd7: {  	[sflag:s23] =	ssyncset.done $0x0  }
0xd8: {  	[sflag:s23] =	ssyncadd.s32 $0xFFFFE000  }
0xd9: {  	[tilespmem:s26], [sflag:$0x5] =	stream.linear.gather [spmem:s15], $0x2000, $0x38;
	[tilespmem:$0x1D000] =	vst v63  }
0xda: {  	s5 =	sadd.s32 $0x1, s5;
	_ =	swait.ge [sflag:s23], $0x2000  }
0xdb: {  	p0 =	sne.s32 s5, s22;
	[sflag:s23] =	ssyncset.done $0x0  }
.Ltmp2:
0xdc: {  	[sflag:s23] =	ssyncadd.s32 $0xFFFFE000;
	(pc) =	sbr.rel @p0 .LBB2_1-.Ltmp2, $4  }
0xdd: {  	[hbm4b:s21+s3] =	stream.linear.scatter [tilespmem:s26], [sflag:$0x5], $0x2000, $0x38;
	[tilespmem:$0x1D000] =	vst v63  }
0xde: {  	_ =	swait.ge [sflag:s23], $0x2000  }
0xdf: {  	[sflag:s23] =	ssyncset.done $0x0  }
0xe0: {  	[sflag:s23] =	ssyncadd.s32 $0xFFFFE000  }
0xe1: {  	_ =	sfence.sel $0x180000  }
0xe2: {  	[bflag:$0x0] =	sbarrier.arrive $0xFFFF  }
0xe3: {  	_ =	strace $0x90000050  }
0xe4: {  	s0 =	stileid.u32;
	[bflag:$0x2] =	sbarrier.arrive $0xFFFF  }
0xe5: {  	p0 =	sne.s32 s0, $0x0;
	s0 =	rddreg [dreg:$0x2]  }
0xe6: {  	s0 =	sadd.s32 @!p0 $0x100000, s0  }
0xe7: {  	[sflag:s0] =	ssyncadd.tile.s32 @!p0 $0x1;
	_ =	shalt  }
.Lfunc_end2:
_tile_overlayer_lowered:
.L_overlay_start_2:
0xe8: {  	(tag) =	ssettag $0x2  }
0xe9: {  	s0 =	rddreg [dreg:$0x0];
	s2 =	stileid.u32  }
0xea: {  	s1 =	rddreg [dreg:$0x1];
	p0 =	sne.s32 s2, $0x0  }
0xeb: {  	s3 =	rddreg [dreg:$0x2];
	[bflag:$0x3] =	sbarrier.arrive $0xFFFF;
	s2 =	simm.s32 @!p0 $0x1C05  }
0xec: {  	[timem:s3], [sflag:s2] =	dma.local @!p0 [hbm:s0], s1  }
0xed: {  	s0 =	simm.s32 @!p0 $0x5  }
0xee: {  	_ =	swait.ge @!p0 [sflag:s0], s1  }
0xef: {  	s1 =	ssub.s32 @!p0 $0x0, s1;
	[sflag:s0] =	ssyncset.done @!p0 $0x0  }
0xf0: {  	[sflag:s0] =	ssyncadd.s32 @!p0 s1  }
0xf1: {  	[bflag:$0x3] =	sbarrier.arrive $0xFFFF  }
0xf2: {  	_ =	shalt  }

</sc_bundles>
